<compile_context>
chip_gen: v7x
topology: tpu7x:2x2x1
jax: 0.10.2.dev20260603
libtpu: 0.0.44.dev20260713+nightly
codegen_flags: <defaults>
</compile_context>

<pallas_src>
import functools

import jax
import jax.numpy as jnp
from jax import lax
from jax.experimental import pallas as pl
from jax.experimental.pallas import tpu as pltpu
from jax.experimental.pallas import tpu_sc as plsc

_N = 10000
_D = 128
_E = 320000
_NC = 2
_NS = 16
_NW = _NC * _NS
_EPW = _E // _NW
_K = 80
_CPT = _EPW // _K
_RB = 4
_IB = 6
_STRIPE = 640

_mesh = plsc.VectorSubcoreMesh(core_axis_name="c", subcore_axis_name="s")


@functools.partial(
    pl.kernel,
    out_type=jax.ShapeDtypeStruct((_NC, _N, _D), jnp.float32),
    mesh=_mesh,
    scratch_types=[
        pltpu.VMEM((_IB, _K), jnp.int32),
        pltpu.VMEM((_IB, _K), jnp.int32),
        pltpu.VMEM((_RB, _K, _D), jnp.float32),
        pltpu.VMEM_SHARED((_N, _D), jnp.float32),
        pltpu.SemaphoreType.DMA((_IB,)),
        pltpu.SemaphoreType.DMA((_RB,)),
        pltpu.SemaphoreType.DMA,
    ],
)
def _segment_sum_sc(h_hbm, edges_hbm, out_hbm,
                    src_ring, dst_ring, rows_ring, acc_sh, isems, gsems,
                    zsem):
    c = lax.axis_index("c")
    s = lax.axis_index("s")
    wid = s * _NC + c
    row0 = pl.multiple_of(jnp.minimum(s * _STRIPE, _N - _STRIPE), 8)
    base = wid * _EPW

    zbuf = rows_ring.at[_RB - 1]

    def zvec(i, carry):
        for j in range(_D // 16):
            zbuf[i, pl.ds(j * 16, 16)] = jnp.zeros((16,), jnp.float32)
        return carry

    def idx_start(chunk):
        bi = chunk % _IB
        off = pl.multiple_of(base + chunk * _K, 8)
        pltpu.async_copy(edges_hbm.at[pl.ds(off, _K)], src_ring.at[bi],
                         isems.at[bi])
        pltpu.async_copy(edges_hbm.at[pl.ds(_E + off, _K)], dst_ring.at[bi],
                         isems.at[bi])

    def idx_wait(chunk):
        bi = chunk % _IB
        off = pl.multiple_of(base + chunk * _K, 8)
        pltpu.make_async_copy(edges_hbm.at[pl.ds(off, _K)], src_ring.at[bi],
                              isems.at[bi]).wait()
        pltpu.make_async_copy(edges_hbm.at[pl.ds(_E + off, _K)],
                              dst_ring.at[bi], isems.at[bi]).wait()

    def gather_start(chunk):
        b = chunk % _RB
        pltpu.async_copy(h_hbm.at[src_ring.at[chunk % _IB]], rows_ring.at[b],
                         gsems.at[b])

    def gather_wait(chunk):
        b = chunk % _RB
        pltpu.make_async_copy(h_hbm.at[src_ring.at[chunk % _IB]],
                              rows_ring.at[b], gsems.at[b]).wait()

    def scatter_add(chunk):
        pltpu.sync_copy(rows_ring.at[chunk % _RB],
                        acc_sh.at[dst_ring.at[chunk % _IB]], add=True)

    for chunk in range(_IB):
        idx_start(chunk)
    lax.fori_loop(0, _K, zvec, 0)
    for k in range(_STRIPE // _K):
        pltpu.async_copy(zbuf, acc_sh.at[pl.ds(row0 + k * _K, _K)], zsem)
    for chunk in range(_RB - 1):
        idx_wait(chunk)
        gather_start(chunk)
    for k in range(_STRIPE // _K):
        pltpu.make_async_copy(zbuf, acc_sh.at[pl.ds(row0 + k * _K, _K)],
                              zsem).wait()
    plsc.subcore_barrier()

    def body(chunk, carry):
        gather_wait(chunk)
        scatter_add(chunk)
        ahead = chunk + _RB - 1

        @pl.when(ahead < _CPT)
        def _():
            idx_wait(ahead)
            gather_start(ahead)

        @pl.when(chunk + _IB < _CPT)
        def _():
            idx_start(chunk + _IB)

        return carry

    lax.fori_loop(0, _CPT, body, 0)
    plsc.subcore_barrier()
    pltpu.sync_copy(acc_sh.at[pl.ds(row0, _STRIPE)],
                    out_hbm.at[c].at[pl.ds(row0, _STRIPE)])


_BLK = 5000


def _affine_lrelu_body(acc_ref, w_ref, b_ref, o_ref):
    m = acc_ref[0] + acc_ref[1]
    y = jnp.dot(m, w_ref[...], preferred_element_type=jnp.float32) + b_ref[...]
    o_ref[...] = jnp.where(y >= 0.0, y, 0.1 * y)


def _affine_lrelu(acc, W, b):
    return pl.pallas_call(
        _affine_lrelu_body,
        grid=(_N // _BLK,),
        in_specs=[
            pl.BlockSpec((_NC, _BLK, _D), lambda i: (0, i, 0)),
            pl.BlockSpec((_D, _D), lambda i: (0, 0)),
            pl.BlockSpec((1, _D), lambda i: (0, 0)),
        ],
        out_specs=pl.BlockSpec((_BLK, _D), lambda i: (i, 0)),
        out_shape=jax.ShapeDtypeStruct((_N, _D), jnp.float32),
    )(acc, W, b.reshape(1, _D))


def _partial_body(x_ref, h1_ref, h2_ref, wo_ref, bo_ref, o_ref):
    w = wo_ref[...]
    y = jnp.dot(x_ref[...], w[0:_D], preferred_element_type=jnp.float32)
    y = y + jnp.dot(h1_ref[...], w[_D:2 * _D],
                    preferred_element_type=jnp.float32)
    y = y + jnp.dot(h2_ref[...], w[2 * _D:3 * _D],
                    preferred_element_type=jnp.float32)
    o_ref[...] = y + bo_ref[...]


def _partial_proj(x, h1, h2, W_out3, b_out):
    return pl.pallas_call(
        _partial_body,
        grid=(_N // _BLK,),
        in_specs=[
            pl.BlockSpec((_BLK, _D), lambda i: (i, 0)),
            pl.BlockSpec((_BLK, _D), lambda i: (i, 0)),
            pl.BlockSpec((_BLK, _D), lambda i: (i, 0)),
            pl.BlockSpec((4 * _D, _D), lambda i: (0, 0)),
            pl.BlockSpec((1, _D), lambda i: (0, 0)),
        ],
        out_specs=pl.BlockSpec((_BLK, _D), lambda i: (i, 0)),
        out_shape=jax.ShapeDtypeStruct((_N, _D), jnp.float32),
    )(x, h1, h2, W_out3, b_out.reshape(1, _D))


def _final_body(acc_ref, w2_ref, b2_ref, part_ref, wo3_ref, o_ref):
    m = acc_ref[0] + acc_ref[1]
    y3 = jnp.dot(m, w2_ref[...], preferred_element_type=jnp.float32) + b2_ref[...]
    h3 = jnp.where(y3 >= 0.0, y3, 0.1 * y3)
    y = part_ref[...] + jnp.dot(h3, wo3_ref[3 * _D:4 * _D],
                                preferred_element_type=jnp.float32)
    o_ref[...] = jnp.where(y >= 0.0, y, 0.1 * y)


def _final_proj(acc3, W2, b2, part, W_out_h3):
    return pl.pallas_call(
        _final_body,
        grid=(_N // _BLK,),
        in_specs=[
            pl.BlockSpec((_NC, _BLK, _D), lambda i: (0, i, 0)),
            pl.BlockSpec((_D, _D), lambda i: (0, 0)),
            pl.BlockSpec((1, _D), lambda i: (0, 0)),
            pl.BlockSpec((_BLK, _D), lambda i: (i, 0)),
            pl.BlockSpec((4 * _D, _D), lambda i: (0, 0)),
        ],
        out_specs=pl.BlockSpec((_BLK, _D), lambda i: (i, 0)),
        out_shape=jax.ShapeDtypeStruct((_N, _D), jnp.float32),
    )(acc3, W2, b2.reshape(1, _D), part, W_out_h3)


def kernel(x, edge_index, W0, b0, W1, b1, W2, b2, W_out, b_out):
    edges = edge_index.reshape(2 * _E)
    acc1 = _segment_sum_sc(x, edges)
    h1 = _affine_lrelu(acc1, W0, b0)
    acc2 = _segment_sum_sc(h1, edges)
    h2 = _affine_lrelu(acc2, W1, b1)
    acc3 = _segment_sum_sc(h2, edges)
    part = _partial_proj(x, h1, h2, W_out, b_out)
    return _final_proj(acc3, W2, b2, part, W_out)

# --- scband reference (transcript-rebuilt; emitter-appended) ---
"""Pipeline reference for scband-model-7876970021389 (READ-ONLY COPY).

The authoritative reference and input builder live on the scoring server;
editing this copy changes nothing except your own understanding.
"""

import jax, jax.numpy as jnp
import numpy as np

N = 10000
E = 320000
D = 128   # site_input_dim
H = 128   # hidden_site
DEPTH = 3 # GNNsite_depth
P = 128   # hidden_prot


def setup_inputs(seed: int = 0) -> dict:
    key = jax.random.key(seed)
    ks = jax.random.split(key, 12)
    x = jax.random.normal(ks[0], (N, D), dtype=jnp.float32)
    edge_index = jax.random.randint(ks[1], (2, E), 0, N, dtype=jnp.int32)
    s = 1.0 / np.sqrt(D)
    W0 = jax.random.uniform(ks[2], (D, H), jnp.float32, -s, s)
    b0 = jax.random.uniform(ks[3], (H,), jnp.float32, -s, s)
    sh = 1.0 / np.sqrt(H)
    W1 = jax.random.uniform(ks[4], (H, H), jnp.float32, -sh, sh)
    b1 = jax.random.uniform(ks[5], (H,), jnp.float32, -sh, sh)
    W2 = jax.random.uniform(ks[6], (H, H), jnp.float32, -sh, sh)
    b2 = jax.random.uniform(ks[7], (H,), jnp.float32, -sh, sh)
    cat_dim = D + DEPTH * H
    so = 1.0 / np.sqrt(cat_dim)
    W_out = jax.random.uniform(ks[8], (cat_dim, P), jnp.float32, -so, so)
    b_out = jax.random.uniform(ks[9], (P,), jnp.float32, -so, so)
    return {"x": x, "edge_index": edge_index, "W0": W0, "b0": b0,
            "W1": W1, "b1": b1, "W2": W2, "b2": b2,
            "W_out": W_out, "b_out": b_out}


def reference(x, edge_index, W0, b0, W1, b1, W2, b2, W_out, b_out):
    # AtomConv_module of PocketAnchor: stacked message-passing AtomConv layers
    # with jumping-knowledge concat + output projection, LeakyReLU(0.1).
    src = edge_index[0]
    dst = edge_index[1]
    n = x.shape[0]

    def atom_conv(h, W, b):
        msg = jax.ops.segment_sum(jnp.take(h, src, axis=0), dst, num_segments=n)
        return jax.nn.leaky_relu(msg @ W + b, negative_slope=0.1)

    feats = [x]
    h = x
    for W, b in ((W0, b0), (W1, b1), (W2, b2)):
        h = atom_conv(h, W, b)
        feats.append(h)
    cat = jnp.concatenate(feats, axis=-1)
    out = jax.nn.leaky_relu(cat @ W_out + b_out, negative_slope=0.1)
    return out

if __name__ == "__main__":
    import jax
    _d = setup_inputs()
    print(jax.jit(kernel)(*tuple(_d.values())))

</pallas_src>

<mosaic_0001>
#map = affine_map<(d0, d1) -> (0, 0)>
#map1 = affine_map<(d0, d1) -> (0)>
#map2 = affine_map<(d0, d1) -> (0, 0, 0)>
module attributes {stable_mosaic.version = 14 : i64} {
  func.func @_segment_sum_sc(%arg0: i32, %arg1: i32, %arg2: memref<10000x128xf32, #tpu.memory_space<hbm>>, %arg3: memref<640000xi32, #tpu.memory_space<hbm>>, %arg4: memref<2x10000x128xf32, #tpu.memory_space<hbm>>, %arg5: memref<6x80xi32, #tpu.memory_space<vmem>>, %arg6: memref<6x80xi32, #tpu.memory_space<vmem>>, %arg7: memref<4x80x128xf32, #tpu.memory_space<vmem>>, %arg8: memref<10000x128xf32, #tpu.memory_space<vmem_shared>>, %arg9: memref<6x!tpu.dma_semaphore, #tpu.memory_space<semaphore_mem>>, %arg10: memref<4x!tpu.dma_semaphore, #tpu.memory_space<semaphore_mem>>, %arg11: memref<!tpu.dma_semaphore, #tpu.memory_space<semaphore_mem>>) attributes {dimension_semantics = [#tpu.dimension_semantics<core_parallel>, #tpu.dimension_semantics<subcore_parallel>], iteration_bounds = array<i64: 2, 16>, scalar_prefetch = 0 : i64, scratch_operands = 7 : i64, tpu.core_type = #tpu.core_type<sc_vector_subcore>, window_params = [{transform_indices = #map}, {transform_indices = #map1}, {transform_indices = #map2}]} {
    %mul3A = arith.constant 2 : i32
    %mul3A_0 = arith.muli %arg1, %mul3A : i32
    %add3A = arith.addi %mul3A_0, %arg0 : i32
    %mul3A_1 = arith.constant 640 : i32
    %mul3A_2 = arith.muli %arg1, %mul3A_1 : i32
    %min3A = arith.constant 9360 : i32
    %min3A_3 = arith.minsi %mul3A_2, %min3A : i32
    %multiple_of3A = tpu.assume_multiple %min3A_3, 8 : i32
    %mul3A_4 = arith.constant 10000 : i32
    %mul3A_5 = arith.muli %add3A, %mul3A_4 : i32
    %add3A_6 = arith.constant 0 : i32
    %add3A_7 = arith.addi %mul3A_5, %add3A_6 : i32
    %multiple_of3A_8 = tpu.assume_multiple %add3A_7, 8 : i32
    %dma_start3A = arith.constant 0 : i32
    %dma_start3A_9 = arith.constant 0 : i32
    %dma_start3A_10 = arith.constant 0 : i32
    %dma_start3A_11 = tpu.memref_slice %arg5[%dma_start3A, %dma_start3A_10] : memref<6x80xi32, #tpu.memory_space<vmem>> -> memref<1x80xi32, #tpu.memory_space<vmem>>
    %dma_start3A_12 = tpu.memref_squeeze %dma_start3A_11 : memref<1x80xi32, #tpu.memory_space<vmem>> -> memref<80xi32, #tpu.memory_space<vmem>>
    %dma_start3A_13 = tpu.memref_slice %arg3[%multiple_of3A_8] : memref<640000xi32, #tpu.memory_space<hbm>> -> memref<80xi32, #tpu.memory_space<hbm>>
    %dma_start3A_14 = tpu.memref_slice %arg9[%dma_start3A_9] : memref<6x!tpu.dma_semaphore, #tpu.memory_space<semaphore_mem>> -> memref<1x!tpu.dma_semaphore, #tpu.memory_space<semaphore_mem>>
    %dma_start3A_15 = tpu.memref_squeeze %dma_start3A_14 : memref<1x!tpu.dma_semaphore, #tpu.memory_space<semaphore_mem>> -> memref<!tpu.dma_semaphore, #tpu.memory_space<semaphore_mem>>
    %dma_start3A_16 = arith.constant 0 : i32
    %dma_start3A_17 = tpu.memref_slice %arg5[%dma_start3A, %dma_start3A_16] : memref<6x80xi32, #tpu.memory_space<vmem>> -> memref<1x80xi32, #tpu.memory_space<vmem>>
    %dma_start3A_18 = tpu.memref_squeeze %dma_start3A_17 : memref<1x80xi32, #tpu.memory_space<vmem>> -> memref<80xi32, #tpu.memory_space<vmem>>
    %dma_start3A_19 = tpu.memref_slice %arg3[%multiple_of3A_8] : memref<640000xi32, #tpu.memory_space<hbm>> -> memref<80xi32, #tpu.memory_space<hbm>>
    tpu.enqueue_dma source(%dma_start3A_19 : memref<80xi32, #tpu.memory_space<hbm>>) target(%dma_start3A_18 : memref<80xi32, #tpu.memory_space<vmem>>) target_semaphore(%dma_start3A_15 : memref<!tpu.dma_semaphore, #tpu.memory_space<semaphore_mem>>)
    %add3A_20 = arith.constant 320000 : i32
    %add3A_21 = arith.addi %add3A_20, %multiple_of3A_8 : i32
    %dma_start3A_22 = arith.constant 0 : i32
    %dma_start3A_23 = arith.constant 0 : i32
    %dma_start3A_24 = arith.constant 0 : i32
    %dma_start3A_25 = tpu.memref_slice %arg6[%dma_start3A_22, %dma_start3A_24] : memref<6x80xi32, #tpu.memory_space<vmem>> -> memref<1x80xi32, #tpu.memory_space<vmem>>
    %dma_start3A_26 = tpu.memref_squeeze %dma_start3A_25 : memref<1x80xi32, #tpu.memory_space<vmem>> -> memref<80xi32, #tpu.memory_space<vmem>>
    %dma_start3A_27 = tpu.memref_slice %arg3[%add3A_21] : memref<640000xi32, #tpu.memory_space<hbm>> -> memref<80xi32, #tpu.memory_space<hbm>>
    %dma_start3A_28 = tpu.memref_slice %arg9[%dma_start3A_23] : memref<6x!tpu.dma_semaphore, #tpu.memory_space<semaphore_mem>> -> memref<1x!tpu.dma_semaphore, #tpu.memory_space<semaphore_mem>>
    %dma_start3A_29 = tpu.memref_squeeze %dma_start3A_28 : memref<1x!tpu.dma_semaphore, #tpu.memory_space<semaphore_mem>> -> memref<!tpu.dma_semaphore, #tpu.memory_space<semaphore_mem>>
    %dma_start3A_30 = arith.constant 0 : i32
    %dma_start3A_31 = tpu.memref_slice %arg6[%dma_start3A_22, %dma_start3A_30] : memref<6x80xi32, #tpu.memory_space<vmem>> -> memref<1x80xi32, #tpu.memory_space<vmem>>
    %dma_start3A_32 = tpu.memref_squeeze %dma_start3A_31 : memref<1x80xi32, #tpu.memory_space<vmem>> -> memref<80xi32, #tpu.memory_space<vmem>>
    %dma_start3A_33 = tpu.memref_slice %arg3[%add3A_21] : memref<640000xi32, #tpu.memory_space<hbm>> -> memref<80xi32, #tpu.memory_space<hbm>>
    tpu.enqueue_dma source(%dma_start3A_33 : memref<80xi32, #tpu.memory_space<hbm>>) target(%dma_start3A_32 : memref<80xi32, #tpu.memory_space<vmem>>) target_semaphore(%dma_start3A_29 : memref<!tpu.dma_semaphore, #tpu.memory_space<semaphore_mem>>)
    %add3A_34 = arith.constant 80 : i32
    %add3A_35 = arith.addi %mul3A_5, %add3A_34 : i32
    %multiple_of3A_36 = tpu.assume_multiple %add3A_35, 8 : i32
    %dma_start3A_37 = arith.constant 1 : i32
    %dma_start3A_38 = arith.constant 1 : i32
    %dma_start3A_39 = arith.constant 0 : i32
    %dma_start3A_40 = tpu.memref_slice %arg5[%dma_start3A_37, %dma_start3A_39] : memref<6x80xi32, #tpu.memory_space<vmem>> -> memref<1x80xi32, #tpu.memory_space<vmem>>
    %dma_start3A_41 = tpu.memref_squeeze %dma_start3A_40 : memref<1x80xi32, #tpu.memory_space<vmem>> -> memref<80xi32, #tpu.memory_space<vmem>>
    %dma_start3A_42 = tpu.memref_slice %arg3[%multiple_of3A_36] : memref<640000xi32, #tpu.memory_space<hbm>> -> memref<80xi32, #tpu.memory_space<hbm>>
    %dma_start3A_43 = tpu.memref_slice %arg9[%dma_start3A_38] : memref<6x!tpu.dma_semaphore, #tpu.memory_space<semaphore_mem>> -> memref<1x!tpu.dma_semaphore, #tpu.memory_space<semaphore_mem>>
    %dma_start3A_44 = tpu.memref_squeeze %dma_start3A_43 : memref<1x!tpu.dma_semaphore, #tpu.memory_space<semaphore_mem>> -> memref<!tpu.dma_semaphore, #tpu.memory_space<semaphore_mem>>
    %dma_start3A_45 = arith.constant 0 : i32
    %dma_start3A_46 = tpu.memref_slice %arg5[%dma_start3A_37, %dma_start3A_45] : memref<6x80xi32, #tpu.memory_space<vmem>> -> memref<1x80xi32, #tpu.memory_space<vmem>>
    %dma_start3A_47 = tpu.memref_squeeze %dma_start3A_46 : memref<1x80xi32, #tpu.memory_space<vmem>> -> memref<80xi32, #tpu.memory_space<vmem>>
    %dma_start3A_48 = tpu.memref_slice %arg3[%multiple_of3A_36] : memref<640000xi32, #tpu.memory_space<hbm>> -> memref<80xi32, #tpu.memory_space<hbm>>
    tpu.enqueue_dma source(%dma_start3A_48 : memref<80xi32, #tpu.memory_space<hbm>>) target(%dma_start3A_47 : memref<80xi32, #tpu.memory_space<vmem>>) target_semaphore(%dma_start3A_44 : memref<!tpu.dma_semaphore, #tpu.memory_space<semaphore_mem>>)
    %add3A_49 = arith.constant 320000 : i32
    %add3A_50 = arith.addi %add3A_49, %multiple_of3A_36 : i32
    %dma_start3A_51 = arith.constant 1 : i32
    %dma_start3A_52 = arith.constant 1 : i32
    %dma_start3A_53 = arith.constant 0 : i32
    %dma_start3A_54 = tpu.memref_slice %arg6[%dma_start3A_51, %dma_start3A_53] : memref<6x80xi32, #tpu.memory_space<vmem>> -> memref<1x80xi32, #tpu.memory_space<vmem>>
    %dma_start3A_55 = tpu.memref_squeeze %dma_start3A_54 : memref<1x80xi32, #tpu.memory_space<vmem>> -> memref<80xi32, #tpu.memory_space<vmem>>
    %dma_start3A_56 = tpu.memref_slice %arg3[%add3A_50] : memref<640000xi32, #tpu.memory_space<hbm>> -> memref<80xi32, #tpu.memory_space<hbm>>
    %dma_start3A_57 = tpu.memref_slice %arg9[%dma_start3A_52] : memref<6x!tpu.dma_semaphore, #tpu.memory_space<semaphore_mem>> -> memref<1x!tpu.dma_semaphore, #tpu.memory_space<semaphore_mem>>
    %dma_start3A_58 = tpu.memref_squeeze %dma_start3A_57 : memref<1x!tpu.dma_semaphore, #tpu.memory_space<semaphore_mem>> -> memref<!tpu.dma_semaphore, #tpu.memory_space<semaphore_mem>>
    %dma_start3A_59 = arith.constant 0 : i32
    %dma_start3A_60 = tpu.memref_slice %arg6[%dma_start3A_51, %dma_start3A_59] : memref<6x80xi32, #tpu.memory_space<vmem>> -> memref<1x80xi32, #tpu.memory_space<vmem>>
    %dma_start3A_61 = tpu.memref_squeeze %dma_start3A_60 : memref<1x80xi32, #tpu.memory_space<vmem>> -> memref<80xi32, #tpu.memory_space<vmem>>
    %dma_start3A_62 = tpu.memref_slice %arg3[%add3A_50] : memref<640000xi32, #tpu.memory_space<hbm>> -> memref<80xi32, #tpu.memory_space<hbm>>
    tpu.enqueue_dma source(%dma_start3A_62 : memref<80xi32, #tpu.memory_space<hbm>>) target(%dma_start3A_61 : memref<80xi32, #tpu.memory_space<vmem>>) target_semaphore(%dma_start3A_58 : memref<!tpu.dma_semaphore, #tpu.memory_space<semaphore_mem>>)
    %add3A_63 = arith.constant 160 : i32
    %add3A_64 = arith.addi %mul3A_5, %add3A_63 : i32
    %multiple_of3A_65 = tpu.assume_multiple %add3A_64, 8 : i32
    %dma_start3A_66 = arith.constant 2 : i32
    %dma_start3A_67 = arith.constant 2 : i32
    %dma_start3A_68 = arith.constant 0 : i32
    %dma_start3A_69 = tpu.memref_slice %arg5[%dma_start3A_66, %dma_start3A_68] : memref<6x80xi32, #tpu.memory_space<vmem>> -> memref<1x80xi32, #tpu.memory_space<vmem>>
    %dma_start3A_70 = tpu.memref_squeeze %dma_start3A_69 : memref<1x80xi32, #tpu.memory_space<vmem>> -> memref<80xi32, #tpu.memory_space<vmem>>
    %dma_start3A_71 = tpu.memref_slice %arg3[%multiple_of3A_65] : memref<640000xi32, #tpu.memory_space<hbm>> -> memref<80xi32, #tpu.memory_space<hbm>>
    %dma_start3A_72 = tpu.memref_slice %arg9[%dma_start3A_67] : memref<6x!tpu.dma_semaphore, #tpu.memory_space<semaphore_mem>> -> memref<1x!tpu.dma_semaphore, #tpu.memory_space<semaphore_mem>>
    %dma_start3A_73 = tpu.memref_squeeze %dma_start3A_72 : memref<1x!tpu.dma_semaphore, #tpu.memory_space<semaphore_mem>> -> memref<!tpu.dma_semaphore, #tpu.memory_space<semaphore_mem>>
    %dma_start3A_74 = arith.constant 0 : i32
    %dma_start3A_75 = tpu.memref_slice %arg5[%dma_start3A_66, %dma_start3A_74] : memref<6x80xi32, #tpu.memory_space<vmem>> -> memref<1x80xi32, #tpu.memory_space<vmem>>
    %dma_start3A_76 = tpu.memref_squeeze %dma_start3A_75 : memref<1x80xi32, #tpu.memory_space<vmem>> -> memref<80xi32, #tpu.memory_space<vmem>>
    %dma_start3A_77 = tpu.memref_slice %arg3[%multiple_of3A_65] : memref<640000xi32, #tpu.memory_space<hbm>> -> memref<80xi32, #tpu.memory_space<hbm>>
    tpu.enqueue_dma source(%dma_start3A_77 : memref<80xi32, #tpu.memory_space<hbm>>) target(%dma_start3A_76 : memref<80xi32, #tpu.memory_space<vmem>>) target_semaphore(%dma_start3A_73 : memref<!tpu.dma_semaphore, #tpu.memory_space<semaphore_mem>>)
    %add3A_78 = arith.constant 320000 : i32
    %add3A_79 = arith.addi %add3A_78, %multiple_of3A_65 : i32
    %dma_start3A_80 = arith.constant 2 : i32
    %dma_start3A_81 = arith.constant 2 : i32
    %dma_start3A_82 = arith.constant 0 : i32
    %dma_start3A_83 = tpu.memref_slice %arg6[%dma_start3A_80, %dma_start3A_82] : memref<6x80xi32, #tpu.memory_space<vmem>> -> memref<1x80xi32, #tpu.memory_space<vmem>>
    %dma_start3A_84 = tpu.memref_squeeze %dma_start3A_83 : memref<1x80xi32, #tpu.memory_space<vmem>> -> memref<80xi32, #tpu.memory_space<vmem>>
    %dma_start3A_85 = tpu.memref_slice %arg3[%add3A_79] : memref<640000xi32, #tpu.memory_space<hbm>> -> memref<80xi32, #tpu.memory_space<hbm>>
    %dma_start3A_86 = tpu.memref_slice %arg9[%dma_start3A_81] : memref<6x!tpu.dma_semaphore, #tpu.memory_space<semaphore_mem>> -> memref<1x!tpu.dma_semaphore, #tpu.memory_space<semaphore_mem>>
    %dma_start3A_87 = tpu.memref_squeeze %dma_start3A_86 : memref<1x!tpu.dma_semaphore, #tpu.memory_space<semaphore_mem>> -> memref<!tpu.dma_semaphore, #tpu.memory_space<semaphore_mem>>
    %dma_start3A_88 = arith.constant 0 : i32
    %dma_start3A_89 = tpu.memref_slice %arg6[%dma_start3A_80, %dma_start3A_88] : memref<6x80xi32, #tpu.memory_space<vmem>> -> memref<1x80xi32, #tpu.memory_space<vmem>>
    %dma_start3A_90 = tpu.memref_squeeze %dma_start3A_89 : memref<1x80xi32, #tpu.memory_space<vmem>> -> memref<80xi32, #tpu.memory_space<vmem>>
    %dma_start3A_91 = tpu.memref_slice %arg3[%add3A_79] : memref<640000xi32, #tpu.memory_space<hbm>> -> memref<80xi32, #tpu.memory_space<hbm>>
    tpu.enqueue_dma source(%dma_start3A_91 : memref<80xi32, #tpu.memory_space<hbm>>) target(%dma_start3A_90 : memref<80xi32, #tpu.memory_space<vmem>>) target_semaphore(%dma_start3A_87 : memref<!tpu.dma_semaphore, #tpu.memory_space<semaphore_mem>>)
    %add3A_92 = arith.constant 240 : i32
    %add3A_93 = arith.addi %mul3A_5, %add3A_92 : i32
    %multiple_of3A_94 = tpu.assume_multiple %add3A_93, 8 : i32
    %dma_start3A_95 = arith.constant 3 : i32
    %dma_start3A_96 = arith.constant 3 : i32
    %dma_start3A_97 = arith.constant 0 : i32
    %dma_start3A_98 = tpu.memref_slice %arg5[%dma_start3A_95, %dma_start3A_97] : memref<6x80xi32, #tpu.memory_space<vmem>> -> memref<1x80xi32, #tpu.memory_space<vmem>>
    %dma_start3A_99 = tpu.memref_squeeze %dma_start3A_98 : memref<1x80xi32, #tpu.memory_space<vmem>> -> memref<80xi32, #tpu.memory_space<vmem>>
    %dma_start3A_100 = tpu.memref_slice %arg3[%multiple_of3A_94] : memref<640000xi32, #tpu.memory_space<hbm>> -> memref<80xi32, #tpu.memory_space<hbm>>
    %dma_start3A_101 = tpu.memref_slice %arg9[%dma_start3A_96] : memref<6x!tpu.dma_semaphore, #tpu.memory_space<semaphore_mem>> -> memref<1x!tpu.dma_semaphore, #tpu.memory_space<semaphore_mem>>
    %dma_start3A_102 = tpu.memref_squeeze %dma_start3A_101 : memref<1x!tpu.dma_semaphore, #tpu.memory_space<semaphore_mem>> -> memref<!tpu.dma_semaphore, #tpu.memory_space<semaphore_mem>>
    %dma_start3A_103 = arith.constant 0 : i32
    %dma_start3A_104 = tpu.memref_slice %arg5[%dma_start3A_95, %dma_start3A_103] : memref<6x80xi32, #tpu.memory_space<vmem>> -> memref<1x80xi32, #tpu.memory_space<vmem>>
    %dma_start3A_105 = tpu.memref_squeeze %dma_start3A_104 : memref<1x80xi32, #tpu.memory_space<vmem>> -> memref<80xi32, #tpu.memory_space<vmem>>
    %dma_start3A_106 = tpu.memref_slice %arg3[%multiple_of3A_94] : memref<640000xi32, #tpu.memory_space<hbm>> -> memref<80xi32, #tpu.memory_space<hbm>>
    tpu.enqueue_dma source(%dma_start3A_106 : memref<80xi32, #tpu.memory_space<hbm>>) target(%dma_start3A_105 : memref<80xi32, #tpu.memory_space<vmem>>) target_semaphore(%dma_start3A_102 : memref<!tpu.dma_semaphore, #tpu.memory_space<semaphore_mem>>)
    %add3A_107 = arith.constant 320000 : i32
    %add3A_108 = arith.addi %add3A_107, %multiple_of3A_94 : i32
    %dma_start3A_109 = arith.constant 3 : i32
    %dma_start3A_110 = arith.constant 3 : i32
    %dma_start3A_111 = arith.constant 0 : i32
    %dma_start3A_112 = tpu.memref_slice %arg6[%dma_start3A_109, %dma_start3A_111] : memref<6x80xi32, #tpu.memory_space<vmem>> -> memref<1x80xi32, #tpu.memory_space<vmem>>
    %dma_start3A_113 = tpu.memref_squeeze %dma_start3A_112 : memref<1x80xi32, #tpu.memory_space<vmem>> -> memref<80xi32, #tpu.memory_space<vmem>>
    %dma_start3A_114 = tpu.memref_slice %arg3[%add3A_108] : memref<640000xi32, #tpu.memory_space<hbm>> -> memref<80xi32, #tpu.memory_space<hbm>>
    %dma_start3A_115 = tpu.memref_slice %arg9[%dma_start3A_110] : memref<6x!tpu.dma_semaphore, #tpu.memory_space<semaphore_mem>> -> memref<1x!tpu.dma_semaphore, #tpu.memory_space<semaphore_mem>>
    %dma_start3A_116 = tpu.memref_squeeze %dma_start3A_115 : memref<1x!tpu.dma_semaphore, #tpu.memory_space<semaphore_mem>> -> memref<!tpu.dma_semaphore, #tpu.memory_space<semaphore_mem>>
    %dma_start3A_117 = arith.constant 0 : i32
    %dma_start3A_118 = tpu.memref_slice %arg6[%dma_start3A_109, %dma_start3A_117] : memref<6x80xi32, #tpu.memory_space<vmem>> -> memref<1x80xi32, #tpu.memory_space<vmem>>
    %dma_start3A_119 = tpu.memref_squeeze %dma_start3A_118 : memref<1x80xi32, #tpu.memory_space<vmem>> -> memref<80xi32, #tpu.memory_space<vmem>>
    %dma_start3A_120 = tpu.memref_slice %arg3[%add3A_108] : memref<640000xi32, #tpu.memory_space<hbm>> -> memref<80xi32, #tpu.memory_space<hbm>>
    tpu.enqueue_dma source(%dma_start3A_120 : memref<80xi32, #tpu.memory_space<hbm>>) target(%dma_start3A_119 : memref<80xi32, #tpu.memory_space<vmem>>) target_semaphore(%dma_start3A_116 : memref<!tpu.dma_semaphore, #tpu.memory_space<semaphore_mem>>)
    %add3A_121 = arith.constant 320 : i32
    %add3A_122 = arith.addi %mul3A_5, %add3A_121 : i32
    %multiple_of3A_123 = tpu.assume_multiple %add3A_122, 8 : i32
    %dma_start3A_124 = arith.constant 4 : i32
    %dma_start3A_125 = arith.constant 4 : i32
    %dma_start3A_126 = arith.constant 0 : i32
    %dma_start3A_127 = tpu.memref_slice %arg5[%dma_start3A_124, %dma_start3A_126] : memref<6x80xi32, #tpu.memory_space<vmem>> -> memref<1x80xi32, #tpu.memory_space<vmem>>
    %dma_start3A_128 = tpu.memref_squeeze %dma_start3A_127 : memref<1x80xi32, #tpu.memory_space<vmem>> -> memref<80xi32, #tpu.memory_space<vmem>>
    %dma_start3A_129 = tpu.memref_slice %arg3[%multiple_of3A_123] : memref<640000xi32, #tpu.memory_space<hbm>> -> memref<80xi32, #tpu.memory_space<hbm>>
    %dma_start3A_130 = tpu.memref_slice %arg9[%dma_start3A_125] : memref<6x!tpu.dma_semaphore, #tpu.memory_space<semaphore_mem>> -> memref<1x!tpu.dma_semaphore, #tpu.memory_space<semaphore_mem>>
    %dma_start3A_131 = tpu.memref_squeeze %dma_start3A_130 : memref<1x!tpu.dma_semaphore, #tpu.memory_space<semaphore_mem>> -> memref<!tpu.dma_semaphore, #tpu.memory_space<semaphore_mem>>
    %dma_start3A_132 = arith.constant 0 : i32
    %dma_start3A_133 = tpu.memref_slice %arg5[%dma_start3A_124, %dma_start3A_132] : memref<6x80xi32, #tpu.memory_space<vmem>> -> memref<1x80xi32, #tpu.memory_space<vmem>>
    %dma_start3A_134 = tpu.memref_squeeze %dma_start3A_133 : memref<1x80xi32, #tpu.memory_space<vmem>> -> memref<80xi32, #tpu.memory_space<vmem>>
    %dma_start3A_135 = tpu.memref_slice %arg3[%multiple_of3A_123] : memref<640000xi32, #tpu.memory_space<hbm>> -> memref<80xi32, #tpu.memory_space<hbm>>
    tpu.enqueue_dma source(%dma_start3A_135 : memref<80xi32, #tpu.memory_space<hbm>>) target(%dma_start3A_134 : memref<80xi32, #tpu.memory_space<vmem>>) target_semaphore(%dma_start3A_131 : memref<!tpu.dma_semaphore, #tpu.memory_space<semaphore_mem>>)
    %add3A_136 = arith.constant 320000 : i32
    %add3A_137 = arith.addi %add3A_136, %multiple_of3A_123 : i32
    %dma_start3A_138 = arith.constant 4 : i32
    %dma_start3A_139 = arith.constant 4 : i32
    %dma_start3A_140 = arith.constant 0 : i32
    %dma_start3A_141 = tpu.memref_slice %arg6[%dma_start3A_138, %dma_start3A_140] : memref<6x80xi32, #tpu.memory_space<vmem>> -> memref<1x80xi32, #tpu.memory_space<vmem>>
    %dma_start3A_142 = tpu.memref_squeeze %dma_start3A_141 : memref<1x80xi32, #tpu.memory_space<vmem>> -> memref<80xi32, #tpu.memory_space<vmem>>
    %dma_start3A_143 = tpu.memref_slice %arg3[%add3A_137] : memref<640000xi32, #tpu.memory_space<hbm>> -> memref<80xi32, #tpu.memory_space<hbm>>
    %dma_start3A_144 = tpu.memref_slice %arg9[%dma_start3A_139] : memref<6x!tpu.dma_semaphore, #tpu.memory_space<semaphore_mem>> -> memref<1x!tpu.dma_semaphore, #tpu.memory_space<semaphore_mem>>
    %dma_start3A_145 = tpu.memref_squeeze %dma_start3A_144 : memref<1x!tpu.dma_semaphore, #tpu.memory_space<semaphore_mem>> -> memref<!tpu.dma_semaphore, #tpu.memory_space<semaphore_mem>>
    %dma_start3A_146 = arith.constant 0 : i32
    %dma_start3A_147 = tpu.memref_slice %arg6[%dma_start3A_138, %dma_start3A_146] : memref<6x80xi32, #tpu.memory_space<vmem>> -> memref<1x80xi32, #tpu.memory_space<vmem>>
    %dma_start3A_148 = tpu.memref_squeeze %dma_start3A_147 : memref<1x80xi32, #tpu.memory_space<vmem>> -> memref<80xi32, #tpu.memory_space<vmem>>
    %dma_start3A_149 = tpu.memref_slice %arg3[%add3A_137] : memref<640000xi32, #tpu.memory_space<hbm>> -> memref<80xi32, #tpu.memory_space<hbm>>
    tpu.enqueue_dma source(%dma_start3A_149 : memref<80xi32, #tpu.memory_space<hbm>>) target(%dma_start3A_148 : memref<80xi32, #tpu.memory_space<vmem>>) target_semaphore(%dma_start3A_145 : memref<!tpu.dma_semaphore, #tpu.memory_space<semaphore_mem>>)
    %add3A_150 = arith.constant 400 : i32
    %add3A_151 = arith.addi %mul3A_5, %add3A_150 : i32
    %multiple_of3A_152 = tpu.assume_multiple %add3A_151, 8 : i32
    %dma_start3A_153 = arith.constant 5 : i32
    %dma_start3A_154 = arith.constant 5 : i32
    %dma_start3A_155 = arith.constant 0 : i32
    %dma_start3A_156 = tpu.memref_slice %arg5[%dma_start3A_153, %dma_start3A_155] : memref<6x80xi32, #tpu.memory_space<vmem>> -> memref<1x80xi32, #tpu.memory_space<vmem>>
    %dma_start3A_157 = tpu.memref_squeeze %dma_start3A_156 : memref<1x80xi32, #tpu.memory_space<vmem>> -> memref<80xi32, #tpu.memory_space<vmem>>
    %dma_start3A_158 = tpu.memref_slice %arg3[%multiple_of3A_152] : memref<640000xi32, #tpu.memory_space<hbm>> -> memref<80xi32, #tpu.memory_space<hbm>>
    %dma_start3A_159 = tpu.memref_slice %arg9[%dma_start3A_154] : memref<6x!tpu.dma_semaphore, #tpu.memory_space<semaphore_mem>> -> memref<1x!tpu.dma_semaphore, #tpu.memory_space<semaphore_mem>>
    %dma_start3A_160 = tpu.memref_squeeze %dma_start3A_159 : memref<1x!tpu.dma_semaphore, #tpu.memory_space<semaphore_mem>> -> memref<!tpu.dma_semaphore, #tpu.memory_space<semaphore_mem>>
    %dma_start3A_161 = arith.constant 0 : i32
    %dma_start3A_162 = tpu.memref_slice %arg5[%dma_start3A_153, %dma_start3A_161] : memref<6x80xi32, #tpu.memory_space<vmem>> -> memref<1x80xi32, #tpu.memory_space<vmem>>
    %dma_start3A_163 = tpu.memref_squeeze %dma_start3A_162 : memref<1x80xi32, #tpu.memory_space<vmem>> -> memref<80xi32, #tpu.memory_space<vmem>>
    %dma_start3A_164 = tpu.memref_slice %arg3[%multiple_of3A_152] : memref<640000xi32, #tpu.memory_space<hbm>> -> memref<80xi32, #tpu.memory_space<hbm>>
    tpu.enqueue_dma source(%dma_start3A_164 : memref<80xi32, #tpu.memory_space<hbm>>) target(%dma_start3A_163 : memref<80xi32, #tpu.memory_space<vmem>>) target_semaphore(%dma_start3A_160 : memref<!tpu.dma_semaphore, #tpu.memory_space<semaphore_mem>>)
    %add3A_165 = arith.constant 320000 : i32
    %add3A_166 = arith.addi %add3A_165, %multiple_of3A_152 : i32
    %dma_start3A_167 = arith.constant 5 : i32
    %dma_start3A_168 = arith.constant 5 : i32
    %dma_start3A_169 = arith.constant 0 : i32
    %dma_start3A_170 = tpu.memref_slice %arg6[%dma_start3A_167, %dma_start3A_169] : memref<6x80xi32, #tpu.memory_space<vmem>> -> memref<1x80xi32, #tpu.memory_space<vmem>>
    %dma_start3A_171 = tpu.memref_squeeze %dma_start3A_170 : memref<1x80xi32, #tpu.memory_space<vmem>> -> memref<80xi32, #tpu.memory_space<vmem>>
    %dma_start3A_172 = tpu.memref_slice %arg3[%add3A_166] : memref<640000xi32, #tpu.memory_space<hbm>> -> memref<80xi32, #tpu.memory_space<hbm>>
    %dma_start3A_173 = tpu.memref_slice %arg9[%dma_start3A_168] : memref<6x!tpu.dma_semaphore, #tpu.memory_space<semaphore_mem>> -> memref<1x!tpu.dma_semaphore, #tpu.memory_space<semaphore_mem>>
    %dma_start3A_174 = tpu.memref_squeeze %dma_start3A_173 : memref<1x!tpu.dma_semaphore, #tpu.memory_space<semaphore_mem>> -> memref<!tpu.dma_semaphore, #tpu.memory_space<semaphore_mem>>
    %dma_start3A_175 = arith.constant 0 : i32
    %dma_start3A_176 = tpu.memref_slice %arg6[%dma_start3A_167, %dma_start3A_175] : memref<6x80xi32, #tpu.memory_space<vmem>> -> memref<1x80xi32, #tpu.memory_space<vmem>>
    %dma_start3A_177 = tpu.memref_squeeze %dma_start3A_176 : memref<1x80xi32, #tpu.memory_space<vmem>> -> memref<80xi32, #tpu.memory_space<vmem>>
    %dma_start3A_178 = tpu.memref_slice %arg3[%add3A_166] : memref<640000xi32, #tpu.memory_space<hbm>> -> memref<80xi32, #tpu.memory_space<hbm>>
    tpu.enqueue_dma source(%dma_start3A_178 : memref<80xi32, #tpu.memory_space<hbm>>) target(%dma_start3A_177 : memref<80xi32, #tpu.memory_space<vmem>>) target_semaphore(%dma_start3A_174 : memref<!tpu.dma_semaphore, #tpu.memory_space<semaphore_mem>>)
    %scan3A = arith.constant 0 : i32
    %scan3A_179 = arith.constant 3 : i32
    %scan3A_180 = arith.constant 0 : i32
    %scan3A_181 = arith.constant 80 : i32
    %scan3A_182 = arith.addi %scan3A_180, %scan3A_181 : i32
    %scan3A_183 = arith.constant 1 : i32
    scf.for %scan3A_563 = %scan3A_180 to %scan3A_182 step %scan3A_183  : i32 {
      %broadcast_in_dim3A = arith.constant 0.000000e+00 : f32
      %broadcast_in_dim3A_564 = vector.broadcast %broadcast_in_dim3A : f32 to vector<16xf32>
      %swap3A = arith.constant 0 : i32
      %swap3A_565 = arith.constant 0 : i32
      %swap3A_566 = tpu.memref_slice %arg7[%scan3A_179, %swap3A, %swap3A_565] : memref<4x80x128xf32, #tpu.memory_space<vmem>> -> memref<1x80x128xf32, #tpu.memory_space<vmem>>
      %swap3A_567 = tpu.memref_squeeze %swap3A_566 : memref<1x80x128xf32, #tpu.memory_space<vmem>> -> memref<80x128xf32, #tpu.memory_space<vmem>>
      %swap3A_568 = arith.index_cast %scan3A_563 : i32 to index
      %swap3A_569 = arith.constant 0 : index
      %swap3A_570 = tpu.vector_load %swap3A_567[%swap3A_568, %swap3A_569] {strides = array<i32>} : memref<80x128xf32, #tpu.memory_space<vmem>>, vector<1x16xf32>,
      %swap3A_571 = vector.shape_cast %swap3A_570 : vector<1x16xf32> to vector<16xf32>
      %swap3A_572 = vector.shape_cast %broadcast_in_dim3A_564 : vector<16xf32> to vector<1x16xf32>
      tpu.vector_store %swap3A_567[%swap3A_568, %swap3A_569], %swap3A_572 {strides = array<i32>} : memref<80x128xf32, #tpu.memory_space<vmem>>, vector<1x16xf32>,
      %broadcast_in_dim3A_573 = arith.constant 0.000000e+00 : f32
      %broadcast_in_dim3A_574 = vector.broadcast %broadcast_in_dim3A_573 : f32 to vector<16xf32>
      %swap3A_575 = arith.constant 0 : i32
      %swap3A_576 = arith.constant 0 : i32
      %swap3A_577 = tpu.memref_slice %arg7[%scan3A_179, %swap3A_575, %swap3A_576] : memref<4x80x128xf32, #tpu.memory_space<vmem>> -> memref<1x80x128xf32, #tpu.memory_space<vmem>>
      %swap3A_578 = tpu.memref_squeeze %swap3A_577 : memref<1x80x128xf32, #tpu.memory_space<vmem>> -> memref<80x128xf32, #tpu.memory_space<vmem>>
      %swap3A_579 = arith.index_cast %scan3A_563 : i32 to index
      %swap3A_580 = arith.constant 16 : index
      %swap3A_581 = tpu.vector_load %swap3A_578[%swap3A_579, %swap3A_580] {strides = array<i32>} : memref<80x128xf32, #tpu.memory_space<vmem>>, vector<1x16xf32>,
      %swap3A_582 = vector.shape_cast %swap3A_581 : vector<1x16xf32> to vector<16xf32>
      %swap3A_583 = vector.shape_cast %broadcast_in_dim3A_574 : vector<16xf32> to vector<1x16xf32>
      tpu.vector_store %swap3A_578[%swap3A_579, %swap3A_580], %swap3A_583 {strides = array<i32>} : memref<80x128xf32, #tpu.memory_space<vmem>>, vector<1x16xf32>,
      %broadcast_in_dim3A_584 = arith.constant 0.000000e+00 : f32
      %broadcast_in_dim3A_585 = vector.broadcast %broadcast_in_dim3A_584 : f32 to vector<16xf32>
      %swap3A_586 = arith.constant 0 : i32
      %swap3A_587 = arith.constant 0 : i32
      %swap3A_588 = tpu.memref_slice %arg7[%scan3A_179, %swap3A_586, %swap3A_587] : memref<4x80x128xf32, #tpu.memory_space<vmem>> -> memref<1x80x128xf32, #tpu.memory_space<vmem>>
      %swap3A_589 = tpu.memref_squeeze %swap3A_588 : memref<1x80x128xf32, #tpu.memory_space<vmem>> -> memref<80x128xf32, #tpu.memory_space<vmem>>
      %swap3A_590 = arith.index_cast %scan3A_563 : i32 to index
      %swap3A_591 = arith.constant 32 : index
      %swap3A_592 = tpu.vector_load %swap3A_589[%swap3A_590, %swap3A_591] {strides = array<i32>} : memref<80x128xf32, #tpu.memory_space<vmem>>, vector<1x16xf32>,
      %swap3A_593 = vector.shape_cast %swap3A_592 : vector<1x16xf32> to vector<16xf32>
      %swap3A_594 = vector.shape_cast %broadcast_in_dim3A_585 : vector<16xf32> to vector<1x16xf32>
      tpu.vector_store %swap3A_589[%swap3A_590, %swap3A_591], %swap3A_594 {strides = array<i32>} : memref<80x128xf32, #tpu.memory_space<vmem>>, vector<1x16xf32>,
      %broadcast_in_dim3A_595 = arith.constant 0.000000e+00 : f32
      %broadcast_in_dim3A_596 = vector.broadcast %broadcast_in_dim3A_595 : f32 to vector<16xf32>
      %swap3A_597 = arith.constant 0 : i32
      %swap3A_598 = arith.constant 0 : i32
      %swap3A_599 = tpu.memref_slice %arg7[%scan3A_179, %swap3A_597, %swap3A_598] : memref<4x80x128xf32, #tpu.memory_space<vmem>> -> memref<1x80x128xf32, #tpu.memory_space<vmem>>
      %swap3A_600 = tpu.memref_squeeze %swap3A_599 : memref<1x80x128xf32, #tpu.memory_space<vmem>> -> memref<80x128xf32, #tpu.memory_space<vmem>>
      %swap3A_601 = arith.index_cast %scan3A_563 : i32 to index
      %swap3A_602 = arith.constant 48 : index
      %swap3A_603 = tpu.vector_load %swap3A_600[%swap3A_601, %swap3A_602] {strides = array<i32>} : memref<80x128xf32, #tpu.memory_space<vmem>>, vector<1x16xf32>,
      %swap3A_604 = vector.shape_cast %swap3A_603 : vector<1x16xf32> to vector<16xf32>
      %swap3A_605 = vector.shape_cast %broadcast_in_dim3A_596 : vector<16xf32> to vector<1x16xf32>
      tpu.vector_store %swap3A_600[%swap3A_601, %swap3A_602], %swap3A_605 {strides = array<i32>} : memref<80x128xf32, #tpu.memory_space<vmem>>, vector<1x16xf32>,
      %broadcast_in_dim3A_606 = arith.constant 0.000000e+00 : f32
      %broadcast_in_dim3A_607 = vector.broadcast %broadcast_in_dim3A_606 : f32 to vector<16xf32>
      %swap3A_608 = arith.constant 0 : i32
      %swap3A_609 = arith.constant 0 : i32
      %swap3A_610 = tpu.memref_slice %arg7[%scan3A_179, %swap3A_608, %swap3A_609] : memref<4x80x128xf32, #tpu.memory_space<vmem>> -> memref<1x80x128xf32, #tpu.memory_space<vmem>>
      %swap3A_611 = tpu.memref_squeeze %swap3A_610 : memref<1x80x128xf32, #tpu.memory_space<vmem>> -> memref<80x128xf32, #tpu.memory_space<vmem>>
      %swap3A_612 = arith.index_cast %scan3A_563 : i32 to index
      %swap3A_613 = arith.constant 64 : index
      %swap3A_614 = tpu.vector_load %swap3A_611[%swap3A_612, %swap3A_613] {strides = array<i32>} : memref<80x128xf32, #tpu.memory_space<vmem>>, vector<1x16xf32>,
      %swap3A_615 = vector.shape_cast %swap3A_614 : vector<1x16xf32> to vector<16xf32>
      %swap3A_616 = vector.shape_cast %broadcast_in_dim3A_607 : vector<16xf32> to vector<1x16xf32>
      tpu.vector_store %swap3A_611[%swap3A_612, %swap3A_613], %swap3A_616 {strides = array<i32>} : memref<80x128xf32, #tpu.memory_space<vmem>>, vector<1x16xf32>,
      %broadcast_in_dim3A_617 = arith.constant 0.000000e+00 : f32
      %broadcast_in_dim3A_618 = vector.broadcast %broadcast_in_dim3A_617 : f32 to vector<16xf32>
      %swap3A_619 = arith.constant 0 : i32
      %swap3A_620 = arith.constant 0 : i32
      %swap3A_621 = tpu.memref_slice %arg7[%scan3A_179, %swap3A_619, %swap3A_620] : memref<4x80x128xf32, #tpu.memory_space<vmem>> -> memref<1x80x128xf32, #tpu.memory_space<vmem>>
      %swap3A_622 = tpu.memref_squeeze %swap3A_621 : memref<1x80x128xf32, #tpu.memory_space<vmem>> -> memref<80x128xf32, #tpu.memory_space<vmem>>
      %swap3A_623 = arith.index_cast %scan3A_563 : i32 to index
      %swap3A_624 = arith.constant 80 : index
      %swap3A_625 = tpu.vector_load %swap3A_622[%swap3A_623, %swap3A_624] {strides = array<i32>} : memref<80x128xf32, #tpu.memory_space<vmem>>, vector<1x16xf32>,
      %swap3A_626 = vector.shape_cast %swap3A_625 : vector<1x16xf32> to vector<16xf32>
      %swap3A_627 = vector.shape_cast %broadcast_in_dim3A_618 : vector<16xf32> to vector<1x16xf32>
      tpu.vector_store %swap3A_622[%swap3A_623, %swap3A_624], %swap3A_627 {strides = array<i32>} : memref<80x128xf32, #tpu.memory_space<vmem>>, vector<1x16xf32>,
      %broadcast_in_dim3A_628 = arith.constant 0.000000e+00 : f32
      %broadcast_in_dim3A_629 = vector.broadcast %broadcast_in_dim3A_628 : f32 to vector<16xf32>
      %swap3A_630 = arith.constant 0 : i32
      %swap3A_631 = arith.constant 0 : i32
      %swap3A_632 = tpu.memref_slice %arg7[%scan3A_179, %swap3A_630, %swap3A_631] : memref<4x80x128xf32, #tpu.memory_space<vmem>> -> memref<1x80x128xf32, #tpu.memory_space<vmem>>
      %swap3A_633 = tpu.memref_squeeze %swap3A_632 : memref<1x80x128xf32, #tpu.memory_space<vmem>> -> memref<80x128xf32, #tpu.memory_space<vmem>>
      %swap3A_634 = arith.index_cast %scan3A_563 : i32 to index
      %swap3A_635 = arith.constant 96 : index
      %swap3A_636 = tpu.vector_load %swap3A_633[%swap3A_634, %swap3A_635] {strides = array<i32>} : memref<80x128xf32, #tpu.memory_space<vmem>>, vector<1x16xf32>,
      %swap3A_637 = vector.shape_cast %swap3A_636 : vector<1x16xf32> to vector<16xf32>
      %swap3A_638 = vector.shape_cast %broadcast_in_dim3A_629 : vector<16xf32> to vector<1x16xf32>
      tpu.vector_store %swap3A_633[%swap3A_634, %swap3A_635], %swap3A_638 {strides = array<i32>} : memref<80x128xf32, #tpu.memory_space<vmem>>, vector<1x16xf32>,
      %broadcast_in_dim3A_639 = arith.constant 0.000000e+00 : f32
      %broadcast_in_dim3A_640 = vector.broadcast %broadcast_in_dim3A_639 : f32 to vector<16xf32>
      %swap3A_641 = arith.constant 0 : i32
      %swap3A_642 = arith.constant 0 : i32
      %swap3A_643 = tpu.memref_slice %arg7[%scan3A_179, %swap3A_641, %swap3A_642] : memref<4x80x128xf32, #tpu.memory_space<vmem>> -> memref<1x80x128xf32, #tpu.memory_space<vmem>>
      %swap3A_644 = tpu.memref_squeeze %swap3A_643 : memref<1x80x128xf32, #tpu.memory_space<vmem>> -> memref<80x128xf32, #tpu.memory_space<vmem>>
      %swap3A_645 = arith.index_cast %scan3A_563 : i32 to index
      %swap3A_646 = arith.constant 112 : index
      %swap3A_647 = tpu.vector_load %swap3A_644[%swap3A_645, %swap3A_646] {strides = array<i32>} : memref<80x128xf32, #tpu.memory_space<vmem>>, vector<1x16xf32>,
      %swap3A_648 = vector.shape_cast %swap3A_647 : vector<1x16xf32> to vector<16xf32>
      %swap3A_649 = vector.shape_cast %broadcast_in_dim3A_640 : vector<16xf32> to vector<1x16xf32>
      tpu.vector_store %swap3A_644[%swap3A_645, %swap3A_646], %swap3A_649 {strides = array<i32>} : memref<80x128xf32, #tpu.memory_space<vmem>>, vector<1x16xf32>,
    }
    %scan3A_184 = arith.constant 80 : i32
    %add3A_185 = arith.constant 0 : i32
    %add3A_186 = arith.addi %multiple_of3A, %add3A_185 : i32
    %dma_start3A_187 = arith.constant 3 : i32
    %dma_start3A_188 = arith.constant 0 : i32
    %dma_start3A_189 = arith.constant 0 : i32
    %dma_start3A_190 = tpu.memref_slice %arg7[%dma_start3A_187, %dma_start3A_188, %dma_start3A_189] : memref<4x80x128xf32, #tpu.memory_space<vmem>> -> memref<1x80x128xf32, #tpu.memory_space<vmem>>
    %dma_start3A_191 = tpu.memref_squeeze %dma_start3A_190 : memref<1x80x128xf32, #tpu.memory_space<vmem>> -> memref<80x128xf32, #tpu.memory_space<vmem>>
    %dma_start3A_192 = arith.constant 0 : i32
    %dma_start3A_193 = tpu.memref_slice %arg8[%add3A_186, %dma_start3A_192] : memref<10000x128xf32, #tpu.memory_space<vmem_shared>> -> memref<80x128xf32, #tpu.memory_space<vmem_shared>>
    %dma_start3A_194 = arith.constant 0 : i32
    %dma_start3A_195 = tpu.memref_slice %arg8[%add3A_186, %dma_start3A_194] : memref<10000x128xf32, #tpu.memory_space<vmem_shared>> -> memref<80x128xf32, #tpu.memory_space<vmem_shared>>
    %dma_start3A_196 = arith.constant 0 : i32
    %dma_start3A_197 = arith.constant 0 : i32
    %dma_start3A_198 = tpu.memref_slice %arg7[%dma_start3A_187, %dma_start3A_196, %dma_start3A_197] : memref<4x80x128xf32, #tpu.memory_space<vmem>> -> memref<1x80x128xf32, #tpu.memory_space<vmem>>
    %dma_start3A_199 = tpu.memref_squeeze %dma_start3A_198 : memref<1x80x128xf32, #tpu.memory_space<vmem>> -> memref<80x128xf32, #tpu.memory_space<vmem>>
    tpu.enqueue_dma source(%dma_start3A_199 : memref<80x128xf32, #tpu.memory_space<vmem>>) target(%dma_start3A_195 : memref<80x128xf32, #tpu.memory_space<vmem_shared>>) target_semaphore(%arg11 : memref<!tpu.dma_semaphore, #tpu.memory_space<semaphore_mem>>)
    %add3A_200 = arith.constant 80 : i32
    %add3A_201 = arith.addi %multiple_of3A, %add3A_200 : i32
    %dma_start3A_202 = arith.constant 3 : i32
    %dma_start3A_203 = arith.constant 0 : i32
    %dma_start3A_204 = arith.constant 0 : i32
    %dma_start3A_205 = tpu.memref_slice %arg7[%dma_start3A_202, %dma_start3A_203, %dma_start3A_204] : memref<4x80x128xf32, #tpu.memory_space<vmem>> -> memref<1x80x128xf32, #tpu.memory_space<vmem>>
    %dma_start3A_206 = tpu.memref_squeeze %dma_start3A_205 : memref<1x80x128xf32, #tpu.memory_space<vmem>> -> memref<80x128xf32, #tpu.memory_space<vmem>>
    %dma_start3A_207 = arith.constant 0 : i32
    %dma_start3A_208 = tpu.memref_slice %arg8[%add3A_201, %dma_start3A_207] : memref<10000x128xf32, #tpu.memory_space<vmem_shared>> -> memref<80x128xf32, #tpu.memory_space<vmem_shared>>
    %dma_start3A_209 = arith.constant 0 : i32
    %dma_start3A_210 = tpu.memref_slice %arg8[%add3A_201, %dma_start3A_209] : memref<10000x128xf32, #tpu.memory_space<vmem_shared>> -> memref<80x128xf32, #tpu.memory_space<vmem_shared>>
    %dma_start3A_211 = arith.constant 0 : i32
    %dma_start3A_212 = arith.constant 0 : i32
    %dma_start3A_213 = tpu.memref_slice %arg7[%dma_start3A_202, %dma_start3A_211, %dma_start3A_212] : memref<4x80x128xf32, #tpu.memory_space<vmem>> -> memref<1x80x128xf32, #tpu.memory_space<vmem>>
    %dma_start3A_214 = tpu.memref_squeeze %dma_start3A_213 : memref<1x80x128xf32, #tpu.memory_space<vmem>> -> memref<80x128xf32, #tpu.memory_space<vmem>>
    tpu.enqueue_dma source(%dma_start3A_214 : memref<80x128xf32, #tpu.memory_space<vmem>>) target(%dma_start3A_210 : memref<80x128xf32, #tpu.memory_space<vmem_shared>>) target_semaphore(%arg11 : memref<!tpu.dma_semaphore, #tpu.memory_space<semaphore_mem>>)
    %add3A_215 = arith.constant 160 : i32
    %add3A_216 = arith.addi %multiple_of3A, %add3A_215 : i32
    %dma_start3A_217 = arith.constant 3 : i32
    %dma_start3A_218 = arith.constant 0 : i32
    %dma_start3A_219 = arith.constant 0 : i32
    %dma_start3A_220 = tpu.memref_slice %arg7[%dma_start3A_217, %dma_start3A_218, %dma_start3A_219] : memref<4x80x128xf32, #tpu.memory_space<vmem>> -> memref<1x80x128xf32, #tpu.memory_space<vmem>>
    %dma_start3A_221 = tpu.memref_squeeze %dma_start3A_220 : memref<1x80x128xf32, #tpu.memory_space<vmem>> -> memref<80x128xf32, #tpu.memory_space<vmem>>
    %dma_start3A_222 = arith.constant 0 : i32
    %dma_start3A_223 = tpu.memref_slice %arg8[%add3A_216, %dma_start3A_222] : memref<10000x128xf32, #tpu.memory_space<vmem_shared>> -> memref<80x128xf32, #tpu.memory_space<vmem_shared>>
    %dma_start3A_224 = arith.constant 0 : i32
    %dma_start3A_225 = tpu.memref_slice %arg8[%add3A_216, %dma_start3A_224] : memref<10000x128xf32, #tpu.memory_space<vmem_shared>> -> memref<80x128xf32, #tpu.memory_space<vmem_shared>>
    %dma_start3A_226 = arith.constant 0 : i32
    %dma_start3A_227 = arith.constant 0 : i32
    %dma_start3A_228 = tpu.memref_slice %arg7[%dma_start3A_217, %dma_start3A_226, %dma_start3A_227] : memref<4x80x128xf32, #tpu.memory_space<vmem>> -> memref<1x80x128xf32, #tpu.memory_space<vmem>>
    %dma_start3A_229 = tpu.memref_squeeze %dma_start3A_228 : memref<1x80x128xf32, #tpu.memory_space<vmem>> -> memref<80x128xf32, #tpu.memory_space<vmem>>
    tpu.enqueue_dma source(%dma_start3A_229 : memref<80x128xf32, #tpu.memory_space<vmem>>) target(%dma_start3A_225 : memref<80x128xf32, #tpu.memory_space<vmem_shared>>) target_semaphore(%arg11 : memref<!tpu.dma_semaphore, #tpu.memory_space<semaphore_mem>>)
    %add3A_230 = arith.constant 240 : i32
    %add3A_231 = arith.addi %multiple_of3A, %add3A_230 : i32
    %dma_start3A_232 = arith.constant 3 : i32
    %dma_start3A_233 = arith.constant 0 : i32
    %dma_start3A_234 = arith.constant 0 : i32
    %dma_start3A_235 = tpu.memref_slice %arg7[%dma_start3A_232, %dma_start3A_233, %dma_start3A_234] : memref<4x80x128xf32, #tpu.memory_space<vmem>> -> memref<1x80x128xf32, #tpu.memory_space<vmem>>
    %dma_start3A_236 = tpu.memref_squeeze %dma_start3A_235 : memref<1x80x128xf32, #tpu.memory_space<vmem>> -> memref<80x128xf32, #tpu.memory_space<vmem>>
    %dma_start3A_237 = arith.constant 0 : i32
    %dma_start3A_238 = tpu.memref_slice %arg8[%add3A_231, %dma_start3A_237] : memref<10000x128xf32, #tpu.memory_space<vmem_shared>> -> memref<80x128xf32, #tpu.memory_space<vmem_shared>>
    %dma_start3A_239 = arith.constant 0 : i32
    %dma_start3A_240 = tpu.memref_slice %arg8[%add3A_231, %dma_start3A_239] : memref<10000x128xf32, #tpu.memory_space<vmem_shared>> -> memref<80x128xf32, #tpu.memory_space<vmem_shared>>
    %dma_start3A_241 = arith.constant 0 : i32
    %dma_start3A_242 = arith.constant 0 : i32
    %dma_start3A_243 = tpu.memref_slice %arg7[%dma_start3A_232, %dma_start3A_241, %dma_start3A_242] : memref<4x80x128xf32, #tpu.memory_space<vmem>> -> memref<1x80x128xf32, #tpu.memory_space<vmem>>
    %dma_start3A_244 = tpu.memref_squeeze %dma_start3A_243 : memref<1x80x128xf32, #tpu.memory_space<vmem>> -> memref<80x128xf32, #tpu.memory_space<vmem>>
    tpu.enqueue_dma source(%dma_start3A_244 : memref<80x128xf32, #tpu.memory_space<vmem>>) target(%dma_start3A_240 : memref<80x128xf32, #tpu.memory_space<vmem_shared>>) target_semaphore(%arg11 : memref<!tpu.dma_semaphore, #tpu.memory_space<semaphore_mem>>)
    %add3A_245 = arith.constant 320 : i32
    %add3A_246 = arith.addi %multiple_of3A, %add3A_245 : i32
    %dma_start3A_247 = arith.constant 3 : i32
    %dma_start3A_248 = arith.constant 0 : i32
    %dma_start3A_249 = arith.constant 0 : i32
    %dma_start3A_250 = tpu.memref_slice %arg7[%dma_start3A_247, %dma_start3A_248, %dma_start3A_249] : memref<4x80x128xf32, #tpu.memory_space<vmem>> -> memref<1x80x128xf32, #tpu.memory_space<vmem>>
    %dma_start3A_251 = tpu.memref_squeeze %dma_start3A_250 : memref<1x80x128xf32, #tpu.memory_space<vmem>> -> memref<80x128xf32, #tpu.memory_space<vmem>>
    %dma_start3A_252 = arith.constant 0 : i32
    %dma_start3A_253 = tpu.memref_slice %arg8[%add3A_246, %dma_start3A_252] : memref<10000x128xf32, #tpu.memory_space<vmem_shared>> -> memref<80x128xf32, #tpu.memory_space<vmem_shared>>
    %dma_start3A_254 = arith.constant 0 : i32
    %dma_start3A_255 = tpu.memref_slice %arg8[%add3A_246, %dma_start3A_254] : memref<10000x128xf32, #tpu.memory_space<vmem_shared>> -> memref<80x128xf32, #tpu.memory_space<vmem_shared>>
    %dma_start3A_256 = arith.constant 0 : i32
    %dma_start3A_257 = arith.constant 0 : i32
    %dma_start3A_258 = tpu.memref_slice %arg7[%dma_start3A_247, %dma_start3A_256, %dma_start3A_257] : memref<4x80x128xf32, #tpu.memory_space<vmem>> -> memref<1x80x128xf32, #tpu.memory_space<vmem>>
    %dma_start3A_259 = tpu.memref_squeeze %dma_start3A_258 : memref<1x80x128xf32, #tpu.memory_space<vmem>> -> memref<80x128xf32, #tpu.memory_space<vmem>>
    tpu.enqueue_dma source(%dma_start3A_259 : memref<80x128xf32, #tpu.memory_space<vmem>>) target(%dma_start3A_255 : memref<80x128xf32, #tpu.memory_space<vmem_shared>>) target_semaphore(%arg11 : memref<!tpu.dma_semaphore, #tpu.memory_space<semaphore_mem>>)
    %add3A_260 = arith.constant 400 : i32
    %add3A_261 = arith.addi %multiple_of3A, %add3A_260 : i32
    %dma_start3A_262 = arith.constant 3 : i32
    %dma_start3A_263 = arith.constant 0 : i32
    %dma_start3A_264 = arith.constant 0 : i32
    %dma_start3A_265 = tpu.memref_slice %arg7[%dma_start3A_262, %dma_start3A_263, %dma_start3A_264] : memref<4x80x128xf32, #tpu.memory_space<vmem>> -> memref<1x80x128xf32, #tpu.memory_space<vmem>>
    %dma_start3A_266 = tpu.memref_squeeze %dma_start3A_265 : memref<1x80x128xf32, #tpu.memory_space<vmem>> -> memref<80x128xf32, #tpu.memory_space<vmem>>
    %dma_start3A_267 = arith.constant 0 : i32
    %dma_start3A_268 = tpu.memref_slice %arg8[%add3A_261, %dma_start3A_267] : memref<10000x128xf32, #tpu.memory_space<vmem_shared>> -> memref<80x128xf32, #tpu.memory_space<vmem_shared>>
    %dma_start3A_269 = arith.constant 0 : i32
    %dma_start3A_270 = tpu.memref_slice %arg8[%add3A_261, %dma_start3A_269] : memref<10000x128xf32, #tpu.memory_space<vmem_shared>> -> memref<80x128xf32, #tpu.memory_space<vmem_shared>>
    %dma_start3A_271 = arith.constant 0 : i32
    %dma_start3A_272 = arith.constant 0 : i32
    %dma_start3A_273 = tpu.memref_slice %arg7[%dma_start3A_262, %dma_start3A_271, %dma_start3A_272] : memref<4x80x128xf32, #tpu.memory_space<vmem>> -> memref<1x80x128xf32, #tpu.memory_space<vmem>>
    %dma_start3A_274 = tpu.memref_squeeze %dma_start3A_273 : memref<1x80x128xf32, #tpu.memory_space<vmem>> -> memref<80x128xf32, #tpu.memory_space<vmem>>
    tpu.enqueue_dma source(%dma_start3A_274 : memref<80x128xf32, #tpu.memory_space<vmem>>) target(%dma_start3A_270 : memref<80x128xf32, #tpu.memory_space<vmem_shared>>) target_semaphore(%arg11 : memref<!tpu.dma_semaphore, #tpu.memory_space<semaphore_mem>>)
    %add3A_275 = arith.constant 480 : i32
    %add3A_276 = arith.addi %multiple_of3A, %add3A_275 : i32
    %dma_start3A_277 = arith.constant 3 : i32
    %dma_start3A_278 = arith.constant 0 : i32
    %dma_start3A_279 = arith.constant 0 : i32
    %dma_start3A_280 = tpu.memref_slice %arg7[%dma_start3A_277, %dma_start3A_278, %dma_start3A_279] : memref<4x80x128xf32, #tpu.memory_space<vmem>> -> memref<1x80x128xf32, #tpu.memory_space<vmem>>
    %dma_start3A_281 = tpu.memref_squeeze %dma_start3A_280 : memref<1x80x128xf32, #tpu.memory_space<vmem>> -> memref<80x128xf32, #tpu.memory_space<vmem>>
    %dma_start3A_282 = arith.constant 0 : i32
    %dma_start3A_283 = tpu.memref_slice %arg8[%add3A_276, %dma_start3A_282] : memref<10000x128xf32, #tpu.memory_space<vmem_shared>> -> memref<80x128xf32, #tpu.memory_space<vmem_shared>>
    %dma_start3A_284 = arith.constant 0 : i32
    %dma_start3A_285 = tpu.memref_slice %arg8[%add3A_276, %dma_start3A_284] : memref<10000x128xf32, #tpu.memory_space<vmem_shared>> -> memref<80x128xf32, #tpu.memory_space<vmem_shared>>
    %dma_start3A_286 = arith.constant 0 : i32
    %dma_start3A_287 = arith.constant 0 : i32
    %dma_start3A_288 = tpu.memref_slice %arg7[%dma_start3A_277, %dma_start3A_286, %dma_start3A_287] : memref<4x80x128xf32, #tpu.memory_space<vmem>> -> memref<1x80x128xf32, #tpu.memory_space<vmem>>
    %dma_start3A_289 = tpu.memref_squeeze %dma_start3A_288 : memref<1x80x128xf32, #tpu.memory_space<vmem>> -> memref<80x128xf32, #tpu.memory_space<vmem>>
    tpu.enqueue_dma source(%dma_start3A_289 : memref<80x128xf32, #tpu.memory_space<vmem>>) target(%dma_start3A_285 : memref<80x128xf32, #tpu.memory_space<vmem_shared>>) target_semaphore(%arg11 : memref<!tpu.dma_semaphore, #tpu.memory_space<semaphore_mem>>)
    %add3A_290 = arith.constant 560 : i32
    %add3A_291 = arith.addi %multiple_of3A, %add3A_290 : i32
    %dma_start3A_292 = arith.constant 3 : i32
    %dma_start3A_293 = arith.constant 0 : i32
    %dma_start3A_294 = arith.constant 0 : i32
    %dma_start3A_295 = tpu.memref_slice %arg7[%dma_start3A_292, %dma_start3A_293, %dma_start3A_294] : memref<4x80x128xf32, #tpu.memory_space<vmem>> -> memref<1x80x128xf32, #tpu.memory_space<vmem>>
    %dma_start3A_296 = tpu.memref_squeeze %dma_start3A_295 : memref<1x80x128xf32, #tpu.memory_space<vmem>> -> memref<80x128xf32, #tpu.memory_space<vmem>>
    %dma_start3A_297 = arith.constant 0 : i32
    %dma_start3A_298 = tpu.memref_slice %arg8[%add3A_291, %dma_start3A_297] : memref<10000x128xf32, #tpu.memory_space<vmem_shared>> -> memref<80x128xf32, #tpu.memory_space<vmem_shared>>
    %dma_start3A_299 = arith.constant 0 : i32
    %dma_start3A_300 = tpu.memref_slice %arg8[%add3A_291, %dma_start3A_299] : memref<10000x128xf32, #tpu.memory_space<vmem_shared>> -> memref<80x128xf32, #tpu.memory_space<vmem_shared>>
    %dma_start3A_301 = arith.constant 0 : i32
    %dma_start3A_302 = arith.constant 0 : i32
    %dma_start3A_303 = tpu.memref_slice %arg7[%dma_start3A_292, %dma_start3A_301, %dma_start3A_302] : memref<4x80x128xf32, #tpu.memory_space<vmem>> -> memref<1x80x128xf32, #tpu.memory_space<vmem>>
    %dma_start3A_304 = tpu.memref_squeeze %dma_start3A_303 : memref<1x80x128xf32, #tpu.memory_space<vmem>> -> memref<80x128xf32, #tpu.memory_space<vmem>>
    tpu.enqueue_dma source(%dma_start3A_304 : memref<80x128xf32, #tpu.memory_space<vmem>>) target(%dma_start3A_300 : memref<80x128xf32, #tpu.memory_space<vmem_shared>>) target_semaphore(%arg11 : memref<!tpu.dma_semaphore, #tpu.memory_space<semaphore_mem>>)
    %add3A_305 = arith.constant 0 : i32
    %add3A_306 = arith.addi %mul3A_5, %add3A_305 : i32
    %multiple_of3A_307 = tpu.assume_multiple %add3A_306, 8 : i32
    %dma_wait3A = arith.constant 0 : i32
    %dma_wait3A_308 = arith.constant 0 : i32
    %dma_wait3A_309 = arith.constant 0 : i32
    %dma_wait3A_310 = tpu.memref_slice %arg5[%dma_wait3A, %dma_wait3A_309] : memref<6x80xi32, #tpu.memory_space<vmem>> -> memref<1x80xi32, #tpu.memory_space<vmem>>
    %dma_wait3A_311 = tpu.memref_squeeze %dma_wait3A_310 : memref<1x80xi32, #tpu.memory_space<vmem>> -> memref<80xi32, #tpu.memory_space<vmem>>
    %dma_wait3A_312 = tpu.memref_slice %arg3[%multiple_of3A_307] : memref<640000xi32, #tpu.memory_space<hbm>> -> memref<80xi32, #tpu.memory_space<hbm>>
    %dma_wait3A_313 = tpu.memref_slice %arg9[%dma_wait3A_308] : memref<6x!tpu.dma_semaphore, #tpu.memory_space<semaphore_mem>> -> memref<1x!tpu.dma_semaphore, #tpu.memory_space<semaphore_mem>>
    %dma_wait3A_314 = tpu.memref_squeeze %dma_wait3A_313 : memref<1x!tpu.dma_semaphore, #tpu.memory_space<semaphore_mem>> -> memref<!tpu.dma_semaphore, #tpu.memory_space<semaphore_mem>>
    %dma_wait3A_315 = arith.constant 0 : i32
    %dma_wait3A_316 = tpu.memref_slice %arg5[%dma_wait3A, %dma_wait3A_315] : memref<6x80xi32, #tpu.memory_space<vmem>> -> memref<1x80xi32, #tpu.memory_space<vmem>>
    %dma_wait3A_317 = tpu.memref_squeeze %dma_wait3A_316 : memref<1x80xi32, #tpu.memory_space<vmem>> -> memref<80xi32, #tpu.memory_space<vmem>>
    %dma_wait3A_318 = tpu.memref_slice %arg3[%multiple_of3A_307] : memref<640000xi32, #tpu.memory_space<hbm>> -> memref<80xi32, #tpu.memory_space<hbm>>
    tpu.wait_dma2 semaphore(%dma_wait3A_314 : memref<!tpu.dma_semaphore, #tpu.memory_space<semaphore_mem>>) src(%dma_wait3A_318 : memref<80xi32, #tpu.memory_space<hbm>>) dst(%dma_wait3A_317 : memref<80xi32, #tpu.memory_space<vmem>>)
    %add3A_319 = arith.constant 320000 : i32
    %add3A_320 = arith.addi %add3A_319, %multiple_of3A_307 : i32
    %dma_wait3A_321 = arith.constant 0 : i32
    %dma_wait3A_322 = arith.constant 0 : i32
    %dma_wait3A_323 = arith.constant 0 : i32
    %dma_wait3A_324 = tpu.memref_slice %arg6[%dma_wait3A_321, %dma_wait3A_323] : memref<6x80xi32, #tpu.memory_space<vmem>> -> memref<1x80xi32, #tpu.memory_space<vmem>>
    %dma_wait3A_325 = tpu.memref_squeeze %dma_wait3A_324 : memref<1x80xi32, #tpu.memory_space<vmem>> -> memref<80xi32, #tpu.memory_space<vmem>>
    %dma_wait3A_326 = tpu.memref_slice %arg3[%add3A_320] : memref<640000xi32, #tpu.memory_space<hbm>> -> memref<80xi32, #tpu.memory_space<hbm>>
    %dma_wait3A_327 = tpu.memref_slice %arg9[%dma_wait3A_322] : memref<6x!tpu.dma_semaphore, #tpu.memory_space<semaphore_mem>> -> memref<1x!tpu.dma_semaphore, #tpu.memory_space<semaphore_mem>>
    %dma_wait3A_328 = tpu.memref_squeeze %dma_wait3A_327 : memref<1x!tpu.dma_semaphore, #tpu.memory_space<semaphore_mem>> -> memref<!tpu.dma_semaphore, #tpu.memory_space<semaphore_mem>>
    %dma_wait3A_329 = arith.constant 0 : i32
    %dma_wait3A_330 = tpu.memref_slice %arg6[%dma_wait3A_321, %dma_wait3A_329] : memref<6x80xi32, #tpu.memory_space<vmem>> -> memref<1x80xi32, #tpu.memory_space<vmem>>
    %dma_wait3A_331 = tpu.memref_squeeze %dma_wait3A_330 : memref<1x80xi32, #tpu.memory_space<vmem>> -> memref<80xi32, #tpu.memory_space<vmem>>
    %dma_wait3A_332 = tpu.memref_slice %arg3[%add3A_320] : memref<640000xi32, #tpu.memory_space<hbm>> -> memref<80xi32, #tpu.memory_space<hbm>>
    tpu.wait_dma2 semaphore(%dma_wait3A_328 : memref<!tpu.dma_semaphore, #tpu.memory_space<semaphore_mem>>) src(%dma_wait3A_332 : memref<80xi32, #tpu.memory_space<hbm>>) dst(%dma_wait3A_331 : memref<80xi32, #tpu.memory_space<vmem>>)
    %dma_start3A_333 = arith.constant 0 : i32
    %dma_start3A_334 = arith.constant 0 : i32
    %dma_start3A_335 = arith.constant 0 : i32
    %dma_start3A_336 = arith.constant 0 : i32
    %dma_start3A_337 = arith.constant 0 : i32
    %dma_start3A_338 = tpu.memref_slice %arg7[%dma_start3A_334, %dma_start3A_336, %dma_start3A_337] : memref<4x80x128xf32, #tpu.memory_space<vmem>> -> memref<1x80x128xf32, #tpu.memory_space<vmem>>
    %dma_start3A_339 = tpu.memref_squeeze %dma_start3A_338 : memref<1x80x128xf32, #tpu.memory_space<vmem>> -> memref<80x128xf32, #tpu.memory_space<vmem>>
    %dma_start3A_340 = arith.constant 0 : i32
    %dma_start3A_341 = tpu.memref_slice %arg5[%dma_start3A_333, %dma_start3A_340] : memref<6x80xi32, #tpu.memory_space<vmem>> -> memref<1x80xi32, #tpu.memory_space<vmem>>
    %dma_start3A_342 = tpu.memref_squeeze %dma_start3A_341 : memref<1x80xi32, #tpu.memory_space<vmem>> -> memref<80xi32, #tpu.memory_space<vmem>>
    %dma_start3A_343 = arith.constant 0 : i32
    %dma_start3A_344 = arith.constant 0 : i32
    %dma_start3A_345 = tpu.memref_slice %arg2[%dma_start3A_343, %dma_start3A_344] : memref<10000x128xf32, #tpu.memory_space<hbm>> -> memref<10000x128xf32, #tpu.memory_space<hbm>>
    %dma_start3A_346 = tpu.memref_slice %arg10[%dma_start3A_335] : memref<4x!tpu.dma_semaphore, #tpu.memory_space<semaphore_mem>> -> memref<1x!tpu.dma_semaphore, #tpu.memory_space<semaphore_mem>>
    %dma_start3A_347 = tpu.memref_squeeze %dma_start3A_346 : memref<1x!tpu.dma_semaphore, #tpu.memory_space<semaphore_mem>> -> memref<!tpu.dma_semaphore, #tpu.memory_space<semaphore_mem>>
    tpu.enqueue_indirect_dma source(%dma_start3A_345 : memref<10000x128xf32, #tpu.memory_space<hbm>>) target(%dma_start3A_339 : memref<80x128xf32, #tpu.memory_space<vmem>>) offsets(%dma_start3A_342 : memref<80xi32, #tpu.memory_space<vmem>>) semaphore(%dma_start3A_347 : memref<!tpu.dma_semaphore, #tpu.memory_space<semaphore_mem>>)
    %add3A_348 = arith.constant 80 : i32
    %add3A_349 = arith.addi %mul3A_5, %add3A_348 : i32
    %multiple_of3A_350 = tpu.assume_multiple %add3A_349, 8 : i32
    %dma_wait3A_351 = arith.constant 1 : i32
    %dma_wait3A_352 = arith.constant 1 : i32
    %dma_wait3A_353 = arith.constant 0 : i32
    %dma_wait3A_354 = tpu.memref_slice %arg5[%dma_wait3A_351, %dma_wait3A_353] : memref<6x80xi32, #tpu.memory_space<vmem>> -> memref<1x80xi32, #tpu.memory_space<vmem>>
    %dma_wait3A_355 = tpu.memref_squeeze %dma_wait3A_354 : memref<1x80xi32, #tpu.memory_space<vmem>> -> memref<80xi32, #tpu.memory_space<vmem>>
    %dma_wait3A_356 = tpu.memref_slice %arg3[%multiple_of3A_350] : memref<640000xi32, #tpu.memory_space<hbm>> -> memref<80xi32, #tpu.memory_space<hbm>>
    %dma_wait3A_357 = tpu.memref_slice %arg9[%dma_wait3A_352] : memref<6x!tpu.dma_semaphore, #tpu.memory_space<semaphore_mem>> -> memref<1x!tpu.dma_semaphore, #tpu.memory_space<semaphore_mem>>
    %dma_wait3A_358 = tpu.memref_squeeze %dma_wait3A_357 : memref<1x!tpu.dma_semaphore, #tpu.memory_space<semaphore_mem>> -> memref<!tpu.dma_semaphore, #tpu.memory_space<semaphore_mem>>
    %dma_wait3A_359 = arith.constant 0 : i32
    %dma_wait3A_360 = tpu.memref_slice %arg5[%dma_wait3A_351, %dma_wait3A_359] : memref<6x80xi32, #tpu.memory_space<vmem>> -> memref<1x80xi32, #tpu.memory_space<vmem>>
    %dma_wait3A_361 = tpu.memref_squeeze %dma_wait3A_360 : memref<1x80xi32, #tpu.memory_space<vmem>> -> memref<80xi32, #tpu.memory_space<vmem>>
    %dma_wait3A_362 = tpu.memref_slice %arg3[%multiple_of3A_350] : memref<640000xi32, #tpu.memory_space<hbm>> -> memref<80xi32, #tpu.memory_space<hbm>>
    tpu.wait_dma2 semaphore(%dma_wait3A_358 : memref<!tpu.dma_semaphore, #tpu.memory_space<semaphore_mem>>) src(%dma_wait3A_362 : memref<80xi32, #tpu.memory_space<hbm>>) dst(%dma_wait3A_361 : memref<80xi32, #tpu.memory_space<vmem>>)
    %add3A_363 = arith.constant 320000 : i32
    %add3A_364 = arith.addi %add3A_363, %multiple_of3A_350 : i32
    %dma_wait3A_365 = arith.constant 1 : i32
    %dma_wait3A_366 = arith.constant 1 : i32
    %dma_wait3A_367 = arith.constant 0 : i32
    %dma_wait3A_368 = tpu.memref_slice %arg6[%dma_wait3A_365, %dma_wait3A_367] : memref<6x80xi32, #tpu.memory_space<vmem>> -> memref<1x80xi32, #tpu.memory_space<vmem>>
    %dma_wait3A_369 = tpu.memref_squeeze %dma_wait3A_368 : memref<1x80xi32, #tpu.memory_space<vmem>> -> memref<80xi32, #tpu.memory_space<vmem>>
    %dma_wait3A_370 = tpu.memref_slice %arg3[%add3A_364] : memref<640000xi32, #tpu.memory_space<hbm>> -> memref<80xi32, #tpu.memory_space<hbm>>
    %dma_wait3A_371 = tpu.memref_slice %arg9[%dma_wait3A_366] : memref<6x!tpu.dma_semaphore, #tpu.memory_space<semaphore_mem>> -> memref<1x!tpu.dma_semaphore, #tpu.memory_space<semaphore_mem>>
    %dma_wait3A_372 = tpu.memref_squeeze %dma_wait3A_371 : memref<1x!tpu.dma_semaphore, #tpu.memory_space<semaphore_mem>> -> memref<!tpu.dma_semaphore, #tpu.memory_space<semaphore_mem>>
    %dma_wait3A_373 = arith.constant 0 : i32
    %dma_wait3A_374 = tpu.memref_slice %arg6[%dma_wait3A_365, %dma_wait3A_373] : memref<6x80xi32, #tpu.memory_space<vmem>> -> memref<1x80xi32, #tpu.memory_space<vmem>>
    %dma_wait3A_375 = tpu.memref_squeeze %dma_wait3A_374 : memref<1x80xi32, #tpu.memory_space<vmem>> -> memref<80xi32, #tpu.memory_space<vmem>>
    %dma_wait3A_376 = tpu.memref_slice %arg3[%add3A_364] : memref<640000xi32, #tpu.memory_space<hbm>> -> memref<80xi32, #tpu.memory_space<hbm>>
    tpu.wait_dma2 semaphore(%dma_wait3A_372 : memref<!tpu.dma_semaphore, #tpu.memory_space<semaphore_mem>>) src(%dma_wait3A_376 : memref<80xi32, #tpu.memory_space<hbm>>) dst(%dma_wait3A_375 : memref<80xi32, #tpu.memory_space<vmem>>)
    %dma_start3A_377 = arith.constant 1 : i32
    %dma_start3A_378 = arith.constant 1 : i32
    %dma_start3A_379 = arith.constant 1 : i32
    %dma_start3A_380 = arith.constant 0 : i32
    %dma_start3A_381 = arith.constant 0 : i32
    %dma_start3A_382 = tpu.memref_slice %arg7[%dma_start3A_378, %dma_start3A_380, %dma_start3A_381] : memref<4x80x128xf32, #tpu.memory_space<vmem>> -> memref<1x80x128xf32, #tpu.memory_space<vmem>>
    %dma_start3A_383 = tpu.memref_squeeze %dma_start3A_382 : memref<1x80x128xf32, #tpu.memory_space<vmem>> -> memref<80x128xf32, #tpu.memory_space<vmem>>
    %dma_start3A_384 = arith.constant 0 : i32
    %dma_start3A_385 = tpu.memref_slice %arg5[%dma_start3A_377, %dma_start3A_384] : memref<6x80xi32, #tpu.memory_space<vmem>> -> memref<1x80xi32, #tpu.memory_space<vmem>>
    %dma_start3A_386 = tpu.memref_squeeze %dma_start3A_385 : memref<1x80xi32, #tpu.memory_space<vmem>> -> memref<80xi32, #tpu.memory_space<vmem>>
    %dma_start3A_387 = arith.constant 0 : i32
    %dma_start3A_388 = arith.constant 0 : i32
    %dma_start3A_389 = tpu.memref_slice %arg2[%dma_start3A_387, %dma_start3A_388] : memref<10000x128xf32, #tpu.memory_space<hbm>> -> memref<10000x128xf32, #tpu.memory_space<hbm>>
    %dma_start3A_390 = tpu.memref_slice %arg10[%dma_start3A_379] : memref<4x!tpu.dma_semaphore, #tpu.memory_space<semaphore_mem>> -> memref<1x!tpu.dma_semaphore, #tpu.memory_space<semaphore_mem>>
    %dma_start3A_391 = tpu.memref_squeeze %dma_start3A_390 : memref<1x!tpu.dma_semaphore, #tpu.memory_space<semaphore_mem>> -> memref<!tpu.dma_semaphore, #tpu.memory_space<semaphore_mem>>
    tpu.enqueue_indirect_dma source(%dma_start3A_389 : memref<10000x128xf32, #tpu.memory_space<hbm>>) target(%dma_start3A_383 : memref<80x128xf32, #tpu.memory_space<vmem>>) offsets(%dma_start3A_386 : memref<80xi32, #tpu.memory_space<vmem>>) semaphore(%dma_start3A_391 : memref<!tpu.dma_semaphore, #tpu.memory_space<semaphore_mem>>)
    %add3A_392 = arith.constant 160 : i32
    %add3A_393 = arith.addi %mul3A_5, %add3A_392 : i32
    %multiple_of3A_394 = tpu.assume_multiple %add3A_393, 8 : i32
    %dma_wait3A_395 = arith.constant 2 : i32
    %dma_wait3A_396 = arith.constant 2 : i32
    %dma_wait3A_397 = arith.constant 0 : i32
    %dma_wait3A_398 = tpu.memref_slice %arg5[%dma_wait3A_395, %dma_wait3A_397] : memref<6x80xi32, #tpu.memory_space<vmem>> -> memref<1x80xi32, #tpu.memory_space<vmem>>
    %dma_wait3A_399 = tpu.memref_squeeze %dma_wait3A_398 : memref<1x80xi32, #tpu.memory_space<vmem>> -> memref<80xi32, #tpu.memory_space<vmem>>
    %dma_wait3A_400 = tpu.memref_slice %arg3[%multiple_of3A_394] : memref<640000xi32, #tpu.memory_space<hbm>> -> memref<80xi32, #tpu.memory_space<hbm>>
    %dma_wait3A_401 = tpu.memref_slice %arg9[%dma_wait3A_396] : memref<6x!tpu.dma_semaphore, #tpu.memory_space<semaphore_mem>> -> memref<1x!tpu.dma_semaphore, #tpu.memory_space<semaphore_mem>>
    %dma_wait3A_402 = tpu.memref_squeeze %dma_wait3A_401 : memref<1x!tpu.dma_semaphore, #tpu.memory_space<semaphore_mem>> -> memref<!tpu.dma_semaphore, #tpu.memory_space<semaphore_mem>>
    %dma_wait3A_403 = arith.constant 0 : i32
    %dma_wait3A_404 = tpu.memref_slice %arg5[%dma_wait3A_395, %dma_wait3A_403] : memref<6x80xi32, #tpu.memory_space<vmem>> -> memref<1x80xi32, #tpu.memory_space<vmem>>
    %dma_wait3A_405 = tpu.memref_squeeze %dma_wait3A_404 : memref<1x80xi32, #tpu.memory_space<vmem>> -> memref<80xi32, #tpu.memory_space<vmem>>
    %dma_wait3A_406 = tpu.memref_slice %arg3[%multiple_of3A_394] : memref<640000xi32, #tpu.memory_space<hbm>> -> memref<80xi32, #tpu.memory_space<hbm>>
    tpu.wait_dma2 semaphore(%dma_wait3A_402 : memref<!tpu.dma_semaphore, #tpu.memory_space<semaphore_mem>>) src(%dma_wait3A_406 : memref<80xi32, #tpu.memory_space<hbm>>) dst(%dma_wait3A_405 : memref<80xi32, #tpu.memory_space<vmem>>)
    %add3A_407 = arith.constant 320000 : i32
    %add3A_408 = arith.addi %add3A_407, %multiple_of3A_394 : i32
    %dma_wait3A_409 = arith.constant 2 : i32
    %dma_wait3A_410 = arith.constant 2 : i32
    %dma_wait3A_411 = arith.constant 0 : i32
    %dma_wait3A_412 = tpu.memref_slice %arg6[%dma_wait3A_409, %dma_wait3A_411] : memref<6x80xi32, #tpu.memory_space<vmem>> -> memref<1x80xi32, #tpu.memory_space<vmem>>
    %dma_wait3A_413 = tpu.memref_squeeze %dma_wait3A_412 : memref<1x80xi32, #tpu.memory_space<vmem>> -> memref<80xi32, #tpu.memory_space<vmem>>
    %dma_wait3A_414 = tpu.memref_slice %arg3[%add3A_408] : memref<640000xi32, #tpu.memory_space<hbm>> -> memref<80xi32, #tpu.memory_space<hbm>>
    %dma_wait3A_415 = tpu.memref_slice %arg9[%dma_wait3A_410] : memref<6x!tpu.dma_semaphore, #tpu.memory_space<semaphore_mem>> -> memref<1x!tpu.dma_semaphore, #tpu.memory_space<semaphore_mem>>
    %dma_wait3A_416 = tpu.memref_squeeze %dma_wait3A_415 : memref<1x!tpu.dma_semaphore, #tpu.memory_space<semaphore_mem>> -> memref<!tpu.dma_semaphore, #tpu.memory_space<semaphore_mem>>
    %dma_wait3A_417 = arith.constant 0 : i32
    %dma_wait3A_418 = tpu.memref_slice %arg6[%dma_wait3A_409, %dma_wait3A_417] : memref<6x80xi32, #tpu.memory_space<vmem>> -> memref<1x80xi32, #tpu.memory_space<vmem>>
    %dma_wait3A_419 = tpu.memref_squeeze %dma_wait3A_418 : memref<1x80xi32, #tpu.memory_space<vmem>> -> memref<80xi32, #tpu.memory_space<vmem>>
    %dma_wait3A_420 = tpu.memref_slice %arg3[%add3A_408] : memref<640000xi32, #tpu.memory_space<hbm>> -> memref<80xi32, #tpu.memory_space<hbm>>
    tpu.wait_dma2 semaphore(%dma_wait3A_416 : memref<!tpu.dma_semaphore, #tpu.memory_space<semaphore_mem>>) src(%dma_wait3A_420 : memref<80xi32, #tpu.memory_space<hbm>>) dst(%dma_wait3A_419 : memref<80xi32, #tpu.memory_space<vmem>>)
    %dma_start3A_421 = arith.constant 2 : i32
    %dma_start3A_422 = arith.constant 2 : i32
    %dma_start3A_423 = arith.constant 2 : i32
    %dma_start3A_424 = arith.constant 0 : i32
    %dma_start3A_425 = arith.constant 0 : i32
    %dma_start3A_426 = tpu.memref_slice %arg7[%dma_start3A_422, %dma_start3A_424, %dma_start3A_425] : memref<4x80x128xf32, #tpu.memory_space<vmem>> -> memref<1x80x128xf32, #tpu.memory_space<vmem>>
    %dma_start3A_427 = tpu.memref_squeeze %dma_start3A_426 : memref<1x80x128xf32, #tpu.memory_space<vmem>> -> memref<80x128xf32, #tpu.memory_space<vmem>>
    %dma_start3A_428 = arith.constant 0 : i32
    %dma_start3A_429 = tpu.memref_slice %arg5[%dma_start3A_421, %dma_start3A_428] : memref<6x80xi32, #tpu.memory_space<vmem>> -> memref<1x80xi32, #tpu.memory_space<vmem>>
    %dma_start3A_430 = tpu.memref_squeeze %dma_start3A_429 : memref<1x80xi32, #tpu.memory_space<vmem>> -> memref<80xi32, #tpu.memory_space<vmem>>
    %dma_start3A_431 = arith.constant 0 : i32
    %dma_start3A_432 = arith.constant 0 : i32
    %dma_start3A_433 = tpu.memref_slice %arg2[%dma_start3A_431, %dma_start3A_432] : memref<10000x128xf32, #tpu.memory_space<hbm>> -> memref<10000x128xf32, #tpu.memory_space<hbm>>
    %dma_start3A_434 = tpu.memref_slice %arg10[%dma_start3A_423] : memref<4x!tpu.dma_semaphore, #tpu.memory_space<semaphore_mem>> -> memref<1x!tpu.dma_semaphore, #tpu.memory_space<semaphore_mem>>
    %dma_start3A_435 = tpu.memref_squeeze %dma_start3A_434 : memref<1x!tpu.dma_semaphore, #tpu.memory_space<semaphore_mem>> -> memref<!tpu.dma_semaphore, #tpu.memory_space<semaphore_mem>>
    tpu.enqueue_indirect_dma source(%dma_start3A_433 : memref<10000x128xf32, #tpu.memory_space<hbm>>) target(%dma_start3A_427 : memref<80x128xf32, #tpu.memory_space<vmem>>) offsets(%dma_start3A_430 : memref<80xi32, #tpu.memory_space<vmem>>) semaphore(%dma_start3A_435 : memref<!tpu.dma_semaphore, #tpu.memory_space<semaphore_mem>>)
    %add3A_436 = arith.constant 0 : i32
    %add3A_437 = arith.addi %multiple_of3A, %add3A_436 : i32
    %dma_wait3A_438 = arith.constant 3 : i32
    %dma_wait3A_439 = arith.constant 0 : i32
    %dma_wait3A_440 = arith.constant 0 : i32
    %dma_wait3A_441 = tpu.memref_slice %arg7[%dma_wait3A_438, %dma_wait3A_439, %dma_wait3A_440] : memref<4x80x128xf32, #tpu.memory_space<vmem>> -> memref<1x80x128xf32, #tpu.memory_space<vmem>>
    %dma_wait3A_442 = tpu.memref_squeeze %dma_wait3A_441 : memref<1x80x128xf32, #tpu.memory_space<vmem>> -> memref<80x128xf32, #tpu.memory_space<vmem>>
    %dma_wait3A_443 = arith.constant 0 : i32
    %dma_wait3A_444 = tpu.memref_slice %arg8[%add3A_437, %dma_wait3A_443] : memref<10000x128xf32, #tpu.memory_space<vmem_shared>> -> memref<80x128xf32, #tpu.memory_space<vmem_shared>>
    %dma_wait3A_445 = arith.constant 0 : i32
    %dma_wait3A_446 = tpu.memref_slice %arg8[%add3A_437, %dma_wait3A_445] : memref<10000x128xf32, #tpu.memory_space<vmem_shared>> -> memref<80x128xf32, #tpu.memory_space<vmem_shared>>
    %dma_wait3A_447 = arith.constant 0 : i32
    %dma_wait3A_448 = arith.constant 0 : i32
    %dma_wait3A_449 = tpu.memref_slice %arg7[%dma_wait3A_438, %dma_wait3A_447, %dma_wait3A_448] : memref<4x80x128xf32, #tpu.memory_space<vmem>> -> memref<1x80x128xf32, #tpu.memory_space<vmem>>
    %dma_wait3A_450 = tpu.memref_squeeze %dma_wait3A_449 : memref<1x80x128xf32, #tpu.memory_space<vmem>> -> memref<80x128xf32, #tpu.memory_space<vmem>>
    tpu.wait_dma2 semaphore(%arg11 : memref<!tpu.dma_semaphore, #tpu.memory_space<semaphore_mem>>) src(%dma_wait3A_450 : memref<80x128xf32, #tpu.memory_space<vmem>>) dst(%dma_wait3A_446 : memref<80x128xf32, #tpu.memory_space<vmem_shared>>)
    %add3A_451 = arith.constant 80 : i32
    %add3A_452 = arith.addi %multiple_of3A, %add3A_451 : i32
    %dma_wait3A_453 = arith.constant 3 : i32
    %dma_wait3A_454 = arith.constant 0 : i32
    %dma_wait3A_455 = arith.constant 0 : i32
    %dma_wait3A_456 = tpu.memref_slice %arg7[%dma_wait3A_453, %dma_wait3A_454, %dma_wait3A_455] : memref<4x80x128xf32, #tpu.memory_space<vmem>> -> memref<1x80x128xf32, #tpu.memory_space<vmem>>
    %dma_wait3A_457 = tpu.memref_squeeze %dma_wait3A_456 : memref<1x80x128xf32, #tpu.memory_space<vmem>> -> memref<80x128xf32, #tpu.memory_space<vmem>>
    %dma_wait3A_458 = arith.constant 0 : i32
    %dma_wait3A_459 = tpu.memref_slice %arg8[%add3A_452, %dma_wait3A_458] : memref<10000x128xf32, #tpu.memory_space<vmem_shared>> -> memref<80x128xf32, #tpu.memory_space<vmem_shared>>
    %dma_wait3A_460 = arith.constant 0 : i32
    %dma_wait3A_461 = tpu.memref_slice %arg8[%add3A_452, %dma_wait3A_460] : memref<10000x128xf32, #tpu.memory_space<vmem_shared>> -> memref<80x128xf32, #tpu.memory_space<vmem_shared>>
    %dma_wait3A_462 = arith.constant 0 : i32
    %dma_wait3A_463 = arith.constant 0 : i32
    %dma_wait3A_464 = tpu.memref_slice %arg7[%dma_wait3A_453, %dma_wait3A_462, %dma_wait3A_463] : memref<4x80x128xf32, #tpu.memory_space<vmem>> -> memref<1x80x128xf32, #tpu.memory_space<vmem>>
    %dma_wait3A_465 = tpu.memref_squeeze %dma_wait3A_464 : memref<1x80x128xf32, #tpu.memory_space<vmem>> -> memref<80x128xf32, #tpu.memory_space<vmem>>
    tpu.wait_dma2 semaphore(%arg11 : memref<!tpu.dma_semaphore, #tpu.memory_space<semaphore_mem>>) src(%dma_wait3A_465 : memref<80x128xf32, #tpu.memory_space<vmem>>) dst(%dma_wait3A_461 : memref<80x128xf32, #tpu.memory_space<vmem_shared>>)
    %add3A_466 = arith.constant 160 : i32
    %add3A_467 = arith.addi %multiple_of3A, %add3A_466 : i32
    %dma_wait3A_468 = arith.constant 3 : i32
    %dma_wait3A_469 = arith.constant 0 : i32
    %dma_wait3A_470 = arith.constant 0 : i32
    %dma_wait3A_471 = tpu.memref_slice %arg7[%dma_wait3A_468, %dma_wait3A_469, %dma_wait3A_470] : memref<4x80x128xf32, #tpu.memory_space<vmem>> -> memref<1x80x128xf32, #tpu.memory_space<vmem>>
    %dma_wait3A_472 = tpu.memref_squeeze %dma_wait3A_471 : memref<1x80x128xf32, #tpu.memory_space<vmem>> -> memref<80x128xf32, #tpu.memory_space<vmem>>
    %dma_wait3A_473 = arith.constant 0 : i32
    %dma_wait3A_474 = tpu.memref_slice %arg8[%add3A_467, %dma_wait3A_473] : memref<10000x128xf32, #tpu.memory_space<vmem_shared>> -> memref<80x128xf32, #tpu.memory_space<vmem_shared>>
    %dma_wait3A_475 = arith.constant 0 : i32
    %dma_wait3A_476 = tpu.memref_slice %arg8[%add3A_467, %dma_wait3A_475] : memref<10000x128xf32, #tpu.memory_space<vmem_shared>> -> memref<80x128xf32, #tpu.memory_space<vmem_shared>>
    %dma_wait3A_477 = arith.constant 0 : i32
    %dma_wait3A_478 = arith.constant 0 : i32
    %dma_wait3A_479 = tpu.memref_slice %arg7[%dma_wait3A_468, %dma_wait3A_477, %dma_wait3A_478] : memref<4x80x128xf32, #tpu.memory_space<vmem>> -> memref<1x80x128xf32, #tpu.memory_space<vmem>>
    %dma_wait3A_480 = tpu.memref_squeeze %dma_wait3A_479 : memref<1x80x128xf32, #tpu.memory_space<vmem>> -> memref<80x128xf32, #tpu.memory_space<vmem>>
    tpu.wait_dma2 semaphore(%arg11 : memref<!tpu.dma_semaphore, #tpu.memory_space<semaphore_mem>>) src(%dma_wait3A_480 : memref<80x128xf32, #tpu.memory_space<vmem>>) dst(%dma_wait3A_476 : memref<80x128xf32, #tpu.memory_space<vmem_shared>>)
    %add3A_481 = arith.constant 240 : i32
    %add3A_482 = arith.addi %multiple_of3A, %add3A_481 : i32
    %dma_wait3A_483 = arith.constant 3 : i32
    %dma_wait3A_484 = arith.constant 0 : i32
    %dma_wait3A_485 = arith.constant 0 : i32
    %dma_wait3A_486 = tpu.memref_slice %arg7[%dma_wait3A_483, %dma_wait3A_484, %dma_wait3A_485] : memref<4x80x128xf32, #tpu.memory_space<vmem>> -> memref<1x80x128xf32, #tpu.memory_space<vmem>>
    %dma_wait3A_487 = tpu.memref_squeeze %dma_wait3A_486 : memref<1x80x128xf32, #tpu.memory_space<vmem>> -> memref<80x128xf32, #tpu.memory_space<vmem>>
    %dma_wait3A_488 = arith.constant 0 : i32
    %dma_wait3A_489 = tpu.memref_slice %arg8[%add3A_482, %dma_wait3A_488] : memref<10000x128xf32, #tpu.memory_space<vmem_shared>> -> memref<80x128xf32, #tpu.memory_space<vmem_shared>>
    %dma_wait3A_490 = arith.constant 0 : i32
    %dma_wait3A_491 = tpu.memref_slice %arg8[%add3A_482, %dma_wait3A_490] : memref<10000x128xf32, #tpu.memory_space<vmem_shared>> -> memref<80x128xf32, #tpu.memory_space<vmem_shared>>
    %dma_wait3A_492 = arith.constant 0 : i32
    %dma_wait3A_493 = arith.constant 0 : i32
    %dma_wait3A_494 = tpu.memref_slice %arg7[%dma_wait3A_483, %dma_wait3A_492, %dma_wait3A_493] : memref<4x80x128xf32, #tpu.memory_space<vmem>> -> memref<1x80x128xf32, #tpu.memory_space<vmem>>
    %dma_wait3A_495 = tpu.memref_squeeze %dma_wait3A_494 : memref<1x80x128xf32, #tpu.memory_space<vmem>> -> memref<80x128xf32, #tpu.memory_space<vmem>>
    tpu.wait_dma2 semaphore(%arg11 : memref<!tpu.dma_semaphore, #tpu.memory_space<semaphore_mem>>) src(%dma_wait3A_495 : memref<80x128xf32, #tpu.memory_space<vmem>>) dst(%dma_wait3A_491 : memref<80x128xf32, #tpu.memory_space<vmem_shared>>)
    %add3A_496 = arith.constant 320 : i32
    %add3A_497 = arith.addi %multiple_of3A, %add3A_496 : i32
    %dma_wait3A_498 = arith.constant 3 : i32
    %dma_wait3A_499 = arith.constant 0 : i32
    %dma_wait3A_500 = arith.constant 0 : i32
    %dma_wait3A_501 = tpu.memref_slice %arg7[%dma_wait3A_498, %dma_wait3A_499, %dma_wait3A_500] : memref<4x80x128xf32, #tpu.memory_space<vmem>> -> memref<1x80x128xf32, #tpu.memory_space<vmem>>
    %dma_wait3A_502 = tpu.memref_squeeze %dma_wait3A_501 : memref<1x80x128xf32, #tpu.memory_space<vmem>> -> memref<80x128xf32, #tpu.memory_space<vmem>>
    %dma_wait3A_503 = arith.constant 0 : i32
    %dma_wait3A_504 = tpu.memref_slice %arg8[%add3A_497, %dma_wait3A_503] : memref<10000x128xf32, #tpu.memory_space<vmem_shared>> -> memref<80x128xf32, #tpu.memory_space<vmem_shared>>
    %dma_wait3A_505 = arith.constant 0 : i32
    %dma_wait3A_506 = tpu.memref_slice %arg8[%add3A_497, %dma_wait3A_505] : memref<10000x128xf32, #tpu.memory_space<vmem_shared>> -> memref<80x128xf32, #tpu.memory_space<vmem_shared>>
    %dma_wait3A_507 = arith.constant 0 : i32
    %dma_wait3A_508 = arith.constant 0 : i32
    %dma_wait3A_509 = tpu.memref_slice %arg7[%dma_wait3A_498, %dma_wait3A_507, %dma_wait3A_508] : memref<4x80x128xf32, #tpu.memory_space<vmem>> -> memref<1x80x128xf32, #tpu.memory_space<vmem>>
    %dma_wait3A_510 = tpu.memref_squeeze %dma_wait3A_509 : memref<1x80x128xf32, #tpu.memory_space<vmem>> -> memref<80x128xf32, #tpu.memory_space<vmem>>
    tpu.wait_dma2 semaphore(%arg11 : memref<!tpu.dma_semaphore, #tpu.memory_space<semaphore_mem>>) src(%dma_wait3A_510 : memref<80x128xf32, #tpu.memory_space<vmem>>) dst(%dma_wait3A_506 : memref<80x128xf32, #tpu.memory_space<vmem_shared>>)
    %add3A_511 = arith.constant 400 : i32
    %add3A_512 = arith.addi %multiple_of3A, %add3A_511 : i32
    %dma_wait3A_513 = arith.constant 3 : i32
    %dma_wait3A_514 = arith.constant 0 : i32
    %dma_wait3A_515 = arith.constant 0 : i32
    %dma_wait3A_516 = tpu.memref_slice %arg7[%dma_wait3A_513, %dma_wait3A_514, %dma_wait3A_515] : memref<4x80x128xf32, #tpu.memory_space<vmem>> -> memref<1x80x128xf32, #tpu.memory_space<vmem>>
    %dma_wait3A_517 = tpu.memref_squeeze %dma_wait3A_516 : memref<1x80x128xf32, #tpu.memory_space<vmem>> -> memref<80x128xf32, #tpu.memory_space<vmem>>
    %dma_wait3A_518 = arith.constant 0 : i32
    %dma_wait3A_519 = tpu.memref_slice %arg8[%add3A_512, %dma_wait3A_518] : memref<10000x128xf32, #tpu.memory_space<vmem_shared>> -> memref<80x128xf32, #tpu.memory_space<vmem_shared>>
    %dma_wait3A_520 = arith.constant 0 : i32
    %dma_wait3A_521 = tpu.memref_slice %arg8[%add3A_512, %dma_wait3A_520] : memref<10000x128xf32, #tpu.memory_space<vmem_shared>> -> memref<80x128xf32, #tpu.memory_space<vmem_shared>>
    %dma_wait3A_522 = arith.constant 0 : i32
    %dma_wait3A_523 = arith.constant 0 : i32
    %dma_wait3A_524 = tpu.memref_slice %arg7[%dma_wait3A_513, %dma_wait3A_522, %dma_wait3A_523] : memref<4x80x128xf32, #tpu.memory_space<vmem>> -> memref<1x80x128xf32, #tpu.memory_space<vmem>>
    %dma_wait3A_525 = tpu.memref_squeeze %dma_wait3A_524 : memref<1x80x128xf32, #tpu.memory_space<vmem>> -> memref<80x128xf32, #tpu.memory_space<vmem>>
    tpu.wait_dma2 semaphore(%arg11 : memref<!tpu.dma_semaphore, #tpu.memory_space<semaphore_mem>>) src(%dma_wait3A_525 : memref<80x128xf32, #tpu.memory_space<vmem>>) dst(%dma_wait3A_521 : memref<80x128xf32, #tpu.memory_space<vmem_shared>>)
    %add3A_526 = arith.constant 480 : i32
    %add3A_527 = arith.addi %multiple_of3A, %add3A_526 : i32
    %dma_wait3A_528 = arith.constant 3 : i32
    %dma_wait3A_529 = arith.constant 0 : i32
    %dma_wait3A_530 = arith.constant 0 : i32
    %dma_wait3A_531 = tpu.memref_slice %arg7[%dma_wait3A_528, %dma_wait3A_529, %dma_wait3A_530] : memref<4x80x128xf32, #tpu.memory_space<vmem>> -> memref<1x80x128xf32, #tpu.memory_space<vmem>>
    %dma_wait3A_532 = tpu.memref_squeeze %dma_wait3A_531 : memref<1x80x128xf32, #tpu.memory_space<vmem>> -> memref<80x128xf32, #tpu.memory_space<vmem>>
    %dma_wait3A_533 = arith.constant 0 : i32
    %dma_wait3A_534 = tpu.memref_slice %arg8[%add3A_527, %dma_wait3A_533] : memref<10000x128xf32, #tpu.memory_space<vmem_shared>> -> memref<80x128xf32, #tpu.memory_space<vmem_shared>>
    %dma_wait3A_535 = arith.constant 0 : i32
    %dma_wait3A_536 = tpu.memref_slice %arg8[%add3A_527, %dma_wait3A_535] : memref<10000x128xf32, #tpu.memory_space<vmem_shared>> -> memref<80x128xf32, #tpu.memory_space<vmem_shared>>
    %dma_wait3A_537 = arith.constant 0 : i32
    %dma_wait3A_538 = arith.constant 0 : i32
    %dma_wait3A_539 = tpu.memref_slice %arg7[%dma_wait3A_528, %dma_wait3A_537, %dma_wait3A_538] : memref<4x80x128xf32, #tpu.memory_space<vmem>> -> memref<1x80x128xf32, #tpu.memory_space<vmem>>
    %dma_wait3A_540 = tpu.memref_squeeze %dma_wait3A_539 : memref<1x80x128xf32, #tpu.memory_space<vmem>> -> memref<80x128xf32, #tpu.memory_space<vmem>>
    tpu.wait_dma2 semaphore(%arg11 : memref<!tpu.dma_semaphore, #tpu.memory_space<semaphore_mem>>) src(%dma_wait3A_540 : memref<80x128xf32, #tpu.memory_space<vmem>>) dst(%dma_wait3A_536 : memref<80x128xf32, #tpu.memory_space<vmem_shared>>)
    %add3A_541 = arith.constant 560 : i32
    %add3A_542 = arith.addi %multiple_of3A, %add3A_541 : i32
    %dma_wait3A_543 = arith.constant 3 : i32
    %dma_wait3A_544 = arith.constant 0 : i32
    %dma_wait3A_545 = arith.constant 0 : i32
    %dma_wait3A_546 = tpu.memref_slice %arg7[%dma_wait3A_543, %dma_wait3A_544, %dma_wait3A_545] : memref<4x80x128xf32, #tpu.memory_space<vmem>> -> memref<1x80x128xf32, #tpu.memory_space<vmem>>
    %dma_wait3A_547 = tpu.memref_squeeze %dma_wait3A_546 : memref<1x80x128xf32, #tpu.memory_space<vmem>> -> memref<80x128xf32, #tpu.memory_space<vmem>>
    %dma_wait3A_548 = arith.constant 0 : i32
    %dma_wait3A_549 = tpu.memref_slice %arg8[%add3A_542, %dma_wait3A_548] : memref<10000x128xf32, #tpu.memory_space<vmem_shared>> -> memref<80x128xf32, #tpu.memory_space<vmem_shared>>
    %dma_wait3A_550 = arith.constant 0 : i32
    %dma_wait3A_551 = tpu.memref_slice %arg8[%add3A_542, %dma_wait3A_550] : memref<10000x128xf32, #tpu.memory_space<vmem_shared>> -> memref<80x128xf32, #tpu.memory_space<vmem_shared>>
    %dma_wait3A_552 = arith.constant 0 : i32
    %dma_wait3A_553 = arith.constant 0 : i32
    %dma_wait3A_554 = tpu.memref_slice %arg7[%dma_wait3A_543, %dma_wait3A_552, %dma_wait3A_553] : memref<4x80x128xf32, #tpu.memory_space<vmem>> -> memref<1x80x128xf32, #tpu.memory_space<vmem>>
    %dma_wait3A_555 = tpu.memref_squeeze %dma_wait3A_554 : memref<1x80x128xf32, #tpu.memory_space<vmem>> -> memref<80x128xf32, #tpu.memory_space<vmem>>
    tpu.wait_dma2 semaphore(%arg11 : memref<!tpu.dma_semaphore, #tpu.memory_space<semaphore_mem>>) src(%dma_wait3A_555 : memref<80x128xf32, #tpu.memory_space<vmem>>) dst(%dma_wait3A_551 : memref<80x128xf32, #tpu.memory_space<vmem_shared>>)
    %barrier3A = arith.constant 0 : index
    tpu.barrier barrier_id(%barrier3A)
    %scan3A_556 = arith.constant 0 : i32
    %scan3A_557 = arith.constant 0 : i32
    %scan3A_558 = arith.constant 125 : i32
    %scan3A_559 = arith.addi %scan3A_557, %scan3A_558 : i32
    %scan3A_560 = arith.constant 1 : i32
    scf.for %scan3A_563 = %scan3A_557 to %scan3A_559 step %scan3A_560  : i32 {
      %jit3A = arith.constant 4 : i32
      %eq3A = arith.constant 0 : i32
      %eq3A_564 = arith.cmpi eq, %jit3A, %eq3A : i32
      %jit3A_565 = arith.constant 1 : i32
      %select_n3A = arith.select %eq3A_564, %jit3A_565, %jit3A : i32
      %rem3A = arith.remsi %scan3A_563, %select_n3A : i32
      %ne3A = arith.constant 0 : i32
      %ne3A_566 = arith.cmpi ne, %rem3A, %ne3A : i32
      %lt3A = arith.constant 0 : i32
      %lt3A_567 = arith.cmpi slt, %rem3A, %lt3A : i32
      %lt3A_568 = arith.constant 0 : i32
      %lt3A_569 = arith.cmpi slt, %select_n3A, %lt3A_568 : i32
      %ne3A_570 = arith.xori %lt3A_567, %lt3A_569 : i1
      %and3A = arith.andi %ne3A_570, %ne3A_566 : i1
      %add3A_571 = arith.addi %rem3A, %select_n3A : i32
      %select_n3A_572 = arith.select %and3A, %add3A_571, %rem3A : i32
      %jit3A_573 = arith.constant 6 : i32
      %eq3A_574 = arith.constant 0 : i32
      %eq3A_575 = arith.cmpi eq, %jit3A_573, %eq3A_574 : i32
      %jit3A_576 = arith.constant 1 : i32
      %select_n3A_577 = arith.select %eq3A_575, %jit3A_576, %jit3A_573 : i32
      %rem3A_578 = arith.remsi %scan3A_563, %select_n3A_577 : i32
      %ne3A_579 = arith.constant 0 : i32
      %ne3A_580 = arith.cmpi ne, %rem3A_578, %ne3A_579 : i32
      %lt3A_581 = arith.constant 0 : i32
      %lt3A_582 = arith.cmpi slt, %rem3A_578, %lt3A_581 : i32
      %lt3A_583 = arith.constant 0 : i32
      %lt3A_584 = arith.cmpi slt, %select_n3A_577, %lt3A_583 : i32
      %ne3A_585 = arith.xori %lt3A_582, %lt3A_584 : i1
      %and3A_586 = arith.andi %ne3A_585, %ne3A_580 : i1
      %add3A_587 = arith.addi %rem3A_578, %select_n3A_577 : i32
      %select_n3A_588 = arith.select %and3A_586, %add3A_587, %rem3A_578 : i32
      %dma_wait3A_589 = arith.constant 0 : i32
      %dma_wait3A_590 = arith.constant 0 : i32
      %dma_wait3A_591 = tpu.memref_slice %arg7[%select_n3A_572, %dma_wait3A_589, %dma_wait3A_590] : memref<4x80x128xf32, #tpu.memory_space<vmem>> -> memref<1x80x128xf32, #tpu.memory_space<vmem>>
      %dma_wait3A_592 = tpu.memref_squeeze %dma_wait3A_591 : memref<1x80x128xf32, #tpu.memory_space<vmem>> -> memref<80x128xf32, #tpu.memory_space<vmem>>
      %dma_wait3A_593 = arith.constant 0 : i32
      %dma_wait3A_594 = tpu.memref_slice %arg5[%select_n3A_588, %dma_wait3A_593] : memref<6x80xi32, #tpu.memory_space<vmem>> -> memref<1x80xi32, #tpu.memory_space<vmem>>
      %dma_wait3A_595 = tpu.memref_squeeze %dma_wait3A_594 : memref<1x80xi32, #tpu.memory_space<vmem>> -> memref<80xi32, #tpu.memory_space<vmem>>
      %dma_wait3A_596 = arith.constant 0 : i32
      %dma_wait3A_597 = arith.constant 0 : i32
      %dma_wait3A_598 = tpu.memref_slice %arg2[%dma_wait3A_596, %dma_wait3A_597] : memref<10000x128xf32, #tpu.memory_space<hbm>> -> memref<10000x128xf32, #tpu.memory_space<hbm>>
      %dma_wait3A_599 = tpu.memref_slice %arg10[%select_n3A_572] : memref<4x!tpu.dma_semaphore, #tpu.memory_space<semaphore_mem>> -> memref<1x!tpu.dma_semaphore, #tpu.memory_space<semaphore_mem>>
      %dma_wait3A_600 = tpu.memref_squeeze %dma_wait3A_599 : memref<1x!tpu.dma_semaphore, #tpu.memory_space<semaphore_mem>> -> memref<!tpu.dma_semaphore, #tpu.memory_space<semaphore_mem>>
      tpu.wait_indirect_dma semaphore(%dma_wait3A_600 : memref<!tpu.dma_semaphore, #tpu.memory_space<semaphore_mem>>) src(%dma_wait3A_598 : memref<10000x128xf32, #tpu.memory_space<hbm>>) dst(%dma_wait3A_592 : memref<80x128xf32, #tpu.memory_space<vmem>>)
      %jit3A_601 = arith.constant 4 : i32
      %eq3A_602 = arith.constant 0 : i32
      %eq3A_603 = arith.cmpi eq, %jit3A_601, %eq3A_602 : i32
      %jit3A_604 = arith.constant 1 : i32
      %select_n3A_605 = arith.select %eq3A_603, %jit3A_604, %jit3A_601 : i32
      %rem3A_606 = arith.remsi %scan3A_563, %select_n3A_605 : i32
      %ne3A_607 = arith.constant 0 : i32
      %ne3A_608 = arith.cmpi ne, %rem3A_606, %ne3A_607 : i32
      %lt3A_609 = arith.constant 0 : i32
      %lt3A_610 = arith.cmpi slt, %rem3A_606, %lt3A_609 : i32
      %lt3A_611 = arith.constant 0 : i32
      %lt3A_612 = arith.cmpi slt, %select_n3A_605, %lt3A_611 : i32
      %ne3A_613 = arith.xori %lt3A_610, %lt3A_612 : i1
      %and3A_614 = arith.andi %ne3A_613, %ne3A_608 : i1
      %add3A_615 = arith.addi %rem3A_606, %select_n3A_605 : i32
      %select_n3A_616 = arith.select %and3A_614, %add3A_615, %rem3A_606 : i32
      %jit3A_617 = arith.constant 6 : i32
      %eq3A_618 = arith.constant 0 : i32
      %eq3A_619 = arith.cmpi eq, %jit3A_617, %eq3A_618 : i32
      %jit3A_620 = arith.constant 1 : i32
      %select_n3A_621 = arith.select %eq3A_619, %jit3A_620, %jit3A_617 : i32
      %rem3A_622 = arith.remsi %scan3A_563, %select_n3A_621 : i32
      %ne3A_623 = arith.constant 0 : i32
      %ne3A_624 = arith.cmpi ne, %rem3A_622, %ne3A_623 : i32
      %lt3A_625 = arith.constant 0 : i32
      %lt3A_626 = arith.cmpi slt, %rem3A_622, %lt3A_625 : i32
      %lt3A_627 = arith.constant 0 : i32
      %lt3A_628 = arith.cmpi slt, %select_n3A_621, %lt3A_627 : i32
      %ne3A_629 = arith.xori %lt3A_626, %lt3A_628 : i1
      %and3A_630 = arith.andi %ne3A_629, %ne3A_624 : i1
      %add3A_631 = arith.addi %rem3A_622, %select_n3A_621 : i32
      %select_n3A_632 = arith.select %and3A_630, %add3A_631, %rem3A_622 : i32
      "tpu.region"() ({
        %run_scoped3A = tpu.sem_alloc : memref<!tpu.dma_semaphore, #tpu.memory_space<semaphore_mem>>
        %dma_start3A_646 = arith.constant 0 : i32
        %dma_start3A_647 = arith.constant 0 : i32
        %dma_start3A_648 = tpu.memref_slice %arg7[%select_n3A_616, %dma_start3A_646, %dma_start3A_647] : memref<4x80x128xf32, #tpu.memory_space<vmem>> -> memref<1x80x128xf32, #tpu.memory_space<vmem>>
        %dma_start3A_649 = tpu.memref_squeeze %dma_start3A_648 : memref<1x80x128xf32, #tpu.memory_space<vmem>> -> memref<80x128xf32, #tpu.memory_space<vmem>>
        %dma_start3A_650 = arith.constant 0 : i32
        %dma_start3A_651 = tpu.memref_slice %arg6[%select_n3A_632, %dma_start3A_650] : memref<6x80xi32, #tpu.memory_space<vmem>> -> memref<1x80xi32, #tpu.memory_space<vmem>>
        %dma_start3A_652 = tpu.memref_squeeze %dma_start3A_651 : memref<1x80xi32, #tpu.memory_space<vmem>> -> memref<80xi32, #tpu.memory_space<vmem>>
        %dma_start3A_653 = arith.constant 0 : i32
        %dma_start3A_654 = arith.constant 0 : i32
        %dma_start3A_655 = tpu.memref_slice %arg8[%dma_start3A_653, %dma_start3A_654] : memref<10000x128xf32, #tpu.memory_space<vmem_shared>> -> memref<10000x128xf32, #tpu.memory_space<vmem_shared>>
        tpu.enqueue_indirect_dma source(%dma_start3A_649 : memref<80x128xf32, #tpu.memory_space<vmem>>) target(%dma_start3A_655 : memref<10000x128xf32, #tpu.memory_space<vmem_shared>>) offsets(%dma_start3A_652 : memref<80xi32, #tpu.memory_space<vmem>>) semaphore(%run_scoped3A : memref<!tpu.dma_semaphore, #tpu.memory_space<semaphore_mem>>) {add = true}
        %dma_wait3A_656 = arith.constant 0 : i32
        %dma_wait3A_657 = arith.constant 0 : i32
        %dma_wait3A_658 = tpu.memref_slice %arg7[%select_n3A_616, %dma_wait3A_656, %dma_wait3A_657] : memref<4x80x128xf32, #tpu.memory_space<vmem>> -> memref<1x80x128xf32, #tpu.memory_space<vmem>>
        %dma_wait3A_659 = tpu.memref_squeeze %dma_wait3A_658 : memref<1x80x128xf32, #tpu.memory_space<vmem>> -> memref<80x128xf32, #tpu.memory_space<vmem>>
        %dma_wait3A_660 = arith.constant 0 : i32
        %dma_wait3A_661 = tpu.memref_slice %arg6[%select_n3A_632, %dma_wait3A_660] : memref<6x80xi32, #tpu.memory_space<vmem>> -> memref<1x80xi32, #tpu.memory_space<vmem>>
        %dma_wait3A_662 = tpu.memref_squeeze %dma_wait3A_661 : memref<1x80xi32, #tpu.memory_space<vmem>> -> memref<80xi32, #tpu.memory_space<vmem>>
        %dma_wait3A_663 = arith.constant 0 : i32
        %dma_wait3A_664 = arith.constant 0 : i32
        %dma_wait3A_665 = tpu.memref_slice %arg8[%dma_wait3A_663, %dma_wait3A_664] : memref<10000x128xf32, #tpu.memory_space<vmem_shared>> -> memref<10000x128xf32, #tpu.memory_space<vmem_shared>>
        tpu.wait_indirect_dma semaphore(%run_scoped3A : memref<!tpu.dma_semaphore, #tpu.memory_space<semaphore_mem>>) src(%dma_wait3A_659 : memref<80x128xf32, #tpu.memory_space<vmem>>) dst(%dma_wait3A_665 : memref<10000x128xf32, #tpu.memory_space<vmem_shared>>)
        tpu.yield
      }) : () -> ()
      %add3A_633 = arith.constant 4 : i32
      %add3A_634 = arith.addi %scan3A_563, %add3A_633 : i32
      %sub3A = arith.constant 1 : i32
      %sub3A_635 = arith.subi %add3A_634, %sub3A : i32
      %lt3A_636 = arith.constant 125 : i32
      %lt3A_637 = arith.cmpi slt, %sub3A_635, %lt3A_636 : i32
      %convert_element_type3A = arith.extui %lt3A_637 : i1 to i32
      %cond3A = arith.constant 0 : i32
      %cond3A_638 = arith.cmpi ne, %convert_element_type3A, %cond3A : i32
      scf.if %cond3A_638 {
        %jit3A_646 = arith.constant 6 : i32
        %eq3A_647 = arith.constant 0 : i32
        %eq3A_648 = arith.cmpi eq, %jit3A_646, %eq3A_647 : i32
        %jit3A_649 = arith.constant 1 : i32
        %select_n3A_650 = arith.select %eq3A_648, %jit3A_649, %jit3A_646 : i32
        %rem3A_651 = arith.remsi %sub3A_635, %select_n3A_650 : i32
        %ne3A_652 = arith.constant 0 : i32
        %ne3A_653 = arith.cmpi ne, %rem3A_651, %ne3A_652 : i32
        %lt3A_654 = arith.constant 0 : i32
        %lt3A_655 = arith.cmpi slt, %rem3A_651, %lt3A_654 : i32
        %lt3A_656 = arith.constant 0 : i32
        %lt3A_657 = arith.cmpi slt, %select_n3A_650, %lt3A_656 : i32
        %ne3A_658 = arith.xori %lt3A_655, %lt3A_657 : i1
        %and3A_659 = arith.andi %ne3A_658, %ne3A_653 : i1
        %add3A_660 = arith.addi %rem3A_651, %select_n3A_650 : i32
        %select_n3A_661 = arith.select %and3A_659, %add3A_660, %rem3A_651 : i32
        %mul3A_662 = arith.constant 80 : i32
        %mul3A_663 = arith.muli %sub3A_635, %mul3A_662 : i32
        %add3A_664 = arith.addi %mul3A_5, %mul3A_663 : i32
        %multiple_of3A_665 = tpu.assume_multiple %add3A_664, 8 : i32
        %dma_wait3A_666 = arith.constant 0 : i32
        %dma_wait3A_667 = tpu.memref_slice %arg5[%select_n3A_661, %dma_wait3A_666] : memref<6x80xi32, #tpu.memory_space<vmem>> -> memref<1x80xi32, #tpu.memory_space<vmem>>
        %dma_wait3A_668 = tpu.memref_squeeze %dma_wait3A_667 : memref<1x80xi32, #tpu.memory_space<vmem>> -> memref<80xi32, #tpu.memory_space<vmem>>
        %dma_wait3A_669 = tpu.memref_slice %arg3[%multiple_of3A_665] : memref<640000xi32, #tpu.memory_space<hbm>> -> memref<80xi32, #tpu.memory_space<hbm>>
        %dma_wait3A_670 = tpu.memref_slice %arg9[%select_n3A_661] : memref<6x!tpu.dma_semaphore, #tpu.memory_space<semaphore_mem>> -> memref<1x!tpu.dma_semaphore, #tpu.memory_space<semaphore_mem>>
        %dma_wait3A_671 = tpu.memref_squeeze %dma_wait3A_670 : memref<1x!tpu.dma_semaphore, #tpu.memory_space<semaphore_mem>> -> memref<!tpu.dma_semaphore, #tpu.memory_space<semaphore_mem>>
        %dma_wait3A_672 = arith.constant 0 : i32
        %dma_wait3A_673 = tpu.memref_slice %arg5[%select_n3A_661, %dma_wait3A_672] : memref<6x80xi32, #tpu.memory_space<vmem>> -> memref<1x80xi32, #tpu.memory_space<vmem>>
        %dma_wait3A_674 = tpu.memref_squeeze %dma_wait3A_673 : memref<1x80xi32, #tpu.memory_space<vmem>> -> memref<80xi32, #tpu.memory_space<vmem>>
        %dma_wait3A_675 = tpu.memref_slice %arg3[%multiple_of3A_665] : memref<640000xi32, #tpu.memory_space<hbm>> -> memref<80xi32, #tpu.memory_space<hbm>>
        tpu.wait_dma2 semaphore(%dma_wait3A_671 : memref<!tpu.dma_semaphore, #tpu.memory_space<semaphore_mem>>) src(%dma_wait3A_675 : memref<80xi32, #tpu.memory_space<hbm>>) dst(%dma_wait3A_674 : memref<80xi32, #tpu.memory_space<vmem>>)
        %add3A_676 = arith.constant 320000 : i32
        %add3A_677 = arith.addi %add3A_676, %multiple_of3A_665 : i32
        %dma_wait3A_678 = arith.constant 0 : i32
        %dma_wait3A_679 = tpu.memref_slice %arg6[%select_n3A_661, %dma_wait3A_678] : memref<6x80xi32, #tpu.memory_space<vmem>> -> memref<1x80xi32, #tpu.memory_space<vmem>>
        %dma_wait3A_680 = tpu.memref_squeeze %dma_wait3A_679 : memref<1x80xi32, #tpu.memory_space<vmem>> -> memref<80xi32, #tpu.memory_space<vmem>>
        %dma_wait3A_681 = tpu.memref_slice %arg3[%add3A_677] : memref<640000xi32, #tpu.memory_space<hbm>> -> memref<80xi32, #tpu.memory_space<hbm>>
        %dma_wait3A_682 = tpu.memref_slice %arg9[%select_n3A_661] : memref<6x!tpu.dma_semaphore, #tpu.memory_space<semaphore_mem>> -> memref<1x!tpu.dma_semaphore, #tpu.memory_space<semaphore_mem>>
        %dma_wait3A_683 = tpu.memref_squeeze %dma_wait3A_682 : memref<1x!tpu.dma_semaphore, #tpu.memory_space<semaphore_mem>> -> memref<!tpu.dma_semaphore, #tpu.memory_space<semaphore_mem>>
        %dma_wait3A_684 = arith.constant 0 : i32
        %dma_wait3A_685 = tpu.memref_slice %arg6[%select_n3A_661, %dma_wait3A_684] : memref<6x80xi32, #tpu.memory_space<vmem>> -> memref<1x80xi32, #tpu.memory_space<vmem>>
        %dma_wait3A_686 = tpu.memref_squeeze %dma_wait3A_685 : memref<1x80xi32, #tpu.memory_space<vmem>> -> memref<80xi32, #tpu.memory_space<vmem>>
        %dma_wait3A_687 = tpu.memref_slice %arg3[%add3A_677] : memref<640000xi32, #tpu.memory_space<hbm>> -> memref<80xi32, #tpu.memory_space<hbm>>
        tpu.wait_dma2 semaphore(%dma_wait3A_683 : memref<!tpu.dma_semaphore, #tpu.memory_space<semaphore_mem>>) src(%dma_wait3A_687 : memref<80xi32, #tpu.memory_space<hbm>>) dst(%dma_wait3A_686 : memref<80xi32, #tpu.memory_space<vmem>>)
        %jit3A_688 = arith.constant 4 : i32
        %eq3A_689 = arith.constant 0 : i32
        %eq3A_690 = arith.cmpi eq, %jit3A_688, %eq3A_689 : i32
        %jit3A_691 = arith.constant 1 : i32
        %select_n3A_692 = arith.select %eq3A_690, %jit3A_691, %jit3A_688 : i32
        %rem3A_693 = arith.remsi %sub3A_635, %select_n3A_692 : i32
        %ne3A_694 = arith.constant 0 : i32
        %ne3A_695 = arith.cmpi ne, %rem3A_693, %ne3A_694 : i32
        %lt3A_696 = arith.constant 0 : i32
        %lt3A_697 = arith.cmpi slt, %rem3A_693, %lt3A_696 : i32
        %lt3A_698 = arith.constant 0 : i32
        %lt3A_699 = arith.cmpi slt, %select_n3A_692, %lt3A_698 : i32
        %ne3A_700 = arith.xori %lt3A_697, %lt3A_699 : i1
        %and3A_701 = arith.andi %ne3A_700, %ne3A_695 : i1
        %add3A_702 = arith.addi %rem3A_693, %select_n3A_692 : i32
        %select_n3A_703 = arith.select %and3A_701, %add3A_702, %rem3A_693 : i32
        %jit3A_704 = arith.constant 6 : i32
        %eq3A_705 = arith.constant 0 : i32
        %eq3A_706 = arith.cmpi eq, %jit3A_704, %eq3A_705 : i32
        %jit3A_707 = arith.constant 1 : i32
        %select_n3A_708 = arith.select %eq3A_706, %jit3A_707, %jit3A_704 : i32
        %rem3A_709 = arith.remsi %sub3A_635, %select_n3A_708 : i32
        %ne3A_710 = arith.constant 0 : i32
        %ne3A_711 = arith.cmpi ne, %rem3A_709, %ne3A_710 : i32
        %lt3A_712 = arith.constant 0 : i32
        %lt3A_713 = arith.cmpi slt, %rem3A_709, %lt3A_712 : i32
        %lt3A_714 = arith.constant 0 : i32
        %lt3A_715 = arith.cmpi slt, %select_n3A_708, %lt3A_714 : i32
        %ne3A_716 = arith.xori %lt3A_713, %lt3A_715 : i1
        %and3A_717 = arith.andi %ne3A_716, %ne3A_711 : i1
        %add3A_718 = arith.addi %rem3A_709, %select_n3A_708 : i32
        %select_n3A_719 = arith.select %and3A_717, %add3A_718, %rem3A_709 : i32
        %dma_start3A_720 = arith.constant 0 : i32
        %dma_start3A_721 = arith.constant 0 : i32
        %dma_start3A_722 = tpu.memref_slice %arg7[%select_n3A_703, %dma_start3A_720, %dma_start3A_721] : memref<4x80x128xf32, #tpu.memory_space<vmem>> -> memref<1x80x128xf32, #tpu.memory_space<vmem>>
        %dma_start3A_723 = tpu.memref_squeeze %dma_start3A_722 : memref<1x80x128xf32, #tpu.memory_space<vmem>> -> memref<80x128xf32, #tpu.memory_space<vmem>>
        %dma_start3A_724 = arith.constant 0 : i32
        %dma_start3A_725 = tpu.memref_slice %arg5[%select_n3A_719, %dma_start3A_724] : memref<6x80xi32, #tpu.memory_space<vmem>> -> memref<1x80xi32, #tpu.memory_space<vmem>>
        %dma_start3A_726 = tpu.memref_squeeze %dma_start3A_725 : memref<1x80xi32, #tpu.memory_space<vmem>> -> memref<80xi32, #tpu.memory_space<vmem>>
        %dma_start3A_727 = arith.constant 0 : i32
        %dma_start3A_728 = arith.constant 0 : i32
        %dma_start3A_729 = tpu.memref_slice %arg2[%dma_start3A_727, %dma_start3A_728] : memref<10000x128xf32, #tpu.memory_space<hbm>> -> memref<10000x128xf32, #tpu.memory_space<hbm>>
        %dma_start3A_730 = tpu.memref_slice %arg10[%select_n3A_703] : memref<4x!tpu.dma_semaphore, #tpu.memory_space<semaphore_mem>> -> memref<1x!tpu.dma_semaphore, #tpu.memory_space<semaphore_mem>>
        %dma_start3A_731 = tpu.memref_squeeze %dma_start3A_730 : memref<1x!tpu.dma_semaphore, #tpu.memory_space<semaphore_mem>> -> memref<!tpu.dma_semaphore, #tpu.memory_space<semaphore_mem>>
        tpu.enqueue_indirect_dma source(%dma_start3A_729 : memref<10000x128xf32, #tpu.memory_space<hbm>>) target(%dma_start3A_723 : memref<80x128xf32, #tpu.memory_space<vmem>>) offsets(%dma_start3A_726 : memref<80xi32, #tpu.memory_space<vmem>>) semaphore(%dma_start3A_731 : memref<!tpu.dma_semaphore, #tpu.memory_space<semaphore_mem>>)
      } else {
      }
      %add3A_639 = arith.constant 6 : i32
      %add3A_640 = arith.addi %scan3A_563, %add3A_639 : i32
      %lt3A_641 = arith.constant 125 : i32
      %lt3A_642 = arith.cmpi slt, %add3A_640, %lt3A_641 : i32
      %convert_element_type3A_643 = arith.extui %lt3A_642 : i1 to i32
      %cond3A_644 = arith.constant 0 : i32
      %cond3A_645 = arith.cmpi ne, %convert_element_type3A_643, %cond3A_644 : i32
      scf.if %cond3A_645 {
        %add3A_646 = arith.constant 6 : i32
        %add3A_647 = arith.addi %scan3A_563, %add3A_646 : i32
        %jit3A_648 = arith.constant 6 : i32
        %eq3A_649 = arith.constant 0 : i32
        %eq3A_650 = arith.cmpi eq, %jit3A_648, %eq3A_649 : i32
        %jit3A_651 = arith.constant 1 : i32
        %select_n3A_652 = arith.select %eq3A_650, %jit3A_651, %jit3A_648 : i32
        %rem3A_653 = arith.remsi %add3A_647, %select_n3A_652 : i32
        %ne3A_654 = arith.constant 0 : i32
        %ne3A_655 = arith.cmpi ne, %rem3A_653, %ne3A_654 : i32
        %lt3A_656 = arith.constant 0 : i32
        %lt3A_657 = arith.cmpi slt, %rem3A_653, %lt3A_656 : i32
        %lt3A_658 = arith.constant 0 : i32
        %lt3A_659 = arith.cmpi slt, %select_n3A_652, %lt3A_658 : i32
        %ne3A_660 = arith.xori %lt3A_657, %lt3A_659 : i1
        %and3A_661 = arith.andi %ne3A_660, %ne3A_655 : i1
        %add3A_662 = arith.addi %rem3A_653, %select_n3A_652 : i32
        %select_n3A_663 = arith.select %and3A_661, %add3A_662, %rem3A_653 : i32
        %mul3A_664 = arith.constant 80 : i32
        %mul3A_665 = arith.muli %add3A_647, %mul3A_664 : i32
        %add3A_666 = arith.addi %mul3A_5, %mul3A_665 : i32
        %multiple_of3A_667 = tpu.assume_multiple %add3A_666, 8 : i32
        %dma_start3A_668 = arith.constant 0 : i32
        %dma_start3A_669 = tpu.memref_slice %arg5[%select_n3A_663, %dma_start3A_668] : memref<6x80xi32, #tpu.memory_space<vmem>> -> memref<1x80xi32, #tpu.memory_space<vmem>>
        %dma_start3A_670 = tpu.memref_squeeze %dma_start3A_669 : memref<1x80xi32, #tpu.memory_space<vmem>> -> memref<80xi32, #tpu.memory_space<vmem>>
        %dma_start3A_671 = tpu.memref_slice %arg3[%multiple_of3A_667] : memref<640000xi32, #tpu.memory_space<hbm>> -> memref<80xi32, #tpu.memory_space<hbm>>
        %dma_start3A_672 = tpu.memref_slice %arg9[%select_n3A_663] : memref<6x!tpu.dma_semaphore, #tpu.memory_space<semaphore_mem>> -> memref<1x!tpu.dma_semaphore, #tpu.memory_space<semaphore_mem>>
        %dma_start3A_673 = tpu.memref_squeeze %dma_start3A_672 : memref<1x!tpu.dma_semaphore, #tpu.memory_space<semaphore_mem>> -> memref<!tpu.dma_semaphore, #tpu.memory_space<semaphore_mem>>
        %dma_start3A_674 = arith.constant 0 : i32
        %dma_start3A_675 = tpu.memref_slice %arg5[%select_n3A_663, %dma_start3A_674] : memref<6x80xi32, #tpu.memory_space<vmem>> -> memref<1x80xi32, #tpu.memory_space<vmem>>
        %dma_start3A_676 = tpu.memref_squeeze %dma_start3A_675 : memref<1x80xi32, #tpu.memory_space<vmem>> -> memref<80xi32, #tpu.memory_space<vmem>>
        %dma_start3A_677 = tpu.memref_slice %arg3[%multiple_of3A_667] : memref<640000xi32, #tpu.memory_space<hbm>> -> memref<80xi32, #tpu.memory_space<hbm>>
        tpu.enqueue_dma source(%dma_start3A_677 : memref<80xi32, #tpu.memory_space<hbm>>) target(%dma_start3A_676 : memref<80xi32, #tpu.memory_space<vmem>>) target_semaphore(%dma_start3A_673 : memref<!tpu.dma_semaphore, #tpu.memory_space<semaphore_mem>>)
        %add3A_678 = arith.constant 320000 : i32
        %add3A_679 = arith.addi %add3A_678, %multiple_of3A_667 : i32
        %dma_start3A_680 = arith.constant 0 : i32
        %dma_start3A_681 = tpu.memref_slice %arg6[%select_n3A_663, %dma_start3A_680] : memref<6x80xi32, #tpu.memory_space<vmem>> -> memref<1x80xi32, #tpu.memory_space<vmem>>
        %dma_start3A_682 = tpu.memref_squeeze %dma_start3A_681 : memref<1x80xi32, #tpu.memory_space<vmem>> -> memref<80xi32, #tpu.memory_space<vmem>>
        %dma_start3A_683 = tpu.memref_slice %arg3[%add3A_679] : memref<640000xi32, #tpu.memory_space<hbm>> -> memref<80xi32, #tpu.memory_space<hbm>>
        %dma_start3A_684 = tpu.memref_slice %arg9[%select_n3A_663] : memref<6x!tpu.dma_semaphore, #tpu.memory_space<semaphore_mem>> -> memref<1x!tpu.dma_semaphore, #tpu.memory_space<semaphore_mem>>
        %dma_start3A_685 = tpu.memref_squeeze %dma_start3A_684 : memref<1x!tpu.dma_semaphore, #tpu.memory_space<semaphore_mem>> -> memref<!tpu.dma_semaphore, #tpu.memory_space<semaphore_mem>>
        %dma_start3A_686 = arith.constant 0 : i32
        %dma_start3A_687 = tpu.memref_slice %arg6[%select_n3A_663, %dma_start3A_686] : memref<6x80xi32, #tpu.memory_space<vmem>> -> memref<1x80xi32, #tpu.memory_space<vmem>>
        %dma_start3A_688 = tpu.memref_squeeze %dma_start3A_687 : memref<1x80xi32, #tpu.memory_space<vmem>> -> memref<80xi32, #tpu.memory_space<vmem>>
        %dma_start3A_689 = tpu.memref_slice %arg3[%add3A_679] : memref<640000xi32, #tpu.memory_space<hbm>> -> memref<80xi32, #tpu.memory_space<hbm>>
        tpu.enqueue_dma source(%dma_start3A_689 : memref<80xi32, #tpu.memory_space<hbm>>) target(%dma_start3A_688 : memref<80xi32, #tpu.memory_space<vmem>>) target_semaphore(%dma_start3A_685 : memref<!tpu.dma_semaphore, #tpu.memory_space<semaphore_mem>>)
      } else {
      }
    }
    %scan3A_561 = arith.constant 125 : i32
    %barrier3A_562 = arith.constant 0 : index
    tpu.barrier barrier_id(%barrier3A_562)
    "tpu.region"() ({
      %run_scoped3A = tpu.sem_alloc : memref<!tpu.dma_semaphore, #tpu.memory_space<semaphore_mem>>
      %dma_start3A_563 = arith.constant 0 : i32
      %dma_start3A_564 = arith.constant 0 : i32
      %dma_start3A_565 = tpu.memref_slice %arg4[%arg0, %dma_start3A_563, %dma_start3A_564] : memref<2x10000x128xf32, #tpu.memory_space<hbm>> -> memref<1x10000x128xf32, #tpu.memory_space<hbm>>
      %dma_start3A_566 = tpu.memref_squeeze %dma_start3A_565 : memref<1x10000x128xf32, #tpu.memory_space<hbm>> -> memref<10000x128xf32, #tpu.memory_space<hbm>>
      %dma_start3A_567 = arith.constant 0 : i32
      %dma_start3A_568 = tpu.memref_slice %dma_start3A_566[%multiple_of3A, %dma_start3A_567] : memref<10000x128xf32, #tpu.memory_space<hbm>> -> memref<640x128xf32, #tpu.memory_space<hbm>>
      %dma_start3A_569 = arith.constant 0 : i32
      %dma_start3A_570 = tpu.memref_slice %arg8[%multiple_of3A, %dma_start3A_569] : memref<10000x128xf32, #tpu.memory_space<vmem_shared>> -> memref<640x128xf32, #tpu.memory_space<vmem_shared>>
      tpu.enqueue_dma source(%dma_start3A_570 : memref<640x128xf32, #tpu.memory_space<vmem_shared>>) target(%dma_start3A_568 : memref<640x128xf32, #tpu.memory_space<hbm>>) target_semaphore(%run_scoped3A : memref<!tpu.dma_semaphore, #tpu.memory_space<semaphore_mem>>)
      %dma_wait3A_571 = arith.constant 0 : i32
      %dma_wait3A_572 = arith.constant 0 : i32
      %dma_wait3A_573 = tpu.memref_slice %arg4[%arg0, %dma_wait3A_571, %dma_wait3A_572] : memref<2x10000x128xf32, #tpu.memory_space<hbm>> -> memref<1x10000x128xf32, #tpu.memory_space<hbm>>
      %dma_wait3A_574 = tpu.memref_squeeze %dma_wait3A_573 : memref<1x10000x128xf32, #tpu.memory_space<hbm>> -> memref<10000x128xf32, #tpu.memory_space<hbm>>
      %dma_wait3A_575 = arith.constant 0 : i32
      %dma_wait3A_576 = tpu.memref_slice %dma_wait3A_574[%multiple_of3A, %dma_wait3A_575] : memref<10000x128xf32, #tpu.memory_space<hbm>> -> memref<640x128xf32, #tpu.memory_space<hbm>>
      %dma_wait3A_577 = arith.constant 0 : i32
      %dma_wait3A_578 = tpu.memref_slice %arg8[%multiple_of3A, %dma_wait3A_577] : memref<10000x128xf32, #tpu.memory_space<vmem_shared>> -> memref<640x128xf32, #tpu.memory_space<vmem_shared>>
      tpu.wait_dma2 semaphore(%run_scoped3A : memref<!tpu.dma_semaphore, #tpu.memory_space<semaphore_mem>>) src(%dma_wait3A_578 : memref<640x128xf32, #tpu.memory_space<vmem_shared>>) dst(%dma_wait3A_576 : memref<640x128xf32, #tpu.memory_space<hbm>>)
      tpu.yield
    }) : () -> ()
    return
  }
}

#map = affine_map<(d0, d1) -> (0, 0)>
#map1 = affine_map<(d0, d1) -> (0)>
#map2 = affine_map<(d0, d1) -> (0, 0, 0)>
module attributes {stable_mosaic.version = 14 : i64} {
  func.func @_segment_sum_sc(%arg0: i32, %arg1: i32, %arg2: memref<10000x128xf32, #tpu.memory_space<hbm>>, %arg3: memref<640000xi32, #tpu.memory_space<hbm>>, %arg4: memref<2x10000x128xf32, #tpu.memory_space<hbm>>, %arg5: memref<6x80xi32, #tpu.memory_space<vmem>>, %arg6: memref<6x80xi32, #tpu.memory_space<vmem>>, %arg7: memref<4x80x128xf32, #tpu.memory_space<vmem>>, %arg8: memref<10000x128xf32, #tpu.memory_space<vmem_shared>>, %arg9: memref<6x!tpu.dma_semaphore, #tpu.memory_space<semaphore_mem>>, %arg10: memref<4x!tpu.dma_semaphore, #tpu.memory_space<semaphore_mem>>, %arg11: memref<!tpu.dma_semaphore, #tpu.memory_space<semaphore_mem>>) attributes {dimension_semantics = [#tpu.dimension_semantics<core_parallel>, #tpu.dimension_semantics<subcore_parallel>], iteration_bounds = array<i64: 2, 16>, scalar_prefetch = 0 : i64, scratch_operands = 7 : i64, tpu.core_type = #tpu.core_type<sc_vector_subcore>, window_params = [{transform_indices = #map}, {transform_indices = #map1}, {transform_indices = #map2}]} {
    %mul3A = arith.constant 2 : i32
    %mul3A_0 = arith.muli %arg1, %mul3A : i32
    %add3A = arith.addi %mul3A_0, %arg0 : i32
    %mul3A_1 = arith.constant 640 : i32
    %mul3A_2 = arith.muli %arg1, %mul3A_1 : i32
    %min3A = arith.constant 9360 : i32
    %min3A_3 = arith.minsi %mul3A_2, %min3A : i32
    %multiple_of3A = tpu.assume_multiple %min3A_3, 8 : i32
    %mul3A_4 = arith.constant 10000 : i32
    %mul3A_5 = arith.muli %add3A, %mul3A_4 : i32
    %add3A_6 = arith.constant 0 : i32
    %add3A_7 = arith.addi %mul3A_5, %add3A_6 : i32
    %multiple_of3A_8 = tpu.assume_multiple %add3A_7, 8 : i32
    %dma_start3A = arith.constant 0 : i32
    %dma_start3A_9 = arith.constant 0 : i32
    %dma_start3A_10 = arith.constant 0 : i32
    %dma_start3A_11 = tpu.memref_slice %arg5[%dma_start3A, %dma_start3A_10] : memref<6x80xi32, #tpu.memory_space<vmem>> -> memref<1x80xi32, #tpu.memory_space<vmem>>
    %dma_start3A_12 = tpu.memref_squeeze %dma_start3A_11 : memref<1x80xi32, #tpu.memory_space<vmem>> -> memref<80xi32, #tpu.memory_space<vmem>>
    %dma_start3A_13 = tpu.memref_slice %arg3[%multiple_of3A_8] : memref<640000xi32, #tpu.memory_space<hbm>> -> memref<80xi32, #tpu.memory_space<hbm>>
    %dma_start3A_14 = tpu.memref_slice %arg9[%dma_start3A_9] : memref<6x!tpu.dma_semaphore, #tpu.memory_space<semaphore_mem>> -> memref<1x!tpu.dma_semaphore, #tpu.memory_space<semaphore_mem>>
    %dma_start3A_15 = tpu.memref_squeeze %dma_start3A_14 : memref<1x!tpu.dma_semaphore, #tpu.memory_space<semaphore_mem>> -> memref<!tpu.dma_semaphore, #tpu.memory_space<semaphore_mem>>
    %dma_start3A_16 = arith.constant 0 : i32
    %dma_start3A_17 = tpu.memref_slice %arg5[%dma_start3A, %dma_start3A_16] : memref<6x80xi32, #tpu.memory_space<vmem>> -> memref<1x80xi32, #tpu.memory_space<vmem>>
    %dma_start3A_18 = tpu.memref_squeeze %dma_start3A_17 : memref<1x80xi32, #tpu.memory_space<vmem>> -> memref<80xi32, #tpu.memory_space<vmem>>
    %dma_start3A_19 = tpu.memref_slice %arg3[%multiple_of3A_8] : memref<640000xi32, #tpu.memory_space<hbm>> -> memref<80xi32, #tpu.memory_space<hbm>>
    tpu.enqueue_dma source(%dma_start3A_19 : memref<80xi32, #tpu.memory_space<hbm>>) target(%dma_start3A_18 : memref<80xi32, #tpu.memory_space<vmem>>) target_semaphore(%dma_start3A_15 : memref<!tpu.dma_semaphore, #tpu.memory_space<semaphore_mem>>)
    %add3A_20 = arith.constant 320000 : i32
    %add3A_21 = arith.addi %add3A_20, %multiple_of3A_8 : i32
    %dma_start3A_22 = arith.constant 0 : i32
    %dma_start3A_23 = arith.constant 0 : i32
    %dma_start3A_24 = arith.constant 0 : i32
    %dma_start3A_25 = tpu.memref_slice %arg6[%dma_start3A_22, %dma_start3A_24] : memref<6x80xi32, #tpu.memory_space<vmem>> -> memref<1x80xi32, #tpu.memory_space<vmem>>
    %dma_start3A_26 = tpu.memref_squeeze %dma_start3A_25 : memref<1x80xi32, #tpu.memory_space<vmem>> -> memref<80xi32, #tpu.memory_space<vmem>>
    %dma_start3A_27 = tpu.memref_slice %arg3[%add3A_21] : memref<640000xi32, #tpu.memory_space<hbm>> -> memref<80xi32, #tpu.memory_space<hbm>>
    %dma_start3A_28 = tpu.memref_slice %arg9[%dma_start3A_23] : memref<6x!tpu.dma_semaphore, #tpu.memory_space<semaphore_mem>> -> memref<1x!tpu.dma_semaphore, #tpu.memory_space<semaphore_mem>>
    %dma_start3A_29 = tpu.memref_squeeze %dma_start3A_28 : memref<1x!tpu.dma_semaphore, #tpu.memory_space<semaphore_mem>> -> memref<!tpu.dma_semaphore, #tpu.memory_space<semaphore_mem>>
    %dma_start3A_30 = arith.constant 0 : i32
    %dma_start3A_31 = tpu.memref_slice %arg6[%dma_start3A_22, %dma_start3A_30] : memref<6x80xi32, #tpu.memory_space<vmem>> -> memref<1x80xi32, #tpu.memory_space<vmem>>
    %dma_start3A_32 = tpu.memref_squeeze %dma_start3A_31 : memref<1x80xi32, #tpu.memory_space<vmem>> -> memref<80xi32, #tpu.memory_space<vmem>>
    %dma_start3A_33 = tpu.memref_slice %arg3[%add3A_21] : memref<640000xi32, #tpu.memory_space<hbm>> -> memref<80xi32, #tpu.memory_space<hbm>>
    tpu.enqueue_dma source(%dma_start3A_33 : memref<80xi32, #tpu.memory_space<hbm>>) target(%dma_start3A_32 : memref<80xi32, #tpu.memory_space<vmem>>) target_semaphore(%dma_start3A_29 : memref<!tpu.dma_semaphore, #tpu.memory_space<semaphore_mem>>)
    %add3A_34 = arith.constant 80 : i32
    %add3A_35 = arith.addi %mul3A_5, %add3A_34 : i32
    %multiple_of3A_36 = tpu.assume_multiple %add3A_35, 8 : i32
    %dma_start3A_37 = arith.constant 1 : i32
    %dma_start3A_38 = arith.constant 1 : i32
    %dma_start3A_39 = arith.constant 0 : i32
    %dma_start3A_40 = tpu.memref_slice %arg5[%dma_start3A_37, %dma_start3A_39] : memref<6x80xi32, #tpu.memory_space<vmem>> -> memref<1x80xi32, #tpu.memory_space<vmem>>
    %dma_start3A_41 = tpu.memref_squeeze %dma_start3A_40 : memref<1x80xi32, #tpu.memory_space<vmem>> -> memref<80xi32, #tpu.memory_space<vmem>>
    %dma_start3A_42 = tpu.memref_slice %arg3[%multiple_of3A_36] : memref<640000xi32, #tpu.memory_space<hbm>> -> memref<80xi32, #tpu.memory_space<hbm>>
    %dma_start3A_43 = tpu.memref_slice %arg9[%dma_start3A_38] : memref<6x!tpu.dma_semaphore, #tpu.memory_space<semaphore_mem>> -> memref<1x!tpu.dma_semaphore, #tpu.memory_space<semaphore_mem>>
    %dma_start3A_44 = tpu.memref_squeeze %dma_start3A_43 : memref<1x!tpu.dma_semaphore, #tpu.memory_space<semaphore_mem>> -> memref<!tpu.dma_semaphore, #tpu.memory_space<semaphore_mem>>
    %dma_start3A_45 = arith.constant 0 : i32
    %dma_start3A_46 = tpu.memref_slice %arg5[%dma_start3A_37, %dma_start3A_45] : memref<6x80xi32, #tpu.memory_space<vmem>> -> memref<1x80xi32, #tpu.memory_space<vmem>>
    %dma_start3A_47 = tpu.memref_squeeze %dma_start3A_46 : memref<1x80xi32, #tpu.memory_space<vmem>> -> memref<80xi32, #tpu.memory_space<vmem>>
    %dma_start3A_48 = tpu.memref_slice %arg3[%multiple_of3A_36] : memref<640000xi32, #tpu.memory_space<hbm>> -> memref<80xi32, #tpu.memory_space<hbm>>
    tpu.enqueue_dma source(%dma_start3A_48 : memref<80xi32, #tpu.memory_space<hbm>>) target(%dma_start3A_47 : memref<80xi32, #tpu.memory_space<vmem>>) target_semaphore(%dma_start3A_44 : memref<!tpu.dma_semaphore, #tpu.memory_space<semaphore_mem>>)
    %add3A_49 = arith.constant 320000 : i32
    %add3A_50 = arith.addi %add3A_49, %multiple_of3A_36 : i32
    %dma_start3A_51 = arith.constant 1 : i32
    %dma_start3A_52 = arith.constant 1 : i32
    %dma_start3A_53 = arith.constant 0 : i32
    %dma_start3A_54 = tpu.memref_slice %arg6[%dma_start3A_51, %dma_start3A_53] : memref<6x80xi32, #tpu.memory_space<vmem>> -> memref<1x80xi32, #tpu.memory_space<vmem>>
    %dma_start3A_55 = tpu.memref_squeeze %dma_start3A_54 : memref<1x80xi32, #tpu.memory_space<vmem>> -> memref<80xi32, #tpu.memory_space<vmem>>
    %dma_start3A_56 = tpu.memref_slice %arg3[%add3A_50] : memref<640000xi32, #tpu.memory_space<hbm>> -> memref<80xi32, #tpu.memory_space<hbm>>
    %dma_start3A_57 = tpu.memref_slice %arg9[%dma_start3A_52] : memref<6x!tpu.dma_semaphore, #tpu.memory_space<semaphore_mem>> -> memref<1x!tpu.dma_semaphore, #tpu.memory_space<semaphore_mem>>
    %dma_start3A_58 = tpu.memref_squeeze %dma_start3A_57 : memref<1x!tpu.dma_semaphore, #tpu.memory_space<semaphore_mem>> -> memref<!tpu.dma_semaphore, #tpu.memory_space<semaphore_mem>>
    %dma_start3A_59 = arith.constant 0 : i32
    %dma_start3A_60 = tpu.memref_slice %arg6[%dma_start3A_51, %dma_start3A_59] : memref<6x80xi32, #tpu.memory_space<vmem>> -> memref<1x80xi32, #tpu.memory_space<vmem>>
    %dma_start3A_61 = tpu.memref_squeeze %dma_start3A_60 : memref<1x80xi32, #tpu.memory_space<vmem>> -> memref<80xi32, #tpu.memory_space<vmem>>
    %dma_start3A_62 = tpu.memref_slice %arg3[%add3A_50] : memref<640000xi32, #tpu.memory_space<hbm>> -> memref<80xi32, #tpu.memory_space<hbm>>
    tpu.enqueue_dma source(%dma_start3A_62 : memref<80xi32, #tpu.memory_space<hbm>>) target(%dma_start3A_61 : memref<80xi32, #tpu.memory_space<vmem>>) target_semaphore(%dma_start3A_58 : memref<!tpu.dma_semaphore, #tpu.memory_space<semaphore_mem>>)
    %add3A_63 = arith.constant 160 : i32
    %add3A_64 = arith.addi %mul3A_5, %add3A_63 : i32
    %multiple_of3A_65 = tpu.assume_multiple %add3A_64, 8 : i32
    %dma_start3A_66 = arith.constant 2 : i32
    %dma_start3A_67 = arith.constant 2 : i32
    %dma_start3A_68 = arith.constant 0 : i32
    %dma_start3A_69 = tpu.memref_slice %arg5[%dma_start3A_66, %dma_start3A_68] : memref<6x80xi32, #tpu.memory_space<vmem>> -> memref<1x80xi32, #tpu.memory_space<vmem>>
    %dma_start3A_70 = tpu.memref_squeeze %dma_start3A_69 : memref<1x80xi32, #tpu.memory_space<vmem>> -> memref<80xi32, #tpu.memory_space<vmem>>
    %dma_start3A_71 = tpu.memref_slice %arg3[%multiple_of3A_65] : memref<640000xi32, #tpu.memory_space<hbm>> -> memref<80xi32, #tpu.memory_space<hbm>>
    %dma_start3A_72 = tpu.memref_slice %arg9[%dma_start3A_67] : memref<6x!tpu.dma_semaphore, #tpu.memory_space<semaphore_mem>> -> memref<1x!tpu.dma_semaphore, #tpu.memory_space<semaphore_mem>>
    %dma_start3A_73 = tpu.memref_squeeze %dma_start3A_72 : memref<1x!tpu.dma_semaphore, #tpu.memory_space<semaphore_mem>> -> memref<!tpu.dma_semaphore, #tpu.memory_space<semaphore_mem>>
    %dma_start3A_74 = arith.constant 0 : i32
    %dma_start3A_75 = tpu.memref_slice %arg5[%dma_start3A_66, %dma_start3A_74] : memref<6x80xi32, #tpu.memory_space<vmem>> -> memref<1x80xi32, #tpu.memory_space<vmem>>
    %dma_start3A_76 = tpu.memref_squeeze %dma_start3A_75 : memref<1x80xi32, #tpu.memory_space<vmem>> -> memref<80xi32, #tpu.memory_space<vmem>>
    %dma_start3A_77 = tpu.memref_slice %arg3[%multiple_of3A_65] : memref<640000xi32, #tpu.memory_space<hbm>> -> memref<80xi32, #tpu.memory_space<hbm>>
    tpu.enqueue_dma source(%dma_start3A_77 : memref<80xi32, #tpu.memory_space<hbm>>) target(%dma_start3A_76 : memref<80xi32, #tpu.memory_space<vmem>>) target_semaphore(%dma_start3A_73 : memref<!tpu.dma_semaphore, #tpu.memory_space<semaphore_mem>>)
    %add3A_78 = arith.constant 320000 : i32
    %add3A_79 = arith.addi %add3A_78, %multiple_of3A_65 : i32
    %dma_start3A_80 = arith.constant 2 : i32
    %dma_start3A_81 = arith.constant 2 : i32
    %dma_start3A_82 = arith.constant 0 : i32
    %dma_start3A_83 = tpu.memref_slice %arg6[%dma_start3A_80, %dma_start3A_82] : memref<6x80xi32, #tpu.memory_space<vmem>> -> memref<1x80xi32, #tpu.memory_space<vmem>>
    %dma_start3A_84 = tpu.memref_squeeze %dma_start3A_83 : memref<1x80xi32, #tpu.memory_space<vmem>> -> memref<80xi32, #tpu.memory_space<vmem>>
    %dma_start3A_85 = tpu.memref_slice %arg3[%add3A_79] : memref<640000xi32, #tpu.memory_space<hbm>> -> memref<80xi32, #tpu.memory_space<hbm>>
    %dma_start3A_86 = tpu.memref_slice %arg9[%dma_start3A_81] : memref<6x!tpu.dma_semaphore, #tpu.memory_space<semaphore_mem>> -> memref<1x!tpu.dma_semaphore, #tpu.memory_space<semaphore_mem>>
    %dma_start3A_87 = tpu.memref_squeeze %dma_start3A_86 : memref<1x!tpu.dma_semaphore, #tpu.memory_space<semaphore_mem>> -> memref<!tpu.dma_semaphore, #tpu.memory_space<semaphore_mem>>
    %dma_start3A_88 = arith.constant 0 : i32
    %dma_start3A_89 = tpu.memref_slice %arg6[%dma_start3A_80, %dma_start3A_88] : memref<6x80xi32, #tpu.memory_space<vmem>> -> memref<1x80xi32, #tpu.memory_space<vmem>>
    %dma_start3A_90 = tpu.memref_squeeze %dma_start3A_89 : memref<1x80xi32, #tpu.memory_space<vmem>> -> memref<80xi32, #tpu.memory_space<vmem>>
    %dma_start3A_91 = tpu.memref_slice %arg3[%add3A_79] : memref<640000xi32, #tpu.memory_space<hbm>> -> memref<80xi32, #tpu.memory_space<hbm>>
    tpu.enqueue_dma source(%dma_start3A_91 : memref<80xi32, #tpu.memory_space<hbm>>) target(%dma_start3A_90 : memref<80xi32, #tpu.memory_space<vmem>>) target_semaphore(%dma_start3A_87 : memref<!tpu.dma_semaphore, #tpu.memory_space<semaphore_mem>>)
    %add3A_92 = arith.constant 240 : i32
    %add3A_93 = arith.addi %mul3A_5, %add3A_92 : i32
    %multiple_of3A_94 = tpu.assume_multiple %add3A_93, 8 : i32
    %dma_start3A_95 = arith.constant 3 : i32
    %dma_start3A_96 = arith.constant 3 : i32
    %dma_start3A_97 = arith.constant 0 : i32
    %dma_start3A_98 = tpu.memref_slice %arg5[%dma_start3A_95, %dma_start3A_97] : memref<6x80xi32, #tpu.memory_space<vmem>> -> memref<1x80xi32, #tpu.memory_space<vmem>>
    %dma_start3A_99 = tpu.memref_squeeze %dma_start3A_98 : memref<1x80xi32, #tpu.memory_space<vmem>> -> memref<80xi32, #tpu.memory_space<vmem>>
    %dma_start3A_100 = tpu.memref_slice %arg3[%multiple_of3A_94] : memref<640000xi32, #tpu.memory_space<hbm>> -> memref<80xi32, #tpu.memory_space<hbm>>
    %dma_start3A_101 = tpu.memref_slice %arg9[%dma_start3A_96] : memref<6x!tpu.dma_semaphore, #tpu.memory_space<semaphore_mem>> -> memref<1x!tpu.dma_semaphore, #tpu.memory_space<semaphore_mem>>
    %dma_start3A_102 = tpu.memref_squeeze %dma_start3A_101 : memref<1x!tpu.dma_semaphore, #tpu.memory_space<semaphore_mem>> -> memref<!tpu.dma_semaphore, #tpu.memory_space<semaphore_mem>>
    %dma_start3A_103 = arith.constant 0 : i32
    %dma_start3A_104 = tpu.memref_slice %arg5[%dma_start3A_95, %dma_start3A_103] : memref<6x80xi32, #tpu.memory_space<vmem>> -> memref<1x80xi32, #tpu.memory_space<vmem>>
    %dma_start3A_105 = tpu.memref_squeeze %dma_start3A_104 : memref<1x80xi32, #tpu.memory_space<vmem>> -> memref<80xi32, #tpu.memory_space<vmem>>
    %dma_start3A_106 = tpu.memref_slice %arg3[%multiple_of3A_94] : memref<640000xi32, #tpu.memory_space<hbm>> -> memref<80xi32, #tpu.memory_space<hbm>>
    tpu.enqueue_dma source(%dma_start3A_106 : memref<80xi32, #tpu.memory_space<hbm>>) target(%dma_start3A_105 : memref<80xi32, #tpu.memory_space<vmem>>) target_semaphore(%dma_start3A_102 : memref<!tpu.dma_semaphore, #tpu.memory_space<semaphore_mem>>)
    %add3A_107 = arith.constant 320000 : i32
    %add3A_108 = arith.addi %add3A_107, %multiple_of3A_94 : i32
    %dma_start3A_109 = arith.constant 3 : i32
    %dma_start3A_110 = arith.constant 3 : i32
    %dma_start3A_111 = arith.constant 0 : i32
    %dma_start3A_112 = tpu.memref_slice %arg6[%dma_start3A_109, %dma_start3A_111] : memref<6x80xi32, #tpu.memory_space<vmem>> -> memref<1x80xi32, #tpu.memory_space<vmem>>
    %dma_start3A_113 = tpu.memref_squeeze %dma_start3A_112 : memref<1x80xi32, #tpu.memory_space<vmem>> -> memref<80xi32, #tpu.memory_space<vmem>>
    %dma_start3A_114 = tpu.memref_slice %arg3[%add3A_108] : memref<640000xi32, #tpu.memory_space<hbm>> -> memref<80xi32, #tpu.memory_space<hbm>>
    %dma_start3A_115 = tpu.memref_slice %arg9[%dma_start3A_110] : memref<6x!tpu.dma_semaphore, #tpu.memory_space<semaphore_mem>> -> memref<1x!tpu.dma_semaphore, #tpu.memory_space<semaphore_mem>>
    %dma_start3A_116 = tpu.memref_squeeze %dma_start3A_115 : memref<1x!tpu.dma_semaphore, #tpu.memory_space<semaphore_mem>> -> memref<!tpu.dma_semaphore, #tpu.memory_space<semaphore_mem>>
    %dma_start3A_117 = arith.constant 0 : i32
    %dma_start3A_118 = tpu.memref_slice %arg6[%dma_start3A_109, %dma_start3A_117] : memref<6x80xi32, #tpu.memory_space<vmem>> -> memref<1x80xi32, #tpu.memory_space<vmem>>
    %dma_start3A_119 = tpu.memref_squeeze %dma_start3A_118 : memref<1x80xi32, #tpu.memory_space<vmem>> -> memref<80xi32, #tpu.memory_space<vmem>>
    %dma_start3A_120 = tpu.memref_slice %arg3[%add3A_108] : memref<640000xi32, #tpu.memory_space<hbm>> -> memref<80xi32, #tpu.memory_space<hbm>>
    tpu.enqueue_dma source(%dma_start3A_120 : memref<80xi32, #tpu.memory_space<hbm>>) target(%dma_start3A_119 : memref<80xi32, #tpu.memory_space<vmem>>) target_semaphore(%dma_start3A_116 : memref<!tpu.dma_semaphore, #tpu.memory_space<semaphore_mem>>)
    %add3A_121 = arith.constant 320 : i32
    %add3A_122 = arith.addi %mul3A_5, %add3A_121 : i32
    %multiple_of3A_123 = tpu.assume_multiple %add3A_122, 8 : i32
    %dma_start3A_124 = arith.constant 4 : i32
    %dma_start3A_125 = arith.constant 4 : i32
    %dma_start3A_126 = arith.constant 0 : i32
    %dma_start3A_127 = tpu.memref_slice %arg5[%dma_start3A_124, %dma_start3A_126] : memref<6x80xi32, #tpu.memory_space<vmem>> -> memref<1x80xi32, #tpu.memory_space<vmem>>
    %dma_start3A_128 = tpu.memref_squeeze %dma_start3A_127 : memref<1x80xi32, #tpu.memory_space<vmem>> -> memref<80xi32, #tpu.memory_space<vmem>>
    %dma_start3A_129 = tpu.memref_slice %arg3[%multiple_of3A_123] : memref<640000xi32, #tpu.memory_space<hbm>> -> memref<80xi32, #tpu.memory_space<hbm>>
    %dma_start3A_130 = tpu.memref_slice %arg9[%dma_start3A_125] : memref<6x!tpu.dma_semaphore, #tpu.memory_space<semaphore_mem>> -> memref<1x!tpu.dma_semaphore, #tpu.memory_space<semaphore_mem>>
    %dma_start3A_131 = tpu.memref_squeeze %dma_start3A_130 : memref<1x!tpu.dma_semaphore, #tpu.memory_space<semaphore_mem>> -> memref<!tpu.dma_semaphore, #tpu.memory_space<semaphore_mem>>
    %dma_start3A_132 = arith.constant 0 : i32
    %dma_start3A_133 = tpu.memref_slice %arg5[%dma_start3A_124, %dma_start3A_132] : memref<6x80xi32, #tpu.memory_space<vmem>> -> memref<1x80xi32, #tpu.memory_space<vmem>>
    %dma_start3A_134 = tpu.memref_squeeze %dma_start3A_133 : memref<1x80xi32, #tpu.memory_space<vmem>> -> memref<80xi32, #tpu.memory_space<vmem>>
    %dma_start3A_135 = tpu.memref_slice %arg3[%multiple_of3A_123] : memref<640000xi32, #tpu.memory_space<hbm>> -> memref<80xi32, #tpu.memory_space<hbm>>
    tpu.enqueue_dma source(%dma_start3A_135 : memref<80xi32, #tpu.memory_space<hbm>>) target(%dma_start3A_134 : memref<80xi32, #tpu.memory_space<vmem>>) target_semaphore(%dma_start3A_131 : memref<!tpu.dma_semaphore, #tpu.memory_space<semaphore_mem>>)
    %add3A_136 = arith.constant 320000 : i32
    %add3A_137 = arith.addi %add3A_136, %multiple_of3A_123 : i32
    %dma_start3A_138 = arith.constant 4 : i32
    %dma_start3A_139 = arith.constant 4 : i32
    %dma_start3A_140 = arith.constant 0 : i32
    %dma_start3A_141 = tpu.memref_slice %arg6[%dma_start3A_138, %dma_start3A_140] : memref<6x80xi32, #tpu.memory_space<vmem>> -> memref<1x80xi32, #tpu.memory_space<vmem>>
    %dma_start3A_142 = tpu.memref_squeeze %dma_start3A_141 : memref<1x80xi32, #tpu.memory_space<vmem>> -> memref<80xi32, #tpu.memory_space<vmem>>
    %dma_start3A_143 = tpu.memref_slice %arg3[%add3A_137] : memref<640000xi32, #tpu.memory_space<hbm>> -> memref<80xi32, #tpu.memory_space<hbm>>
    %dma_start3A_144 = tpu.memref_slice %arg9[%dma_start3A_139] : memref<6x!tpu.dma_semaphore, #tpu.memory_space<semaphore_mem>> -> memref<1x!tpu.dma_semaphore, #tpu.memory_space<semaphore_mem>>
    %dma_start3A_145 = tpu.memref_squeeze %dma_start3A_144 : memref<1x!tpu.dma_semaphore, #tpu.memory_space<semaphore_mem>> -> memref<!tpu.dma_semaphore, #tpu.memory_space<semaphore_mem>>
    %dma_start3A_146 = arith.constant 0 : i32
    %dma_start3A_147 = tpu.memref_slice %arg6[%dma_start3A_138, %dma_start3A_146] : memref<6x80xi32, #tpu.memory_space<vmem>> -> memref<1x80xi32, #tpu.memory_space<vmem>>
    %dma_start3A_148 = tpu.memref_squeeze %dma_start3A_147 : memref<1x80xi32, #tpu.memory_space<vmem>> -> memref<80xi32, #tpu.memory_space<vmem>>
    %dma_start3A_149 = tpu.memref_slice %arg3[%add3A_137] : memref<640000xi32, #tpu.memory_space<hbm>> -> memref<80xi32, #tpu.memory_space<hbm>>
    tpu.enqueue_dma source(%dma_start3A_149 : memref<80xi32, #tpu.memory_space<hbm>>) target(%dma_start3A_148 : memref<80xi32, #tpu.memory_space<vmem>>) target_semaphore(%dma_start3A_145 : memref<!tpu.dma_semaphore, #tpu.memory_space<semaphore_mem>>)
    %add3A_150 = arith.constant 400 : i32
    %add3A_151 = arith.addi %mul3A_5, %add3A_150 : i32
    %multiple_of3A_152 = tpu.assume_multiple %add3A_151, 8 : i32
    %dma_start3A_153 = arith.constant 5 : i32
    %dma_start3A_154 = arith.constant 5 : i32
    %dma_start3A_155 = arith.constant 0 : i32
    %dma_start3A_156 = tpu.memref_slice %arg5[%dma_start3A_153, %dma_start3A_155] : memref<6x80xi32, #tpu.memory_space<vmem>> -> memref<1x80xi32, #tpu.memory_space<vmem>>
    %dma_start3A_157 = tpu.memref_squeeze %dma_start3A_156 : memref<1x80xi32, #tpu.memory_space<vmem>> -> memref<80xi32, #tpu.memory_space<vmem>>
    %dma_start3A_158 = tpu.memref_slice %arg3[%multiple_of3A_152] : memref<640000xi32, #tpu.memory_space<hbm>> -> memref<80xi32, #tpu.memory_space<hbm>>
    %dma_start3A_159 = tpu.memref_slice %arg9[%dma_start3A_154] : memref<6x!tpu.dma_semaphore, #tpu.memory_space<semaphore_mem>> -> memref<1x!tpu.dma_semaphore, #tpu.memory_space<semaphore_mem>>
    %dma_start3A_160 = tpu.memref_squeeze %dma_start3A_159 : memref<1x!tpu.dma_semaphore, #tpu.memory_space<semaphore_mem>> -> memref<!tpu.dma_semaphore, #tpu.memory_space<semaphore_mem>>
    %dma_start3A_161 = arith.constant 0 : i32
    %dma_start3A_162 = tpu.memref_slice %arg5[%dma_start3A_153, %dma_start3A_161] : memref<6x80xi32, #tpu.memory_space<vmem>> -> memref<1x80xi32, #tpu.memory_space<vmem>>
    %dma_start3A_163 = tpu.memref_squeeze %dma_start3A_162 : memref<1x80xi32, #tpu.memory_space<vmem>> -> memref<80xi32, #tpu.memory_space<vmem>>
    %dma_start3A_164 = tpu.memref_slice %arg3[%multiple_of3A_152] : memref<640000xi32, #tpu.memory_space<hbm>> -> memref<80xi32, #tpu.memory_space<hbm>>
    tpu.enqueue_dma source(%dma_start3A_164 : memref<80xi32, #tpu.memory_space<hbm>>) target(%dma_start3A_163 : memref<80xi32, #tpu.memory_space<vmem>>) target_semaphore(%dma_start3A_160 : memref<!tpu.dma_semaphore, #tpu.memory_space<semaphore_mem>>)
    %add3A_165 = arith.constant 320000 : i32
    %add3A_166 = arith.addi %add3A_165, %multiple_of3A_152 : i32
    %dma_start3A_167 = arith.constant 5 : i32
    %dma_start3A_168 = arith.constant 5 : i32
    %dma_start3A_169 = arith.constant 0 : i32
    %dma_start3A_170 = tpu.memref_slice %arg6[%dma_start3A_167, %dma_start3A_169] : memref<6x80xi32, #tpu.memory_space<vmem>> -> memref<1x80xi32, #tpu.memory_space<vmem>>
    %dma_start3A_171 = tpu.memref_squeeze %dma_start3A_170 : memref<1x80xi32, #tpu.memory_space<vmem>> -> memref<80xi32, #tpu.memory_space<vmem>>
    %dma_start3A_172 = tpu.memref_slice %arg3[%add3A_166] : memref<640000xi32, #tpu.memory_space<hbm>> -> memref<80xi32, #tpu.memory_space<hbm>>
    %dma_start3A_173 = tpu.memref_slice %arg9[%dma_start3A_168] : memref<6x!tpu.dma_semaphore, #tpu.memory_space<semaphore_mem>> -> memref<1x!tpu.dma_semaphore, #tpu.memory_space<semaphore_mem>>
    %dma_start3A_174 = tpu.memref_squeeze %dma_start3A_173 : memref<1x!tpu.dma_semaphore, #tpu.memory_space<semaphore_mem>> -> memref<!tpu.dma_semaphore, #tpu.memory_space<semaphore_mem>>
    %dma_start3A_175 = arith.constant 0 : i32
    %dma_start3A_176 = tpu.memref_slice %arg6[%dma_start3A_167, %dma_start3A_175] : memref<6x80xi32, #tpu.memory_space<vmem>> -> memref<1x80xi32, #tpu.memory_space<vmem>>
    %dma_start3A_177 = tpu.memref_squeeze %dma_start3A_176 : memref<1x80xi32, #tpu.memory_space<vmem>> -> memref<80xi32, #tpu.memory_space<vmem>>
    %dma_start3A_178 = tpu.memref_slice %arg3[%add3A_166] : memref<640000xi32, #tpu.memory_space<hbm>> -> memref<80xi32, #tpu.memory_space<hbm>>
    tpu.enqueue_dma source(%dma_start3A_178 : memref<80xi32, #tpu.memory_space<hbm>>) target(%dma_start3A_177 : memref<80xi32, #tpu.memory_space<vmem>>) target_semaphore(%dma_start3A_174 : memref<!tpu.dma_semaphore, #tpu.memory_space<semaphore_mem>>)
    %scan3A = arith.constant 0 : i32
    %scan3A_179 = arith.constant 3 : i32
    %scan3A_180 = arith.constant 0 : i32
    %scan3A_181 = arith.constant 80 : i32
    %scan3A_182 = arith.addi %scan3A_180, %scan3A_181 : i32
    %scan3A_183 = arith.constant 1 : i32
    scf.for %scan3A_563 = %scan3A_180 to %scan3A_182 step %scan3A_183  : i32 {
      %broadcast_in_dim3A = arith.constant 0.000000e+00 : f32
      %broadcast_in_dim3A_564 = vector.broadcast %broadcast_in_dim3A : f32 to vector<16xf32>
      %swap3A = arith.constant 0 : i32
      %swap3A_565 = arith.constant 0 : i32
      %swap3A_566 = tpu.memref_slice %arg7[%scan3A_179, %swap3A, %swap3A_565] : memref<4x80x128xf32, #tpu.memory_space<vmem>> -> memref<1x80x128xf32, #tpu.memory_space<vmem>>
      %swap3A_567 = tpu.memref_squeeze %swap3A_566 : memref<1x80x128xf32, #tpu.memory_space<vmem>> -> memref<80x128xf32, #tpu.memory_space<vmem>>
      %swap3A_568 = arith.index_cast %scan3A_563 : i32 to index
      %swap3A_569 = arith.constant 0 : index
      %swap3A_570 = tpu.vector_load %swap3A_567[%swap3A_568, %swap3A_569] {strides = array<i32>} : memref<80x128xf32, #tpu.memory_space<vmem>>, vector<1x16xf32>,
      %swap3A_571 = vector.shape_cast %swap3A_570 : vector<1x16xf32> to vector<16xf32>
      %swap3A_572 = vector.shape_cast %broadcast_in_dim3A_564 : vector<16xf32> to vector<1x16xf32>
      tpu.vector_store %swap3A_567[%swap3A_568, %swap3A_569], %swap3A_572 {strides = array<i32>} : memref<80x128xf32, #tpu.memory_space<vmem>>, vector<1x16xf32>,
      %broadcast_in_dim3A_573 = arith.constant 0.000000e+00 : f32
      %broadcast_in_dim3A_574 = vector.broadcast %broadcast_in_dim3A_573 : f32 to vector<16xf32>
      %swap3A_575 = arith.constant 0 : i32
      %swap3A_576 = arith.constant 0 : i32
      %swap3A_577 = tpu.memref_slice %arg7[%scan3A_179, %swap3A_575, %swap3A_576] : memref<4x80x128xf32, #tpu.memory_space<vmem>> -> memref<1x80x128xf32, #tpu.memory_space<vmem>>
      %swap3A_578 = tpu.memref_squeeze %swap3A_577 : memref<1x80x128xf32, #tpu.memory_space<vmem>> -> memref<80x128xf32, #tpu.memory_space<vmem>>
      %swap3A_579 = arith.index_cast %scan3A_563 : i32 to index
      %swap3A_580 = arith.constant 16 : index
      %swap3A_581 = tpu.vector_load %swap3A_578[%swap3A_579, %swap3A_580] {strides = array<i32>} : memref<80x128xf32, #tpu.memory_space<vmem>>, vector<1x16xf32>,
      %swap3A_582 = vector.shape_cast %swap3A_581 : vector<1x16xf32> to vector<16xf32>
      %swap3A_583 = vector.shape_cast %broadcast_in_dim3A_574 : vector<16xf32> to vector<1x16xf32>
      tpu.vector_store %swap3A_578[%swap3A_579, %swap3A_580], %swap3A_583 {strides = array<i32>} : memref<80x128xf32, #tpu.memory_space<vmem>>, vector<1x16xf32>,
      %broadcast_in_dim3A_584 = arith.constant 0.000000e+00 : f32
      %broadcast_in_dim3A_585 = vector.broadcast %broadcast_in_dim3A_584 : f32 to vector<16xf32>
      %swap3A_586 = arith.constant 0 : i32
      %swap3A_587 = arith.constant 0 : i32
      %swap3A_588 = tpu.memref_slice %arg7[%scan3A_179, %swap3A_586, %swap3A_587] : memref<4x80x128xf32, #tpu.memory_space<vmem>> -> memref<1x80x128xf32, #tpu.memory_space<vmem>>
      %swap3A_589 = tpu.memref_squeeze %swap3A_588 : memref<1x80x128xf32, #tpu.memory_space<vmem>> -> memref<80x128xf32, #tpu.memory_space<vmem>>
      %swap3A_590 = arith.index_cast %scan3A_563 : i32 to index
      %swap3A_591 = arith.constant 32 : index
      %swap3A_592 = tpu.vector_load %swap3A_589[%swap3A_590, %swap3A_591] {strides = array<i32>} : memref<80x128xf32, #tpu.memory_space<vmem>>, vector<1x16xf32>,
      %swap3A_593 = vector.shape_cast %swap3A_592 : vector<1x16xf32> to vector<16xf32>
      %swap3A_594 = vector.shape_cast %broadcast_in_dim3A_585 : vector<16xf32> to vector<1x16xf32>
      tpu.vector_store %swap3A_589[%swap3A_590, %swap3A_591], %swap3A_594 {strides = array<i32>} : memref<80x128xf32, #tpu.memory_space<vmem>>, vector<1x16xf32>,
      %broadcast_in_dim3A_595 = arith.constant 0.000000e+00 : f32
      %broadcast_in_dim3A_596 = vector.broadcast %broadcast_in_dim3A_595 : f32 to vector<16xf32>
      %swap3A_597 = arith.constant 0 : i32
      %swap3A_598 = arith.constant 0 : i32
      %swap3A_599 = tpu.memref_slice %arg7[%scan3A_179, %swap3A_597, %swap3A_598] : memref<4x80x128xf32, #tpu.memory_space<vmem>> -> memref<1x80x128xf32, #tpu.memory_space<vmem>>
      %swap3A_600 = tpu.memref_squeeze %swap3A_599 : memref<1x80x128xf32, #tpu.memory_space<vmem>> -> memref<80x128xf32, #tpu.memory_space<vmem>>
      %swap3A_601 = arith.index_cast %scan3A_563 : i32 to index
      %swap3A_602 = arith.constant 48 : index
      %swap3A_603 = tpu.vector_load %swap3A_600[%swap3A_601, %swap3A_602] {strides = array<i32>} : memref<80x128xf32, #tpu.memory_space<vmem>>, vector<1x16xf32>,
      %swap3A_604 = vector.shape_cast %swap3A_603 : vector<1x16xf32> to vector<16xf32>
      %swap3A_605 = vector.shape_cast %broadcast_in_dim3A_596 : vector<16xf32> to vector<1x16xf32>
      tpu.vector_store %swap3A_600[%swap3A_601, %swap3A_602], %swap3A_605 {strides = array<i32>} : memref<80x128xf32, #tpu.memory_space<vmem>>, vector<1x16xf32>,
      %broadcast_in_dim3A_606 = arith.constant 0.000000e+00 : f32
      %broadcast_in_dim3A_607 = vector.broadcast %broadcast_in_dim3A_606 : f32 to vector<16xf32>
      %swap3A_608 = arith.constant 0 : i32
      %swap3A_609 = arith.constant 0 : i32
      %swap3A_610 = tpu.memref_slice %arg7[%scan3A_179, %swap3A_608, %swap3A_609] : memref<4x80x128xf32, #tpu.memory_space<vmem>> -> memref<1x80x128xf32, #tpu.memory_space<vmem>>
      %swap3A_611 = tpu.memref_squeeze %swap3A_610 : memref<1x80x128xf32, #tpu.memory_space<vmem>> -> memref<80x128xf32, #tpu.memory_space<vmem>>
      %swap3A_612 = arith.index_cast %scan3A_563 : i32 to index
      %swap3A_613 = arith.constant 64 : index
      %swap3A_614 = tpu.vector_load %swap3A_611[%swap3A_612, %swap3A_613] {strides = array<i32>} : memref<80x128xf32, #tpu.memory_space<vmem>>, vector<1x16xf32>,
      %swap3A_615 = vector.shape_cast %swap3A_614 : vector<1x16xf32> to vector<16xf32>
      %swap3A_616 = vector.shape_cast %broadcast_in_dim3A_607 : vector<16xf32> to vector<1x16xf32>
      tpu.vector_store %swap3A_611[%swap3A_612, %swap3A_613], %swap3A_616 {strides = array<i32>} : memref<80x128xf32, #tpu.memory_space<vmem>>, vector<1x16xf32>,
      %broadcast_in_dim3A_617 = arith.constant 0.000000e+00 : f32
      %broadcast_in_dim3A_618 = vector.broadcast %broadcast_in_dim3A_617 : f32 to vector<16xf32>
      %swap3A_619 = arith.constant 0 : i32
      %swap3A_620 = arith.constant 0 : i32
      %swap3A_621 = tpu.memref_slice %arg7[%scan3A_179, %swap3A_619, %swap3A_620] : memref<4x80x128xf32, #tpu.memory_space<vmem>> -> memref<1x80x128xf32, #tpu.memory_space<vmem>>
      %swap3A_622 = tpu.memref_squeeze %swap3A_621 : memref<1x80x128xf32, #tpu.memory_space<vmem>> -> memref<80x128xf32, #tpu.memory_space<vmem>>
      %swap3A_623 = arith.index_cast %scan3A_563 : i32 to index
      %swap3A_624 = arith.constant 80 : index
      %swap3A_625 = tpu.vector_load %swap3A_622[%swap3A_623, %swap3A_624] {strides = array<i32>} : memref<80x128xf32, #tpu.memory_space<vmem>>, vector<1x16xf32>,
      %swap3A_626 = vector.shape_cast %swap3A_625 : vector<1x16xf32> to vector<16xf32>
      %swap3A_627 = vector.shape_cast %broadcast_in_dim3A_618 : vector<16xf32> to vector<1x16xf32>
      tpu.vector_store %swap3A_622[%swap3A_623, %swap3A_624], %swap3A_627 {strides = array<i32>} : memref<80x128xf32, #tpu.memory_space<vmem>>, vector<1x16xf32>,
      %broadcast_in_dim3A_628 = arith.constant 0.000000e+00 : f32
      %broadcast_in_dim3A_629 = vector.broadcast %broadcast_in_dim3A_628 : f32 to vector<16xf32>
      %swap3A_630 = arith.constant 0 : i32
      %swap3A_631 = arith.constant 0 : i32
      %swap3A_632 = tpu.memref_slice %arg7[%scan3A_179, %swap3A_630, %swap3A_631] : memref<4x80x128xf32, #tpu.memory_space<vmem>> -> memref<1x80x128xf32, #tpu.memory_space<vmem>>
      %swap3A_633 = tpu.memref_squeeze %swap3A_632 : memref<1x80x128xf32, #tpu.memory_space<vmem>> -> memref<80x128xf32, #tpu.memory_space<vmem>>
      %swap3A_634 = arith.index_cast %scan3A_563 : i32 to index
      %swap3A_635 = arith.constant 96 : index
      %swap3A_636 = tpu.vector_load %swap3A_633[%swap3A_634, %swap3A_635] {strides = array<i32>} : memref<80x128xf32, #tpu.memory_space<vmem>>, vector<1x16xf32>,
      %swap3A_637 = vector.shape_cast %swap3A_636 : vector<1x16xf32> to vector<16xf32>
      %swap3A_638 = vector.shape_cast %broadcast_in_dim3A_629 : vector<16xf32> to vector<1x16xf32>
      tpu.vector_store %swap3A_633[%swap3A_634, %swap3A_635], %swap3A_638 {strides = array<i32>} : memref<80x128xf32, #tpu.memory_space<vmem>>, vector<1x16xf32>,
      %broadcast_in_dim3A_639 = arith.constant 0.000000e+00 : f32
      %broadcast_in_dim3A_640 = vector.broadcast %broadcast_in_dim3A_639 : f32 to vector<16xf32>
      %swap3A_641 = arith.constant 0 : i32
      %swap3A_642 = arith.constant 0 : i32
      %swap3A_643 = tpu.memref_slice %arg7[%scan3A_179, %swap3A_641, %swap3A_642] : memref<4x80x128xf32, #tpu.memory_space<vmem>> -> memref<1x80x128xf32, #tpu.memory_space<vmem>>
      %swap3A_644 = tpu.memref_squeeze %swap3A_643 : memref<1x80x128xf32, #tpu.memory_space<vmem>> -> memref<80x128xf32, #tpu.memory_space<vmem>>
      %swap3A_645 = arith.index_cast %scan3A_563 : i32 to index
      %swap3A_646 = arith.constant 112 : index
      %swap3A_647 = tpu.vector_load %swap3A_644[%swap3A_645, %swap3A_646] {strides = array<i32>} : memref<80x128xf32, #tpu.memory_space<vmem>>, vector<1x16xf32>,
      %swap3A_648 = vector.shape_cast %swap3A_647 : vector<1x16xf32> to vector<16xf32>
      %swap3A_649 = vector.shape_cast %broadcast_in_dim3A_640 : vector<16xf32> to vector<1x16xf32>
      tpu.vector_store %swap3A_644[%swap3A_645, %swap3A_646], %swap3A_649 {strides = array<i32>} : memref<80x128xf32, #tpu.memory_space<vmem>>, vector<1x16xf32>,
    }
    %scan3A_184 = arith.constant 80 : i32
    %add3A_185 = arith.constant 0 : i32
    %add3A_186 = arith.addi %multiple_of3A, %add3A_185 : i32
    %dma_start3A_187 = arith.constant 3 : i32
    %dma_start3A_188 = arith.constant 0 : i32
    %dma_start3A_189 = arith.constant 0 : i32
    %dma_start3A_190 = tpu.memref_slice %arg7[%dma_start3A_187, %dma_start3A_188, %dma_start3A_189] : memref<4x80x128xf32, #tpu.memory_space<vmem>> -> memref<1x80x128xf32, #tpu.memory_space<vmem>>
    %dma_start3A_191 = tpu.memref_squeeze %dma_start3A_190 : memref<1x80x128xf32, #tpu.memory_space<vmem>> -> memref<80x128xf32, #tpu.memory_space<vmem>>
    %dma_start3A_192 = arith.constant 0 : i32
    %dma_start3A_193 = tpu.memref_slice %arg8[%add3A_186, %dma_start3A_192] : memref<10000x128xf32, #tpu.memory_space<vmem_shared>> -> memref<80x128xf32, #tpu.memory_space<vmem_shared>>
    %dma_start3A_194 = arith.constant 0 : i32
    %dma_start3A_195 = tpu.memref_slice %arg8[%add3A_186, %dma_start3A_194] : memref<10000x128xf32, #tpu.memory_space<vmem_shared>> -> memref<80x128xf32, #tpu.memory_space<vmem_shared>>
    %dma_start3A_196 = arith.constant 0 : i32
    %dma_start3A_197 = arith.constant 0 : i32
    %dma_start3A_198 = tpu.memref_slice %arg7[%dma_start3A_187, %dma_start3A_196, %dma_start3A_197] : memref<4x80x128xf32, #tpu.memory_space<vmem>> -> memref<1x80x128xf32, #tpu.memory_space<vmem>>
    %dma_start3A_199 = tpu.memref_squeeze %dma_start3A_198 : memref<1x80x128xf32, #tpu.memory_space<vmem>> -> memref<80x128xf32, #tpu.memory_space<vmem>>
    tpu.enqueue_dma source(%dma_start3A_199 : memref<80x128xf32, #tpu.memory_space<vmem>>) target(%dma_start3A_195 : memref<80x128xf32, #tpu.memory_space<vmem_shared>>) target_semaphore(%arg11 : memref<!tpu.dma_semaphore, #tpu.memory_space<semaphore_mem>>)
    %add3A_200 = arith.constant 80 : i32
    %add3A_201 = arith.addi %multiple_of3A, %add3A_200 : i32
    %dma_start3A_202 = arith.constant 3 : i32
    %dma_start3A_203 = arith.constant 0 : i32
    %dma_start3A_204 = arith.constant 0 : i32
    %dma_start3A_205 = tpu.memref_slice %arg7[%dma_start3A_202, %dma_start3A_203, %dma_start3A_204] : memref<4x80x128xf32, #tpu.memory_space<vmem>> -> memref<1x80x128xf32, #tpu.memory_space<vmem>>
    %dma_start3A_206 = tpu.memref_squeeze %dma_start3A_205 : memref<1x80x128xf32, #tpu.memory_space<vmem>> -> memref<80x128xf32, #tpu.memory_space<vmem>>
    %dma_start3A_207 = arith.constant 0 : i32
    %dma_start3A_208 = tpu.memref_slice %arg8[%add3A_201, %dma_start3A_207] : memref<10000x128xf32, #tpu.memory_space<vmem_shared>> -> memref<80x128xf32, #tpu.memory_space<vmem_shared>>
    %dma_start3A_209 = arith.constant 0 : i32
    %dma_start3A_210 = tpu.memref_slice %arg8[%add3A_201, %dma_start3A_209] : memref<10000x128xf32, #tpu.memory_space<vmem_shared>> -> memref<80x128xf32, #tpu.memory_space<vmem_shared>>
    %dma_start3A_211 = arith.constant 0 : i32
    %dma_start3A_212 = arith.constant 0 : i32
    %dma_start3A_213 = tpu.memref_slice %arg7[%dma_start3A_202, %dma_start3A_211, %dma_start3A_212] : memref<4x80x128xf32, #tpu.memory_space<vmem>> -> memref<1x80x128xf32, #tpu.memory_space<vmem>>
    %dma_start3A_214 = tpu.memref_squeeze %dma_start3A_213 : memref<1x80x128xf32, #tpu.memory_space<vmem>> -> memref<80x128xf32, #tpu.memory_space<vmem>>
    tpu.enqueue_dma source(%dma_start3A_214 : memref<80x128xf32, #tpu.memory_space<vmem>>) target(%dma_start3A_210 : memref<80x128xf32, #tpu.memory_space<vmem_shared>>) target_semaphore(%arg11 : memref<!tpu.dma_semaphore, #tpu.memory_space<semaphore_mem>>)
    %add3A_215 = arith.constant 160 : i32
    %add3A_216 = arith.addi %multiple_of3A, %add3A_215 : i32
    %dma_start3A_217 = arith.constant 3 : i32
    %dma_start3A_218 = arith.constant 0 : i32
    %dma_start3A_219 = arith.constant 0 : i32
    %dma_start3A_220 = tpu.memref_slice %arg7[%dma_start3A_217, %dma_start3A_218, %dma_start3A_219] : memref<4x80x128xf32, #tpu.memory_space<vmem>> -> memref<1x80x128xf32, #tpu.memory_space<vmem>>
    %dma_start3A_221 = tpu.memref_squeeze %dma_start3A_220 : memref<1x80x128xf32, #tpu.memory_space<vmem>> -> memref<80x128xf32, #tpu.memory_space<vmem>>
    %dma_start3A_222 = arith.constant 0 : i32
    %dma_start3A_223 = tpu.memref_slice %arg8[%add3A_216, %dma_start3A_222] : memref<10000x128xf32, #tpu.memory_space<vmem_shared>> -> memref<80x128xf32, #tpu.memory_space<vmem_shared>>
    %dma_start3A_224 = arith.constant 0 : i32
    %dma_start3A_225 = tpu.memref_slice %arg8[%add3A_216, %dma_start3A_224] : memref<10000x128xf32, #tpu.memory_space<vmem_shared>> -> memref<80x128xf32, #tpu.memory_space<vmem_shared>>
    %dma_start3A_226 = arith.constant 0 : i32
    %dma_start3A_227 = arith.constant 0 : i32
    %dma_start3A_228 = tpu.memref_slice %arg7[%dma_start3A_217, %dma_start3A_226, %dma_start3A_227] : memref<4x80x128xf32, #tpu.memory_space<vmem>> -> memref<1x80x128xf32, #tpu.memory_space<vmem>>
    %dma_start3A_229 = tpu.memref_squeeze %dma_start3A_228 : memref<1x80x128xf32, #tpu.memory_space<vmem>> -> memref<80x128xf32, #tpu.memory_space<vmem>>
    tpu.enqueue_dma source(%dma_start3A_229 : memref<80x128xf32, #tpu.memory_space<vmem>>) target(%dma_start3A_225 : memref<80x128xf32, #tpu.memory_space<vmem_shared>>) target_semaphore(%arg11 : memref<!tpu.dma_semaphore, #tpu.memory_space<semaphore_mem>>)
    %add3A_230 = arith.constant 240 : i32
    %add3A_231 = arith.addi %multiple_of3A, %add3A_230 : i32
    %dma_start3A_232 = arith.constant 3 : i32
    %dma_start3A_233 = arith.constant 0 : i32
    %dma_start3A_234 = arith.constant 0 : i32
    %dma_start3A_235 = tpu.memref_slice %arg7[%dma_start3A_232, %dma_start3A_233, %dma_start3A_234] : memref<4x80x128xf32, #tpu.memory_space<vmem>> -> memref<1x80x128xf32, #tpu.memory_space<vmem>>
    %dma_start3A_236 = tpu.memref_squeeze %dma_start3A_235 : memref<1x80x128xf32, #tpu.memory_space<vmem>> -> memref<80x128xf32, #tpu.memory_space<vmem>>
    %dma_start3A_237 = arith.constant 0 : i32
    %dma_start3A_238 = tpu.memref_slice %arg8[%add3A_231, %dma_start3A_237] : memref<10000x128xf32, #tpu.memory_space<vmem_shared>> -> memref<80x128xf32, #tpu.memory_space<vmem_shared>>
    %dma_start3A_239 = arith.constant 0 : i32
    %dma_start3A_240 = tpu.memref_slice %arg8[%add3A_231, %dma_start3A_239] : memref<10000x128xf32, #tpu.memory_space<vmem_shared>> -> memref<80x128xf32, #tpu.memory_space<vmem_shared>>
    %dma_start3A_241 = arith.constant 0 : i32
    %dma_start3A_242 = arith.constant 0 : i32
    %dma_start3A_243 = tpu.memref_slice %arg7[%dma_start3A_232, %dma_start3A_241, %dma_start3A_242] : memref<4x80x128xf32, #tpu.memory_space<vmem>> -> memref<1x80x128xf32, #tpu.memory_space<vmem>>
    %dma_start3A_244 = tpu.memref_squeeze %dma_start3A_243 : memref<1x80x128xf32, #tpu.memory_space<vmem>> -> memref<80x128xf32, #tpu.memory_space<vmem>>
    tpu.enqueue_dma source(%dma_start3A_244 : memref<80x128xf32, #tpu.memory_space<vmem>>) target(%dma_start3A_240 : memref<80x128xf32, #tpu.memory_space<vmem_shared>>) target_semaphore(%arg11 : memref<!tpu.dma_semaphore, #tpu.memory_space<semaphore_mem>>)
    %add3A_245 = arith.constant 320 : i32
    %add3A_246 = arith.addi %multiple_of3A, %add3A_245 : i32
    %dma_start3A_247 = arith.constant 3 : i32
    %dma_start3A_248 = arith.constant 0 : i32
    %dma_start3A_249 = arith.constant 0 : i32
    %dma_start3A_250 = tpu.memref_slice %arg7[%dma_start3A_247, %dma_start3A_248, %dma_start3A_249] : memref<4x80x128xf32, #tpu.memory_space<vmem>> -> memref<1x80x128xf32, #tpu.memory_space<vmem>>
    %dma_start3A_251 = tpu.memref_squeeze %dma_start3A_250 : memref<1x80x128xf32, #tpu.memory_space<vmem>> -> memref<80x128xf32, #tpu.memory_space<vmem>>
    %dma_start3A_252 = arith.constant 0 : i32
    %dma_start3A_253 = tpu.memref_slice %arg8[%add3A_246, %dma_start3A_252] : memref<10000x128xf32, #tpu.memory_space<vmem_shared>> -> memref<80x128xf32, #tpu.memory_space<vmem_shared>>
    %dma_start3A_254 = arith.constant 0 : i32
    %dma_start3A_255 = tpu.memref_slice %arg8[%add3A_246, %dma_start3A_254] : memref<10000x128xf32, #tpu.memory_space<vmem_shared>> -> memref<80x128xf32, #tpu.memory_space<vmem_shared>>
    %dma_start3A_256 = arith.constant 0 : i32
    %dma_start3A_257 = arith.constant 0 : i32
    %dma_start3A_258 = tpu.memref_slice %arg7[%dma_start3A_247, %dma_start3A_256, %dma_start3A_257] : memref<4x80x128xf32, #tpu.memory_space<vmem>> -> memref<1x80x128xf32, #tpu.memory_space<vmem>>
    %dma_start3A_259 = tpu.memref_squeeze %dma_start3A_258 : memref<1x80x128xf32, #tpu.memory_space<vmem>> -> memref<80x128xf32, #tpu.memory_space<vmem>>
    tpu.enqueue_dma source(%dma_start3A_259 : memref<80x128xf32, #tpu.memory_space<vmem>>) target(%dma_start3A_255 : memref<80x128xf32, #tpu.memory_space<vmem_shared>>) target_semaphore(%arg11 : memref<!tpu.dma_semaphore, #tpu.memory_space<semaphore_mem>>)
    %add3A_260 = arith.constant 400 : i32
    %add3A_261 = arith.addi %multiple_of3A, %add3A_260 : i32
    %dma_start3A_262 = arith.constant 3 : i32
    %dma_start3A_263 = arith.constant 0 : i32
    %dma_start3A_264 = arith.constant 0 : i32
    %dma_start3A_265 = tpu.memref_slice %arg7[%dma_start3A_262, %dma_start3A_263, %dma_start3A_264] : memref<4x80x128xf32, #tpu.memory_space<vmem>> -> memref<1x80x128xf32, #tpu.memory_space<vmem>>
    %dma_start3A_266 = tpu.memref_squeeze %dma_start3A_265 : memref<1x80x128xf32, #tpu.memory_space<vmem>> -> memref<80x128xf32, #tpu.memory_space<vmem>>
    %dma_start3A_267 = arith.constant 0 : i32
    %dma_start3A_268 = tpu.memref_slice %arg8[%add3A_261, %dma_start3A_267] : memref<10000x128xf32, #tpu.memory_space<vmem_shared>> -> memref<80x128xf32, #tpu.memory_space<vmem_shared>>
    %dma_start3A_269 = arith.constant 0 : i32
    %dma_start3A_270 = tpu.memref_slice %arg8[%add3A_261, %dma_start3A_269] : memref<10000x128xf32, #tpu.memory_space<vmem_shared>> -> memref<80x128xf32, #tpu.memory_space<vmem_shared>>
    %dma_start3A_271 = arith.constant 0 : i32
    %dma_start3A_272 = arith.constant 0 : i32
    %dma_start3A_273 = tpu.memref_slice %arg7[%dma_start3A_262, %dma_start3A_271, %dma_start3A_272] : memref<4x80x128xf32, #tpu.memory_space<vmem>> -> memref<1x80x128xf32, #tpu.memory_space<vmem>>
    %dma_start3A_274 = tpu.memref_squeeze %dma_start3A_273 : memref<1x80x128xf32, #tpu.memory_space<vmem>> -> memref<80x128xf32, #tpu.memory_space<vmem>>
    tpu.enqueue_dma source(%dma_start3A_274 : memref<80x128xf32, #tpu.memory_space<vmem>>) target(%dma_start3A_270 : memref<80x128xf32, #tpu.memory_space<vmem_shared>>) target_semaphore(%arg11 : memref<!tpu.dma_semaphore, #tpu.memory_space<semaphore_mem>>)
    %add3A_275 = arith.constant 480 : i32
    %add3A_276 = arith.addi %multiple_of3A, %add3A_275 : i32
    %dma_start3A_277 = arith.constant 3 : i32
    %dma_start3A_278 = arith.constant 0 : i32
    %dma_start3A_279 = arith.constant 0 : i32
    %dma_start3A_280 = tpu.memref_slice %arg7[%dma_start3A_277, %dma_start3A_278, %dma_start3A_279] : memref<4x80x128xf32, #tpu.memory_space<vmem>> -> memref<1x80x128xf32, #tpu.memory_space<vmem>>
    %dma_start3A_281 = tpu.memref_squeeze %dma_start3A_280 : memref<1x80x128xf32, #tpu.memory_space<vmem>> -> memref<80x128xf32, #tpu.memory_space<vmem>>
    %dma_start3A_282 = arith.constant 0 : i32
    %dma_start3A_283 = tpu.memref_slice %arg8[%add3A_276, %dma_start3A_282] : memref<10000x128xf32, #tpu.memory_space<vmem_shared>> -> memref<80x128xf32, #tpu.memory_space<vmem_shared>>
    %dma_start3A_284 = arith.constant 0 : i32
    %dma_start3A_285 = tpu.memref_slice %arg8[%add3A_276, %dma_start3A_284] : memref<10000x128xf32, #tpu.memory_space<vmem_shared>> -> memref<80x128xf32, #tpu.memory_space<vmem_shared>>
    %dma_start3A_286 = arith.constant 0 : i32
    %dma_start3A_287 = arith.constant 0 : i32
    %dma_start3A_288 = tpu.memref_slice %arg7[%dma_start3A_277, %dma_start3A_286, %dma_start3A_287] : memref<4x80x128xf32, #tpu.memory_space<vmem>> -> memref<1x80x128xf32, #tpu.memory_space<vmem>>
    %dma_start3A_289 = tpu.memref_squeeze %dma_start3A_288 : memref<1x80x128xf32, #tpu.memory_space<vmem>> -> memref<80x128xf32, #tpu.memory_space<vmem>>
    tpu.enqueue_dma source(%dma_start3A_289 : memref<80x128xf32, #tpu.memory_space<vmem>>) target(%dma_start3A_285 : memref<80x128xf32, #tpu.memory_space<vmem_shared>>) target_semaphore(%arg11 : memref<!tpu.dma_semaphore, #tpu.memory_space<semaphore_mem>>)
    %add3A_290 = arith.constant 560 : i32
    %add3A_291 = arith.addi %multiple_of3A, %add3A_290 : i32
    %dma_start3A_292 = arith.constant 3 : i32
    %dma_start3A_293 = arith.constant 0 : i32
    %dma_start3A_294 = arith.constant 0 : i32
    %dma_start3A_295 = tpu.memref_slice %arg7[%dma_start3A_292, %dma_start3A_293, %dma_start3A_294] : memref<4x80x128xf32, #tpu.memory_space<vmem>> -> memref<1x80x128xf32, #tpu.memory_space<vmem>>
    %dma_start3A_296 = tpu.memref_squeeze %dma_start3A_295 : memref<1x80x128xf32, #tpu.memory_space<vmem>> -> memref<80x128xf32, #tpu.memory_space<vmem>>
    %dma_start3A_297 = arith.constant 0 : i32
    %dma_start3A_298 = tpu.memref_slice %arg8[%add3A_291, %dma_start3A_297] : memref<10000x128xf32, #tpu.memory_space<vmem_shared>> -> memref<80x128xf32, #tpu.memory_space<vmem_shared>>
    %dma_start3A_299 = arith.constant 0 : i32
    %dma_start3A_300 = tpu.memref_slice %arg8[%add3A_291, %dma_start3A_299] : memref<10000x128xf32, #tpu.memory_space<vmem_shared>> -> memref<80x128xf32, #tpu.memory_space<vmem_shared>>
    %dma_start3A_301 = arith.constant 0 : i32
    %dma_start3A_302 = arith.constant 0 : i32
    %dma_start3A_303 = tpu.memref_slice %arg7[%dma_start3A_292, %dma_start3A_301, %dma_start3A_302] : memref<4x80x128xf32, #tpu.memory_space<vmem>> -> memref<1x80x128xf32, #tpu.memory_space<vmem>>
    %dma_start3A_304 = tpu.memref_squeeze %dma_start3A_303 : memref<1x80x128xf32, #tpu.memory_space<vmem>> -> memref<80x128xf32, #tpu.memory_space<vmem>>
    tpu.enqueue_dma source(%dma_start3A_304 : memref<80x128xf32, #tpu.memory_space<vmem>>) target(%dma_start3A_300 : memref<80x128xf32, #tpu.memory_space<vmem_shared>>) target_semaphore(%arg11 : memref<!tpu.dma_semaphore, #tpu.memory_space<semaphore_mem>>)
    %add3A_305 = arith.constant 0 : i32
    %add3A_306 = arith.addi %mul3A_5, %add3A_305 : i32
    %multiple_of3A_307 = tpu.assume_multiple %add3A_306, 8 : i32
    %dma_wait3A = arith.constant 0 : i32
    %dma_wait3A_308 = arith.constant 0 : i32
    %dma_wait3A_309 = arith.constant 0 : i32
    %dma_wait3A_310 = tpu.memref_slice %arg5[%dma_wait3A, %dma_wait3A_309] : memref<6x80xi32, #tpu.memory_space<vmem>> -> memref<1x80xi32, #tpu.memory_space<vmem>>
    %dma_wait3A_311 = tpu.memref_squeeze %dma_wait3A_310 : memref<1x80xi32, #tpu.memory_space<vmem>> -> memref<80xi32, #tpu.memory_space<vmem>>
    %dma_wait3A_312 = tpu.memref_slice %arg3[%multiple_of3A_307] : memref<640000xi32, #tpu.memory_space<hbm>> -> memref<80xi32, #tpu.memory_space<hbm>>
    %dma_wait3A_313 = tpu.memref_slice %arg9[%dma_wait3A_308] : memref<6x!tpu.dma_semaphore, #tpu.memory_space<semaphore_mem>> -> memref<1x!tpu.dma_semaphore, #tpu.memory_space<semaphore_mem>>
    %dma_wait3A_314 = tpu.memref_squeeze %dma_wait3A_313 : memref<1x!tpu.dma_semaphore, #tpu.memory_space<semaphore_mem>> -> memref<!tpu.dma_semaphore, #tpu.memory_space<semaphore_mem>>
    %dma_wait3A_315 = arith.constant 0 : i32
    %dma_wait3A_316 = tpu.memref_slice %arg5[%dma_wait3A, %dma_wait3A_315] : memref<6x80xi32, #tpu.memory_space<vmem>> -> memref<1x80xi32, #tpu.memory_space<vmem>>
    %dma_wait3A_317 = tpu.memref_squeeze %dma_wait3A_316 : memref<1x80xi32, #tpu.memory_space<vmem>> -> memref<80xi32, #tpu.memory_space<vmem>>
    %dma_wait3A_318 = tpu.memref_slice %arg3[%multiple_of3A_307] : memref<640000xi32, #tpu.memory_space<hbm>> -> memref<80xi32, #tpu.memory_space<hbm>>
    tpu.wait_dma2 semaphore(%dma_wait3A_314 : memref<!tpu.dma_semaphore, #tpu.memory_space<semaphore_mem>>) src(%dma_wait3A_318 : memref<80xi32, #tpu.memory_space<hbm>>) dst(%dma_wait3A_317 : memref<80xi32, #tpu.memory_space<vmem>>)
    %add3A_319 = arith.constant 320000 : i32
    %add3A_320 = arith.addi %add3A_319, %multiple_of3A_307 : i32
    %dma_wait3A_321 = arith.constant 0 : i32
    %dma_wait3A_322 = arith.constant 0 : i32
    %dma_wait3A_323 = arith.constant 0 : i32
    %dma_wait3A_324 = tpu.memref_slice %arg6[%dma_wait3A_321, %dma_wait3A_323] : memref<6x80xi32, #tpu.memory_space<vmem>> -> memref<1x80xi32, #tpu.memory_space<vmem>>
    %dma_wait3A_325 = tpu.memref_squeeze %dma_wait3A_324 : memref<1x80xi32, #tpu.memory_space<vmem>> -> memref<80xi32, #tpu.memory_space<vmem>>
    %dma_wait3A_326 = tpu.memref_slice %arg3[%add3A_320] : memref<640000xi32, #tpu.memory_space<hbm>> -> memref<80xi32, #tpu.memory_space<hbm>>
    %dma_wait3A_327 = tpu.memref_slice %arg9[%dma_wait3A_322] : memref<6x!tpu.dma_semaphore, #tpu.memory_space<semaphore_mem>> -> memref<1x!tpu.dma_semaphore, #tpu.memory_space<semaphore_mem>>
    %dma_wait3A_328 = tpu.memref_squeeze %dma_wait3A_327 : memref<1x!tpu.dma_semaphore, #tpu.memory_space<semaphore_mem>> -> memref<!tpu.dma_semaphore, #tpu.memory_space<semaphore_mem>>
    %dma_wait3A_329 = arith.constant 0 : i32
    %dma_wait3A_330 = tpu.memref_slice %arg6[%dma_wait3A_321, %dma_wait3A_329] : memref<6x80xi32, #tpu.memory_space<vmem>> -> memref<1x80xi32, #tpu.memory_space<vmem>>
    %dma_wait3A_331 = tpu.memref_squeeze %dma_wait3A_330 : memref<1x80xi32, #tpu.memory_space<vmem>> -> memref<80xi32, #tpu.memory_space<vmem>>
    %dma_wait3A_332 = tpu.memref_slice %arg3[%add3A_320] : memref<640000xi32, #tpu.memory_space<hbm>> -> memref<80xi32, #tpu.memory_space<hbm>>
    tpu.wait_dma2 semaphore(%dma_wait3A_328 : memref<!tpu.dma_semaphore, #tpu.memory_space<semaphore_mem>>) src(%dma_wait3A_332 : memref<80xi32, #tpu.memory_space<hbm>>) dst(%dma_wait3A_331 : memref<80xi32, #tpu.memory_space<vmem>>)
    %dma_start3A_333 = arith.constant 0 : i32
    %dma_start3A_334 = arith.constant 0 : i32
    %dma_start3A_335 = arith.constant 0 : i32
    %dma_start3A_336 = arith.constant 0 : i32
    %dma_start3A_337 = arith.constant 0 : i32
    %dma_start3A_338 = tpu.memref_slice %arg7[%dma_start3A_334, %dma_start3A_336, %dma_start3A_337] : memref<4x80x128xf32, #tpu.memory_space<vmem>> -> memref<1x80x128xf32, #tpu.memory_space<vmem>>
    %dma_start3A_339 = tpu.memref_squeeze %dma_start3A_338 : memref<1x80x128xf32, #tpu.memory_space<vmem>> -> memref<80x128xf32, #tpu.memory_space<vmem>>
    %dma_start3A_340 = arith.constant 0 : i32
    %dma_start3A_341 = tpu.memref_slice %arg5[%dma_start3A_333, %dma_start3A_340] : memref<6x80xi32, #tpu.memory_space<vmem>> -> memref<1x80xi32, #tpu.memory_space<vmem>>
    %dma_start3A_342 = tpu.memref_squeeze %dma_start3A_341 : memref<1x80xi32, #tpu.memory_space<vmem>> -> memref<80xi32, #tpu.memory_space<vmem>>
    %dma_start3A_343 = arith.constant 0 : i32
    %dma_start3A_344 = arith.constant 0 : i32
    %dma_start3A_345 = tpu.memref_slice %arg2[%dma_start3A_343, %dma_start3A_344] : memref<10000x128xf32, #tpu.memory_space<hbm>> -> memref<10000x128xf32, #tpu.memory_space<hbm>>
    %dma_start3A_346 = tpu.memref_slice %arg10[%dma_start3A_335] : memref<4x!tpu.dma_semaphore, #tpu.memory_space<semaphore_mem>> -> memref<1x!tpu.dma_semaphore, #tpu.memory_space<semaphore_mem>>
    %dma_start3A_347 = tpu.memref_squeeze %dma_start3A_346 : memref<1x!tpu.dma_semaphore, #tpu.memory_space<semaphore_mem>> -> memref<!tpu.dma_semaphore, #tpu.memory_space<semaphore_mem>>
    tpu.enqueue_indirect_dma source(%dma_start3A_345 : memref<10000x128xf32, #tpu.memory_space<hbm>>) target(%dma_start3A_339 : memref<80x128xf32, #tpu.memory_space<vmem>>) offsets(%dma_start3A_342 : memref<80xi32, #tpu.memory_space<vmem>>) semaphore(%dma_start3A_347 : memref<!tpu.dma_semaphore, #tpu.memory_space<semaphore_mem>>)
    %add3A_348 = arith.constant 80 : i32
    %add3A_349 = arith.addi %mul3A_5, %add3A_348 : i32
    %multiple_of3A_350 = tpu.assume_multiple %add3A_349, 8 : i32
    %dma_wait3A_351 = arith.constant 1 : i32
    %dma_wait3A_352 = arith.constant 1 : i32
    %dma_wait3A_353 = arith.constant 0 : i32
    %dma_wait3A_354 = tpu.memref_slice %arg5[%dma_wait3A_351, %dma_wait3A_353] : memref<6x80xi32, #tpu.memory_space<vmem>> -> memref<1x80xi32, #tpu.memory_space<vmem>>
    %dma_wait3A_355 = tpu.memref_squeeze %dma_wait3A_354 : memref<1x80xi32, #tpu.memory_space<vmem>> -> memref<80xi32, #tpu.memory_space<vmem>>
    %dma_wait3A_356 = tpu.memref_slice %arg3[%multiple_of3A_350] : memref<640000xi32, #tpu.memory_space<hbm>> -> memref<80xi32, #tpu.memory_space<hbm>>
    %dma_wait3A_357 = tpu.memref_slice %arg9[%dma_wait3A_352] : memref<6x!tpu.dma_semaphore, #tpu.memory_space<semaphore_mem>> -> memref<1x!tpu.dma_semaphore, #tpu.memory_space<semaphore_mem>>
    %dma_wait3A_358 = tpu.memref_squeeze %dma_wait3A_357 : memref<1x!tpu.dma_semaphore, #tpu.memory_space<semaphore_mem>> -> memref<!tpu.dma_semaphore, #tpu.memory_space<semaphore_mem>>
    %dma_wait3A_359 = arith.constant 0 : i32
    %dma_wait3A_360 = tpu.memref_slice %arg5[%dma_wait3A_351, %dma_wait3A_359] : memref<6x80xi32, #tpu.memory_space<vmem>> -> memref<1x80xi32, #tpu.memory_space<vmem>>
    %dma_wait3A_361 = tpu.memref_squeeze %dma_wait3A_360 : memref<1x80xi32, #tpu.memory_space<vmem>> -> memref<80xi32, #tpu.memory_space<vmem>>
    %dma_wait3A_362 = tpu.memref_slice %arg3[%multiple_of3A_350] : memref<640000xi32, #tpu.memory_space<hbm>> -> memref<80xi32, #tpu.memory_space<hbm>>
    tpu.wait_dma2 semaphore(%dma_wait3A_358 : memref<!tpu.dma_semaphore, #tpu.memory_space<semaphore_mem>>) src(%dma_wait3A_362 : memref<80xi32, #tpu.memory_space<hbm>>) dst(%dma_wait3A_361 : memref<80xi32, #tpu.memory_space<vmem>>)
    %add3A_363 = arith.constant 320000 : i32
    %add3A_364 = arith.addi %add3A_363, %multiple_of3A_350 : i32
    %dma_wait3A_365 = arith.constant 1 : i32
    %dma_wait3A_366 = arith.constant 1 : i32
    %dma_wait3A_367 = arith.constant 0 : i32
    %dma_wait3A_368 = tpu.memref_slice %arg6[%dma_wait3A_365, %dma_wait3A_367] : memref<6x80xi32, #tpu.memory_space<vmem>> -> memref<1x80xi32, #tpu.memory_space<vmem>>
    %dma_wait3A_369 = tpu.memref_squeeze %dma_wait3A_368 : memref<1x80xi32, #tpu.memory_space<vmem>> -> memref<80xi32, #tpu.memory_space<vmem>>
    %dma_wait3A_370 = tpu.memref_slice %arg3[%add3A_364] : memref<640000xi32, #tpu.memory_space<hbm>> -> memref<80xi32, #tpu.memory_space<hbm>>
    %dma_wait3A_371 = tpu.memref_slice %arg9[%dma_wait3A_366] : memref<6x!tpu.dma_semaphore, #tpu.memory_space<semaphore_mem>> -> memref<1x!tpu.dma_semaphore, #tpu.memory_space<semaphore_mem>>
    %dma_wait3A_372 = tpu.memref_squeeze %dma_wait3A_371 : memref<1x!tpu.dma_semaphore, #tpu.memory_space<semaphore_mem>> -> memref<!tpu.dma_semaphore, #tpu.memory_space<semaphore_mem>>
    %dma_wait3A_373 = arith.constant 0 : i32
    %dma_wait3A_374 = tpu.memref_slice %arg6[%dma_wait3A_365, %dma_wait3A_373] : memref<6x80xi32, #tpu.memory_space<vmem>> -> memref<1x80xi32, #tpu.memory_space<vmem>>
    %dma_wait3A_375 = tpu.memref_squeeze %dma_wait3A_374 : memref<1x80xi32, #tpu.memory_space<vmem>> -> memref<80xi32, #tpu.memory_space<vmem>>
    %dma_wait3A_376 = tpu.memref_slice %arg3[%add3A_364] : memref<640000xi32, #tpu.memory_space<hbm>> -> memref<80xi32, #tpu.memory_space<hbm>>
    tpu.wait_dma2 semaphore(%dma_wait3A_372 : memref<!tpu.dma_semaphore, #tpu.memory_space<semaphore_mem>>) src(%dma_wait3A_376 : memref<80xi32, #tpu.memory_space<hbm>>) dst(%dma_wait3A_375 : memref<80xi32, #tpu.memory_space<vmem>>)
    %dma_start3A_377 = arith.constant 1 : i32
    %dma_start3A_378 = arith.constant 1 : i32
    %dma_start3A_379 = arith.constant 1 : i32
    %dma_start3A_380 = arith.constant 0 : i32
    %dma_start3A_381 = arith.constant 0 : i32
    %dma_start3A_382 = tpu.memref_slice %arg7[%dma_start3A_378, %dma_start3A_380, %dma_start3A_381] : memref<4x80x128xf32, #tpu.memory_space<vmem>> -> memref<1x80x128xf32, #tpu.memory_space<vmem>>
    %dma_start3A_383 = tpu.memref_squeeze %dma_start3A_382 : memref<1x80x128xf32, #tpu.memory_space<vmem>> -> memref<80x128xf32, #tpu.memory_space<vmem>>
    %dma_start3A_384 = arith.constant 0 : i32
    %dma_start3A_385 = tpu.memref_slice %arg5[%dma_start3A_377, %dma_start3A_384] : memref<6x80xi32, #tpu.memory_space<vmem>> -> memref<1x80xi32, #tpu.memory_space<vmem>>
    %dma_start3A_386 = tpu.memref_squeeze %dma_start3A_385 : memref<1x80xi32, #tpu.memory_space<vmem>> -> memref<80xi32, #tpu.memory_space<vmem>>
    %dma_start3A_387 = arith.constant 0 : i32
    %dma_start3A_388 = arith.constant 0 : i32
    %dma_start3A_389 = tpu.memref_slice %arg2[%dma_start3A_387, %dma_start3A_388] : memref<10000x128xf32, #tpu.memory_space<hbm>> -> memref<10000x128xf32, #tpu.memory_space<hbm>>
    %dma_start3A_390 = tpu.memref_slice %arg10[%dma_start3A_379] : memref<4x!tpu.dma_semaphore, #tpu.memory_space<semaphore_mem>> -> memref<1x!tpu.dma_semaphore, #tpu.memory_space<semaphore_mem>>
    %dma_start3A_391 = tpu.memref_squeeze %dma_start3A_390 : memref<1x!tpu.dma_semaphore, #tpu.memory_space<semaphore_mem>> -> memref<!tpu.dma_semaphore, #tpu.memory_space<semaphore_mem>>
    tpu.enqueue_indirect_dma source(%dma_start3A_389 : memref<10000x128xf32, #tpu.memory_space<hbm>>) target(%dma_start3A_383 : memref<80x128xf32, #tpu.memory_space<vmem>>) offsets(%dma_start3A_386 : memref<80xi32, #tpu.memory_space<vmem>>) semaphore(%dma_start3A_391 : memref<!tpu.dma_semaphore, #tpu.memory_space<semaphore_mem>>)
    %add3A_392 = arith.constant 160 : i32
    %add3A_393 = arith.addi %mul3A_5, %add3A_392 : i32
    %multiple_of3A_394 = tpu.assume_multiple %add3A_393, 8 : i32
    %dma_wait3A_395 = arith.constant 2 : i32
    %dma_wait3A_396 = arith.constant 2 : i32
    %dma_wait3A_397 = arith.constant 0 : i32
    %dma_wait3A_398 = tpu.memref_slice %arg5[%dma_wait3A_395, %dma_wait3A_397] : memref<6x80xi32, #tpu.memory_space<vmem>> -> memref<1x80xi32, #tpu.memory_space<vmem>>
    %dma_wait3A_399 = tpu.memref_squeeze %dma_wait3A_398 : memref<1x80xi32, #tpu.memory_space<vmem>> -> memref<80xi32, #tpu.memory_space<vmem>>
    %dma_wait3A_400 = tpu.memref_slice %arg3[%multiple_of3A_394] : memref<640000xi32, #tpu.memory_space<hbm>> -> memref<80xi32, #tpu.memory_space<hbm>>
    %dma_wait3A_401 = tpu.memref_slice %arg9[%dma_wait3A_396] : memref<6x!tpu.dma_semaphore, #tpu.memory_space<semaphore_mem>> -> memref<1x!tpu.dma_semaphore, #tpu.memory_space<semaphore_mem>>
    %dma_wait3A_402 = tpu.memref_squeeze %dma_wait3A_401 : memref<1x!tpu.dma_semaphore, #tpu.memory_space<semaphore_mem>> -> memref<!tpu.dma_semaphore, #tpu.memory_space<semaphore_mem>>
    %dma_wait3A_403 = arith.constant 0 : i32
    %dma_wait3A_404 = tpu.memref_slice %arg5[%dma_wait3A_395, %dma_wait3A_403] : memref<6x80xi32, #tpu.memory_space<vmem>> -> memref<1x80xi32, #tpu.memory_space<vmem>>
    %dma_wait3A_405 = tpu.memref_squeeze %dma_wait3A_404 : memref<1x80xi32, #tpu.memory_space<vmem>> -> memref<80xi32, #tpu.memory_space<vmem>>
    %dma_wait3A_406 = tpu.memref_slice %arg3[%multiple_of3A_394] : memref<640000xi32, #tpu.memory_space<hbm>> -> memref<80xi32, #tpu.memory_space<hbm>>
    tpu.wait_dma2 semaphore(%dma_wait3A_402 : memref<!tpu.dma_semaphore, #tpu.memory_space<semaphore_mem>>) src(%dma_wait3A_406 : memref<80xi32, #tpu.memory_space<hbm>>) dst(%dma_wait3A_405 : memref<80xi32, #tpu.memory_space<vmem>>)
    %add3A_407 = arith.constant 320000 : i32
    %add3A_408 = arith.addi %add3A_407, %multiple_of3A_394 : i32
    %dma_wait3A_409 = arith.constant 2 : i32
    %dma_wait3A_410 = arith.constant 2 : i32
    %dma_wait3A_411 = arith.constant 0 : i32
    %dma_wait3A_412 = tpu.memref_slice %arg6[%dma_wait3A_409, %dma_wait3A_411] : memref<6x80xi32, #tpu.memory_space<vmem>> -> memref<1x80xi32, #tpu.memory_space<vmem>>
    %dma_wait3A_413 = tpu.memref_squeeze %dma_wait3A_412 : memref<1x80xi32, #tpu.memory_space<vmem>> -> memref<80xi32, #tpu.memory_space<vmem>>
    %dma_wait3A_414 = tpu.memref_slice %arg3[%add3A_408] : memref<640000xi32, #tpu.memory_space<hbm>> -> memref<80xi32, #tpu.memory_space<hbm>>
    %dma_wait3A_415 = tpu.memref_slice %arg9[%dma_wait3A_410] : memref<6x!tpu.dma_semaphore, #tpu.memory_space<semaphore_mem>> -> memref<1x!tpu.dma_semaphore, #tpu.memory_space<semaphore_mem>>
    %dma_wait3A_416 = tpu.memref_squeeze %dma_wait3A_415 : memref<1x!tpu.dma_semaphore, #tpu.memory_space<semaphore_mem>> -> memref<!tpu.dma_semaphore, #tpu.memory_space<semaphore_mem>>
    %dma_wait3A_417 = arith.constant 0 : i32
    %dma_wait3A_418 = tpu.memref_slice %arg6[%dma_wait3A_409, %dma_wait3A_417] : memref<6x80xi32, #tpu.memory_space<vmem>> -> memref<1x80xi32, #tpu.memory_space<vmem>>
    %dma_wait3A_419 = tpu.memref_squeeze %dma_wait3A_418 : memref<1x80xi32, #tpu.memory_space<vmem>> -> memref<80xi32, #tpu.memory_space<vmem>>
    %dma_wait3A_420 = tpu.memref_slice %arg3[%add3A_408] : memref<640000xi32, #tpu.memory_space<hbm>> -> memref<80xi32, #tpu.memory_space<hbm>>
    tpu.wait_dma2 semaphore(%dma_wait3A_416 : memref<!tpu.dma_semaphore, #tpu.memory_space<semaphore_mem>>) src(%dma_wait3A_420 : memref<80xi32, #tpu.memory_space<hbm>>) dst(%dma_wait3A_419 : memref<80xi32, #tpu.memory_space<vmem>>)
    %dma_start3A_421 = arith.constant 2 : i32
    %dma_start3A_422 = arith.constant 2 : i32
    %dma_start3A_423 = arith.constant 2 : i32
    %dma_start3A_424 = arith.constant 0 : i32
    %dma_start3A_425 = arith.constant 0 : i32
    %dma_start3A_426 = tpu.memref_slice %arg7[%dma_start3A_422, %dma_start3A_424, %dma_start3A_425] : memref<4x80x128xf32, #tpu.memory_space<vmem>> -> memref<1x80x128xf32, #tpu.memory_space<vmem>>
    %dma_start3A_427 = tpu.memref_squeeze %dma_start3A_426 : memref<1x80x128xf32, #tpu.memory_space<vmem>> -> memref<80x128xf32, #tpu.memory_space<vmem>>
    %dma_start3A_428 = arith.constant 0 : i32
    %dma_start3A_429 = tpu.memref_slice %arg5[%dma_start3A_421, %dma_start3A_428] : memref<6x80xi32, #tpu.memory_space<vmem>> -> memref<1x80xi32, #tpu.memory_space<vmem>>
    %dma_start3A_430 = tpu.memref_squeeze %dma_start3A_429 : memref<1x80xi32, #tpu.memory_space<vmem>> -> memref<80xi32, #tpu.memory_space<vmem>>
    %dma_start3A_431 = arith.constant 0 : i32
    %dma_start3A_432 = arith.constant 0 : i32
    %dma_start3A_433 = tpu.memref_slice %arg2[%dma_start3A_431, %dma_start3A_432] : memref<10000x128xf32, #tpu.memory_space<hbm>> -> memref<10000x128xf32, #tpu.memory_space<hbm>>
    %dma_start3A_434 = tpu.memref_slice %arg10[%dma_start3A_423] : memref<4x!tpu.dma_semaphore, #tpu.memory_space<semaphore_mem>> -> memref<1x!tpu.dma_semaphore, #tpu.memory_space<semaphore_mem>>
    %dma_start3A_435 = tpu.memref_squeeze %dma_start3A_434 : memref<1x!tpu.dma_semaphore, #tpu.memory_space<semaphore_mem>> -> memref<!tpu.dma_semaphore, #tpu.memory_space<semaphore_mem>>
    tpu.enqueue_indirect_dma source(%dma_start3A_433 : memref<10000x128xf32, #tpu.memory_space<hbm>>) target(%dma_start3A_427 : memref<80x128xf32, #tpu.memory_space<vmem>>) offsets(%dma_start3A_430 : memref<80xi32, #tpu.memory_space<vmem>>) semaphore(%dma_start3A_435 : memref<!tpu.dma_semaphore, #tpu.memory_space<semaphore_mem>>)
    %add3A_436 = arith.constant 0 : i32
    %add3A_437 = arith.addi %multiple_of3A, %add3A_436 : i32
    %dma_wait3A_438 = arith.constant 3 : i32
    %dma_wait3A_439 = arith.constant 0 : i32
    %dma_wait3A_440 = arith.constant 0 : i32
    %dma_wait3A_441 = tpu.memref_slice %arg7[%dma_wait3A_438, %dma_wait3A_439, %dma_wait3A_440] : memref<4x80x128xf32, #tpu.memory_space<vmem>> -> memref<1x80x128xf32, #tpu.memory_space<vmem>>
    %dma_wait3A_442 = tpu.memref_squeeze %dma_wait3A_441 : memref<1x80x128xf32, #tpu.memory_space<vmem>> -> memref<80x128xf32, #tpu.memory_space<vmem>>
    %dma_wait3A_443 = arith.constant 0 : i32
    %dma_wait3A_444 = tpu.memref_slice %arg8[%add3A_437, %dma_wait3A_443] : memref<10000x128xf32, #tpu.memory_space<vmem_shared>> -> memref<80x128xf32, #tpu.memory_space<vmem_shared>>
    %dma_wait3A_445 = arith.constant 0 : i32
    %dma_wait3A_446 = tpu.memref_slice %arg8[%add3A_437, %dma_wait3A_445] : memref<10000x128xf32, #tpu.memory_space<vmem_shared>> -> memref<80x128xf32, #tpu.memory_space<vmem_shared>>
    %dma_wait3A_447 = arith.constant 0 : i32
    %dma_wait3A_448 = arith.constant 0 : i32
    %dma_wait3A_449 = tpu.memref_slice %arg7[%dma_wait3A_438, %dma_wait3A_447, %dma_wait3A_448] : memref<4x80x128xf32, #tpu.memory_space<vmem>> -> memref<1x80x128xf32, #tpu.memory_space<vmem>>
    %dma_wait3A_450 = tpu.memref_squeeze %dma_wait3A_449 : memref<1x80x128xf32, #tpu.memory_space<vmem>> -> memref<80x128xf32, #tpu.memory_space<vmem>>
    tpu.wait_dma2 semaphore(%arg11 : memref<!tpu.dma_semaphore, #tpu.memory_space<semaphore_mem>>) src(%dma_wait3A_450 : memref<80x128xf32, #tpu.memory_space<vmem>>) dst(%dma_wait3A_446 : memref<80x128xf32, #tpu.memory_space<vmem_shared>>)
    %add3A_451 = arith.constant 80 : i32
    %add3A_452 = arith.addi %multiple_of3A, %add3A_451 : i32
    %dma_wait3A_453 = arith.constant 3 : i32
    %dma_wait3A_454 = arith.constant 0 : i32
    %dma_wait3A_455 = arith.constant 0 : i32
    %dma_wait3A_456 = tpu.memref_slice %arg7[%dma_wait3A_453, %dma_wait3A_454, %dma_wait3A_455] : memref<4x80x128xf32, #tpu.memory_space<vmem>> -> memref<1x80x128xf32, #tpu.memory_space<vmem>>
    %dma_wait3A_457 = tpu.memref_squeeze %dma_wait3A_456 : memref<1x80x128xf32, #tpu.memory_space<vmem>> -> memref<80x128xf32, #tpu.memory_space<vmem>>
    %dma_wait3A_458 = arith.constant 0 : i32
    %dma_wait3A_459 = tpu.memref_slice %arg8[%add3A_452, %dma_wait3A_458] : memref<10000x128xf32, #tpu.memory_space<vmem_shared>> -> memref<80x128xf32, #tpu.memory_space<vmem_shared>>
    %dma_wait3A_460 = arith.constant 0 : i32
    %dma_wait3A_461 = tpu.memref_slice %arg8[%add3A_452, %dma_wait3A_460] : memref<10000x128xf32, #tpu.memory_space<vmem_shared>> -> memref<80x128xf32, #tpu.memory_space<vmem_shared>>
    %dma_wait3A_462 = arith.constant 0 : i32
    %dma_wait3A_463 = arith.constant 0 : i32
    %dma_wait3A_464 = tpu.memref_slice %arg7[%dma_wait3A_453, %dma_wait3A_462, %dma_wait3A_463] : memref<4x80x128xf32, #tpu.memory_space<vmem>> -> memref<1x80x128xf32, #tpu.memory_space<vmem>>
    %dma_wait3A_465 = tpu.memref_squeeze %dma_wait3A_464 : memref<1x80x128xf32, #tpu.memory_space<vmem>> -> memref<80x128xf32, #tpu.memory_space<vmem>>
    tpu.wait_dma2 semaphore(%arg11 : memref<!tpu.dma_semaphore, #tpu.memory_space<semaphore_mem>>) src(%dma_wait3A_465 : memref<80x128xf32, #tpu.memory_space<vmem>>) dst(%dma_wait3A_461 : memref<80x128xf32, #tpu.memory_space<vmem_shared>>)
    %add3A_466 = arith.constant 160 : i32
    %add3A_467 = arith.addi %multiple_of3A, %add3A_466 : i32
    %dma_wait3A_468 = arith.constant 3 : i32
    %dma_wait3A_469 = arith.constant 0 : i32
    %dma_wait3A_470 = arith.constant 0 : i32
    %dma_wait3A_471 = tpu.memref_slice %arg7[%dma_wait3A_468, %dma_wait3A_469, %dma_wait3A_470] : memref<4x80x128xf32, #tpu.memory_space<vmem>> -> memref<1x80x128xf32, #tpu.memory_space<vmem>>
    %dma_wait3A_472 = tpu.memref_squeeze %dma_wait3A_471 : memref<1x80x128xf32, #tpu.memory_space<vmem>> -> memref<80x128xf32, #tpu.memory_space<vmem>>
    %dma_wait3A_473 = arith.constant 0 : i32
    %dma_wait3A_474 = tpu.memref_slice %arg8[%add3A_467, %dma_wait3A_473] : memref<10000x128xf32, #tpu.memory_space<vmem_shared>> -> memref<80x128xf32, #tpu.memory_space<vmem_shared>>
    %dma_wait3A_475 = arith.constant 0 : i32
    %dma_wait3A_476 = tpu.memref_slice %arg8[%add3A_467, %dma_wait3A_475] : memref<10000x128xf32, #tpu.memory_space<vmem_shared>> -> memref<80x128xf32, #tpu.memory_space<vmem_shared>>
    %dma_wait3A_477 = arith.constant 0 : i32
    %dma_wait3A_478 = arith.constant 0 : i32
    %dma_wait3A_479 = tpu.memref_slice %arg7[%dma_wait3A_468, %dma_wait3A_477, %dma_wait3A_478] : memref<4x80x128xf32, #tpu.memory_space<vmem>> -> memref<1x80x128xf32, #tpu.memory_space<vmem>>
    %dma_wait3A_480 = tpu.memref_squeeze %dma_wait3A_479 : memref<1x80x128xf32, #tpu.memory_space<vmem>> -> memref<80x128xf32, #tpu.memory_space<vmem>>
    tpu.wait_dma2 semaphore(%arg11 : memref<!tpu.dma_semaphore, #tpu.memory_space<semaphore_mem>>) src(%dma_wait3A_480 : memref<80x128xf32, #tpu.memory_space<vmem>>) dst(%dma_wait3A_476 : memref<80x128xf32, #tpu.memory_space<vmem_shared>>)
    %add3A_481 = arith.constant 240 : i32
    %add3A_482 = arith.addi %multiple_of3A, %add3A_481 : i32
    %dma_wait3A_483 = arith.constant 3 : i32
    %dma_wait3A_484 = arith.constant 0 : i32
    %dma_wait3A_485 = arith.constant 0 : i32
    %dma_wait3A_486 = tpu.memref_slice %arg7[%dma_wait3A_483, %dma_wait3A_484, %dma_wait3A_485] : memref<4x80x128xf32, #tpu.memory_space<vmem>> -> memref<1x80x128xf32, #tpu.memory_space<vmem>>
    %dma_wait3A_487 = tpu.memref_squeeze %dma_wait3A_486 : memref<1x80x128xf32, #tpu.memory_space<vmem>> -> memref<80x128xf32, #tpu.memory_space<vmem>>
    %dma_wait3A_488 = arith.constant 0 : i32
    %dma_wait3A_489 = tpu.memref_slice %arg8[%add3A_482, %dma_wait3A_488] : memref<10000x128xf32, #tpu.memory_space<vmem_shared>> -> memref<80x128xf32, #tpu.memory_space<vmem_shared>>
    %dma_wait3A_490 = arith.constant 0 : i32
    %dma_wait3A_491 = tpu.memref_slice %arg8[%add3A_482, %dma_wait3A_490] : memref<10000x128xf32, #tpu.memory_space<vmem_shared>> -> memref<80x128xf32, #tpu.memory_space<vmem_shared>>
    %dma_wait3A_492 = arith.constant 0 : i32
    %dma_wait3A_493 = arith.constant 0 : i32
    %dma_wait3A_494 = tpu.memref_slice %arg7[%dma_wait3A_483, %dma_wait3A_492, %dma_wait3A_493] : memref<4x80x128xf32, #tpu.memory_space<vmem>> -> memref<1x80x128xf32, #tpu.memory_space<vmem>>
    %dma_wait3A_495 = tpu.memref_squeeze %dma_wait3A_494 : memref<1x80x128xf32, #tpu.memory_space<vmem>> -> memref<80x128xf32, #tpu.memory_space<vmem>>
    tpu.wait_dma2 semaphore(%arg11 : memref<!tpu.dma_semaphore, #tpu.memory_space<semaphore_mem>>) src(%dma_wait3A_495 : memref<80x128xf32, #tpu.memory_space<vmem>>) dst(%dma_wait3A_491 : memref<80x128xf32, #tpu.memory_space<vmem_shared>>)
    %add3A_496 = arith.constant 320 : i32
    %add3A_497 = arith.addi %multiple_of3A, %add3A_496 : i32
    %dma_wait3A_498 = arith.constant 3 : i32
    %dma_wait3A_499 = arith.constant 0 : i32
    %dma_wait3A_500 = arith.constant 0 : i32
    %dma_wait3A_501 = tpu.memref_slice %arg7[%dma_wait3A_498, %dma_wait3A_499, %dma_wait3A_500] : memref<4x80x128xf32, #tpu.memory_space<vmem>> -> memref<1x80x128xf32, #tpu.memory_space<vmem>>
    %dma_wait3A_502 = tpu.memref_squeeze %dma_wait3A_501 : memref<1x80x128xf32, #tpu.memory_space<vmem>> -> memref<80x128xf32, #tpu.memory_space<vmem>>
    %dma_wait3A_503 = arith.constant 0 : i32
    %dma_wait3A_504 = tpu.memref_slice %arg8[%add3A_497, %dma_wait3A_503] : memref<10000x128xf32, #tpu.memory_space<vmem_shared>> -> memref<80x128xf32, #tpu.memory_space<vmem_shared>>
    %dma_wait3A_505 = arith.constant 0 : i32
    %dma_wait3A_506 = tpu.memref_slice %arg8[%add3A_497, %dma_wait3A_505] : memref<10000x128xf32, #tpu.memory_space<vmem_shared>> -> memref<80x128xf32, #tpu.memory_space<vmem_shared>>
    %dma_wait3A_507 = arith.constant 0 : i32
    %dma_wait3A_508 = arith.constant 0 : i32
    %dma_wait3A_509 = tpu.memref_slice %arg7[%dma_wait3A_498, %dma_wait3A_507, %dma_wait3A_508] : memref<4x80x128xf32, #tpu.memory_space<vmem>> -> memref<1x80x128xf32, #tpu.memory_space<vmem>>
    %dma_wait3A_510 = tpu.memref_squeeze %dma_wait3A_509 : memref<1x80x128xf32, #tpu.memory_space<vmem>> -> memref<80x128xf32, #tpu.memory_space<vmem>>
    tpu.wait_dma2 semaphore(%arg11 : memref<!tpu.dma_semaphore, #tpu.memory_space<semaphore_mem>>) src(%dma_wait3A_510 : memref<80x128xf32, #tpu.memory_space<vmem>>) dst(%dma_wait3A_506 : memref<80x128xf32, #tpu.memory_space<vmem_shared>>)
    %add3A_511 = arith.constant 400 : i32
    %add3A_512 = arith.addi %multiple_of3A, %add3A_511 : i32
    %dma_wait3A_513 = arith.constant 3 : i32
    %dma_wait3A_514 = arith.constant 0 : i32
    %dma_wait3A_515 = arith.constant 0 : i32
    %dma_wait3A_516 = tpu.memref_slice %arg7[%dma_wait3A_513, %dma_wait3A_514, %dma_wait3A_515] : memref<4x80x128xf32, #tpu.memory_space<vmem>> -> memref<1x80x128xf32, #tpu.memory_space<vmem>>
    %dma_wait3A_517 = tpu.memref_squeeze %dma_wait3A_516 : memref<1x80x128xf32, #tpu.memory_space<vmem>> -> memref<80x128xf32, #tpu.memory_space<vmem>>
    %dma_wait3A_518 = arith.constant 0 : i32
    %dma_wait3A_519 = tpu.memref_slice %arg8[%add3A_512, %dma_wait3A_518] : memref<10000x128xf32, #tpu.memory_space<vmem_shared>> -> memref<80x128xf32, #tpu.memory_space<vmem_shared>>
    %dma_wait3A_520 = arith.constant 0 : i32
    %dma_wait3A_521 = tpu.memref_slice %arg8[%add3A_512, %dma_wait3A_520] : memref<10000x128xf32, #tpu.memory_space<vmem_shared>> -> memref<80x128xf32, #tpu.memory_space<vmem_shared>>
    %dma_wait3A_522 = arith.constant 0 : i32
    %dma_wait3A_523 = arith.constant 0 : i32
    %dma_wait3A_524 = tpu.memref_slice %arg7[%dma_wait3A_513, %dma_wait3A_522, %dma_wait3A_523] : memref<4x80x128xf32, #tpu.memory_space<vmem>> -> memref<1x80x128xf32, #tpu.memory_space<vmem>>
    %dma_wait3A_525 = tpu.memref_squeeze %dma_wait3A_524 : memref<1x80x128xf32, #tpu.memory_space<vmem>> -> memref<80x128xf32, #tpu.memory_space<vmem>>
    tpu.wait_dma2 semaphore(%arg11 : memref<!tpu.dma_semaphore, #tpu.memory_space<semaphore_mem>>) src(%dma_wait3A_525 : memref<80x128xf32, #tpu.memory_space<vmem>>) dst(%dma_wait3A_521 : memref<80x128xf32, #tpu.memory_space<vmem_shared>>)
    %add3A_526 = arith.constant 480 : i32
    %add3A_527 = arith.addi %multiple_of3A, %add3A_526 : i32
    %dma_wait3A_528 = arith.constant 3 : i32
    %dma_wait3A_529 = arith.constant 0 : i32
    %dma_wait3A_530 = arith.constant 0 : i32
    %dma_wait3A_531 = tpu.memref_slice %arg7[%dma_wait3A_528, %dma_wait3A_529, %dma_wait3A_530] : memref<4x80x128xf32, #tpu.memory_space<vmem>> -> memref<1x80x128xf32, #tpu.memory_space<vmem>>
    %dma_wait3A_532 = tpu.memref_squeeze %dma_wait3A_531 : memref<1x80x128xf32, #tpu.memory_space<vmem>> -> memref<80x128xf32, #tpu.memory_space<vmem>>
    %dma_wait3A_533 = arith.constant 0 : i32
    %dma_wait3A_534 = tpu.memref_slice %arg8[%add3A_527, %dma_wait3A_533] : memref<10000x128xf32, #tpu.memory_space<vmem_shared>> -> memref<80x128xf32, #tpu.memory_space<vmem_shared>>
    %dma_wait3A_535 = arith.constant 0 : i32
    %dma_wait3A_536 = tpu.memref_slice %arg8[%add3A_527, %dma_wait3A_535] : memref<10000x128xf32, #tpu.memory_space<vmem_shared>> -> memref<80x128xf32, #tpu.memory_space<vmem_shared>>
    %dma_wait3A_537 = arith.constant 0 : i32
    %dma_wait3A_538 = arith.constant 0 : i32
    %dma_wait3A_539 = tpu.memref_slice %arg7[%dma_wait3A_528, %dma_wait3A_537, %dma_wait3A_538] : memref<4x80x128xf32, #tpu.memory_space<vmem>> -> memref<1x80x128xf32, #tpu.memory_space<vmem>>
    %dma_wait3A_540 = tpu.memref_squeeze %dma_wait3A_539 : memref<1x80x128xf32, #tpu.memory_space<vmem>> -> memref<80x128xf32, #tpu.memory_space<vmem>>
    tpu.wait_dma2 semaphore(%arg11 : memref<!tpu.dma_semaphore, #tpu.memory_space<semaphore_mem>>) src(%dma_wait3A_540 : memref<80x128xf32, #tpu.memory_space<vmem>>) dst(%dma_wait3A_536 : memref<80x128xf32, #tpu.memory_space<vmem_shared>>)
    %add3A_541 = arith.constant 560 : i32
    %add3A_542 = arith.addi %multiple_of3A, %add3A_541 : i32
    %dma_wait3A_543 = arith.constant 3 : i32
    %dma_wait3A_544 = arith.constant 0 : i32
    %dma_wait3A_545 = arith.constant 0 : i32
    %dma_wait3A_546 = tpu.memref_slice %arg7[%dma_wait3A_543, %dma_wait3A_544, %dma_wait3A_545] : memref<4x80x128xf32, #tpu.memory_space<vmem>> -> memref<1x80x128xf32, #tpu.memory_space<vmem>>
    %dma_wait3A_547 = tpu.memref_squeeze %dma_wait3A_546 : memref<1x80x128xf32, #tpu.memory_space<vmem>> -> memref<80x128xf32, #tpu.memory_space<vmem>>
    %dma_wait3A_548 = arith.constant 0 : i32
    %dma_wait3A_549 = tpu.memref_slice %arg8[%add3A_542, %dma_wait3A_548] : memref<10000x128xf32, #tpu.memory_space<vmem_shared>> -> memref<80x128xf32, #tpu.memory_space<vmem_shared>>
    %dma_wait3A_550 = arith.constant 0 : i32
    %dma_wait3A_551 = tpu.memref_slice %arg8[%add3A_542, %dma_wait3A_550] : memref<10000x128xf32, #tpu.memory_space<vmem_shared>> -> memref<80x128xf32, #tpu.memory_space<vmem_shared>>
    %dma_wait3A_552 = arith.constant 0 : i32
    %dma_wait3A_553 = arith.constant 0 : i32
    %dma_wait3A_554 = tpu.memref_slice %arg7[%dma_wait3A_543, %dma_wait3A_552, %dma_wait3A_553] : memref<4x80x128xf32, #tpu.memory_space<vmem>> -> memref<1x80x128xf32, #tpu.memory_space<vmem>>
    %dma_wait3A_555 = tpu.memref_squeeze %dma_wait3A_554 : memref<1x80x128xf32, #tpu.memory_space<vmem>> -> memref<80x128xf32, #tpu.memory_space<vmem>>
    tpu.wait_dma2 semaphore(%arg11 : memref<!tpu.dma_semaphore, #tpu.memory_space<semaphore_mem>>) src(%dma_wait3A_555 : memref<80x128xf32, #tpu.memory_space<vmem>>) dst(%dma_wait3A_551 : memref<80x128xf32, #tpu.memory_space<vmem_shared>>)
    %barrier3A = arith.constant 0 : index
    tpu.barrier barrier_id(%barrier3A)
    %scan3A_556 = arith.constant 0 : i32
    %scan3A_557 = arith.constant 0 : i32
    %scan3A_558 = arith.constant 125 : i32
    %scan3A_559 = arith.addi %scan3A_557, %scan3A_558 : i32
    %scan3A_560 = arith.constant 1 : i32
    scf.for %scan3A_563 = %scan3A_557 to %scan3A_559 step %scan3A_560  : i32 {
      %jit3A = arith.constant 4 : i32
      %eq3A = arith.constant 0 : i32
      %eq3A_564 = arith.cmpi eq, %jit3A, %eq3A : i32
      %jit3A_565 = arith.constant 1 : i32
      %select_n3A = arith.select %eq3A_564, %jit3A_565, %jit3A : i32
      %rem3A = arith.remsi %scan3A_563, %select_n3A : i32
      %ne3A = arith.constant 0 : i32
      %ne3A_566 = arith.cmpi ne, %rem3A, %ne3A : i32
      %lt3A = arith.constant 0 : i32
      %lt3A_567 = arith.cmpi slt, %rem3A, %lt3A : i32
      %lt3A_568 = arith.constant 0 : i32
      %lt3A_569 = arith.cmpi slt, %select_n3A, %lt3A_568 : i32
      %ne3A_570 = arith.xori %lt3A_567, %lt3A_569 : i1
      %and3A = arith.andi %ne3A_570, %ne3A_566 : i1
      %add3A_571 = arith.addi %rem3A, %select_n3A : i32
      %select_n3A_572 = arith.select %and3A, %add3A_571, %rem3A : i32
      %jit3A_573 = arith.constant 6 : i32
      %eq3A_574 = arith.constant 0 : i32
      %eq3A_575 = arith.cmpi eq, %jit3A_573, %eq3A_574 : i32
      %jit3A_576 = arith.constant 1 : i32
      %select_n3A_577 = arith.select %eq3A_575, %jit3A_576, %jit3A_573 : i32
      %rem3A_578 = arith.remsi %scan3A_563, %select_n3A_577 : i32
      %ne3A_579 = arith.constant 0 : i32
      %ne3A_580 = arith.cmpi ne, %rem3A_578, %ne3A_579 : i32
      %lt3A_581 = arith.constant 0 : i32
      %lt3A_582 = arith.cmpi slt, %rem3A_578, %lt3A_581 : i32
      %lt3A_583 = arith.constant 0 : i32
      %lt3A_584 = arith.cmpi slt, %select_n3A_577, %lt3A_583 : i32
      %ne3A_585 = arith.xori %lt3A_582, %lt3A_584 : i1
      %and3A_586 = arith.andi %ne3A_585, %ne3A_580 : i1
      %add3A_587 = arith.addi %rem3A_578, %select_n3A_577 : i32
      %select_n3A_588 = arith.select %and3A_586, %add3A_587, %rem3A_578 : i32
      %dma_wait3A_589 = arith.constant 0 : i32
      %dma_wait3A_590 = arith.constant 0 : i32
      %dma_wait3A_591 = tpu.memref_slice %arg7[%select_n3A_572, %dma_wait3A_589, %dma_wait3A_590] : memref<4x80x128xf32, #tpu.memory_space<vmem>> -> memref<1x80x128xf32, #tpu.memory_space<vmem>>
      %dma_wait3A_592 = tpu.memref_squeeze %dma_wait3A_591 : memref<1x80x128xf32, #tpu.memory_space<vmem>> -> memref<80x128xf32, #tpu.memory_space<vmem>>
      %dma_wait3A_593 = arith.constant 0 : i32
      %dma_wait3A_594 = tpu.memref_slice %arg5[%select_n3A_588, %dma_wait3A_593] : memref<6x80xi32, #tpu.memory_space<vmem>> -> memref<1x80xi32, #tpu.memory_space<vmem>>
      %dma_wait3A_595 = tpu.memref_squeeze %dma_wait3A_594 : memref<1x80xi32, #tpu.memory_space<vmem>> -> memref<80xi32, #tpu.memory_space<vmem>>
      %dma_wait3A_596 = arith.constant 0 : i32
      %dma_wait3A_597 = arith.constant 0 : i32
      %dma_wait3A_598 = tpu.memref_slice %arg2[%dma_wait3A_596, %dma_wait3A_597] : memref<10000x128xf32, #tpu.memory_space<hbm>> -> memref<10000x128xf32, #tpu.memory_space<hbm>>
      %dma_wait3A_599 = tpu.memref_slice %arg10[%select_n3A_572] : memref<4x!tpu.dma_semaphore, #tpu.memory_space<semaphore_mem>> -> memref<1x!tpu.dma_semaphore, #tpu.memory_space<semaphore_mem>>
      %dma_wait3A_600 = tpu.memref_squeeze %dma_wait3A_599 : memref<1x!tpu.dma_semaphore, #tpu.memory_space<semaphore_mem>> -> memref<!tpu.dma_semaphore, #tpu.memory_space<semaphore_mem>>
      tpu.wait_indirect_dma semaphore(%dma_wait3A_600 : memref<!tpu.dma_semaphore, #tpu.memory_space<semaphore_mem>>) src(%dma_wait3A_598 : memref<10000x128xf32, #tpu.memory_space<hbm>>) dst(%dma_wait3A_592 : memref<80x128xf32, #tpu.memory_space<vmem>>)
      %jit3A_601 = arith.constant 4 : i32
      %eq3A_602 = arith.constant 0 : i32
      %eq3A_603 = arith.cmpi eq, %jit3A_601, %eq3A_602 : i32
      %jit3A_604 = arith.constant 1 : i32
      %select_n3A_605 = arith.select %eq3A_603, %jit3A_604, %jit3A_601 : i32
      %rem3A_606 = arith.remsi %scan3A_563, %select_n3A_605 : i32
      %ne3A_607 = arith.constant 0 : i32
      %ne3A_608 = arith.cmpi ne, %rem3A_606, %ne3A_607 : i32
      %lt3A_609 = arith.constant 0 : i32
      %lt3A_610 = arith.cmpi slt, %rem3A_606, %lt3A_609 : i32
      %lt3A_611 = arith.constant 0 : i32
      %lt3A_612 = arith.cmpi slt, %select_n3A_605, %lt3A_611 : i32
      %ne3A_613 = arith.xori %lt3A_610, %lt3A_612 : i1
      %and3A_614 = arith.andi %ne3A_613, %ne3A_608 : i1
      %add3A_615 = arith.addi %rem3A_606, %select_n3A_605 : i32
      %select_n3A_616 = arith.select %and3A_614, %add3A_615, %rem3A_606 : i32
      %jit3A_617 = arith.constant 6 : i32
      %eq3A_618 = arith.constant 0 : i32
      %eq3A_619 = arith.cmpi eq, %jit3A_617, %eq3A_618 : i32
      %jit3A_620 = arith.constant 1 : i32
      %select_n3A_621 = arith.select %eq3A_619, %jit3A_620, %jit3A_617 : i32
      %rem3A_622 = arith.remsi %scan3A_563, %select_n3A_621 : i32
      %ne3A_623 = arith.constant 0 : i32
      %ne3A_624 = arith.cmpi ne, %rem3A_622, %ne3A_623 : i32
      %lt3A_625 = arith.constant 0 : i32
      %lt3A_626 = arith.cmpi slt, %rem3A_622, %lt3A_625 : i32
      %lt3A_627 = arith.constant 0 : i32
      %lt3A_628 = arith.cmpi slt, %select_n3A_621, %lt3A_627 : i32
      %ne3A_629 = arith.xori %lt3A_626, %lt3A_628 : i1
      %and3A_630 = arith.andi %ne3A_629, %ne3A_624 : i1
      %add3A_631 = arith.addi %rem3A_622, %select_n3A_621 : i32
      %select_n3A_632 = arith.select %and3A_630, %add3A_631, %rem3A_622 : i32
      "tpu.region"() ({
        %run_scoped3A = tpu.sem_alloc : memref<!tpu.dma_semaphore, #tpu.memory_space<semaphore_mem>>
        %dma_start3A_646 = arith.constant 0 : i32
        %dma_start3A_647 = arith.constant 0 : i32
        %dma_start3A_648 = tpu.memref_slice %arg7[%select_n3A_616, %dma_start3A_646, %dma_start3A_647] : memref<4x80x128xf32, #tpu.memory_space<vmem>> -> memref<1x80x128xf32, #tpu.memory_space<vmem>>
        %dma_start3A_649 = tpu.memref_squeeze %dma_start3A_648 : memref<1x80x128xf32, #tpu.memory_space<vmem>> -> memref<80x128xf32, #tpu.memory_space<vmem>>
        %dma_start3A_650 = arith.constant 0 : i32
        %dma_start3A_651 = tpu.memref_slice %arg6[%select_n3A_632, %dma_start3A_650] : memref<6x80xi32, #tpu.memory_space<vmem>> -> memref<1x80xi32, #tpu.memory_space<vmem>>
        %dma_start3A_652 = tpu.memref_squeeze %dma_start3A_651 : memref<1x80xi32, #tpu.memory_space<vmem>> -> memref<80xi32, #tpu.memory_space<vmem>>
        %dma_start3A_653 = arith.constant 0 : i32
        %dma_start3A_654 = arith.constant 0 : i32
        %dma_start3A_655 = tpu.memref_slice %arg8[%dma_start3A_653, %dma_start3A_654] : memref<10000x128xf32, #tpu.memory_space<vmem_shared>> -> memref<10000x128xf32, #tpu.memory_space<vmem_shared>>
        tpu.enqueue_indirect_dma source(%dma_start3A_649 : memref<80x128xf32, #tpu.memory_space<vmem>>) target(%dma_start3A_655 : memref<10000x128xf32, #tpu.memory_space<vmem_shared>>) offsets(%dma_start3A_652 : memref<80xi32, #tpu.memory_space<vmem>>) semaphore(%run_scoped3A : memref<!tpu.dma_semaphore, #tpu.memory_space<semaphore_mem>>) {add = true}
        %dma_wait3A_656 = arith.constant 0 : i32
        %dma_wait3A_657 = arith.constant 0 : i32
        %dma_wait3A_658 = tpu.memref_slice %arg7[%select_n3A_616, %dma_wait3A_656, %dma_wait3A_657] : memref<4x80x128xf32, #tpu.memory_space<vmem>> -> memref<1x80x128xf32, #tpu.memory_space<vmem>>
        %dma_wait3A_659 = tpu.memref_squeeze %dma_wait3A_658 : memref<1x80x128xf32, #tpu.memory_space<vmem>> -> memref<80x128xf32, #tpu.memory_space<vmem>>
        %dma_wait3A_660 = arith.constant 0 : i32
        %dma_wait3A_661 = tpu.memref_slice %arg6[%select_n3A_632, %dma_wait3A_660] : memref<6x80xi32, #tpu.memory_space<vmem>> -> memref<1x80xi32, #tpu.memory_space<vmem>>
        %dma_wait3A_662 = tpu.memref_squeeze %dma_wait3A_661 : memref<1x80xi32, #tpu.memory_space<vmem>> -> memref<80xi32, #tpu.memory_space<vmem>>
        %dma_wait3A_663 = arith.constant 0 : i32
        %dma_wait3A_664 = arith.constant 0 : i32
        %dma_wait3A_665 = tpu.memref_slice %arg8[%dma_wait3A_663, %dma_wait3A_664] : memref<10000x128xf32, #tpu.memory_space<vmem_shared>> -> memref<10000x128xf32, #tpu.memory_space<vmem_shared>>
        tpu.wait_indirect_dma semaphore(%run_scoped3A : memref<!tpu.dma_semaphore, #tpu.memory_space<semaphore_mem>>) src(%dma_wait3A_659 : memref<80x128xf32, #tpu.memory_space<vmem>>) dst(%dma_wait3A_665 : memref<10000x128xf32, #tpu.memory_space<vmem_shared>>)
        tpu.yield
      }) : () -> ()
      %add3A_633 = arith.constant 4 : i32
      %add3A_634 = arith.addi %scan3A_563, %add3A_633 : i32
      %sub3A = arith.constant 1 : i32
      %sub3A_635 = arith.subi %add3A_634, %sub3A : i32
      %lt3A_636 = arith.constant 125 : i32
      %lt3A_637 = arith.cmpi slt, %sub3A_635, %lt3A_636 : i32
      %convert_element_type3A = arith.extui %lt3A_637 : i1 to i32
      %cond3A = arith.constant 0 : i32
      %cond3A_638 = arith.cmpi ne, %convert_element_type3A, %cond3A : i32
      scf.if %cond3A_638 {
        %jit3A_646 = arith.constant 6 : i32
        %eq3A_647 = arith.constant 0 : i32
        %eq3A_648 = arith.cmpi eq, %jit3A_646, %eq3A_647 : i32
        %jit3A_649 = arith.constant 1 : i32
        %select_n3A_650 = arith.select %eq3A_648, %jit3A_649, %jit3A_646 : i32
        %rem3A_651 = arith.remsi %sub3A_635, %select_n3A_650 : i32
        %ne3A_652 = arith.constant 0 : i32
        %ne3A_653 = arith.cmpi ne, %rem3A_651, %ne3A_652 : i32
        %lt3A_654 = arith.constant 0 : i32
        %lt3A_655 = arith.cmpi slt, %rem3A_651, %lt3A_654 : i32
        %lt3A_656 = arith.constant 0 : i32
        %lt3A_657 = arith.cmpi slt, %select_n3A_650, %lt3A_656 : i32
        %ne3A_658 = arith.xori %lt3A_655, %lt3A_657 : i1
        %and3A_659 = arith.andi %ne3A_658, %ne3A_653 : i1
        %add3A_660 = arith.addi %rem3A_651, %select_n3A_650 : i32
        %select_n3A_661 = arith.select %and3A_659, %add3A_660, %rem3A_651 : i32
        %mul3A_662 = arith.constant 80 : i32
        %mul3A_663 = arith.muli %sub3A_635, %mul3A_662 : i32
        %add3A_664 = arith.addi %mul3A_5, %mul3A_663 : i32
        %multiple_of3A_665 = tpu.assume_multiple %add3A_664, 8 : i32
        %dma_wait3A_666 = arith.constant 0 : i32
        %dma_wait3A_667 = tpu.memref_slice %arg5[%select_n3A_661, %dma_wait3A_666] : memref<6x80xi32, #tpu.memory_space<vmem>> -> memref<1x80xi32, #tpu.memory_space<vmem>>
        %dma_wait3A_668 = tpu.memref_squeeze %dma_wait3A_667 : memref<1x80xi32, #tpu.memory_space<vmem>> -> memref<80xi32, #tpu.memory_space<vmem>>
        %dma_wait3A_669 = tpu.memref_slice %arg3[%multiple_of3A_665] : memref<640000xi32, #tpu.memory_space<hbm>> -> memref<80xi32, #tpu.memory_space<hbm>>
        %dma_wait3A_670 = tpu.memref_slice %arg9[%select_n3A_661] : memref<6x!tpu.dma_semaphore, #tpu.memory_space<semaphore_mem>> -> memref<1x!tpu.dma_semaphore, #tpu.memory_space<semaphore_mem>>
        %dma_wait3A_671 = tpu.memref_squeeze %dma_wait3A_670 : memref<1x!tpu.dma_semaphore, #tpu.memory_space<semaphore_mem>> -> memref<!tpu.dma_semaphore, #tpu.memory_space<semaphore_mem>>
        %dma_wait3A_672 = arith.constant 0 : i32
        %dma_wait3A_673 = tpu.memref_slice %arg5[%select_n3A_661, %dma_wait3A_672] : memref<6x80xi32, #tpu.memory_space<vmem>> -> memref<1x80xi32, #tpu.memory_space<vmem>>
        %dma_wait3A_674 = tpu.memref_squeeze %dma_wait3A_673 : memref<1x80xi32, #tpu.memory_space<vmem>> -> memref<80xi32, #tpu.memory_space<vmem>>
        %dma_wait3A_675 = tpu.memref_slice %arg3[%multiple_of3A_665] : memref<640000xi32, #tpu.memory_space<hbm>> -> memref<80xi32, #tpu.memory_space<hbm>>
        tpu.wait_dma2 semaphore(%dma_wait3A_671 : memref<!tpu.dma_semaphore, #tpu.memory_space<semaphore_mem>>) src(%dma_wait3A_675 : memref<80xi32, #tpu.memory_space<hbm>>) dst(%dma_wait3A_674 : memref<80xi32, #tpu.memory_space<vmem>>)
        %add3A_676 = arith.constant 320000 : i32
        %add3A_677 = arith.addi %add3A_676, %multiple_of3A_665 : i32
        %dma_wait3A_678 = arith.constant 0 : i32
        %dma_wait3A_679 = tpu.memref_slice %arg6[%select_n3A_661, %dma_wait3A_678] : memref<6x80xi32, #tpu.memory_space<vmem>> -> memref<1x80xi32, #tpu.memory_space<vmem>>
        %dma_wait3A_680 = tpu.memref_squeeze %dma_wait3A_679 : memref<1x80xi32, #tpu.memory_space<vmem>> -> memref<80xi32, #tpu.memory_space<vmem>>
        %dma_wait3A_681 = tpu.memref_slice %arg3[%add3A_677] : memref<640000xi32, #tpu.memory_space<hbm>> -> memref<80xi32, #tpu.memory_space<hbm>>
        %dma_wait3A_682 = tpu.memref_slice %arg9[%select_n3A_661] : memref<6x!tpu.dma_semaphore, #tpu.memory_space<semaphore_mem>> -> memref<1x!tpu.dma_semaphore, #tpu.memory_space<semaphore_mem>>
        %dma_wait3A_683 = tpu.memref_squeeze %dma_wait3A_682 : memref<1x!tpu.dma_semaphore, #tpu.memory_space<semaphore_mem>> -> memref<!tpu.dma_semaphore, #tpu.memory_space<semaphore_mem>>
        %dma_wait3A_684 = arith.constant 0 : i32
        %dma_wait3A_685 = tpu.memref_slice %arg6[%select_n3A_661, %dma_wait3A_684] : memref<6x80xi32, #tpu.memory_space<vmem>> -> memref<1x80xi32, #tpu.memory_space<vmem>>
        %dma_wait3A_686 = tpu.memref_squeeze %dma_wait3A_685 : memref<1x80xi32, #tpu.memory_space<vmem>> -> memref<80xi32, #tpu.memory_space<vmem>>
        %dma_wait3A_687 = tpu.memref_slice %arg3[%add3A_677] : memref<640000xi32, #tpu.memory_space<hbm>> -> memref<80xi32, #tpu.memory_space<hbm>>
        tpu.wait_dma2 semaphore(%dma_wait3A_683 : memref<!tpu.dma_semaphore, #tpu.memory_space<semaphore_mem>>) src(%dma_wait3A_687 : memref<80xi32, #tpu.memory_space<hbm>>) dst(%dma_wait3A_686 : memref<80xi32, #tpu.memory_space<vmem>>)
        %jit3A_688 = arith.constant 4 : i32
        %eq3A_689 = arith.constant 0 : i32
        %eq3A_690 = arith.cmpi eq, %jit3A_688, %eq3A_689 : i32
        %jit3A_691 = arith.constant 1 : i32
        %select_n3A_692 = arith.select %eq3A_690, %jit3A_691, %jit3A_688 : i32
        %rem3A_693 = arith.remsi %sub3A_635, %select_n3A_692 : i32
        %ne3A_694 = arith.constant 0 : i32
        %ne3A_695 = arith.cmpi ne, %rem3A_693, %ne3A_694 : i32
        %lt3A_696 = arith.constant 0 : i32
        %lt3A_697 = arith.cmpi slt, %rem3A_693, %lt3A_696 : i32
        %lt3A_698 = arith.constant 0 : i32
        %lt3A_699 = arith.cmpi slt, %select_n3A_692, %lt3A_698 : i32
        %ne3A_700 = arith.xori %lt3A_697, %lt3A_699 : i1
        %and3A_701 = arith.andi %ne3A_700, %ne3A_695 : i1
        %add3A_702 = arith.addi %rem3A_693, %select_n3A_692 : i32
        %select_n3A_703 = arith.select %and3A_701, %add3A_702, %rem3A_693 : i32
        %jit3A_704 = arith.constant 6 : i32
        %eq3A_705 = arith.constant 0 : i32
        %eq3A_706 = arith.cmpi eq, %jit3A_704, %eq3A_705 : i32
        %jit3A_707 = arith.constant 1 : i32
        %select_n3A_708 = arith.select %eq3A_706, %jit3A_707, %jit3A_704 : i32
        %rem3A_709 = arith.remsi %sub3A_635, %select_n3A_708 : i32
        %ne3A_710 = arith.constant 0 : i32
        %ne3A_711 = arith.cmpi ne, %rem3A_709, %ne3A_710 : i32
        %lt3A_712 = arith.constant 0 : i32
        %lt3A_713 = arith.cmpi slt, %rem3A_709, %lt3A_712 : i32
        %lt3A_714 = arith.constant 0 : i32
        %lt3A_715 = arith.cmpi slt, %select_n3A_708, %lt3A_714 : i32
        %ne3A_716 = arith.xori %lt3A_713, %lt3A_715 : i1
        %and3A_717 = arith.andi %ne3A_716, %ne3A_711 : i1
        %add3A_718 = arith.addi %rem3A_709, %select_n3A_708 : i32
        %select_n3A_719 = arith.select %and3A_717, %add3A_718, %rem3A_709 : i32
        %dma_start3A_720 = arith.constant 0 : i32
        %dma_start3A_721 = arith.constant 0 : i32
        %dma_start3A_722 = tpu.memref_slice %arg7[%select_n3A_703, %dma_start3A_720, %dma_start3A_721] : memref<4x80x128xf32, #tpu.memory_space<vmem>> -> memref<1x80x128xf32, #tpu.memory_space<vmem>>
        %dma_start3A_723 = tpu.memref_squeeze %dma_start3A_722 : memref<1x80x128xf32, #tpu.memory_space<vmem>> -> memref<80x128xf32, #tpu.memory_space<vmem>>
        %dma_start3A_724 = arith.constant 0 : i32
        %dma_start3A_725 = tpu.memref_slice %arg5[%select_n3A_719, %dma_start3A_724] : memref<6x80xi32, #tpu.memory_space<vmem>> -> memref<1x80xi32, #tpu.memory_space<vmem>>
        %dma_start3A_726 = tpu.memref_squeeze %dma_start3A_725 : memref<1x80xi32, #tpu.memory_space<vmem>> -> memref<80xi32, #tpu.memory_space<vmem>>
        %dma_start3A_727 = arith.constant 0 : i32
        %dma_start3A_728 = arith.constant 0 : i32
        %dma_start3A_729 = tpu.memref_slice %arg2[%dma_start3A_727, %dma_start3A_728] : memref<10000x128xf32, #tpu.memory_space<hbm>> -> memref<10000x128xf32, #tpu.memory_space<hbm>>
        %dma_start3A_730 = tpu.memref_slice %arg10[%select_n3A_703] : memref<4x!tpu.dma_semaphore, #tpu.memory_space<semaphore_mem>> -> memref<1x!tpu.dma_semaphore, #tpu.memory_space<semaphore_mem>>
        %dma_start3A_731 = tpu.memref_squeeze %dma_start3A_730 : memref<1x!tpu.dma_semaphore, #tpu.memory_space<semaphore_mem>> -> memref<!tpu.dma_semaphore, #tpu.memory_space<semaphore_mem>>
        tpu.enqueue_indirect_dma source(%dma_start3A_729 : memref<10000x128xf32, #tpu.memory_space<hbm>>) target(%dma_start3A_723 : memref<80x128xf32, #tpu.memory_space<vmem>>) offsets(%dma_start3A_726 : memref<80xi32, #tpu.memory_space<vmem>>) semaphore(%dma_start3A_731 : memref<!tpu.dma_semaphore, #tpu.memory_space<semaphore_mem>>)
      } else {
      }
      %add3A_639 = arith.constant 6 : i32
      %add3A_640 = arith.addi %scan3A_563, %add3A_639 : i32
      %lt3A_641 = arith.constant 125 : i32
      %lt3A_642 = arith.cmpi slt, %add3A_640, %lt3A_641 : i32
      %convert_element_type3A_643 = arith.extui %lt3A_642 : i1 to i32
      %cond3A_644 = arith.constant 0 : i32
      %cond3A_645 = arith.cmpi ne, %convert_element_type3A_643, %cond3A_644 : i32
      scf.if %cond3A_645 {
        %add3A_646 = arith.constant 6 : i32
        %add3A_647 = arith.addi %scan3A_563, %add3A_646 : i32
        %jit3A_648 = arith.constant 6 : i32
        %eq3A_649 = arith.constant 0 : i32
        %eq3A_650 = arith.cmpi eq, %jit3A_648, %eq3A_649 : i32
        %jit3A_651 = arith.constant 1 : i32
        %select_n3A_652 = arith.select %eq3A_650, %jit3A_651, %jit3A_648 : i32
        %rem3A_653 = arith.remsi %add3A_647, %select_n3A_652 : i32
        %ne3A_654 = arith.constant 0 : i32
        %ne3A_655 = arith.cmpi ne, %rem3A_653, %ne3A_654 : i32
        %lt3A_656 = arith.constant 0 : i32
        %lt3A_657 = arith.cmpi slt, %rem3A_653, %lt3A_656 : i32
        %lt3A_658 = arith.constant 0 : i32
        %lt3A_659 = arith.cmpi slt, %select_n3A_652, %lt3A_658 : i32
        %ne3A_660 = arith.xori %lt3A_657, %lt3A_659 : i1
        %and3A_661 = arith.andi %ne3A_660, %ne3A_655 : i1
        %add3A_662 = arith.addi %rem3A_653, %select_n3A_652 : i32
        %select_n3A_663 = arith.select %and3A_661, %add3A_662, %rem3A_653 : i32
        %mul3A_664 = arith.constant 80 : i32
        %mul3A_665 = arith.muli %add3A_647, %mul3A_664 : i32
        %add3A_666 = arith.addi %mul3A_5, %mul3A_665 : i32
        %multiple_of3A_667 = tpu.assume_multiple %add3A_666, 8 : i32
        %dma_start3A_668 = arith.constant 0 : i32
        %dma_start3A_669 = tpu.memref_slice %arg5[%select_n3A_663, %dma_start3A_668] : memref<6x80xi32, #tpu.memory_space<vmem>> -> memref<1x80xi32, #tpu.memory_space<vmem>>
        %dma_start3A_670 = tpu.memref_squeeze %dma_start3A_669 : memref<1x80xi32, #tpu.memory_space<vmem>> -> memref<80xi32, #tpu.memory_space<vmem>>
        %dma_start3A_671 = tpu.memref_slice %arg3[%multiple_of3A_667] : memref<640000xi32, #tpu.memory_space<hbm>> -> memref<80xi32, #tpu.memory_space<hbm>>
        %dma_start3A_672 = tpu.memref_slice %arg9[%select_n3A_663] : memref<6x!tpu.dma_semaphore, #tpu.memory_space<semaphore_mem>> -> memref<1x!tpu.dma_semaphore, #tpu.memory_space<semaphore_mem>>
        %dma_start3A_673 = tpu.memref_squeeze %dma_start3A_672 : memref<1x!tpu.dma_semaphore, #tpu.memory_space<semaphore_mem>> -> memref<!tpu.dma_semaphore, #tpu.memory_space<semaphore_mem>>
        %dma_start3A_674 = arith.constant 0 : i32
        %dma_start3A_675 = tpu.memref_slice %arg5[%select_n3A_663, %dma_start3A_674] : memref<6x80xi32, #tpu.memory_space<vmem>> -> memref<1x80xi32, #tpu.memory_space<vmem>>
        %dma_start3A_676 = tpu.memref_squeeze %dma_start3A_675 : memref<1x80xi32, #tpu.memory_space<vmem>> -> memref<80xi32, #tpu.memory_space<vmem>>
        %dma_start3A_677 = tpu.memref_slice %arg3[%multiple_of3A_667] : memref<640000xi32, #tpu.memory_space<hbm>> -> memref<80xi32, #tpu.memory_space<hbm>>
        tpu.enqueue_dma source(%dma_start3A_677 : memref<80xi32, #tpu.memory_space<hbm>>) target(%dma_start3A_676 : memref<80xi32, #tpu.memory_space<vmem>>) target_semaphore(%dma_start3A_673 : memref<!tpu.dma_semaphore, #tpu.memory_space<semaphore_mem>>)
        %add3A_678 = arith.constant 320000 : i32
        %add3A_679 = arith.addi %add3A_678, %multiple_of3A_667 : i32
        %dma_start3A_680 = arith.constant 0 : i32
        %dma_start3A_681 = tpu.memref_slice %arg6[%select_n3A_663, %dma_start3A_680] : memref<6x80xi32, #tpu.memory_space<vmem>> -> memref<1x80xi32, #tpu.memory_space<vmem>>
        %dma_start3A_682 = tpu.memref_squeeze %dma_start3A_681 : memref<1x80xi32, #tpu.memory_space<vmem>> -> memref<80xi32, #tpu.memory_space<vmem>>
        %dma_start3A_683 = tpu.memref_slice %arg3[%add3A_679] : memref<640000xi32, #tpu.memory_space<hbm>> -> memref<80xi32, #tpu.memory_space<hbm>>
        %dma_start3A_684 = tpu.memref_slice %arg9[%select_n3A_663] : memref<6x!tpu.dma_semaphore, #tpu.memory_space<semaphore_mem>> -> memref<1x!tpu.dma_semaphore, #tpu.memory_space<semaphore_mem>>
        %dma_start3A_685 = tpu.memref_squeeze %dma_start3A_684 : memref<1x!tpu.dma_semaphore, #tpu.memory_space<semaphore_mem>> -> memref<!tpu.dma_semaphore, #tpu.memory_space<semaphore_mem>>
        %dma_start3A_686 = arith.constant 0 : i32
        %dma_start3A_687 = tpu.memref_slice %arg6[%select_n3A_663, %dma_start3A_686] : memref<6x80xi32, #tpu.memory_space<vmem>> -> memref<1x80xi32, #tpu.memory_space<vmem>>
        %dma_start3A_688 = tpu.memref_squeeze %dma_start3A_687 : memref<1x80xi32, #tpu.memory_space<vmem>> -> memref<80xi32, #tpu.memory_space<vmem>>
        %dma_start3A_689 = tpu.memref_slice %arg3[%add3A_679] : memref<640000xi32, #tpu.memory_space<hbm>> -> memref<80xi32, #tpu.memory_space<hbm>>
        tpu.enqueue_dma source(%dma_start3A_689 : memref<80xi32, #tpu.memory_space<hbm>>) target(%dma_start3A_688 : memref<80xi32, #tpu.memory_space<vmem>>) target_semaphore(%dma_start3A_685 : memref<!tpu.dma_semaphore, #tpu.memory_space<semaphore_mem>>)
      } else {
      }
    }
    %scan3A_561 = arith.constant 125 : i32
    %barrier3A_562 = arith.constant 0 : index
    tpu.barrier barrier_id(%barrier3A_562)
    "tpu.region"() ({
      %run_scoped3A = tpu.sem_alloc : memref<!tpu.dma_semaphore, #tpu.memory_space<semaphore_mem>>
      %dma_start3A_563 = arith.constant 0 : i32
      %dma_start3A_564 = arith.constant 0 : i32
      %dma_start3A_565 = tpu.memref_slice %arg4[%arg0, %dma_start3A_563, %dma_start3A_564] : memref<2x10000x128xf32, #tpu.memory_space<hbm>> -> memref<1x10000x128xf32, #tpu.memory_space<hbm>>
      %dma_start3A_566 = tpu.memref_squeeze %dma_start3A_565 : memref<1x10000x128xf32, #tpu.memory_space<hbm>> -> memref<10000x128xf32, #tpu.memory_space<hbm>>
      %dma_start3A_567 = arith.constant 0 : i32
      %dma_start3A_568 = tpu.memref_slice %dma_start3A_566[%multiple_of3A, %dma_start3A_567] : memref<10000x128xf32, #tpu.memory_space<hbm>> -> memref<640x128xf32, #tpu.memory_space<hbm>>
      %dma_start3A_569 = arith.constant 0 : i32
      %dma_start3A_570 = tpu.memref_slice %arg8[%multiple_of3A, %dma_start3A_569] : memref<10000x128xf32, #tpu.memory_space<vmem_shared>> -> memref<640x128xf32, #tpu.memory_space<vmem_shared>>
      tpu.enqueue_dma source(%dma_start3A_570 : memref<640x128xf32, #tpu.memory_space<vmem_shared>>) target(%dma_start3A_568 : memref<640x128xf32, #tpu.memory_space<hbm>>) target_semaphore(%run_scoped3A : memref<!tpu.dma_semaphore, #tpu.memory_space<semaphore_mem>>)
      %dma_wait3A_571 = arith.constant 0 : i32
      %dma_wait3A_572 = arith.constant 0 : i32
      %dma_wait3A_573 = tpu.memref_slice %arg4[%arg0, %dma_wait3A_571, %dma_wait3A_572] : memref<2x10000x128xf32, #tpu.memory_space<hbm>> -> memref<1x10000x128xf32, #tpu.memory_space<hbm>>
      %dma_wait3A_574 = tpu.memref_squeeze %dma_wait3A_573 : memref<1x10000x128xf32, #tpu.memory_space<hbm>> -> memref<10000x128xf32, #tpu.memory_space<hbm>>
      %dma_wait3A_575 = arith.constant 0 : i32
      %dma_wait3A_576 = tpu.memref_slice %dma_wait3A_574[%multiple_of3A, %dma_wait3A_575] : memref<10000x128xf32, #tpu.memory_space<hbm>> -> memref<640x128xf32, #tpu.memory_space<hbm>>
      %dma_wait3A_577 = arith.constant 0 : i32
      %dma_wait3A_578 = tpu.memref_slice %arg8[%multiple_of3A, %dma_wait3A_577] : memref<10000x128xf32, #tpu.memory_space<vmem_shared>> -> memref<640x128xf32, #tpu.memory_space<vmem_shared>>
      tpu.wait_dma2 semaphore(%run_scoped3A : memref<!tpu.dma_semaphore, #tpu.memory_space<semaphore_mem>>) src(%dma_wait3A_578 : memref<640x128xf32, #tpu.memory_space<vmem_shared>>) dst(%dma_wait3A_576 : memref<640x128xf32, #tpu.memory_space<hbm>>)
      tpu.yield
    }) : () -> ()
    return
  }
}

#map = affine_map<(d0, d1) -> (0, 0)>
#map1 = affine_map<(d0, d1) -> (0)>
#map2 = affine_map<(d0, d1) -> (0, 0, 0)>
module attributes {stable_mosaic.version = 14 : i64} {
  func.func @_segment_sum_sc(%arg0: i32, %arg1: i32, %arg2: memref<10000x128xf32, #tpu.memory_space<hbm>>, %arg3: memref<640000xi32, #tpu.memory_space<hbm>>, %arg4: memref<2x10000x128xf32, #tpu.memory_space<hbm>>, %arg5: memref<6x80xi32, #tpu.memory_space<vmem>>, %arg6: memref<6x80xi32, #tpu.memory_space<vmem>>, %arg7: memref<4x80x128xf32, #tpu.memory_space<vmem>>, %arg8: memref<10000x128xf32, #tpu.memory_space<vmem_shared>>, %arg9: memref<6x!tpu.dma_semaphore, #tpu.memory_space<semaphore_mem>>, %arg10: memref<4x!tpu.dma_semaphore, #tpu.memory_space<semaphore_mem>>, %arg11: memref<!tpu.dma_semaphore, #tpu.memory_space<semaphore_mem>>) attributes {dimension_semantics = [#tpu.dimension_semantics<core_parallel>, #tpu.dimension_semantics<subcore_parallel>], iteration_bounds = array<i64: 2, 16>, scalar_prefetch = 0 : i64, scratch_operands = 7 : i64, tpu.core_type = #tpu.core_type<sc_vector_subcore>, window_params = [{transform_indices = #map}, {transform_indices = #map1}, {transform_indices = #map2}]} {
    %mul3A = arith.constant 2 : i32
    %mul3A_0 = arith.muli %arg1, %mul3A : i32
    %add3A = arith.addi %mul3A_0, %arg0 : i32
    %mul3A_1 = arith.constant 640 : i32
    %mul3A_2 = arith.muli %arg1, %mul3A_1 : i32
    %min3A = arith.constant 9360 : i32
    %min3A_3 = arith.minsi %mul3A_2, %min3A : i32
    %multiple_of3A = tpu.assume_multiple %min3A_3, 8 : i32
    %mul3A_4 = arith.constant 10000 : i32
    %mul3A_5 = arith.muli %add3A, %mul3A_4 : i32
    %add3A_6 = arith.constant 0 : i32
    %add3A_7 = arith.addi %mul3A_5, %add3A_6 : i32
    %multiple_of3A_8 = tpu.assume_multiple %add3A_7, 8 : i32
    %dma_start3A = arith.constant 0 : i32
    %dma_start3A_9 = arith.constant 0 : i32
    %dma_start3A_10 = arith.constant 0 : i32
    %dma_start3A_11 = tpu.memref_slice %arg5[%dma_start3A, %dma_start3A_10] : memref<6x80xi32, #tpu.memory_space<vmem>> -> memref<1x80xi32, #tpu.memory_space<vmem>>
    %dma_start3A_12 = tpu.memref_squeeze %dma_start3A_11 : memref<1x80xi32, #tpu.memory_space<vmem>> -> memref<80xi32, #tpu.memory_space<vmem>>
    %dma_start3A_13 = tpu.memref_slice %arg3[%multiple_of3A_8] : memref<640000xi32, #tpu.memory_space<hbm>> -> memref<80xi32, #tpu.memory_space<hbm>>
    %dma_start3A_14 = tpu.memref_slice %arg9[%dma_start3A_9] : memref<6x!tpu.dma_semaphore, #tpu.memory_space<semaphore_mem>> -> memref<1x!tpu.dma_semaphore, #tpu.memory_space<semaphore_mem>>
    %dma_start3A_15 = tpu.memref_squeeze %dma_start3A_14 : memref<1x!tpu.dma_semaphore, #tpu.memory_space<semaphore_mem>> -> memref<!tpu.dma_semaphore, #tpu.memory_space<semaphore_mem>>
    %dma_start3A_16 = arith.constant 0 : i32
    %dma_start3A_17 = tpu.memref_slice %arg5[%dma_start3A, %dma_start3A_16] : memref<6x80xi32, #tpu.memory_space<vmem>> -> memref<1x80xi32, #tpu.memory_space<vmem>>
    %dma_start3A_18 = tpu.memref_squeeze %dma_start3A_17 : memref<1x80xi32, #tpu.memory_space<vmem>> -> memref<80xi32, #tpu.memory_space<vmem>>
    %dma_start3A_19 = tpu.memref_slice %arg3[%multiple_of3A_8] : memref<640000xi32, #tpu.memory_space<hbm>> -> memref<80xi32, #tpu.memory_space<hbm>>
    tpu.enqueue_dma source(%dma_start3A_19 : memref<80xi32, #tpu.memory_space<hbm>>) target(%dma_start3A_18 : memref<80xi32, #tpu.memory_space<vmem>>) target_semaphore(%dma_start3A_15 : memref<!tpu.dma_semaphore, #tpu.memory_space<semaphore_mem>>)
    %add3A_20 = arith.constant 320000 : i32
    %add3A_21 = arith.addi %add3A_20, %multiple_of3A_8 : i32
    %dma_start3A_22 = arith.constant 0 : i32
    %dma_start3A_23 = arith.constant 0 : i32
    %dma_start3A_24 = arith.constant 0 : i32
    %dma_start3A_25 = tpu.memref_slice %arg6[%dma_start3A_22, %dma_start3A_24] : memref<6x80xi32, #tpu.memory_space<vmem>> -> memref<1x80xi32, #tpu.memory_space<vmem>>
    %dma_start3A_26 = tpu.memref_squeeze %dma_start3A_25 : memref<1x80xi32, #tpu.memory_space<vmem>> -> memref<80xi32, #tpu.memory_space<vmem>>
    %dma_start3A_27 = tpu.memref_slice %arg3[%add3A_21] : memref<640000xi32, #tpu.memory_space<hbm>> -> memref<80xi32, #tpu.memory_space<hbm>>
    %dma_start3A_28 = tpu.memref_slice %arg9[%dma_start3A_23] : memref<6x!tpu.dma_semaphore, #tpu.memory_space<semaphore_mem>> -> memref<1x!tpu.dma_semaphore, #tpu.memory_space<semaphore_mem>>
    %dma_start3A_29 = tpu.memref_squeeze %dma_start3A_28 : memref<1x!tpu.dma_semaphore, #tpu.memory_space<semaphore_mem>> -> memref<!tpu.dma_semaphore, #tpu.memory_space<semaphore_mem>>
    %dma_start3A_30 = arith.constant 0 : i32
    %dma_start3A_31 = tpu.memref_slice %arg6[%dma_start3A_22, %dma_start3A_30] : memref<6x80xi32, #tpu.memory_space<vmem>> -> memref<1x80xi32, #tpu.memory_space<vmem>>
    %dma_start3A_32 = tpu.memref_squeeze %dma_start3A_31 : memref<1x80xi32, #tpu.memory_space<vmem>> -> memref<80xi32, #tpu.memory_space<vmem>>
    %dma_start3A_33 = tpu.memref_slice %arg3[%add3A_21] : memref<640000xi32, #tpu.memory_space<hbm>> -> memref<80xi32, #tpu.memory_space<hbm>>
    tpu.enqueue_dma source(%dma_start3A_33 : memref<80xi32, #tpu.memory_space<hbm>>) target(%dma_start3A_32 : memref<80xi32, #tpu.memory_space<vmem>>) target_semaphore(%dma_start3A_29 : memref<!tpu.dma_semaphore, #tpu.memory_space<semaphore_mem>>)
    %add3A_34 = arith.constant 80 : i32
    %add3A_35 = arith.addi %mul3A_5, %add3A_34 : i32
    %multiple_of3A_36 = tpu.assume_multiple %add3A_35, 8 : i32
    %dma_start3A_37 = arith.constant 1 : i32
    %dma_start3A_38 = arith.constant 1 : i32
    %dma_start3A_39 = arith.constant 0 : i32
    %dma_start3A_40 = tpu.memref_slice %arg5[%dma_start3A_37, %dma_start3A_39] : memref<6x80xi32, #tpu.memory_space<vmem>> -> memref<1x80xi32, #tpu.memory_space<vmem>>
    %dma_start3A_41 = tpu.memref_squeeze %dma_start3A_40 : memref<1x80xi32, #tpu.memory_space<vmem>> -> memref<80xi32, #tpu.memory_space<vmem>>
    %dma_start3A_42 = tpu.memref_slice %arg3[%multiple_of3A_36] : memref<640000xi32, #tpu.memory_space<hbm>> -> memref<80xi32, #tpu.memory_space<hbm>>
    %dma_start3A_43 = tpu.memref_slice %arg9[%dma_start3A_38] : memref<6x!tpu.dma_semaphore, #tpu.memory_space<semaphore_mem>> -> memref<1x!tpu.dma_semaphore, #tpu.memory_space<semaphore_mem>>
    %dma_start3A_44 = tpu.memref_squeeze %dma_start3A_43 : memref<1x!tpu.dma_semaphore, #tpu.memory_space<semaphore_mem>> -> memref<!tpu.dma_semaphore, #tpu.memory_space<semaphore_mem>>
    %dma_start3A_45 = arith.constant 0 : i32
    %dma_start3A_46 = tpu.memref_slice %arg5[%dma_start3A_37, %dma_start3A_45] : memref<6x80xi32, #tpu.memory_space<vmem>> -> memref<1x80xi32, #tpu.memory_space<vmem>>
    %dma_start3A_47 = tpu.memref_squeeze %dma_start3A_46 : memref<1x80xi32, #tpu.memory_space<vmem>> -> memref<80xi32, #tpu.memory_space<vmem>>
    %dma_start3A_48 = tpu.memref_slice %arg3[%multiple_of3A_36] : memref<640000xi32, #tpu.memory_space<hbm>> -> memref<80xi32, #tpu.memory_space<hbm>>
    tpu.enqueue_dma source(%dma_start3A_48 : memref<80xi32, #tpu.memory_space<hbm>>) target(%dma_start3A_47 : memref<80xi32, #tpu.memory_space<vmem>>) target_semaphore(%dma_start3A_44 : memref<!tpu.dma_semaphore, #tpu.memory_space<semaphore_mem>>)
    %add3A_49 = arith.constant 320000 : i32
    %add3A_50 = arith.addi %add3A_49, %multiple_of3A_36 : i32
    %dma_start3A_51 = arith.constant 1 : i32
    %dma_start3A_52 = arith.constant 1 : i32
    %dma_start3A_53 = arith.constant 0 : i32
    %dma_start3A_54 = tpu.memref_slice %arg6[%dma_start3A_51, %dma_start3A_53] : memref<6x80xi32, #tpu.memory_space<vmem>> -> memref<1x80xi32, #tpu.memory_space<vmem>>
    %dma_start3A_55 = tpu.memref_squeeze %dma_start3A_54 : memref<1x80xi32, #tpu.memory_space<vmem>> -> memref<80xi32, #tpu.memory_space<vmem>>
    %dma_start3A_56 = tpu.memref_slice %arg3[%add3A_50] : memref<640000xi32, #tpu.memory_space<hbm>> -> memref<80xi32, #tpu.memory_space<hbm>>
    %dma_start3A_57 = tpu.memref_slice %arg9[%dma_start3A_52] : memref<6x!tpu.dma_semaphore, #tpu.memory_space<semaphore_mem>> -> memref<1x!tpu.dma_semaphore, #tpu.memory_space<semaphore_mem>>
    %dma_start3A_58 = tpu.memref_squeeze %dma_start3A_57 : memref<1x!tpu.dma_semaphore, #tpu.memory_space<semaphore_mem>> -> memref<!tpu.dma_semaphore, #tpu.memory_space<semaphore_mem>>
    %dma_start3A_59 = arith.constant 0 : i32
    %dma_start3A_60 = tpu.memref_slice %arg6[%dma_start3A_51, %dma_start3A_59] : memref<6x80xi32, #tpu.memory_space<vmem>> -> memref<1x80xi32, #tpu.memory_space<vmem>>
    %dma_start3A_61 = tpu.memref_squeeze %dma_start3A_60 : memref<1x80xi32, #tpu.memory_space<vmem>> -> memref<80xi32, #tpu.memory_space<vmem>>
    %dma_start3A_62 = tpu.memref_slice %arg3[%add3A_50] : memref<640000xi32, #tpu.memory_space<hbm>> -> memref<80xi32, #tpu.memory_space<hbm>>
    tpu.enqueue_dma source(%dma_start3A_62 : memref<80xi32, #tpu.memory_space<hbm>>) target(%dma_start3A_61 : memref<80xi32, #tpu.memory_space<vmem>>) target_semaphore(%dma_start3A_58 : memref<!tpu.dma_semaphore, #tpu.memory_space<semaphore_mem>>)
    %add3A_63 = arith.constant 160 : i32
    %add3A_64 = arith.addi %mul3A_5, %add3A_63 : i32
    %multiple_of3A_65 = tpu.assume_multiple %add3A_64, 8 : i32
    %dma_start3A_66 = arith.constant 2 : i32
    %dma_start3A_67 = arith.constant 2 : i32
    %dma_start3A_68 = arith.constant 0 : i32
    %dma_start3A_69 = tpu.memref_slice %arg5[%dma_start3A_66, %dma_start3A_68] : memref<6x80xi32, #tpu.memory_space<vmem>> -> memref<1x80xi32, #tpu.memory_space<vmem>>
    %dma_start3A_70 = tpu.memref_squeeze %dma_start3A_69 : memref<1x80xi32, #tpu.memory_space<vmem>> -> memref<80xi32, #tpu.memory_space<vmem>>
    %dma_start3A_71 = tpu.memref_slice %arg3[%multiple_of3A_65] : memref<640000xi32, #tpu.memory_space<hbm>> -> memref<80xi32, #tpu.memory_space<hbm>>
    %dma_start3A_72 = tpu.memref_slice %arg9[%dma_start3A_67] : memref<6x!tpu.dma_semaphore, #tpu.memory_space<semaphore_mem>> -> memref<1x!tpu.dma_semaphore, #tpu.memory_space<semaphore_mem>>
    %dma_start3A_73 = tpu.memref_squeeze %dma_start3A_72 : memref<1x!tpu.dma_semaphore, #tpu.memory_space<semaphore_mem>> -> memref<!tpu.dma_semaphore, #tpu.memory_space<semaphore_mem>>
    %dma_start3A_74 = arith.constant 0 : i32
    %dma_start3A_75 = tpu.memref_slice %arg5[%dma_start3A_66, %dma_start3A_74] : memref<6x80xi32, #tpu.memory_space<vmem>> -> memref<1x80xi32, #tpu.memory_space<vmem>>
    %dma_start3A_76 = tpu.memref_squeeze %dma_start3A_75 : memref<1x80xi32, #tpu.memory_space<vmem>> -> memref<80xi32, #tpu.memory_space<vmem>>
    %dma_start3A_77 = tpu.memref_slice %arg3[%multiple_of3A_65] : memref<640000xi32, #tpu.memory_space<hbm>> -> memref<80xi32, #tpu.memory_space<hbm>>
    tpu.enqueue_dma source(%dma_start3A_77 : memref<80xi32, #tpu.memory_space<hbm>>) target(%dma_start3A_76 : memref<80xi32, #tpu.memory_space<vmem>>) target_semaphore(%dma_start3A_73 : memref<!tpu.dma_semaphore, #tpu.memory_space<semaphore_mem>>)
    %add3A_78 = arith.constant 320000 : i32
    %add3A_79 = arith.addi %add3A_78, %multiple_of3A_65 : i32
    %dma_start3A_80 = arith.constant 2 : i32
    %dma_start3A_81 = arith.constant 2 : i32
    %dma_start3A_82 = arith.constant 0 : i32
    %dma_start3A_83 = tpu.memref_slice %arg6[%dma_start3A_80, %dma_start3A_82] : memref<6x80xi32, #tpu.memory_space<vmem>> -> memref<1x80xi32, #tpu.memory_space<vmem>>
    %dma_start3A_84 = tpu.memref_squeeze %dma_start3A_83 : memref<1x80xi32, #tpu.memory_space<vmem>> -> memref<80xi32, #tpu.memory_space<vmem>>
    %dma_start3A_85 = tpu.memref_slice %arg3[%add3A_79] : memref<640000xi32, #tpu.memory_space<hbm>> -> memref<80xi32, #tpu.memory_space<hbm>>
    %dma_start3A_86 = tpu.memref_slice %arg9[%dma_start3A_81] : memref<6x!tpu.dma_semaphore, #tpu.memory_space<semaphore_mem>> -> memref<1x!tpu.dma_semaphore, #tpu.memory_space<semaphore_mem>>
    %dma_start3A_87 = tpu.memref_squeeze %dma_start3A_86 : memref<1x!tpu.dma_semaphore, #tpu.memory_space<semaphore_mem>> -> memref<!tpu.dma_semaphore, #tpu.memory_space<semaphore_mem>>
    %dma_start3A_88 = arith.constant 0 : i32
    %dma_start3A_89 = tpu.memref_slice %arg6[%dma_start3A_80, %dma_start3A_88] : memref<6x80xi32, #tpu.memory_space<vmem>> -> memref<1x80xi32, #tpu.memory_space<vmem>>
    %dma_start3A_90 = tpu.memref_squeeze %dma_start3A_89 : memref<1x80xi32, #tpu.memory_space<vmem>> -> memref<80xi32, #tpu.memory_space<vmem>>
    %dma_start3A_91 = tpu.memref_slice %arg3[%add3A_79] : memref<640000xi32, #tpu.memory_space<hbm>> -> memref<80xi32, #tpu.memory_space<hbm>>
    tpu.enqueue_dma source(%dma_start3A_91 : memref<80xi32, #tpu.memory_space<hbm>>) target(%dma_start3A_90 : memref<80xi32, #tpu.memory_space<vmem>>) target_semaphore(%dma_start3A_87 : memref<!tpu.dma_semaphore, #tpu.memory_space<semaphore_mem>>)
    %add3A_92 = arith.constant 240 : i32
    %add3A_93 = arith.addi %mul3A_5, %add3A_92 : i32
    %multiple_of3A_94 = tpu.assume_multiple %add3A_93, 8 : i32
    %dma_start3A_95 = arith.constant 3 : i32
    %dma_start3A_96 = arith.constant 3 : i32
    %dma_start3A_97 = arith.constant 0 : i32
    %dma_start3A_98 = tpu.memref_slice %arg5[%dma_start3A_95, %dma_start3A_97] : memref<6x80xi32, #tpu.memory_space<vmem>> -> memref<1x80xi32, #tpu.memory_space<vmem>>
    %dma_start3A_99 = tpu.memref_squeeze %dma_start3A_98 : memref<1x80xi32, #tpu.memory_space<vmem>> -> memref<80xi32, #tpu.memory_space<vmem>>
    %dma_start3A_100 = tpu.memref_slice %arg3[%multiple_of3A_94] : memref<640000xi32, #tpu.memory_space<hbm>> -> memref<80xi32, #tpu.memory_space<hbm>>
    %dma_start3A_101 = tpu.memref_slice %arg9[%dma_start3A_96] : memref<6x!tpu.dma_semaphore, #tpu.memory_space<semaphore_mem>> -> memref<1x!tpu.dma_semaphore, #tpu.memory_space<semaphore_mem>>
    %dma_start3A_102 = tpu.memref_squeeze %dma_start3A_101 : memref<1x!tpu.dma_semaphore, #tpu.memory_space<semaphore_mem>> -> memref<!tpu.dma_semaphore, #tpu.memory_space<semaphore_mem>>
    %dma_start3A_103 = arith.constant 0 : i32
    %dma_start3A_104 = tpu.memref_slice %arg5[%dma_start3A_95, %dma_start3A_103] : memref<6x80xi32, #tpu.memory_space<vmem>> -> memref<1x80xi32, #tpu.memory_space<vmem>>
    %dma_start3A_105 = tpu.memref_squeeze %dma_start3A_104 : memref<1x80xi32, #tpu.memory_space<vmem>> -> memref<80xi32, #tpu.memory_space<vmem>>
    %dma_start3A_106 = tpu.memref_slice %arg3[%multiple_of3A_94] : memref<640000xi32, #tpu.memory_space<hbm>> -> memref<80xi32, #tpu.memory_space<hbm>>
    tpu.enqueue_dma source(%dma_start3A_106 : memref<80xi32, #tpu.memory_space<hbm>>) target(%dma_start3A_105 : memref<80xi32, #tpu.memory_space<vmem>>) target_semaphore(%dma_start3A_102 : memref<!tpu.dma_semaphore, #tpu.memory_space<semaphore_mem>>)
    %add3A_107 = arith.constant 320000 : i32
    %add3A_108 = arith.addi %add3A_107, %multiple_of3A_94 : i32
    %dma_start3A_109 = arith.constant 3 : i32
    %dma_start3A_110 = arith.constant 3 : i32
    %dma_start3A_111 = arith.constant 0 : i32
    %dma_start3A_112 = tpu.memref_slice %arg6[%dma_start3A_109, %dma_start3A_111] : memref<6x80xi32, #tpu.memory_space<vmem>> -> memref<1x80xi32, #tpu.memory_space<vmem>>
    %dma_start3A_113 = tpu.memref_squeeze %dma_start3A_112 : memref<1x80xi32, #tpu.memory_space<vmem>> -> memref<80xi32, #tpu.memory_space<vmem>>
    %dma_start3A_114 = tpu.memref_slice %arg3[%add3A_108] : memref<640000xi32, #tpu.memory_space<hbm>> -> memref<80xi32, #tpu.memory_space<hbm>>
    %dma_start3A_115 = tpu.memref_slice %arg9[%dma_start3A_110] : memref<6x!tpu.dma_semaphore, #tpu.memory_space<semaphore_mem>> -> memref<1x!tpu.dma_semaphore, #tpu.memory_space<semaphore_mem>>
    %dma_start3A_116 = tpu.memref_squeeze %dma_start3A_115 : memref<1x!tpu.dma_semaphore, #tpu.memory_space<semaphore_mem>> -> memref<!tpu.dma_semaphore, #tpu.memory_space<semaphore_mem>>
    %dma_start3A_117 = arith.constant 0 : i32
    %dma_start3A_118 = tpu.memref_slice %arg6[%dma_start3A_109, %dma_start3A_117] : memref<6x80xi32, #tpu.memory_space<vmem>> -> memref<1x80xi32, #tpu.memory_space<vmem>>
    %dma_start3A_119 = tpu.memref_squeeze %dma_start3A_118 : memref<1x80xi32, #tpu.memory_space<vmem>> -> memref<80xi32, #tpu.memory_space<vmem>>
    %dma_start3A_120 = tpu.memref_slice %arg3[%add3A_108] : memref<640000xi32, #tpu.memory_space<hbm>> -> memref<80xi32, #tpu.memory_space<hbm>>
    tpu.enqueue_dma source(%dma_start3A_120 : memref<80xi32, #tpu.memory_space<hbm>>) target(%dma_start3A_119 : memref<80xi32, #tpu.memory_space<vmem>>) target_semaphore(%dma_start3A_116 : memref<!tpu.dma_semaphore, #tpu.memory_space<semaphore_mem>>)
    %add3A_121 = arith.constant 320 : i32
    %add3A_122 = arith.addi %mul3A_5, %add3A_121 : i32
    %multiple_of3A_123 = tpu.assume_multiple %add3A_122, 8 : i32
    %dma_start3A_124 = arith.constant 4 : i32
    %dma_start3A_125 = arith.constant 4 : i32
    %dma_start3A_126 = arith.constant 0 : i32
    %dma_start3A_127 = tpu.memref_slice %arg5[%dma_start3A_124, %dma_start3A_126] : memref<6x80xi32, #tpu.memory_space<vmem>> -> memref<1x80xi32, #tpu.memory_space<vmem>>
    %dma_start3A_128 = tpu.memref_squeeze %dma_start3A_127 : memref<1x80xi32, #tpu.memory_space<vmem>> -> memref<80xi32, #tpu.memory_space<vmem>>
    %dma_start3A_129 = tpu.memref_slice %arg3[%multiple_of3A_123] : memref<640000xi32, #tpu.memory_space<hbm>> -> memref<80xi32, #tpu.memory_space<hbm>>
    %dma_start3A_130 = tpu.memref_slice %arg9[%dma_start3A_125] : memref<6x!tpu.dma_semaphore, #tpu.memory_space<semaphore_mem>> -> memref<1x!tpu.dma_semaphore, #tpu.memory_space<semaphore_mem>>
    %dma_start3A_131 = tpu.memref_squeeze %dma_start3A_130 : memref<1x!tpu.dma_semaphore, #tpu.memory_space<semaphore_mem>> -> memref<!tpu.dma_semaphore, #tpu.memory_space<semaphore_mem>>
    %dma_start3A_132 = arith.constant 0 : i32
    %dma_start3A_133 = tpu.memref_slice %arg5[%dma_start3A_124, %dma_start3A_132] : memref<6x80xi32, #tpu.memory_space<vmem>> -> memref<1x80xi32, #tpu.memory_space<vmem>>
    %dma_start3A_134 = tpu.memref_squeeze %dma_start3A_133 : memref<1x80xi32, #tpu.memory_space<vmem>> -> memref<80xi32, #tpu.memory_space<vmem>>
    %dma_start3A_135 = tpu.memref_slice %arg3[%multiple_of3A_123] : memref<640000xi32, #tpu.memory_space<hbm>> -> memref<80xi32, #tpu.memory_space<hbm>>
    tpu.enqueue_dma source(%dma_start3A_135 : memref<80xi32, #tpu.memory_space<hbm>>) target(%dma_start3A_134 : memref<80xi32, #tpu.memory_space<vmem>>) target_semaphore(%dma_start3A_131 : memref<!tpu.dma_semaphore, #tpu.memory_space<semaphore_mem>>)
    %add3A_136 = arith.constant 320000 : i32
    %add3A_137 = arith.addi %add3A_136, %multiple_of3A_123 : i32
    %dma_start3A_138 = arith.constant 4 : i32
    %dma_start3A_139 = arith.constant 4 : i32
    %dma_start3A_140 = arith.constant 0 : i32
    %dma_start3A_141 = tpu.memref_slice %arg6[%dma_start3A_138, %dma_start3A_140] : memref<6x80xi32, #tpu.memory_space<vmem>> -> memref<1x80xi32, #tpu.memory_space<vmem>>
    %dma_start3A_142 = tpu.memref_squeeze %dma_start3A_141 : memref<1x80xi32, #tpu.memory_space<vmem>> -> memref<80xi32, #tpu.memory_space<vmem>>
    %dma_start3A_143 = tpu.memref_slice %arg3[%add3A_137] : memref<640000xi32, #tpu.memory_space<hbm>> -> memref<80xi32, #tpu.memory_space<hbm>>
    %dma_start3A_144 = tpu.memref_slice %arg9[%dma_start3A_139] : memref<6x!tpu.dma_semaphore, #tpu.memory_space<semaphore_mem>> -> memref<1x!tpu.dma_semaphore, #tpu.memory_space<semaphore_mem>>
    %dma_start3A_145 = tpu.memref_squeeze %dma_start3A_144 : memref<1x!tpu.dma_semaphore, #tpu.memory_space<semaphore_mem>> -> memref<!tpu.dma_semaphore, #tpu.memory_space<semaphore_mem>>
    %dma_start3A_146 = arith.constant 0 : i32
    %dma_start3A_147 = tpu.memref_slice %arg6[%dma_start3A_138, %dma_start3A_146] : memref<6x80xi32, #tpu.memory_space<vmem>> -> memref<1x80xi32, #tpu.memory_space<vmem>>
    %dma_start3A_148 = tpu.memref_squeeze %dma_start3A_147 : memref<1x80xi32, #tpu.memory_space<vmem>> -> memref<80xi32, #tpu.memory_space<vmem>>
    %dma_start3A_149 = tpu.memref_slice %arg3[%add3A_137] : memref<640000xi32, #tpu.memory_space<hbm>> -> memref<80xi32, #tpu.memory_space<hbm>>
    tpu.enqueue_dma source(%dma_start3A_149 : memref<80xi32, #tpu.memory_space<hbm>>) target(%dma_start3A_148 : memref<80xi32, #tpu.memory_space<vmem>>) target_semaphore(%dma_start3A_145 : memref<!tpu.dma_semaphore, #tpu.memory_space<semaphore_mem>>)
    %add3A_150 = arith.constant 400 : i32
    %add3A_151 = arith.addi %mul3A_5, %add3A_150 : i32
    %multiple_of3A_152 = tpu.assume_multiple %add3A_151, 8 : i32
    %dma_start3A_153 = arith.constant 5 : i32
    %dma_start3A_154 = arith.constant 5 : i32
    %dma_start3A_155 = arith.constant 0 : i32
    %dma_start3A_156 = tpu.memref_slice %arg5[%dma_start3A_153, %dma_start3A_155] : memref<6x80xi32, #tpu.memory_space<vmem>> -> memref<1x80xi32, #tpu.memory_space<vmem>>
    %dma_start3A_157 = tpu.memref_squeeze %dma_start3A_156 : memref<1x80xi32, #tpu.memory_space<vmem>> -> memref<80xi32, #tpu.memory_space<vmem>>
    %dma_start3A_158 = tpu.memref_slice %arg3[%multiple_of3A_152] : memref<640000xi32, #tpu.memory_space<hbm>> -> memref<80xi32, #tpu.memory_space<hbm>>
    %dma_start3A_159 = tpu.memref_slice %arg9[%dma_start3A_154] : memref<6x!tpu.dma_semaphore, #tpu.memory_space<semaphore_mem>> -> memref<1x!tpu.dma_semaphore, #tpu.memory_space<semaphore_mem>>
    %dma_start3A_160 = tpu.memref_squeeze %dma_start3A_159 : memref<1x!tpu.dma_semaphore, #tpu.memory_space<semaphore_mem>> -> memref<!tpu.dma_semaphore, #tpu.memory_space<semaphore_mem>>
    %dma_start3A_161 = arith.constant 0 : i32
    %dma_start3A_162 = tpu.memref_slice %arg5[%dma_start3A_153, %dma_start3A_161] : memref<6x80xi32, #tpu.memory_space<vmem>> -> memref<1x80xi32, #tpu.memory_space<vmem>>
    %dma_start3A_163 = tpu.memref_squeeze %dma_start3A_162 : memref<1x80xi32, #tpu.memory_space<vmem>> -> memref<80xi32, #tpu.memory_space<vmem>>
    %dma_start3A_164 = tpu.memref_slice %arg3[%multiple_of3A_152] : memref<640000xi32, #tpu.memory_space<hbm>> -> memref<80xi32, #tpu.memory_space<hbm>>
    tpu.enqueue_dma source(%dma_start3A_164 : memref<80xi32, #tpu.memory_space<hbm>>) target(%dma_start3A_163 : memref<80xi32, #tpu.memory_space<vmem>>) target_semaphore(%dma_start3A_160 : memref<!tpu.dma_semaphore, #tpu.memory_space<semaphore_mem>>)
    %add3A_165 = arith.constant 320000 : i32
    %add3A_166 = arith.addi %add3A_165, %multiple_of3A_152 : i32
    %dma_start3A_167 = arith.constant 5 : i32
    %dma_start3A_168 = arith.constant 5 : i32
    %dma_start3A_169 = arith.constant 0 : i32
    %dma_start3A_170 = tpu.memref_slice %arg6[%dma_start3A_167, %dma_start3A_169] : memref<6x80xi32, #tpu.memory_space<vmem>> -> memref<1x80xi32, #tpu.memory_space<vmem>>
    %dma_start3A_171 = tpu.memref_squeeze %dma_start3A_170 : memref<1x80xi32, #tpu.memory_space<vmem>> -> memref<80xi32, #tpu.memory_space<vmem>>
    %dma_start3A_172 = tpu.memref_slice %arg3[%add3A_166] : memref<640000xi32, #tpu.memory_space<hbm>> -> memref<80xi32, #tpu.memory_space<hbm>>
    %dma_start3A_173 = tpu.memref_slice %arg9[%dma_start3A_168] : memref<6x!tpu.dma_semaphore, #tpu.memory_space<semaphore_mem>> -> memref<1x!tpu.dma_semaphore, #tpu.memory_space<semaphore_mem>>
    %dma_start3A_174 = tpu.memref_squeeze %dma_start3A_173 : memref<1x!tpu.dma_semaphore, #tpu.memory_space<semaphore_mem>> -> memref<!tpu.dma_semaphore, #tpu.memory_space<semaphore_mem>>
    %dma_start3A_175 = arith.constant 0 : i32
    %dma_start3A_176 = tpu.memref_slice %arg6[%dma_start3A_167, %dma_start3A_175] : memref<6x80xi32, #tpu.memory_space<vmem>> -> memref<1x80xi32, #tpu.memory_space<vmem>>
    %dma_start3A_177 = tpu.memref_squeeze %dma_start3A_176 : memref<1x80xi32, #tpu.memory_space<vmem>> -> memref<80xi32, #tpu.memory_space<vmem>>
    %dma_start3A_178 = tpu.memref_slice %arg3[%add3A_166] : memref<640000xi32, #tpu.memory_space<hbm>> -> memref<80xi32, #tpu.memory_space<hbm>>
    tpu.enqueue_dma source(%dma_start3A_178 : memref<80xi32, #tpu.memory_space<hbm>>) target(%dma_start3A_177 : memref<80xi32, #tpu.memory_space<vmem>>) target_semaphore(%dma_start3A_174 : memref<!tpu.dma_semaphore, #tpu.memory_space<semaphore_mem>>)
    %scan3A = arith.constant 0 : i32
    %scan3A_179 = arith.constant 3 : i32
    %scan3A_180 = arith.constant 0 : i32
    %scan3A_181 = arith.constant 80 : i32
    %scan3A_182 = arith.addi %scan3A_180, %scan3A_181 : i32
    %scan3A_183 = arith.constant 1 : i32
    scf.for %scan3A_563 = %scan3A_180 to %scan3A_182 step %scan3A_183  : i32 {
      %broadcast_in_dim3A = arith.constant 0.000000e+00 : f32
      %broadcast_in_dim3A_564 = vector.broadcast %broadcast_in_dim3A : f32 to vector<16xf32>
      %swap3A = arith.constant 0 : i32
      %swap3A_565 = arith.constant 0 : i32
      %swap3A_566 = tpu.memref_slice %arg7[%scan3A_179, %swap3A, %swap3A_565] : memref<4x80x128xf32, #tpu.memory_space<vmem>> -> memref<1x80x128xf32, #tpu.memory_space<vmem>>
      %swap3A_567 = tpu.memref_squeeze %swap3A_566 : memref<1x80x128xf32, #tpu.memory_space<vmem>> -> memref<80x128xf32, #tpu.memory_space<vmem>>
      %swap3A_568 = arith.index_cast %scan3A_563 : i32 to index
      %swap3A_569 = arith.constant 0 : index
      %swap3A_570 = tpu.vector_load %swap3A_567[%swap3A_568, %swap3A_569] {strides = array<i32>} : memref<80x128xf32, #tpu.memory_space<vmem>>, vector<1x16xf32>,
      %swap3A_571 = vector.shape_cast %swap3A_570 : vector<1x16xf32> to vector<16xf32>
      %swap3A_572 = vector.shape_cast %broadcast_in_dim3A_564 : vector<16xf32> to vector<1x16xf32>
      tpu.vector_store %swap3A_567[%swap3A_568, %swap3A_569], %swap3A_572 {strides = array<i32>} : memref<80x128xf32, #tpu.memory_space<vmem>>, vector<1x16xf32>,
      %broadcast_in_dim3A_573 = arith.constant 0.000000e+00 : f32
      %broadcast_in_dim3A_574 = vector.broadcast %broadcast_in_dim3A_573 : f32 to vector<16xf32>
      %swap3A_575 = arith.constant 0 : i32
      %swap3A_576 = arith.constant 0 : i32
      %swap3A_577 = tpu.memref_slice %arg7[%scan3A_179, %swap3A_575, %swap3A_576] : memref<4x80x128xf32, #tpu.memory_space<vmem>> -> memref<1x80x128xf32, #tpu.memory_space<vmem>>
      %swap3A_578 = tpu.memref_squeeze %swap3A_577 : memref<1x80x128xf32, #tpu.memory_space<vmem>> -> memref<80x128xf32, #tpu.memory_space<vmem>>
      %swap3A_579 = arith.index_cast %scan3A_563 : i32 to index
      %swap3A_580 = arith.constant 16 : index
      %swap3A_581 = tpu.vector_load %swap3A_578[%swap3A_579, %swap3A_580] {strides = array<i32>} : memref<80x128xf32, #tpu.memory_space<vmem>>, vector<1x16xf32>,
      %swap3A_582 = vector.shape_cast %swap3A_581 : vector<1x16xf32> to vector<16xf32>
      %swap3A_583 = vector.shape_cast %broadcast_in_dim3A_574 : vector<16xf32> to vector<1x16xf32>
      tpu.vector_store %swap3A_578[%swap3A_579, %swap3A_580], %swap3A_583 {strides = array<i32>} : memref<80x128xf32, #tpu.memory_space<vmem>>, vector<1x16xf32>,
      %broadcast_in_dim3A_584 = arith.constant 0.000000e+00 : f32
      %broadcast_in_dim3A_585 = vector.broadcast %broadcast_in_dim3A_584 : f32 to vector<16xf32>
      %swap3A_586 = arith.constant 0 : i32
      %swap3A_587 = arith.constant 0 : i32
      %swap3A_588 = tpu.memref_slice %arg7[%scan3A_179, %swap3A_586, %swap3A_587] : memref<4x80x128xf32, #tpu.memory_space<vmem>> -> memref<1x80x128xf32, #tpu.memory_space<vmem>>
      %swap3A_589 = tpu.memref_squeeze %swap3A_588 : memref<1x80x128xf32, #tpu.memory_space<vmem>> -> memref<80x128xf32, #tpu.memory_space<vmem>>
      %swap3A_590 = arith.index_cast %scan3A_563 : i32 to index
      %swap3A_591 = arith.constant 32 : index
      %swap3A_592 = tpu.vector_load %swap3A_589[%swap3A_590, %swap3A_591] {strides = array<i32>} : memref<80x128xf32, #tpu.memory_space<vmem>>, vector<1x16xf32>,
      %swap3A_593 = vector.shape_cast %swap3A_592 : vector<1x16xf32> to vector<16xf32>
      %swap3A_594 = vector.shape_cast %broadcast_in_dim3A_585 : vector<16xf32> to vector<1x16xf32>
      tpu.vector_store %swap3A_589[%swap3A_590, %swap3A_591], %swap3A_594 {strides = array<i32>} : memref<80x128xf32, #tpu.memory_space<vmem>>, vector<1x16xf32>,
      %broadcast_in_dim3A_595 = arith.constant 0.000000e+00 : f32
      %broadcast_in_dim3A_596 = vector.broadcast %broadcast_in_dim3A_595 : f32 to vector<16xf32>
      %swap3A_597 = arith.constant 0 : i32
      %swap3A_598 = arith.constant 0 : i32
      %swap3A_599 = tpu.memref_slice %arg7[%scan3A_179, %swap3A_597, %swap3A_598] : memref<4x80x128xf32, #tpu.memory_space<vmem>> -> memref<1x80x128xf32, #tpu.memory_space<vmem>>
      %swap3A_600 = tpu.memref_squeeze %swap3A_599 : memref<1x80x128xf32, #tpu.memory_space<vmem>> -> memref<80x128xf32, #tpu.memory_space<vmem>>
      %swap3A_601 = arith.index_cast %scan3A_563 : i32 to index
      %swap3A_602 = arith.constant 48 : index
      %swap3A_603 = tpu.vector_load %swap3A_600[%swap3A_601, %swap3A_602] {strides = array<i32>} : memref<80x128xf32, #tpu.memory_space<vmem>>, vector<1x16xf32>,
      %swap3A_604 = vector.shape_cast %swap3A_603 : vector<1x16xf32> to vector<16xf32>
      %swap3A_605 = vector.shape_cast %broadcast_in_dim3A_596 : vector<16xf32> to vector<1x16xf32>
      tpu.vector_store %swap3A_600[%swap3A_601, %swap3A_602], %swap3A_605 {strides = array<i32>} : memref<80x128xf32, #tpu.memory_space<vmem>>, vector<1x16xf32>,
      %broadcast_in_dim3A_606 = arith.constant 0.000000e+00 : f32
      %broadcast_in_dim3A_607 = vector.broadcast %broadcast_in_dim3A_606 : f32 to vector<16xf32>
      %swap3A_608 = arith.constant 0 : i32
      %swap3A_609 = arith.constant 0 : i32
      %swap3A_610 = tpu.memref_slice %arg7[%scan3A_179, %swap3A_608, %swap3A_609] : memref<4x80x128xf32, #tpu.memory_space<vmem>> -> memref<1x80x128xf32, #tpu.memory_space<vmem>>
      %swap3A_611 = tpu.memref_squeeze %swap3A_610 : memref<1x80x128xf32, #tpu.memory_space<vmem>> -> memref<80x128xf32, #tpu.memory_space<vmem>>
      %swap3A_612 = arith.index_cast %scan3A_563 : i32 to index
      %swap3A_613 = arith.constant 64 : index
      %swap3A_614 = tpu.vector_load %swap3A_611[%swap3A_612, %swap3A_613] {strides = array<i32>} : memref<80x128xf32, #tpu.memory_space<vmem>>, vector<1x16xf32>,
      %swap3A_615 = vector.shape_cast %swap3A_614 : vector<1x16xf32> to vector<16xf32>
      %swap3A_616 = vector.shape_cast %broadcast_in_dim3A_607 : vector<16xf32> to vector<1x16xf32>
      tpu.vector_store %swap3A_611[%swap3A_612, %swap3A_613], %swap3A_616 {strides = array<i32>} : memref<80x128xf32, #tpu.memory_space<vmem>>, vector<1x16xf32>,
      %broadcast_in_dim3A_617 = arith.constant 0.000000e+00 : f32
      %broadcast_in_dim3A_618 = vector.broadcast %broadcast_in_dim3A_617 : f32 to vector<16xf32>
      %swap3A_619 = arith.constant 0 : i32
      %swap3A_620 = arith.constant 0 : i32
      %swap3A_621 = tpu.memref_slice %arg7[%scan3A_179, %swap3A_619, %swap3A_620] : memref<4x80x128xf32, #tpu.memory_space<vmem>> -> memref<1x80x128xf32, #tpu.memory_space<vmem>>
      %swap3A_622 = tpu.memref_squeeze %swap3A_621 : memref<1x80x128xf32, #tpu.memory_space<vmem>> -> memref<80x128xf32, #tpu.memory_space<vmem>>
      %swap3A_623 = arith.index_cast %scan3A_563 : i32 to index
      %swap3A_624 = arith.constant 80 : index
      %swap3A_625 = tpu.vector_load %swap3A_622[%swap3A_623, %swap3A_624] {strides = array<i32>} : memref<80x128xf32, #tpu.memory_space<vmem>>, vector<1x16xf32>,
      %swap3A_626 = vector.shape_cast %swap3A_625 : vector<1x16xf32> to vector<16xf32>
      %swap3A_627 = vector.shape_cast %broadcast_in_dim3A_618 : vector<16xf32> to vector<1x16xf32>
      tpu.vector_store %swap3A_622[%swap3A_623, %swap3A_624], %swap3A_627 {strides = array<i32>} : memref<80x128xf32, #tpu.memory_space<vmem>>, vector<1x16xf32>,
      %broadcast_in_dim3A_628 = arith.constant 0.000000e+00 : f32
      %broadcast_in_dim3A_629 = vector.broadcast %broadcast_in_dim3A_628 : f32 to vector<16xf32>
      %swap3A_630 = arith.constant 0 : i32
      %swap3A_631 = arith.constant 0 : i32
      %swap3A_632 = tpu.memref_slice %arg7[%scan3A_179, %swap3A_630, %swap3A_631] : memref<4x80x128xf32, #tpu.memory_space<vmem>> -> memref<1x80x128xf32, #tpu.memory_space<vmem>>
      %swap3A_633 = tpu.memref_squeeze %swap3A_632 : memref<1x80x128xf32, #tpu.memory_space<vmem>> -> memref<80x128xf32, #tpu.memory_space<vmem>>
      %swap3A_634 = arith.index_cast %scan3A_563 : i32 to index
      %swap3A_635 = arith.constant 96 : index
      %swap3A_636 = tpu.vector_load %swap3A_633[%swap3A_634, %swap3A_635] {strides = array<i32>} : memref<80x128xf32, #tpu.memory_space<vmem>>, vector<1x16xf32>,
      %swap3A_637 = vector.shape_cast %swap3A_636 : vector<1x16xf32> to vector<16xf32>
      %swap3A_638 = vector.shape_cast %broadcast_in_dim3A_629 : vector<16xf32> to vector<1x16xf32>
      tpu.vector_store %swap3A_633[%swap3A_634, %swap3A_635], %swap3A_638 {strides = array<i32>} : memref<80x128xf32, #tpu.memory_space<vmem>>, vector<1x16xf32>,
      %broadcast_in_dim3A_639 = arith.constant 0.000000e+00 : f32
      %broadcast_in_dim3A_640 = vector.broadcast %broadcast_in_dim3A_639 : f32 to vector<16xf32>
      %swap3A_641 = arith.constant 0 : i32
      %swap3A_642 = arith.constant 0 : i32
      %swap3A_643 = tpu.memref_slice %arg7[%scan3A_179, %swap3A_641, %swap3A_642] : memref<4x80x128xf32, #tpu.memory_space<vmem>> -> memref<1x80x128xf32, #tpu.memory_space<vmem>>
      %swap3A_644 = tpu.memref_squeeze %swap3A_643 : memref<1x80x128xf32, #tpu.memory_space<vmem>> -> memref<80x128xf32, #tpu.memory_space<vmem>>
      %swap3A_645 = arith.index_cast %scan3A_563 : i32 to index
      %swap3A_646 = arith.constant 112 : index
      %swap3A_647 = tpu.vector_load %swap3A_644[%swap3A_645, %swap3A_646] {strides = array<i32>} : memref<80x128xf32, #tpu.memory_space<vmem>>, vector<1x16xf32>,
      %swap3A_648 = vector.shape_cast %swap3A_647 : vector<1x16xf32> to vector<16xf32>
      %swap3A_649 = vector.shape_cast %broadcast_in_dim3A_640 : vector<16xf32> to vector<1x16xf32>
      tpu.vector_store %swap3A_644[%swap3A_645, %swap3A_646], %swap3A_649 {strides = array<i32>} : memref<80x128xf32, #tpu.memory_space<vmem>>, vector<1x16xf32>,
    }
    %scan3A_184 = arith.constant 80 : i32
    %add3A_185 = arith.constant 0 : i32
    %add3A_186 = arith.addi %multiple_of3A, %add3A_185 : i32
    %dma_start3A_187 = arith.constant 3 : i32
    %dma_start3A_188 = arith.constant 0 : i32
    %dma_start3A_189 = arith.constant 0 : i32
    %dma_start3A_190 = tpu.memref_slice %arg7[%dma_start3A_187, %dma_start3A_188, %dma_start3A_189] : memref<4x80x128xf32, #tpu.memory_space<vmem>> -> memref<1x80x128xf32, #tpu.memory_space<vmem>>
    %dma_start3A_191 = tpu.memref_squeeze %dma_start3A_190 : memref<1x80x128xf32, #tpu.memory_space<vmem>> -> memref<80x128xf32, #tpu.memory_space<vmem>>
    %dma_start3A_192 = arith.constant 0 : i32
    %dma_start3A_193 = tpu.memref_slice %arg8[%add3A_186, %dma_start3A_192] : memref<10000x128xf32, #tpu.memory_space<vmem_shared>> -> memref<80x128xf32, #tpu.memory_space<vmem_shared>>
    %dma_start3A_194 = arith.constant 0 : i32
    %dma_start3A_195 = tpu.memref_slice %arg8[%add3A_186, %dma_start3A_194] : memref<10000x128xf32, #tpu.memory_space<vmem_shared>> -> memref<80x128xf32, #tpu.memory_space<vmem_shared>>
    %dma_start3A_196 = arith.constant 0 : i32
    %dma_start3A_197 = arith.constant 0 : i32
    %dma_start3A_198 = tpu.memref_slice %arg7[%dma_start3A_187, %dma_start3A_196, %dma_start3A_197] : memref<4x80x128xf32, #tpu.memory_space<vmem>> -> memref<1x80x128xf32, #tpu.memory_space<vmem>>
    %dma_start3A_199 = tpu.memref_squeeze %dma_start3A_198 : memref<1x80x128xf32, #tpu.memory_space<vmem>> -> memref<80x128xf32, #tpu.memory_space<vmem>>
    tpu.enqueue_dma source(%dma_start3A_199 : memref<80x128xf32, #tpu.memory_space<vmem>>) target(%dma_start3A_195 : memref<80x128xf32, #tpu.memory_space<vmem_shared>>) target_semaphore(%arg11 : memref<!tpu.dma_semaphore, #tpu.memory_space<semaphore_mem>>)
    %add3A_200 = arith.constant 80 : i32
    %add3A_201 = arith.addi %multiple_of3A, %add3A_200 : i32
    %dma_start3A_202 = arith.constant 3 : i32
    %dma_start3A_203 = arith.constant 0 : i32
    %dma_start3A_204 = arith.constant 0 : i32
    %dma_start3A_205 = tpu.memref_slice %arg7[%dma_start3A_202, %dma_start3A_203, %dma_start3A_204] : memref<4x80x128xf32, #tpu.memory_space<vmem>> -> memref<1x80x128xf32, #tpu.memory_space<vmem>>
    %dma_start3A_206 = tpu.memref_squeeze %dma_start3A_205 : memref<1x80x128xf32, #tpu.memory_space<vmem>> -> memref<80x128xf32, #tpu.memory_space<vmem>>
    %dma_start3A_207 = arith.constant 0 : i32
    %dma_start3A_208 = tpu.memref_slice %arg8[%add3A_201, %dma_start3A_207] : memref<10000x128xf32, #tpu.memory_space<vmem_shared>> -> memref<80x128xf32, #tpu.memory_space<vmem_shared>>
    %dma_start3A_209 = arith.constant 0 : i32
    %dma_start3A_210 = tpu.memref_slice %arg8[%add3A_201, %dma_start3A_209] : memref<10000x128xf32, #tpu.memory_space<vmem_shared>> -> memref<80x128xf32, #tpu.memory_space<vmem_shared>>
    %dma_start3A_211 = arith.constant 0 : i32
    %dma_start3A_212 = arith.constant 0 : i32
    %dma_start3A_213 = tpu.memref_slice %arg7[%dma_start3A_202, %dma_start3A_211, %dma_start3A_212] : memref<4x80x128xf32, #tpu.memory_space<vmem>> -> memref<1x80x128xf32, #tpu.memory_space<vmem>>
    %dma_start3A_214 = tpu.memref_squeeze %dma_start3A_213 : memref<1x80x128xf32, #tpu.memory_space<vmem>> -> memref<80x128xf32, #tpu.memory_space<vmem>>
    tpu.enqueue_dma source(%dma_start3A_214 : memref<80x128xf32, #tpu.memory_space<vmem>>) target(%dma_start3A_210 : memref<80x128xf32, #tpu.memory_space<vmem_shared>>) target_semaphore(%arg11 : memref<!tpu.dma_semaphore, #tpu.memory_space<semaphore_mem>>)
    %add3A_215 = arith.constant 160 : i32
    %add3A_216 = arith.addi %multiple_of3A, %add3A_215 : i32
    %dma_start3A_217 = arith.constant 3 : i32
    %dma_start3A_218 = arith.constant 0 : i32
    %dma_start3A_219 = arith.constant 0 : i32
    %dma_start3A_220 = tpu.memref_slice %arg7[%dma_start3A_217, %dma_start3A_218, %dma_start3A_219] : memref<4x80x128xf32, #tpu.memory_space<vmem>> -> memref<1x80x128xf32, #tpu.memory_space<vmem>>
    %dma_start3A_221 = tpu.memref_squeeze %dma_start3A_220 : memref<1x80x128xf32, #tpu.memory_space<vmem>> -> memref<80x128xf32, #tpu.memory_space<vmem>>
    %dma_start3A_222 = arith.constant 0 : i32
    %dma_start3A_223 = tpu.memref_slice %arg8[%add3A_216, %dma_start3A_222] : memref<10000x128xf32, #tpu.memory_space<vmem_shared>> -> memref<80x128xf32, #tpu.memory_space<vmem_shared>>
    %dma_start3A_224 = arith.constant 0 : i32
    %dma_start3A_225 = tpu.memref_slice %arg8[%add3A_216, %dma_start3A_224] : memref<10000x128xf32, #tpu.memory_space<vmem_shared>> -> memref<80x128xf32, #tpu.memory_space<vmem_shared>>
    %dma_start3A_226 = arith.constant 0 : i32
    %dma_start3A_227 = arith.constant 0 : i32
    %dma_start3A_228 = tpu.memref_slice %arg7[%dma_start3A_217, %dma_start3A_226, %dma_start3A_227] : memref<4x80x128xf32, #tpu.memory_space<vmem>> -> memref<1x80x128xf32, #tpu.memory_space<vmem>>
    %dma_start3A_229 = tpu.memref_squeeze %dma_start3A_228 : memref<1x80x128xf32, #tpu.memory_space<vmem>> -> memref<80x128xf32, #tpu.memory_space<vmem>>
    tpu.enqueue_dma source(%dma_start3A_229 : memref<80x128xf32, #tpu.memory_space<vmem>>) target(%dma_start3A_225 : memref<80x128xf32, #tpu.memory_space<vmem_shared>>) target_semaphore(%arg11 : memref<!tpu.dma_semaphore, #tpu.memory_space<semaphore_mem>>)
    %add3A_230 = arith.constant 240 : i32
    %add3A_231 = arith.addi %multiple_of3A, %add3A_230 : i32
    %dma_start3A_232 = arith.constant 3 : i32
    %dma_start3A_233 = arith.constant 0 : i32
    %dma_start3A_234 = arith.constant 0 : i32
    %dma_start3A_235 = tpu.memref_slice %arg7[%dma_start3A_232, %dma_start3A_233, %dma_start3A_234] : memref<4x80x128xf32, #tpu.memory_space<vmem>> -> memref<1x80x128xf32, #tpu.memory_space<vmem>>
    %dma_start3A_236 = tpu.memref_squeeze %dma_start3A_235 : memref<1x80x128xf32, #tpu.memory_space<vmem>> -> memref<80x128xf32, #tpu.memory_space<vmem>>
    %dma_start3A_237 = arith.constant 0 : i32
    %dma_start3A_238 = tpu.memref_slice %arg8[%add3A_231, %dma_start3A_237] : memref<10000x128xf32, #tpu.memory_space<vmem_shared>> -> memref<80x128xf32, #tpu.memory_space<vmem_shared>>
    %dma_start3A_239 = arith.constant 0 : i32
    %dma_start3A_240 = tpu.memref_slice %arg8[%add3A_231, %dma_start3A_239] : memref<10000x128xf32, #tpu.memory_space<vmem_shared>> -> memref<80x128xf32, #tpu.memory_space<vmem_shared>>
    %dma_start3A_241 = arith.constant 0 : i32
    %dma_start3A_242 = arith.constant 0 : i32
    %dma_start3A_243 = tpu.memref_slice %arg7[%dma_start3A_232, %dma_start3A_241, %dma_start3A_242] : memref<4x80x128xf32, #tpu.memory_space<vmem>> -> memref<1x80x128xf32, #tpu.memory_space<vmem>>
    %dma_start3A_244 = tpu.memref_squeeze %dma_start3A_243 : memref<1x80x128xf32, #tpu.memory_space<vmem>> -> memref<80x128xf32, #tpu.memory_space<vmem>>
    tpu.enqueue_dma source(%dma_start3A_244 : memref<80x128xf32, #tpu.memory_space<vmem>>) target(%dma_start3A_240 : memref<80x128xf32, #tpu.memory_space<vmem_shared>>) target_semaphore(%arg11 : memref<!tpu.dma_semaphore, #tpu.memory_space<semaphore_mem>>)
    %add3A_245 = arith.constant 320 : i32
    %add3A_246 = arith.addi %multiple_of3A, %add3A_245 : i32
    %dma_start3A_247 = arith.constant 3 : i32
    %dma_start3A_248 = arith.constant 0 : i32
    %dma_start3A_249 = arith.constant 0 : i32
    %dma_start3A_250 = tpu.memref_slice %arg7[%dma_start3A_247, %dma_start3A_248, %dma_start3A_249] : memref<4x80x128xf32, #tpu.memory_space<vmem>> -> memref<1x80x128xf32, #tpu.memory_space<vmem>>
    %dma_start3A_251 = tpu.memref_squeeze %dma_start3A_250 : memref<1x80x128xf32, #tpu.memory_space<vmem>> -> memref<80x128xf32, #tpu.memory_space<vmem>>
    %dma_start3A_252 = arith.constant 0 : i32
    %dma_start3A_253 = tpu.memref_slice %arg8[%add3A_246, %dma_start3A_252] : memref<10000x128xf32, #tpu.memory_space<vmem_shared>> -> memref<80x128xf32, #tpu.memory_space<vmem_shared>>
    %dma_start3A_254 = arith.constant 0 : i32
    %dma_start3A_255 = tpu.memref_slice %arg8[%add3A_246, %dma_start3A_254] : memref<10000x128xf32, #tpu.memory_space<vmem_shared>> -> memref<80x128xf32, #tpu.memory_space<vmem_shared>>
    %dma_start3A_256 = arith.constant 0 : i32
    %dma_start3A_257 = arith.constant 0 : i32
    %dma_start3A_258 = tpu.memref_slice %arg7[%dma_start3A_247, %dma_start3A_256, %dma_start3A_257] : memref<4x80x128xf32, #tpu.memory_space<vmem>> -> memref<1x80x128xf32, #tpu.memory_space<vmem>>
    %dma_start3A_259 = tpu.memref_squeeze %dma_start3A_258 : memref<1x80x128xf32, #tpu.memory_space<vmem>> -> memref<80x128xf32, #tpu.memory_space<vmem>>
    tpu.enqueue_dma source(%dma_start3A_259 : memref<80x128xf32, #tpu.memory_space<vmem>>) target(%dma_start3A_255 : memref<80x128xf32, #tpu.memory_space<vmem_shared>>) target_semaphore(%arg11 : memref<!tpu.dma_semaphore, #tpu.memory_space<semaphore_mem>>)
    %add3A_260 = arith.constant 400 : i32
    %add3A_261 = arith.addi %multiple_of3A, %add3A_260 : i32
    %dma_start3A_262 = arith.constant 3 : i32
    %dma_start3A_263 = arith.constant 0 : i32
    %dma_start3A_264 = arith.constant 0 : i32
    %dma_start3A_265 = tpu.memref_slice %arg7[%dma_start3A_262, %dma_start3A_263, %dma_start3A_264] : memref<4x80x128xf32, #tpu.memory_space<vmem>> -> memref<1x80x128xf32, #tpu.memory_space<vmem>>
    %dma_start3A_266 = tpu.memref_squeeze %dma_start3A_265 : memref<1x80x128xf32, #tpu.memory_space<vmem>> -> memref<80x128xf32, #tpu.memory_space<vmem>>
    %dma_start3A_267 = arith.constant 0 : i32
    %dma_start3A_268 = tpu.memref_slice %arg8[%add3A_261, %dma_start3A_267] : memref<10000x128xf32, #tpu.memory_space<vmem_shared>> -> memref<80x128xf32, #tpu.memory_space<vmem_shared>>
    %dma_start3A_269 = arith.constant 0 : i32
    %dma_start3A_270 = tpu.memref_slice %arg8[%add3A_261, %dma_start3A_269] : memref<10000x128xf32, #tpu.memory_space<vmem_shared>> -> memref<80x128xf32, #tpu.memory_space<vmem_shared>>
    %dma_start3A_271 = arith.constant 0 : i32
    %dma_start3A_272 = arith.constant 0 : i32
    %dma_start3A_273 = tpu.memref_slice %arg7[%dma_start3A_262, %dma_start3A_271, %dma_start3A_272] : memref<4x80x128xf32, #tpu.memory_space<vmem>> -> memref<1x80x128xf32, #tpu.memory_space<vmem>>
    %dma_start3A_274 = tpu.memref_squeeze %dma_start3A_273 : memref<1x80x128xf32, #tpu.memory_space<vmem>> -> memref<80x128xf32, #tpu.memory_space<vmem>>
    tpu.enqueue_dma source(%dma_start3A_274 : memref<80x128xf32, #tpu.memory_space<vmem>>) target(%dma_start3A_270 : memref<80x128xf32, #tpu.memory_space<vmem_shared>>) target_semaphore(%arg11 : memref<!tpu.dma_semaphore, #tpu.memory_space<semaphore_mem>>)
    %add3A_275 = arith.constant 480 : i32
    %add3A_276 = arith.addi %multiple_of3A, %add3A_275 : i32
    %dma_start3A_277 = arith.constant 3 : i32
    %dma_start3A_278 = arith.constant 0 : i32
    %dma_start3A_279 = arith.constant 0 : i32
    %dma_start3A_280 = tpu.memref_slice %arg7[%dma_start3A_277, %dma_start3A_278, %dma_start3A_279] : memref<4x80x128xf32, #tpu.memory_space<vmem>> -> memref<1x80x128xf32, #tpu.memory_space<vmem>>
    %dma_start3A_281 = tpu.memref_squeeze %dma_start3A_280 : memref<1x80x128xf32, #tpu.memory_space<vmem>> -> memref<80x128xf32, #tpu.memory_space<vmem>>
    %dma_start3A_282 = arith.constant 0 : i32
    %dma_start3A_283 = tpu.memref_slice %arg8[%add3A_276, %dma_start3A_282] : memref<10000x128xf32, #tpu.memory_space<vmem_shared>> -> memref<80x128xf32, #tpu.memory_space<vmem_shared>>
    %dma_start3A_284 = arith.constant 0 : i32
    %dma_start3A_285 = tpu.memref_slice %arg8[%add3A_276, %dma_start3A_284] : memref<10000x128xf32, #tpu.memory_space<vmem_shared>> -> memref<80x128xf32, #tpu.memory_space<vmem_shared>>
    %dma_start3A_286 = arith.constant 0 : i32
    %dma_start3A_287 = arith.constant 0 : i32
    %dma_start3A_288 = tpu.memref_slice %arg7[%dma_start3A_277, %dma_start3A_286, %dma_start3A_287] : memref<4x80x128xf32, #tpu.memory_space<vmem>> -> memref<1x80x128xf32, #tpu.memory_space<vmem>>
    %dma_start3A_289 = tpu.memref_squeeze %dma_start3A_288 : memref<1x80x128xf32, #tpu.memory_space<vmem>> -> memref<80x128xf32, #tpu.memory_space<vmem>>
    tpu.enqueue_dma source(%dma_start3A_289 : memref<80x128xf32, #tpu.memory_space<vmem>>) target(%dma_start3A_285 : memref<80x128xf32, #tpu.memory_space<vmem_shared>>) target_semaphore(%arg11 : memref<!tpu.dma_semaphore, #tpu.memory_space<semaphore_mem>>)
    %add3A_290 = arith.constant 560 : i32
    %add3A_291 = arith.addi %multiple_of3A, %add3A_290 : i32
    %dma_start3A_292 = arith.constant 3 : i32
    %dma_start3A_293 = arith.constant 0 : i32
    %dma_start3A_294 = arith.constant 0 : i32
    %dma_start3A_295 = tpu.memref_slice %arg7[%dma_start3A_292, %dma_start3A_293, %dma_start3A_294] : memref<4x80x128xf32, #tpu.memory_space<vmem>> -> memref<1x80x128xf32, #tpu.memory_space<vmem>>
    %dma_start3A_296 = tpu.memref_squeeze %dma_start3A_295 : memref<1x80x128xf32, #tpu.memory_space<vmem>> -> memref<80x128xf32, #tpu.memory_space<vmem>>
    %dma_start3A_297 = arith.constant 0 : i32
    %dma_start3A_298 = tpu.memref_slice %arg8[%add3A_291, %dma_start3A_297] : memref<10000x128xf32, #tpu.memory_space<vmem_shared>> -> memref<80x128xf32, #tpu.memory_space<vmem_shared>>
    %dma_start3A_299 = arith.constant 0 : i32
    %dma_start3A_300 = tpu.memref_slice %arg8[%add3A_291, %dma_start3A_299] : memref<10000x128xf32, #tpu.memory_space<vmem_shared>> -> memref<80x128xf32, #tpu.memory_space<vmem_shared>>
    %dma_start3A_301 = arith.constant 0 : i32
    %dma_start3A_302 = arith.constant 0 : i32
    %dma_start3A_303 = tpu.memref_slice %arg7[%dma_start3A_292, %dma_start3A_301, %dma_start3A_302] : memref<4x80x128xf32, #tpu.memory_space<vmem>> -> memref<1x80x128xf32, #tpu.memory_space<vmem>>
    %dma_start3A_304 = tpu.memref_squeeze %dma_start3A_303 : memref<1x80x128xf32, #tpu.memory_space<vmem>> -> memref<80x128xf32, #tpu.memory_space<vmem>>
    tpu.enqueue_dma source(%dma_start3A_304 : memref<80x128xf32, #tpu.memory_space<vmem>>) target(%dma_start3A_300 : memref<80x128xf32, #tpu.memory_space<vmem_shared>>) target_semaphore(%arg11 : memref<!tpu.dma_semaphore, #tpu.memory_space<semaphore_mem>>)
    %add3A_305 = arith.constant 0 : i32
    %add3A_306 = arith.addi %mul3A_5, %add3A_305 : i32
    %multiple_of3A_307 = tpu.assume_multiple %add3A_306, 8 : i32
    %dma_wait3A = arith.constant 0 : i32
    %dma_wait3A_308 = arith.constant 0 : i32
    %dma_wait3A_309 = arith.constant 0 : i32
    %dma_wait3A_310 = tpu.memref_slice %arg5[%dma_wait3A, %dma_wait3A_309] : memref<6x80xi32, #tpu.memory_space<vmem>> -> memref<1x80xi32, #tpu.memory_space<vmem>>
    %dma_wait3A_311 = tpu.memref_squeeze %dma_wait3A_310 : memref<1x80xi32, #tpu.memory_space<vmem>> -> memref<80xi32, #tpu.memory_space<vmem>>
    %dma_wait3A_312 = tpu.memref_slice %arg3[%multiple_of3A_307] : memref<640000xi32, #tpu.memory_space<hbm>> -> memref<80xi32, #tpu.memory_space<hbm>>
    %dma_wait3A_313 = tpu.memref_slice %arg9[%dma_wait3A_308] : memref<6x!tpu.dma_semaphore, #tpu.memory_space<semaphore_mem>> -> memref<1x!tpu.dma_semaphore, #tpu.memory_space<semaphore_mem>>
    %dma_wait3A_314 = tpu.memref_squeeze %dma_wait3A_313 : memref<1x!tpu.dma_semaphore, #tpu.memory_space<semaphore_mem>> -> memref<!tpu.dma_semaphore, #tpu.memory_space<semaphore_mem>>
    %dma_wait3A_315 = arith.constant 0 : i32
    %dma_wait3A_316 = tpu.memref_slice %arg5[%dma_wait3A, %dma_wait3A_315] : memref<6x80xi32, #tpu.memory_space<vmem>> -> memref<1x80xi32, #tpu.memory_space<vmem>>
    %dma_wait3A_317 = tpu.memref_squeeze %dma_wait3A_316 : memref<1x80xi32, #tpu.memory_space<vmem>> -> memref<80xi32, #tpu.memory_space<vmem>>
    %dma_wait3A_318 = tpu.memref_slice %arg3[%multiple_of3A_307] : memref<640000xi32, #tpu.memory_space<hbm>> -> memref<80xi32, #tpu.memory_space<hbm>>
    tpu.wait_dma2 semaphore(%dma_wait3A_314 : memref<!tpu.dma_semaphore, #tpu.memory_space<semaphore_mem>>) src(%dma_wait3A_318 : memref<80xi32, #tpu.memory_space<hbm>>) dst(%dma_wait3A_317 : memref<80xi32, #tpu.memory_space<vmem>>)
    %add3A_319 = arith.constant 320000 : i32
    %add3A_320 = arith.addi %add3A_319, %multiple_of3A_307 : i32
    %dma_wait3A_321 = arith.constant 0 : i32
    %dma_wait3A_322 = arith.constant 0 : i32
    %dma_wait3A_323 = arith.constant 0 : i32
    %dma_wait3A_324 = tpu.memref_slice %arg6[%dma_wait3A_321, %dma_wait3A_323] : memref<6x80xi32, #tpu.memory_space<vmem>> -> memref<1x80xi32, #tpu.memory_space<vmem>>
    %dma_wait3A_325 = tpu.memref_squeeze %dma_wait3A_324 : memref<1x80xi32, #tpu.memory_space<vmem>> -> memref<80xi32, #tpu.memory_space<vmem>>
    %dma_wait3A_326 = tpu.memref_slice %arg3[%add3A_320] : memref<640000xi32, #tpu.memory_space<hbm>> -> memref<80xi32, #tpu.memory_space<hbm>>
    %dma_wait3A_327 = tpu.memref_slice %arg9[%dma_wait3A_322] : memref<6x!tpu.dma_semaphore, #tpu.memory_space<semaphore_mem>> -> memref<1x!tpu.dma_semaphore, #tpu.memory_space<semaphore_mem>>
    %dma_wait3A_328 = tpu.memref_squeeze %dma_wait3A_327 : memref<1x!tpu.dma_semaphore, #tpu.memory_space<semaphore_mem>> -> memref<!tpu.dma_semaphore, #tpu.memory_space<semaphore_mem>>
    %dma_wait3A_329 = arith.constant 0 : i32
    %dma_wait3A_330 = tpu.memref_slice %arg6[%dma_wait3A_321, %dma_wait3A_329] : memref<6x80xi32, #tpu.memory_space<vmem>> -> memref<1x80xi32, #tpu.memory_space<vmem>>
    %dma_wait3A_331 = tpu.memref_squeeze %dma_wait3A_330 : memref<1x80xi32, #tpu.memory_space<vmem>> -> memref<80xi32, #tpu.memory_space<vmem>>
    %dma_wait3A_332 = tpu.memref_slice %arg3[%add3A_320] : memref<640000xi32, #tpu.memory_space<hbm>> -> memref<80xi32, #tpu.memory_space<hbm>>
    tpu.wait_dma2 semaphore(%dma_wait3A_328 : memref<!tpu.dma_semaphore, #tpu.memory_space<semaphore_mem>>) src(%dma_wait3A_332 : memref<80xi32, #tpu.memory_space<hbm>>) dst(%dma_wait3A_331 : memref<80xi32, #tpu.memory_space<vmem>>)
    %dma_start3A_333 = arith.constant 0 : i32
    %dma_start3A_334 = arith.constant 0 : i32
    %dma_start3A_335 = arith.constant 0 : i32
    %dma_start3A_336 = arith.constant 0 : i32
    %dma_start3A_337 = arith.constant 0 : i32
    %dma_start3A_338 = tpu.memref_slice %arg7[%dma_start3A_334, %dma_start3A_336, %dma_start3A_337] : memref<4x80x128xf32, #tpu.memory_space<vmem>> -> memref<1x80x128xf32, #tpu.memory_space<vmem>>
    %dma_start3A_339 = tpu.memref_squeeze %dma_start3A_338 : memref<1x80x128xf32, #tpu.memory_space<vmem>> -> memref<80x128xf32, #tpu.memory_space<vmem>>
    %dma_start3A_340 = arith.constant 0 : i32
    %dma_start3A_341 = tpu.memref_slice %arg5[%dma_start3A_333, %dma_start3A_340] : memref<6x80xi32, #tpu.memory_space<vmem>> -> memref<1x80xi32, #tpu.memory_space<vmem>>
    %dma_start3A_342 = tpu.memref_squeeze %dma_start3A_341 : memref<1x80xi32, #tpu.memory_space<vmem>> -> memref<80xi32, #tpu.memory_space<vmem>>
    %dma_start3A_343 = arith.constant 0 : i32
    %dma_start3A_344 = arith.constant 0 : i32
    %dma_start3A_345 = tpu.memref_slice %arg2[%dma_start3A_343, %dma_start3A_344] : memref<10000x128xf32, #tpu.memory_space<hbm>> -> memref<10000x128xf32, #tpu.memory_space<hbm>>
    %dma_start3A_346 = tpu.memref_slice %arg10[%dma_start3A_335] : memref<4x!tpu.dma_semaphore, #tpu.memory_space<semaphore_mem>> -> memref<1x!tpu.dma_semaphore, #tpu.memory_space<semaphore_mem>>
    %dma_start3A_347 = tpu.memref_squeeze %dma_start3A_346 : memref<1x!tpu.dma_semaphore, #tpu.memory_space<semaphore_mem>> -> memref<!tpu.dma_semaphore, #tpu.memory_space<semaphore_mem>>
    tpu.enqueue_indirect_dma source(%dma_start3A_345 : memref<10000x128xf32, #tpu.memory_space<hbm>>) target(%dma_start3A_339 : memref<80x128xf32, #tpu.memory_space<vmem>>) offsets(%dma_start3A_342 : memref<80xi32, #tpu.memory_space<vmem>>) semaphore(%dma_start3A_347 : memref<!tpu.dma_semaphore, #tpu.memory_space<semaphore_mem>>)
    %add3A_348 = arith.constant 80 : i32
    %add3A_349 = arith.addi %mul3A_5, %add3A_348 : i32
    %multiple_of3A_350 = tpu.assume_multiple %add3A_349, 8 : i32
    %dma_wait3A_351 = arith.constant 1 : i32
    %dma_wait3A_352 = arith.constant 1 : i32
    %dma_wait3A_353 = arith.constant 0 : i32
    %dma_wait3A_354 = tpu.memref_slice %arg5[%dma_wait3A_351, %dma_wait3A_353] : memref<6x80xi32, #tpu.memory_space<vmem>> -> memref<1x80xi32, #tpu.memory_space<vmem>>
    %dma_wait3A_355 = tpu.memref_squeeze %dma_wait3A_354 : memref<1x80xi32, #tpu.memory_space<vmem>> -> memref<80xi32, #tpu.memory_space<vmem>>
    %dma_wait3A_356 = tpu.memref_slice %arg3[%multiple_of3A_350] : memref<640000xi32, #tpu.memory_space<hbm>> -> memref<80xi32, #tpu.memory_space<hbm>>
    %dma_wait3A_357 = tpu.memref_slice %arg9[%dma_wait3A_352] : memref<6x!tpu.dma_semaphore, #tpu.memory_space<semaphore_mem>> -> memref<1x!tpu.dma_semaphore, #tpu.memory_space<semaphore_mem>>
    %dma_wait3A_358 = tpu.memref_squeeze %dma_wait3A_357 : memref<1x!tpu.dma_semaphore, #tpu.memory_space<semaphore_mem>> -> memref<!tpu.dma_semaphore, #tpu.memory_space<semaphore_mem>>
    %dma_wait3A_359 = arith.constant 0 : i32
    %dma_wait3A_360 = tpu.memref_slice %arg5[%dma_wait3A_351, %dma_wait3A_359] : memref<6x80xi32, #tpu.memory_space<vmem>> -> memref<1x80xi32, #tpu.memory_space<vmem>>
    %dma_wait3A_361 = tpu.memref_squeeze %dma_wait3A_360 : memref<1x80xi32, #tpu.memory_space<vmem>> -> memref<80xi32, #tpu.memory_space<vmem>>
    %dma_wait3A_362 = tpu.memref_slice %arg3[%multiple_of3A_350] : memref<640000xi32, #tpu.memory_space<hbm>> -> memref<80xi32, #tpu.memory_space<hbm>>
    tpu.wait_dma2 semaphore(%dma_wait3A_358 : memref<!tpu.dma_semaphore, #tpu.memory_space<semaphore_mem>>) src(%dma_wait3A_362 : memref<80xi32, #tpu.memory_space<hbm>>) dst(%dma_wait3A_361 : memref<80xi32, #tpu.memory_space<vmem>>)
    %add3A_363 = arith.constant 320000 : i32
    %add3A_364 = arith.addi %add3A_363, %multiple_of3A_350 : i32
    %dma_wait3A_365 = arith.constant 1 : i32
    %dma_wait3A_366 = arith.constant 1 : i32
    %dma_wait3A_367 = arith.constant 0 : i32
    %dma_wait3A_368 = tpu.memref_slice %arg6[%dma_wait3A_365, %dma_wait3A_367] : memref<6x80xi32, #tpu.memory_space<vmem>> -> memref<1x80xi32, #tpu.memory_space<vmem>>
    %dma_wait3A_369 = tpu.memref_squeeze %dma_wait3A_368 : memref<1x80xi32, #tpu.memory_space<vmem>> -> memref<80xi32, #tpu.memory_space<vmem>>
    %dma_wait3A_370 = tpu.memref_slice %arg3[%add3A_364] : memref<640000xi32, #tpu.memory_space<hbm>> -> memref<80xi32, #tpu.memory_space<hbm>>
    %dma_wait3A_371 = tpu.memref_slice %arg9[%dma_wait3A_366] : memref<6x!tpu.dma_semaphore, #tpu.memory_space<semaphore_mem>> -> memref<1x!tpu.dma_semaphore, #tpu.memory_space<semaphore_mem>>
    %dma_wait3A_372 = tpu.memref_squeeze %dma_wait3A_371 : memref<1x!tpu.dma_semaphore, #tpu.memory_space<semaphore_mem>> -> memref<!tpu.dma_semaphore, #tpu.memory_space<semaphore_mem>>
    %dma_wait3A_373 = arith.constant 0 : i32
    %dma_wait3A_374 = tpu.memref_slice %arg6[%dma_wait3A_365, %dma_wait3A_373] : memref<6x80xi32, #tpu.memory_space<vmem>> -> memref<1x80xi32, #tpu.memory_space<vmem>>
    %dma_wait3A_375 = tpu.memref_squeeze %dma_wait3A_374 : memref<1x80xi32, #tpu.memory_space<vmem>> -> memref<80xi32, #tpu.memory_space<vmem>>
    %dma_wait3A_376 = tpu.memref_slice %arg3[%add3A_364] : memref<640000xi32, #tpu.memory_space<hbm>> -> memref<80xi32, #tpu.memory_space<hbm>>
    tpu.wait_dma2 semaphore(%dma_wait3A_372 : memref<!tpu.dma_semaphore, #tpu.memory_space<semaphore_mem>>) src(%dma_wait3A_376 : memref<80xi32, #tpu.memory_space<hbm>>) dst(%dma_wait3A_375 : memref<80xi32, #tpu.memory_space<vmem>>)
    %dma_start3A_377 = arith.constant 1 : i32
    %dma_start3A_378 = arith.constant 1 : i32
    %dma_start3A_379 = arith.constant 1 : i32
    %dma_start3A_380 = arith.constant 0 : i32
    %dma_start3A_381 = arith.constant 0 : i32
    %dma_start3A_382 = tpu.memref_slice %arg7[%dma_start3A_378, %dma_start3A_380, %dma_start3A_381] : memref<4x80x128xf32, #tpu.memory_space<vmem>> -> memref<1x80x128xf32, #tpu.memory_space<vmem>>
    %dma_start3A_383 = tpu.memref_squeeze %dma_start3A_382 : memref<1x80x128xf32, #tpu.memory_space<vmem>> -> memref<80x128xf32, #tpu.memory_space<vmem>>
    %dma_start3A_384 = arith.constant 0 : i32
    %dma_start3A_385 = tpu.memref_slice %arg5[%dma_start3A_377, %dma_start3A_384] : memref<6x80xi32, #tpu.memory_space<vmem>> -> memref<1x80xi32, #tpu.memory_space<vmem>>
    %dma_start3A_386 = tpu.memref_squeeze %dma_start3A_385 : memref<1x80xi32, #tpu.memory_space<vmem>> -> memref<80xi32, #tpu.memory_space<vmem>>
    %dma_start3A_387 = arith.constant 0 : i32
    %dma_start3A_388 = arith.constant 0 : i32
    %dma_start3A_389 = tpu.memref_slice %arg2[%dma_start3A_387, %dma_start3A_388] : memref<10000x128xf32, #tpu.memory_space<hbm>> -> memref<10000x128xf32, #tpu.memory_space<hbm>>
    %dma_start3A_390 = tpu.memref_slice %arg10[%dma_start3A_379] : memref<4x!tpu.dma_semaphore, #tpu.memory_space<semaphore_mem>> -> memref<1x!tpu.dma_semaphore, #tpu.memory_space<semaphore_mem>>
    %dma_start3A_391 = tpu.memref_squeeze %dma_start3A_390 : memref<1x!tpu.dma_semaphore, #tpu.memory_space<semaphore_mem>> -> memref<!tpu.dma_semaphore, #tpu.memory_space<semaphore_mem>>
    tpu.enqueue_indirect_dma source(%dma_start3A_389 : memref<10000x128xf32, #tpu.memory_space<hbm>>) target(%dma_start3A_383 : memref<80x128xf32, #tpu.memory_space<vmem>>) offsets(%dma_start3A_386 : memref<80xi32, #tpu.memory_space<vmem>>) semaphore(%dma_start3A_391 : memref<!tpu.dma_semaphore, #tpu.memory_space<semaphore_mem>>)
    %add3A_392 = arith.constant 160 : i32
    %add3A_393 = arith.addi %mul3A_5, %add3A_392 : i32
    %multiple_of3A_394 = tpu.assume_multiple %add3A_393, 8 : i32
    %dma_wait3A_395 = arith.constant 2 : i32
    %dma_wait3A_396 = arith.constant 2 : i32
    %dma_wait3A_397 = arith.constant 0 : i32
    %dma_wait3A_398 = tpu.memref_slice %arg5[%dma_wait3A_395, %dma_wait3A_397] : memref<6x80xi32, #tpu.memory_space<vmem>> -> memref<1x80xi32, #tpu.memory_space<vmem>>
    %dma_wait3A_399 = tpu.memref_squeeze %dma_wait3A_398 : memref<1x80xi32, #tpu.memory_space<vmem>> -> memref<80xi32, #tpu.memory_space<vmem>>
    %dma_wait3A_400 = tpu.memref_slice %arg3[%multiple_of3A_394] : memref<640000xi32, #tpu.memory_space<hbm>> -> memref<80xi32, #tpu.memory_space<hbm>>
    %dma_wait3A_401 = tpu.memref_slice %arg9[%dma_wait3A_396] : memref<6x!tpu.dma_semaphore, #tpu.memory_space<semaphore_mem>> -> memref<1x!tpu.dma_semaphore, #tpu.memory_space<semaphore_mem>>
    %dma_wait3A_402 = tpu.memref_squeeze %dma_wait3A_401 : memref<1x!tpu.dma_semaphore, #tpu.memory_space<semaphore_mem>> -> memref<!tpu.dma_semaphore, #tpu.memory_space<semaphore_mem>>
    %dma_wait3A_403 = arith.constant 0 : i32
    %dma_wait3A_404 = tpu.memref_slice %arg5[%dma_wait3A_395, %dma_wait3A_403] : memref<6x80xi32, #tpu.memory_space<vmem>> -> memref<1x80xi32, #tpu.memory_space<vmem>>
    %dma_wait3A_405 = tpu.memref_squeeze %dma_wait3A_404 : memref<1x80xi32, #tpu.memory_space<vmem>> -> memref<80xi32, #tpu.memory_space<vmem>>
    %dma_wait3A_406 = tpu.memref_slice %arg3[%multiple_of3A_394] : memref<640000xi32, #tpu.memory_space<hbm>> -> memref<80xi32, #tpu.memory_space<hbm>>
    tpu.wait_dma2 semaphore(%dma_wait3A_402 : memref<!tpu.dma_semaphore, #tpu.memory_space<semaphore_mem>>) src(%dma_wait3A_406 : memref<80xi32, #tpu.memory_space<hbm>>) dst(%dma_wait3A_405 : memref<80xi32, #tpu.memory_space<vmem>>)
    %add3A_407 = arith.constant 320000 : i32
    %add3A_408 = arith.addi %add3A_407, %multiple_of3A_394 : i32
    %dma_wait3A_409 = arith.constant 2 : i32
    %dma_wait3A_410 = arith.constant 2 : i32
    %dma_wait3A_411 = arith.constant 0 : i32
    %dma_wait3A_412 = tpu.memref_slice %arg6[%dma_wait3A_409, %dma_wait3A_411] : memref<6x80xi32, #tpu.memory_space<vmem>> -> memref<1x80xi32, #tpu.memory_space<vmem>>
    %dma_wait3A_413 = tpu.memref_squeeze %dma_wait3A_412 : memref<1x80xi32, #tpu.memory_space<vmem>> -> memref<80xi32, #tpu.memory_space<vmem>>
    %dma_wait3A_414 = tpu.memref_slice %arg3[%add3A_408] : memref<640000xi32, #tpu.memory_space<hbm>> -> memref<80xi32, #tpu.memory_space<hbm>>
    %dma_wait3A_415 = tpu.memref_slice %arg9[%dma_wait3A_410] : memref<6x!tpu.dma_semaphore, #tpu.memory_space<semaphore_mem>> -> memref<1x!tpu.dma_semaphore, #tpu.memory_space<semaphore_mem>>
    %dma_wait3A_416 = tpu.memref_squeeze %dma_wait3A_415 : memref<1x!tpu.dma_semaphore, #tpu.memory_space<semaphore_mem>> -> memref<!tpu.dma_semaphore, #tpu.memory_space<semaphore_mem>>
    %dma_wait3A_417 = arith.constant 0 : i32
    %dma_wait3A_418 = tpu.memref_slice %arg6[%dma_wait3A_409, %dma_wait3A_417] : memref<6x80xi32, #tpu.memory_space<vmem>> -> memref<1x80xi32, #tpu.memory_space<vmem>>
    %dma_wait3A_419 = tpu.memref_squeeze %dma_wait3A_418 : memref<1x80xi32, #tpu.memory_space<vmem>> -> memref<80xi32, #tpu.memory_space<vmem>>
    %dma_wait3A_420 = tpu.memref_slice %arg3[%add3A_408] : memref<640000xi32, #tpu.memory_space<hbm>> -> memref<80xi32, #tpu.memory_space<hbm>>
    tpu.wait_dma2 semaphore(%dma_wait3A_416 : memref<!tpu.dma_semaphore, #tpu.memory_space<semaphore_mem>>) src(%dma_wait3A_420 : memref<80xi32, #tpu.memory_space<hbm>>) dst(%dma_wait3A_419 : memref<80xi32, #tpu.memory_space<vmem>>)
    %dma_start3A_421 = arith.constant 2 : i32
    %dma_start3A_422 = arith.constant 2 : i32
    %dma_start3A_423 = arith.constant 2 : i32
    %dma_start3A_424 = arith.constant 0 : i32
    %dma_start3A_425 = arith.constant 0 : i32
    %dma_start3A_426 = tpu.memref_slice %arg7[%dma_start3A_422, %dma_start3A_424, %dma_start3A_425] : memref<4x80x128xf32, #tpu.memory_space<vmem>> -> memref<1x80x128xf32, #tpu.memory_space<vmem>>
    %dma_start3A_427 = tpu.memref_squeeze %dma_start3A_426 : memref<1x80x128xf32, #tpu.memory_space<vmem>> -> memref<80x128xf32, #tpu.memory_space<vmem>>
    %dma_start3A_428 = arith.constant 0 : i32
    %dma_start3A_429 = tpu.memref_slice %arg5[%dma_start3A_421, %dma_start3A_428] : memref<6x80xi32, #tpu.memory_space<vmem>> -> memref<1x80xi32, #tpu.memory_space<vmem>>
    %dma_start3A_430 = tpu.memref_squeeze %dma_start3A_429 : memref<1x80xi32, #tpu.memory_space<vmem>> -> memref<80xi32, #tpu.memory_space<vmem>>
    %dma_start3A_431 = arith.constant 0 : i32
    %dma_start3A_432 = arith.constant 0 : i32
    %dma_start3A_433 = tpu.memref_slice %arg2[%dma_start3A_431, %dma_start3A_432] : memref<10000x128xf32, #tpu.memory_space<hbm>> -> memref<10000x128xf32, #tpu.memory_space<hbm>>
    %dma_start3A_434 = tpu.memref_slice %arg10[%dma_start3A_423] : memref<4x!tpu.dma_semaphore, #tpu.memory_space<semaphore_mem>> -> memref<1x!tpu.dma_semaphore, #tpu.memory_space<semaphore_mem>>
    %dma_start3A_435 = tpu.memref_squeeze %dma_start3A_434 : memref<1x!tpu.dma_semaphore, #tpu.memory_space<semaphore_mem>> -> memref<!tpu.dma_semaphore, #tpu.memory_space<semaphore_mem>>
    tpu.enqueue_indirect_dma source(%dma_start3A_433 : memref<10000x128xf32, #tpu.memory_space<hbm>>) target(%dma_start3A_427 : memref<80x128xf32, #tpu.memory_space<vmem>>) offsets(%dma_start3A_430 : memref<80xi32, #tpu.memory_space<vmem>>) semaphore(%dma_start3A_435 : memref<!tpu.dma_semaphore, #tpu.memory_space<semaphore_mem>>)
    %add3A_436 = arith.constant 0 : i32
    %add3A_437 = arith.addi %multiple_of3A, %add3A_436 : i32
    %dma_wait3A_438 = arith.constant 3 : i32
    %dma_wait3A_439 = arith.constant 0 : i32
    %dma_wait3A_440 = arith.constant 0 : i32
    %dma_wait3A_441 = tpu.memref_slice %arg7[%dma_wait3A_438, %dma_wait3A_439, %dma_wait3A_440] : memref<4x80x128xf32, #tpu.memory_space<vmem>> -> memref<1x80x128xf32, #tpu.memory_space<vmem>>
    %dma_wait3A_442 = tpu.memref_squeeze %dma_wait3A_441 : memref<1x80x128xf32, #tpu.memory_space<vmem>> -> memref<80x128xf32, #tpu.memory_space<vmem>>
    %dma_wait3A_443 = arith.constant 0 : i32
    %dma_wait3A_444 = tpu.memref_slice %arg8[%add3A_437, %dma_wait3A_443] : memref<10000x128xf32, #tpu.memory_space<vmem_shared>> -> memref<80x128xf32, #tpu.memory_space<vmem_shared>>
    %dma_wait3A_445 = arith.constant 0 : i32
    %dma_wait3A_446 = tpu.memref_slice %arg8[%add3A_437, %dma_wait3A_445] : memref<10000x128xf32, #tpu.memory_space<vmem_shared>> -> memref<80x128xf32, #tpu.memory_space<vmem_shared>>
    %dma_wait3A_447 = arith.constant 0 : i32
    %dma_wait3A_448 = arith.constant 0 : i32
    %dma_wait3A_449 = tpu.memref_slice %arg7[%dma_wait3A_438, %dma_wait3A_447, %dma_wait3A_448] : memref<4x80x128xf32, #tpu.memory_space<vmem>> -> memref<1x80x128xf32, #tpu.memory_space<vmem>>
    %dma_wait3A_450 = tpu.memref_squeeze %dma_wait3A_449 : memref<1x80x128xf32, #tpu.memory_space<vmem>> -> memref<80x128xf32, #tpu.memory_space<vmem>>
    tpu.wait_dma2 semaphore(%arg11 : memref<!tpu.dma_semaphore, #tpu.memory_space<semaphore_mem>>) src(%dma_wait3A_450 : memref<80x128xf32, #tpu.memory_space<vmem>>) dst(%dma_wait3A_446 : memref<80x128xf32, #tpu.memory_space<vmem_shared>>)
    %add3A_451 = arith.constant 80 : i32
    %add3A_452 = arith.addi %multiple_of3A, %add3A_451 : i32
    %dma_wait3A_453 = arith.constant 3 : i32
    %dma_wait3A_454 = arith.constant 0 : i32
    %dma_wait3A_455 = arith.constant 0 : i32
    %dma_wait3A_456 = tpu.memref_slice %arg7[%dma_wait3A_453, %dma_wait3A_454, %dma_wait3A_455] : memref<4x80x128xf32, #tpu.memory_space<vmem>> -> memref<1x80x128xf32, #tpu.memory_space<vmem>>
    %dma_wait3A_457 = tpu.memref_squeeze %dma_wait3A_456 : memref<1x80x128xf32, #tpu.memory_space<vmem>> -> memref<80x128xf32, #tpu.memory_space<vmem>>
    %dma_wait3A_458 = arith.constant 0 : i32
    %dma_wait3A_459 = tpu.memref_slice %arg8[%add3A_452, %dma_wait3A_458] : memref<10000x128xf32, #tpu.memory_space<vmem_shared>> -> memref<80x128xf32, #tpu.memory_space<vmem_shared>>
    %dma_wait3A_460 = arith.constant 0 : i32
    %dma_wait3A_461 = tpu.memref_slice %arg8[%add3A_452, %dma_wait3A_460] : memref<10000x128xf32, #tpu.memory_space<vmem_shared>> -> memref<80x128xf32, #tpu.memory_space<vmem_shared>>
    %dma_wait3A_462 = arith.constant 0 : i32
    %dma_wait3A_463 = arith.constant 0 : i32
    %dma_wait3A_464 = tpu.memref_slice %arg7[%dma_wait3A_453, %dma_wait3A_462, %dma_wait3A_463] : memref<4x80x128xf32, #tpu.memory_space<vmem>> -> memref<1x80x128xf32, #tpu.memory_space<vmem>>
    %dma_wait3A_465 = tpu.memref_squeeze %dma_wait3A_464 : memref<1x80x128xf32, #tpu.memory_space<vmem>> -> memref<80x128xf32, #tpu.memory_space<vmem>>
    tpu.wait_dma2 semaphore(%arg11 : memref<!tpu.dma_semaphore, #tpu.memory_space<semaphore_mem>>) src(%dma_wait3A_465 : memref<80x128xf32, #tpu.memory_space<vmem>>) dst(%dma_wait3A_461 : memref<80x128xf32, #tpu.memory_space<vmem_shared>>)
    %add3A_466 = arith.constant 160 : i32
    %add3A_467 = arith.addi %multiple_of3A, %add3A_466 : i32
    %dma_wait3A_468 = arith.constant 3 : i32
    %dma_wait3A_469 = arith.constant 0 : i32
    %dma_wait3A_470 = arith.constant 0 : i32
    %dma_wait3A_471 = tpu.memref_slice %arg7[%dma_wait3A_468, %dma_wait3A_469, %dma_wait3A_470] : memref<4x80x128xf32, #tpu.memory_space<vmem>> -> memref<1x80x128xf32, #tpu.memory_space<vmem>>
    %dma_wait3A_472 = tpu.memref_squeeze %dma_wait3A_471 : memref<1x80x128xf32, #tpu.memory_space<vmem>> -> memref<80x128xf32, #tpu.memory_space<vmem>>
    %dma_wait3A_473 = arith.constant 0 : i32
    %dma_wait3A_474 = tpu.memref_slice %arg8[%add3A_467, %dma_wait3A_473] : memref<10000x128xf32, #tpu.memory_space<vmem_shared>> -> memref<80x128xf32, #tpu.memory_space<vmem_shared>>
    %dma_wait3A_475 = arith.constant 0 : i32
    %dma_wait3A_476 = tpu.memref_slice %arg8[%add3A_467, %dma_wait3A_475] : memref<10000x128xf32, #tpu.memory_space<vmem_shared>> -> memref<80x128xf32, #tpu.memory_space<vmem_shared>>
    %dma_wait3A_477 = arith.constant 0 : i32
    %dma_wait3A_478 = arith.constant 0 : i32
    %dma_wait3A_479 = tpu.memref_slice %arg7[%dma_wait3A_468, %dma_wait3A_477, %dma_wait3A_478] : memref<4x80x128xf32, #tpu.memory_space<vmem>> -> memref<1x80x128xf32, #tpu.memory_space<vmem>>
    %dma_wait3A_480 = tpu.memref_squeeze %dma_wait3A_479 : memref<1x80x128xf32, #tpu.memory_space<vmem>> -> memref<80x128xf32, #tpu.memory_space<vmem>>
    tpu.wait_dma2 semaphore(%arg11 : memref<!tpu.dma_semaphore, #tpu.memory_space<semaphore_mem>>) src(%dma_wait3A_480 : memref<80x128xf32, #tpu.memory_space<vmem>>) dst(%dma_wait3A_476 : memref<80x128xf32, #tpu.memory_space<vmem_shared>>)
    %add3A_481 = arith.constant 240 : i32
    %add3A_482 = arith.addi %multiple_of3A, %add3A_481 : i32
    %dma_wait3A_483 = arith.constant 3 : i32
    %dma_wait3A_484 = arith.constant 0 : i32
    %dma_wait3A_485 = arith.constant 0 : i32
    %dma_wait3A_486 = tpu.memref_slice %arg7[%dma_wait3A_483, %dma_wait3A_484, %dma_wait3A_485] : memref<4x80x128xf32, #tpu.memory_space<vmem>> -> memref<1x80x128xf32, #tpu.memory_space<vmem>>
    %dma_wait3A_487 = tpu.memref_squeeze %dma_wait3A_486 : memref<1x80x128xf32, #tpu.memory_space<vmem>> -> memref<80x128xf32, #tpu.memory_space<vmem>>
    %dma_wait3A_488 = arith.constant 0 : i32
    %dma_wait3A_489 = tpu.memref_slice %arg8[%add3A_482, %dma_wait3A_488] : memref<10000x128xf32, #tpu.memory_space<vmem_shared>> -> memref<80x128xf32, #tpu.memory_space<vmem_shared>>
    %dma_wait3A_490 = arith.constant 0 : i32
    %dma_wait3A_491 = tpu.memref_slice %arg8[%add3A_482, %dma_wait3A_490] : memref<10000x128xf32, #tpu.memory_space<vmem_shared>> -> memref<80x128xf32, #tpu.memory_space<vmem_shared>>
    %dma_wait3A_492 = arith.constant 0 : i32
    %dma_wait3A_493 = arith.constant 0 : i32
    %dma_wait3A_494 = tpu.memref_slice %arg7[%dma_wait3A_483, %dma_wait3A_492, %dma_wait3A_493] : memref<4x80x128xf32, #tpu.memory_space<vmem>> -> memref<1x80x128xf32, #tpu.memory_space<vmem>>
    %dma_wait3A_495 = tpu.memref_squeeze %dma_wait3A_494 : memref<1x80x128xf32, #tpu.memory_space<vmem>> -> memref<80x128xf32, #tpu.memory_space<vmem>>
    tpu.wait_dma2 semaphore(%arg11 : memref<!tpu.dma_semaphore, #tpu.memory_space<semaphore_mem>>) src(%dma_wait3A_495 : memref<80x128xf32, #tpu.memory_space<vmem>>) dst(%dma_wait3A_491 : memref<80x128xf32, #tpu.memory_space<vmem_shared>>)
    %add3A_496 = arith.constant 320 : i32
    %add3A_497 = arith.addi %multiple_of3A, %add3A_496 : i32
    %dma_wait3A_498 = arith.constant 3 : i32
    %dma_wait3A_499 = arith.constant 0 : i32
    %dma_wait3A_500 = arith.constant 0 : i32
    %dma_wait3A_501 = tpu.memref_slice %arg7[%dma_wait3A_498, %dma_wait3A_499, %dma_wait3A_500] : memref<4x80x128xf32, #tpu.memory_space<vmem>> -> memref<1x80x128xf32, #tpu.memory_space<vmem>>
    %dma_wait3A_502 = tpu.memref_squeeze %dma_wait3A_501 : memref<1x80x128xf32, #tpu.memory_space<vmem>> -> memref<80x128xf32, #tpu.memory_space<vmem>>
    %dma_wait3A_503 = arith.constant 0 : i32
    %dma_wait3A_504 = tpu.memref_slice %arg8[%add3A_497, %dma_wait3A_503] : memref<10000x128xf32, #tpu.memory_space<vmem_shared>> -> memref<80x128xf32, #tpu.memory_space<vmem_shared>>
    %dma_wait3A_505 = arith.constant 0 : i32
    %dma_wait3A_506 = tpu.memref_slice %arg8[%add3A_497, %dma_wait3A_505] : memref<10000x128xf32, #tpu.memory_space<vmem_shared>> -> memref<80x128xf32, #tpu.memory_space<vmem_shared>>
    %dma_wait3A_507 = arith.constant 0 : i32
    %dma_wait3A_508 = arith.constant 0 : i32
    %dma_wait3A_509 = tpu.memref_slice %arg7[%dma_wait3A_498, %dma_wait3A_507, %dma_wait3A_508] : memref<4x80x128xf32, #tpu.memory_space<vmem>> -> memref<1x80x128xf32, #tpu.memory_space<vmem>>
    %dma_wait3A_510 = tpu.memref_squeeze %dma_wait3A_509 : memref<1x80x128xf32, #tpu.memory_space<vmem>> -> memref<80x128xf32, #tpu.memory_space<vmem>>
    tpu.wait_dma2 semaphore(%arg11 : memref<!tpu.dma_semaphore, #tpu.memory_space<semaphore_mem>>) src(%dma_wait3A_510 : memref<80x128xf32, #tpu.memory_space<vmem>>) dst(%dma_wait3A_506 : memref<80x128xf32, #tpu.memory_space<vmem_shared>>)
    %add3A_511 = arith.constant 400 : i32
    %add3A_512 = arith.addi %multiple_of3A, %add3A_511 : i32
    %dma_wait3A_513 = arith.constant 3 : i32
    %dma_wait3A_514 = arith.constant 0 : i32
    %dma_wait3A_515 = arith.constant 0 : i32
    %dma_wait3A_516 = tpu.memref_slice %arg7[%dma_wait3A_513, %dma_wait3A_514, %dma_wait3A_515] : memref<4x80x128xf32, #tpu.memory_space<vmem>> -> memref<1x80x128xf32, #tpu.memory_space<vmem>>
    %dma_wait3A_517 = tpu.memref_squeeze %dma_wait3A_516 : memref<1x80x128xf32, #tpu.memory_space<vmem>> -> memref<80x128xf32, #tpu.memory_space<vmem>>
    %dma_wait3A_518 = arith.constant 0 : i32
    %dma_wait3A_519 = tpu.memref_slice %arg8[%add3A_512, %dma_wait3A_518] : memref<10000x128xf32, #tpu.memory_space<vmem_shared>> -> memref<80x128xf32, #tpu.memory_space<vmem_shared>>
    %dma_wait3A_520 = arith.constant 0 : i32
    %dma_wait3A_521 = tpu.memref_slice %arg8[%add3A_512, %dma_wait3A_520] : memref<10000x128xf32, #tpu.memory_space<vmem_shared>> -> memref<80x128xf32, #tpu.memory_space<vmem_shared>>
    %dma_wait3A_522 = arith.constant 0 : i32
    %dma_wait3A_523 = arith.constant 0 : i32
    %dma_wait3A_524 = tpu.memref_slice %arg7[%dma_wait3A_513, %dma_wait3A_522, %dma_wait3A_523] : memref<4x80x128xf32, #tpu.memory_space<vmem>> -> memref<1x80x128xf32, #tpu.memory_space<vmem>>
    %dma_wait3A_525 = tpu.memref_squeeze %dma_wait3A_524 : memref<1x80x128xf32, #tpu.memory_space<vmem>> -> memref<80x128xf32, #tpu.memory_space<vmem>>
    tpu.wait_dma2 semaphore(%arg11 : memref<!tpu.dma_semaphore, #tpu.memory_space<semaphore_mem>>) src(%dma_wait3A_525 : memref<80x128xf32, #tpu.memory_space<vmem>>) dst(%dma_wait3A_521 : memref<80x128xf32, #tpu.memory_space<vmem_shared>>)
    %add3A_526 = arith.constant 480 : i32
    %add3A_527 = arith.addi %multiple_of3A, %add3A_526 : i32
    %dma_wait3A_528 = arith.constant 3 : i32
    %dma_wait3A_529 = arith.constant 0 : i32
    %dma_wait3A_530 = arith.constant 0 : i32
    %dma_wait3A_531 = tpu.memref_slice %arg7[%dma_wait3A_528, %dma_wait3A_529, %dma_wait3A_530] : memref<4x80x128xf32, #tpu.memory_space<vmem>> -> memref<1x80x128xf32, #tpu.memory_space<vmem>>
    %dma_wait3A_532 = tpu.memref_squeeze %dma_wait3A_531 : memref<1x80x128xf32, #tpu.memory_space<vmem>> -> memref<80x128xf32, #tpu.memory_space<vmem>>
    %dma_wait3A_533 = arith.constant 0 : i32
    %dma_wait3A_534 = tpu.memref_slice %arg8[%add3A_527, %dma_wait3A_533] : memref<10000x128xf32, #tpu.memory_space<vmem_shared>> -> memref<80x128xf32, #tpu.memory_space<vmem_shared>>
    %dma_wait3A_535 = arith.constant 0 : i32
    %dma_wait3A_536 = tpu.memref_slice %arg8[%add3A_527, %dma_wait3A_535] : memref<10000x128xf32, #tpu.memory_space<vmem_shared>> -> memref<80x128xf32, #tpu.memory_space<vmem_shared>>
    %dma_wait3A_537 = arith.constant 0 : i32
    %dma_wait3A_538 = arith.constant 0 : i32
    %dma_wait3A_539 = tpu.memref_slice %arg7[%dma_wait3A_528, %dma_wait3A_537, %dma_wait3A_538] : memref<4x80x128xf32, #tpu.memory_space<vmem>> -> memref<1x80x128xf32, #tpu.memory_space<vmem>>
    %dma_wait3A_540 = tpu.memref_squeeze %dma_wait3A_539 : memref<1x80x128xf32, #tpu.memory_space<vmem>> -> memref<80x128xf32, #tpu.memory_space<vmem>>
    tpu.wait_dma2 semaphore(%arg11 : memref<!tpu.dma_semaphore, #tpu.memory_space<semaphore_mem>>) src(%dma_wait3A_540 : memref<80x128xf32, #tpu.memory_space<vmem>>) dst(%dma_wait3A_536 : memref<80x128xf32, #tpu.memory_space<vmem_shared>>)
    %add3A_541 = arith.constant 560 : i32
    %add3A_542 = arith.addi %multiple_of3A, %add3A_541 : i32
    %dma_wait3A_543 = arith.constant 3 : i32
    %dma_wait3A_544 = arith.constant 0 : i32
    %dma_wait3A_545 = arith.constant 0 : i32
    %dma_wait3A_546 = tpu.memref_slice %arg7[%dma_wait3A_543, %dma_wait3A_544, %dma_wait3A_545] : memref<4x80x128xf32, #tpu.memory_space<vmem>> -> memref<1x80x128xf32, #tpu.memory_space<vmem>>
    %dma_wait3A_547 = tpu.memref_squeeze %dma_wait3A_546 : memref<1x80x128xf32, #tpu.memory_space<vmem>> -> memref<80x128xf32, #tpu.memory_space<vmem>>
    %dma_wait3A_548 = arith.constant 0 : i32
    %dma_wait3A_549 = tpu.memref_slice %arg8[%add3A_542, %dma_wait3A_548] : memref<10000x128xf32, #tpu.memory_space<vmem_shared>> -> memref<80x128xf32, #tpu.memory_space<vmem_shared>>
    %dma_wait3A_550 = arith.constant 0 : i32
    %dma_wait3A_551 = tpu.memref_slice %arg8[%add3A_542, %dma_wait3A_550] : memref<10000x128xf32, #tpu.memory_space<vmem_shared>> -> memref<80x128xf32, #tpu.memory_space<vmem_shared>>
    %dma_wait3A_552 = arith.constant 0 : i32
    %dma_wait3A_553 = arith.constant 0 : i32
    %dma_wait3A_554 = tpu.memref_slice %arg7[%dma_wait3A_543, %dma_wait3A_552, %dma_wait3A_553] : memref<4x80x128xf32, #tpu.memory_space<vmem>> -> memref<1x80x128xf32, #tpu.memory_space<vmem>>
    %dma_wait3A_555 = tpu.memref_squeeze %dma_wait3A_554 : memref<1x80x128xf32, #tpu.memory_space<vmem>> -> memref<80x128xf32, #tpu.memory_space<vmem>>
    tpu.wait_dma2 semaphore(%arg11 : memref<!tpu.dma_semaphore, #tpu.memory_space<semaphore_mem>>) src(%dma_wait3A_555 : memref<80x128xf32, #tpu.memory_space<vmem>>) dst(%dma_wait3A_551 : memref<80x128xf32, #tpu.memory_space<vmem_shared>>)
    %barrier3A = arith.constant 0 : index
    tpu.barrier barrier_id(%barrier3A)
    %scan3A_556 = arith.constant 0 : i32
    %scan3A_557 = arith.constant 0 : i32
    %scan3A_558 = arith.constant 125 : i32
    %scan3A_559 = arith.addi %scan3A_557, %scan3A_558 : i32
    %scan3A_560 = arith.constant 1 : i32
    scf.for %scan3A_563 = %scan3A_557 to %scan3A_559 step %scan3A_560  : i32 {
      %jit3A = arith.constant 4 : i32
      %eq3A = arith.constant 0 : i32
      %eq3A_564 = arith.cmpi eq, %jit3A, %eq3A : i32
      %jit3A_565 = arith.constant 1 : i32
      %select_n3A = arith.select %eq3A_564, %jit3A_565, %jit3A : i32
      %rem3A = arith.remsi %scan3A_563, %select_n3A : i32
      %ne3A = arith.constant 0 : i32
      %ne3A_566 = arith.cmpi ne, %rem3A, %ne3A : i32
      %lt3A = arith.constant 0 : i32
      %lt3A_567 = arith.cmpi slt, %rem3A, %lt3A : i32
      %lt3A_568 = arith.constant 0 : i32
      %lt3A_569 = arith.cmpi slt, %select_n3A, %lt3A_568 : i32
      %ne3A_570 = arith.xori %lt3A_567, %lt3A_569 : i1
      %and3A = arith.andi %ne3A_570, %ne3A_566 : i1
      %add3A_571 = arith.addi %rem3A, %select_n3A : i32
      %select_n3A_572 = arith.select %and3A, %add3A_571, %rem3A : i32
      %jit3A_573 = arith.constant 6 : i32
      %eq3A_574 = arith.constant 0 : i32
      %eq3A_575 = arith.cmpi eq, %jit3A_573, %eq3A_574 : i32
      %jit3A_576 = arith.constant 1 : i32
      %select_n3A_577 = arith.select %eq3A_575, %jit3A_576, %jit3A_573 : i32
      %rem3A_578 = arith.remsi %scan3A_563, %select_n3A_577 : i32
      %ne3A_579 = arith.constant 0 : i32
      %ne3A_580 = arith.cmpi ne, %rem3A_578, %ne3A_579 : i32
      %lt3A_581 = arith.constant 0 : i32
      %lt3A_582 = arith.cmpi slt, %rem3A_578, %lt3A_581 : i32
      %lt3A_583 = arith.constant 0 : i32
      %lt3A_584 = arith.cmpi slt, %select_n3A_577, %lt3A_583 : i32
      %ne3A_585 = arith.xori %lt3A_582, %lt3A_584 : i1
      %and3A_586 = arith.andi %ne3A_585, %ne3A_580 : i1
      %add3A_587 = arith.addi %rem3A_578, %select_n3A_577 : i32
      %select_n3A_588 = arith.select %and3A_586, %add3A_587, %rem3A_578 : i32
      %dma_wait3A_589 = arith.constant 0 : i32
      %dma_wait3A_590 = arith.constant 0 : i32
      %dma_wait3A_591 = tpu.memref_slice %arg7[%select_n3A_572, %dma_wait3A_589, %dma_wait3A_590] : memref<4x80x128xf32, #tpu.memory_space<vmem>> -> memref<1x80x128xf32, #tpu.memory_space<vmem>>
      %dma_wait3A_592 = tpu.memref_squeeze %dma_wait3A_591 : memref<1x80x128xf32, #tpu.memory_space<vmem>> -> memref<80x128xf32, #tpu.memory_space<vmem>>
      %dma_wait3A_593 = arith.constant 0 : i32
      %dma_wait3A_594 = tpu.memref_slice %arg5[%select_n3A_588, %dma_wait3A_593] : memref<6x80xi32, #tpu.memory_space<vmem>> -> memref<1x80xi32, #tpu.memory_space<vmem>>
      %dma_wait3A_595 = tpu.memref_squeeze %dma_wait3A_594 : memref<1x80xi32, #tpu.memory_space<vmem>> -> memref<80xi32, #tpu.memory_space<vmem>>
      %dma_wait3A_596 = arith.constant 0 : i32
      %dma_wait3A_597 = arith.constant 0 : i32
      %dma_wait3A_598 = tpu.memref_slice %arg2[%dma_wait3A_596, %dma_wait3A_597] : memref<10000x128xf32, #tpu.memory_space<hbm>> -> memref<10000x128xf32, #tpu.memory_space<hbm>>
      %dma_wait3A_599 = tpu.memref_slice %arg10[%select_n3A_572] : memref<4x!tpu.dma_semaphore, #tpu.memory_space<semaphore_mem>> -> memref<1x!tpu.dma_semaphore, #tpu.memory_space<semaphore_mem>>
      %dma_wait3A_600 = tpu.memref_squeeze %dma_wait3A_599 : memref<1x!tpu.dma_semaphore, #tpu.memory_space<semaphore_mem>> -> memref<!tpu.dma_semaphore, #tpu.memory_space<semaphore_mem>>
      tpu.wait_indirect_dma semaphore(%dma_wait3A_600 : memref<!tpu.dma_semaphore, #tpu.memory_space<semaphore_mem>>) src(%dma_wait3A_598 : memref<10000x128xf32, #tpu.memory_space<hbm>>) dst(%dma_wait3A_592 : memref<80x128xf32, #tpu.memory_space<vmem>>)
      %jit3A_601 = arith.constant 4 : i32
      %eq3A_602 = arith.constant 0 : i32
      %eq3A_603 = arith.cmpi eq, %jit3A_601, %eq3A_602 : i32
      %jit3A_604 = arith.constant 1 : i32
      %select_n3A_605 = arith.select %eq3A_603, %jit3A_604, %jit3A_601 : i32
      %rem3A_606 = arith.remsi %scan3A_563, %select_n3A_605 : i32
      %ne3A_607 = arith.constant 0 : i32
      %ne3A_608 = arith.cmpi ne, %rem3A_606, %ne3A_607 : i32
      %lt3A_609 = arith.constant 0 : i32
      %lt3A_610 = arith.cmpi slt, %rem3A_606, %lt3A_609 : i32
      %lt3A_611 = arith.constant 0 : i32
      %lt3A_612 = arith.cmpi slt, %select_n3A_605, %lt3A_611 : i32
      %ne3A_613 = arith.xori %lt3A_610, %lt3A_612 : i1
      %and3A_614 = arith.andi %ne3A_613, %ne3A_608 : i1
      %add3A_615 = arith.addi %rem3A_606, %select_n3A_605 : i32
      %select_n3A_616 = arith.select %and3A_614, %add3A_615, %rem3A_606 : i32
      %jit3A_617 = arith.constant 6 : i32
      %eq3A_618 = arith.constant 0 : i32
      %eq3A_619 = arith.cmpi eq, %jit3A_617, %eq3A_618 : i32
      %jit3A_620 = arith.constant 1 : i32
      %select_n3A_621 = arith.select %eq3A_619, %jit3A_620, %jit3A_617 : i32
      %rem3A_622 = arith.remsi %scan3A_563, %select_n3A_621 : i32
      %ne3A_623 = arith.constant 0 : i32
      %ne3A_624 = arith.cmpi ne, %rem3A_622, %ne3A_623 : i32
      %lt3A_625 = arith.constant 0 : i32
      %lt3A_626 = arith.cmpi slt, %rem3A_622, %lt3A_625 : i32
      %lt3A_627 = arith.constant 0 : i32
      %lt3A_628 = arith.cmpi slt, %select_n3A_621, %lt3A_627 : i32
      %ne3A_629 = arith.xori %lt3A_626, %lt3A_628 : i1
      %and3A_630 = arith.andi %ne3A_629, %ne3A_624 : i1
      %add3A_631 = arith.addi %rem3A_622, %select_n3A_621 : i32
      %select_n3A_632 = arith.select %and3A_630, %add3A_631, %rem3A_622 : i32
      "tpu.region"() ({
        %run_scoped3A = tpu.sem_alloc : memref<!tpu.dma_semaphore, #tpu.memory_space<semaphore_mem>>
        %dma_start3A_646 = arith.constant 0 : i32
        %dma_start3A_647 = arith.constant 0 : i32
        %dma_start3A_648 = tpu.memref_slice %arg7[%select_n3A_616, %dma_start3A_646, %dma_start3A_647] : memref<4x80x128xf32, #tpu.memory_space<vmem>> -> memref<1x80x128xf32, #tpu.memory_space<vmem>>
        %dma_start3A_649 = tpu.memref_squeeze %dma_start3A_648 : memref<1x80x128xf32, #tpu.memory_space<vmem>> -> memref<80x128xf32, #tpu.memory_space<vmem>>
        %dma_start3A_650 = arith.constant 0 : i32
        %dma_start3A_651 = tpu.memref_slice %arg6[%select_n3A_632, %dma_start3A_650] : memref<6x80xi32, #tpu.memory_space<vmem>> -> memref<1x80xi32, #tpu.memory_space<vmem>>
        %dma_start3A_652 = tpu.memref_squeeze %dma_start3A_651 : memref<1x80xi32, #tpu.memory_space<vmem>> -> memref<80xi32, #tpu.memory_space<vmem>>
        %dma_start3A_653 = arith.constant 0 : i32
        %dma_start3A_654 = arith.constant 0 : i32
        %dma_start3A_655 = tpu.memref_slice %arg8[%dma_start3A_653, %dma_start3A_654] : memref<10000x128xf32, #tpu.memory_space<vmem_shared>> -> memref<10000x128xf32, #tpu.memory_space<vmem_shared>>
        tpu.enqueue_indirect_dma source(%dma_start3A_649 : memref<80x128xf32, #tpu.memory_space<vmem>>) target(%dma_start3A_655 : memref<10000x128xf32, #tpu.memory_space<vmem_shared>>) offsets(%dma_start3A_652 : memref<80xi32, #tpu.memory_space<vmem>>) semaphore(%run_scoped3A : memref<!tpu.dma_semaphore, #tpu.memory_space<semaphore_mem>>) {add = true}
        %dma_wait3A_656 = arith.constant 0 : i32
        %dma_wait3A_657 = arith.constant 0 : i32
        %dma_wait3A_658 = tpu.memref_slice %arg7[%select_n3A_616, %dma_wait3A_656, %dma_wait3A_657] : memref<4x80x128xf32, #tpu.memory_space<vmem>> -> memref<1x80x128xf32, #tpu.memory_space<vmem>>
        %dma_wait3A_659 = tpu.memref_squeeze %dma_wait3A_658 : memref<1x80x128xf32, #tpu.memory_space<vmem>> -> memref<80x128xf32, #tpu.memory_space<vmem>>
        %dma_wait3A_660 = arith.constant 0 : i32
        %dma_wait3A_661 = tpu.memref_slice %arg6[%select_n3A_632, %dma_wait3A_660] : memref<6x80xi32, #tpu.memory_space<vmem>> -> memref<1x80xi32, #tpu.memory_space<vmem>>
        %dma_wait3A_662 = tpu.memref_squeeze %dma_wait3A_661 : memref<1x80xi32, #tpu.memory_space<vmem>> -> memref<80xi32, #tpu.memory_space<vmem>>
        %dma_wait3A_663 = arith.constant 0 : i32
        %dma_wait3A_664 = arith.constant 0 : i32
        %dma_wait3A_665 = tpu.memref_slice %arg8[%dma_wait3A_663, %dma_wait3A_664] : memref<10000x128xf32, #tpu.memory_space<vmem_shared>> -> memref<10000x128xf32, #tpu.memory_space<vmem_shared>>
        tpu.wait_indirect_dma semaphore(%run_scoped3A : memref<!tpu.dma_semaphore, #tpu.memory_space<semaphore_mem>>) src(%dma_wait3A_659 : memref<80x128xf32, #tpu.memory_space<vmem>>) dst(%dma_wait3A_665 : memref<10000x128xf32, #tpu.memory_space<vmem_shared>>)
        tpu.yield
      }) : () -> ()
      %add3A_633 = arith.constant 4 : i32
      %add3A_634 = arith.addi %scan3A_563, %add3A_633 : i32
      %sub3A = arith.constant 1 : i32
      %sub3A_635 = arith.subi %add3A_634, %sub3A : i32
      %lt3A_636 = arith.constant 125 : i32
      %lt3A_637 = arith.cmpi slt, %sub3A_635, %lt3A_636 : i32
      %convert_element_type3A = arith.extui %lt3A_637 : i1 to i32
      %cond3A = arith.constant 0 : i32
      %cond3A_638 = arith.cmpi ne, %convert_element_type3A, %cond3A : i32
      scf.if %cond3A_638 {
        %jit3A_646 = arith.constant 6 : i32
        %eq3A_647 = arith.constant 0 : i32
        %eq3A_648 = arith.cmpi eq, %jit3A_646, %eq3A_647 : i32
        %jit3A_649 = arith.constant 1 : i32
        %select_n3A_650 = arith.select %eq3A_648, %jit3A_649, %jit3A_646 : i32
        %rem3A_651 = arith.remsi %sub3A_635, %select_n3A_650 : i32
        %ne3A_652 = arith.constant 0 : i32
        %ne3A_653 = arith.cmpi ne, %rem3A_651, %ne3A_652 : i32
        %lt3A_654 = arith.constant 0 : i32
        %lt3A_655 = arith.cmpi slt, %rem3A_651, %lt3A_654 : i32
        %lt3A_656 = arith.constant 0 : i32
        %lt3A_657 = arith.cmpi slt, %select_n3A_650, %lt3A_656 : i32
        %ne3A_658 = arith.xori %lt3A_655, %lt3A_657 : i1
        %and3A_659 = arith.andi %ne3A_658, %ne3A_653 : i1
        %add3A_660 = arith.addi %rem3A_651, %select_n3A_650 : i32
        %select_n3A_661 = arith.select %and3A_659, %add3A_660, %rem3A_651 : i32
        %mul3A_662 = arith.constant 80 : i32
        %mul3A_663 = arith.muli %sub3A_635, %mul3A_662 : i32
        %add3A_664 = arith.addi %mul3A_5, %mul3A_663 : i32
        %multiple_of3A_665 = tpu.assume_multiple %add3A_664, 8 : i32
        %dma_wait3A_666 = arith.constant 0 : i32
        %dma_wait3A_667 = tpu.memref_slice %arg5[%select_n3A_661, %dma_wait3A_666] : memref<6x80xi32, #tpu.memory_space<vmem>> -> memref<1x80xi32, #tpu.memory_space<vmem>>
        %dma_wait3A_668 = tpu.memref_squeeze %dma_wait3A_667 : memref<1x80xi32, #tpu.memory_space<vmem>> -> memref<80xi32, #tpu.memory_space<vmem>>
        %dma_wait3A_669 = tpu.memref_slice %arg3[%multiple_of3A_665] : memref<640000xi32, #tpu.memory_space<hbm>> -> memref<80xi32, #tpu.memory_space<hbm>>
        %dma_wait3A_670 = tpu.memref_slice %arg9[%select_n3A_661] : memref<6x!tpu.dma_semaphore, #tpu.memory_space<semaphore_mem>> -> memref<1x!tpu.dma_semaphore, #tpu.memory_space<semaphore_mem>>
        %dma_wait3A_671 = tpu.memref_squeeze %dma_wait3A_670 : memref<1x!tpu.dma_semaphore, #tpu.memory_space<semaphore_mem>> -> memref<!tpu.dma_semaphore, #tpu.memory_space<semaphore_mem>>
        %dma_wait3A_672 = arith.constant 0 : i32
        %dma_wait3A_673 = tpu.memref_slice %arg5[%select_n3A_661, %dma_wait3A_672] : memref<6x80xi32, #tpu.memory_space<vmem>> -> memref<1x80xi32, #tpu.memory_space<vmem>>
        %dma_wait3A_674 = tpu.memref_squeeze %dma_wait3A_673 : memref<1x80xi32, #tpu.memory_space<vmem>> -> memref<80xi32, #tpu.memory_space<vmem>>
        %dma_wait3A_675 = tpu.memref_slice %arg3[%multiple_of3A_665] : memref<640000xi32, #tpu.memory_space<hbm>> -> memref<80xi32, #tpu.memory_space<hbm>>
        tpu.wait_dma2 semaphore(%dma_wait3A_671 : memref<!tpu.dma_semaphore, #tpu.memory_space<semaphore_mem>>) src(%dma_wait3A_675 : memref<80xi32, #tpu.memory_space<hbm>>) dst(%dma_wait3A_674 : memref<80xi32, #tpu.memory_space<vmem>>)
        %add3A_676 = arith.constant 320000 : i32
        %add3A_677 = arith.addi %add3A_676, %multiple_of3A_665 : i32
        %dma_wait3A_678 = arith.constant 0 : i32
        %dma_wait3A_679 = tpu.memref_slice %arg6[%select_n3A_661, %dma_wait3A_678] : memref<6x80xi32, #tpu.memory_space<vmem>> -> memref<1x80xi32, #tpu.memory_space<vmem>>
        %dma_wait3A_680 = tpu.memref_squeeze %dma_wait3A_679 : memref<1x80xi32, #tpu.memory_space<vmem>> -> memref<80xi32, #tpu.memory_space<vmem>>
        %dma_wait3A_681 = tpu.memref_slice %arg3[%add3A_677] : memref<640000xi32, #tpu.memory_space<hbm>> -> memref<80xi32, #tpu.memory_space<hbm>>
        %dma_wait3A_682 = tpu.memref_slice %arg9[%select_n3A_661] : memref<6x!tpu.dma_semaphore, #tpu.memory_space<semaphore_mem>> -> memref<1x!tpu.dma_semaphore, #tpu.memory_space<semaphore_mem>>
        %dma_wait3A_683 = tpu.memref_squeeze %dma_wait3A_682 : memref<1x!tpu.dma_semaphore, #tpu.memory_space<semaphore_mem>> -> memref<!tpu.dma_semaphore, #tpu.memory_space<semaphore_mem>>
        %dma_wait3A_684 = arith.constant 0 : i32
        %dma_wait3A_685 = tpu.memref_slice %arg6[%select_n3A_661, %dma_wait3A_684] : memref<6x80xi32, #tpu.memory_space<vmem>> -> memref<1x80xi32, #tpu.memory_space<vmem>>
        %dma_wait3A_686 = tpu.memref_squeeze %dma_wait3A_685 : memref<1x80xi32, #tpu.memory_space<vmem>> -> memref<80xi32, #tpu.memory_space<vmem>>
        %dma_wait3A_687 = tpu.memref_slice %arg3[%add3A_677] : memref<640000xi32, #tpu.memory_space<hbm>> -> memref<80xi32, #tpu.memory_space<hbm>>
        tpu.wait_dma2 semaphore(%dma_wait3A_683 : memref<!tpu.dma_semaphore, #tpu.memory_space<semaphore_mem>>) src(%dma_wait3A_687 : memref<80xi32, #tpu.memory_space<hbm>>) dst(%dma_wait3A_686 : memref<80xi32, #tpu.memory_space<vmem>>)
        %jit3A_688 = arith.constant 4 : i32
        %eq3A_689 = arith.constant 0 : i32
        %eq3A_690 = arith.cmpi eq, %jit3A_688, %eq3A_689 : i32
        %jit3A_691 = arith.constant 1 : i32
        %select_n3A_692 = arith.select %eq3A_690, %jit3A_691, %jit3A_688 : i32
        %rem3A_693 = arith.remsi %sub3A_635, %select_n3A_692 : i32
        %ne3A_694 = arith.constant 0 : i32
        %ne3A_695 = arith.cmpi ne, %rem3A_693, %ne3A_694 : i32
        %lt3A_696 = arith.constant 0 : i32
        %lt3A_697 = arith.cmpi slt, %rem3A_693, %lt3A_696 : i32
        %lt3A_698 = arith.constant 0 : i32
        %lt3A_699 = arith.cmpi slt, %select_n3A_692, %lt3A_698 : i32
        %ne3A_700 = arith.xori %lt3A_697, %lt3A_699 : i1
        %and3A_701 = arith.andi %ne3A_700, %ne3A_695 : i1
        %add3A_702 = arith.addi %rem3A_693, %select_n3A_692 : i32
        %select_n3A_703 = arith.select %and3A_701, %add3A_702, %rem3A_693 : i32
        %jit3A_704 = arith.constant 6 : i32
        %eq3A_705 = arith.constant 0 : i32
        %eq3A_706 = arith.cmpi eq, %jit3A_704, %eq3A_705 : i32
        %jit3A_707 = arith.constant 1 : i32
        %select_n3A_708 = arith.select %eq3A_706, %jit3A_707, %jit3A_704 : i32
        %rem3A_709 = arith.remsi %sub3A_635, %select_n3A_708 : i32
        %ne3A_710 = arith.constant 0 : i32
        %ne3A_711 = arith.cmpi ne, %rem3A_709, %ne3A_710 : i32
        %lt3A_712 = arith.constant 0 : i32
        %lt3A_713 = arith.cmpi slt, %rem3A_709, %lt3A_712 : i32
        %lt3A_714 = arith.constant 0 : i32
        %lt3A_715 = arith.cmpi slt, %select_n3A_708, %lt3A_714 : i32
        %ne3A_716 = arith.xori %lt3A_713, %lt3A_715 : i1
        %and3A_717 = arith.andi %ne3A_716, %ne3A_711 : i1
        %add3A_718 = arith.addi %rem3A_709, %select_n3A_708 : i32
        %select_n3A_719 = arith.select %and3A_717, %add3A_718, %rem3A_709 : i32
        %dma_start3A_720 = arith.constant 0 : i32
        %dma_start3A_721 = arith.constant 0 : i32
        %dma_start3A_722 = tpu.memref_slice %arg7[%select_n3A_703, %dma_start3A_720, %dma_start3A_721] : memref<4x80x128xf32, #tpu.memory_space<vmem>> -> memref<1x80x128xf32, #tpu.memory_space<vmem>>
        %dma_start3A_723 = tpu.memref_squeeze %dma_start3A_722 : memref<1x80x128xf32, #tpu.memory_space<vmem>> -> memref<80x128xf32, #tpu.memory_space<vmem>>
        %dma_start3A_724 = arith.constant 0 : i32
        %dma_start3A_725 = tpu.memref_slice %arg5[%select_n3A_719, %dma_start3A_724] : memref<6x80xi32, #tpu.memory_space<vmem>> -> memref<1x80xi32, #tpu.memory_space<vmem>>
        %dma_start3A_726 = tpu.memref_squeeze %dma_start3A_725 : memref<1x80xi32, #tpu.memory_space<vmem>> -> memref<80xi32, #tpu.memory_space<vmem>>
        %dma_start3A_727 = arith.constant 0 : i32
        %dma_start3A_728 = arith.constant 0 : i32
        %dma_start3A_729 = tpu.memref_slice %arg2[%dma_start3A_727, %dma_start3A_728] : memref<10000x128xf32, #tpu.memory_space<hbm>> -> memref<10000x128xf32, #tpu.memory_space<hbm>>
        %dma_start3A_730 = tpu.memref_slice %arg10[%select_n3A_703] : memref<4x!tpu.dma_semaphore, #tpu.memory_space<semaphore_mem>> -> memref<1x!tpu.dma_semaphore, #tpu.memory_space<semaphore_mem>>
        %dma_start3A_731 = tpu.memref_squeeze %dma_start3A_730 : memref<1x!tpu.dma_semaphore, #tpu.memory_space<semaphore_mem>> -> memref<!tpu.dma_semaphore, #tpu.memory_space<semaphore_mem>>
        tpu.enqueue_indirect_dma source(%dma_start3A_729 : memref<10000x128xf32, #tpu.memory_space<hbm>>) target(%dma_start3A_723 : memref<80x128xf32, #tpu.memory_space<vmem>>) offsets(%dma_start3A_726 : memref<80xi32, #tpu.memory_space<vmem>>) semaphore(%dma_start3A_731 : memref<!tpu.dma_semaphore, #tpu.memory_space<semaphore_mem>>)
      } else {
      }
      %add3A_639 = arith.constant 6 : i32
      %add3A_640 = arith.addi %scan3A_563, %add3A_639 : i32
      %lt3A_641 = arith.constant 125 : i32
      %lt3A_642 = arith.cmpi slt, %add3A_640, %lt3A_641 : i32
      %convert_element_type3A_643 = arith.extui %lt3A_642 : i1 to i32
      %cond3A_644 = arith.constant 0 : i32
      %cond3A_645 = arith.cmpi ne, %convert_element_type3A_643, %cond3A_644 : i32
      scf.if %cond3A_645 {
        %add3A_646 = arith.constant 6 : i32
        %add3A_647 = arith.addi %scan3A_563, %add3A_646 : i32
        %jit3A_648 = arith.constant 6 : i32
        %eq3A_649 = arith.constant 0 : i32
        %eq3A_650 = arith.cmpi eq, %jit3A_648, %eq3A_649 : i32
        %jit3A_651 = arith.constant 1 : i32
        %select_n3A_652 = arith.select %eq3A_650, %jit3A_651, %jit3A_648 : i32
        %rem3A_653 = arith.remsi %add3A_647, %select_n3A_652 : i32
        %ne3A_654 = arith.constant 0 : i32
        %ne3A_655 = arith.cmpi ne, %rem3A_653, %ne3A_654 : i32
        %lt3A_656 = arith.constant 0 : i32
        %lt3A_657 = arith.cmpi slt, %rem3A_653, %lt3A_656 : i32
        %lt3A_658 = arith.constant 0 : i32
        %lt3A_659 = arith.cmpi slt, %select_n3A_652, %lt3A_658 : i32
        %ne3A_660 = arith.xori %lt3A_657, %lt3A_659 : i1
        %and3A_661 = arith.andi %ne3A_660, %ne3A_655 : i1
        %add3A_662 = arith.addi %rem3A_653, %select_n3A_652 : i32
        %select_n3A_663 = arith.select %and3A_661, %add3A_662, %rem3A_653 : i32
        %mul3A_664 = arith.constant 80 : i32
        %mul3A_665 = arith.muli %add3A_647, %mul3A_664 : i32
        %add3A_666 = arith.addi %mul3A_5, %mul3A_665 : i32
        %multiple_of3A_667 = tpu.assume_multiple %add3A_666, 8 : i32
        %dma_start3A_668 = arith.constant 0 : i32
        %dma_start3A_669 = tpu.memref_slice %arg5[%select_n3A_663, %dma_start3A_668] : memref<6x80xi32, #tpu.memory_space<vmem>> -> memref<1x80xi32, #tpu.memory_space<vmem>>
        %dma_start3A_670 = tpu.memref_squeeze %dma_start3A_669 : memref<1x80xi32, #tpu.memory_space<vmem>> -> memref<80xi32, #tpu.memory_space<vmem>>
        %dma_start3A_671 = tpu.memref_slice %arg3[%multiple_of3A_667] : memref<640000xi32, #tpu.memory_space<hbm>> -> memref<80xi32, #tpu.memory_space<hbm>>
        %dma_start3A_672 = tpu.memref_slice %arg9[%select_n3A_663] : memref<6x!tpu.dma_semaphore, #tpu.memory_space<semaphore_mem>> -> memref<1x!tpu.dma_semaphore, #tpu.memory_space<semaphore_mem>>
        %dma_start3A_673 = tpu.memref_squeeze %dma_start3A_672 : memref<1x!tpu.dma_semaphore, #tpu.memory_space<semaphore_mem>> -> memref<!tpu.dma_semaphore, #tpu.memory_space<semaphore_mem>>
        %dma_start3A_674 = arith.constant 0 : i32
        %dma_start3A_675 = tpu.memref_slice %arg5[%select_n3A_663, %dma_start3A_674] : memref<6x80xi32, #tpu.memory_space<vmem>> -> memref<1x80xi32, #tpu.memory_space<vmem>>
        %dma_start3A_676 = tpu.memref_squeeze %dma_start3A_675 : memref<1x80xi32, #tpu.memory_space<vmem>> -> memref<80xi32, #tpu.memory_space<vmem>>
        %dma_start3A_677 = tpu.memref_slice %arg3[%multiple_of3A_667] : memref<640000xi32, #tpu.memory_space<hbm>> -> memref<80xi32, #tpu.memory_space<hbm>>
        tpu.enqueue_dma source(%dma_start3A_677 : memref<80xi32, #tpu.memory_space<hbm>>) target(%dma_start3A_676 : memref<80xi32, #tpu.memory_space<vmem>>) target_semaphore(%dma_start3A_673 : memref<!tpu.dma_semaphore, #tpu.memory_space<semaphore_mem>>)
        %add3A_678 = arith.constant 320000 : i32
        %add3A_679 = arith.addi %add3A_678, %multiple_of3A_667 : i32
        %dma_start3A_680 = arith.constant 0 : i32
        %dma_start3A_681 = tpu.memref_slice %arg6[%select_n3A_663, %dma_start3A_680] : memref<6x80xi32, #tpu.memory_space<vmem>> -> memref<1x80xi32, #tpu.memory_space<vmem>>
        %dma_start3A_682 = tpu.memref_squeeze %dma_start3A_681 : memref<1x80xi32, #tpu.memory_space<vmem>> -> memref<80xi32, #tpu.memory_space<vmem>>
        %dma_start3A_683 = tpu.memref_slice %arg3[%add3A_679] : memref<640000xi32, #tpu.memory_space<hbm>> -> memref<80xi32, #tpu.memory_space<hbm>>
        %dma_start3A_684 = tpu.memref_slice %arg9[%select_n3A_663] : memref<6x!tpu.dma_semaphore, #tpu.memory_space<semaphore_mem>> -> memref<1x!tpu.dma_semaphore, #tpu.memory_space<semaphore_mem>>
        %dma_start3A_685 = tpu.memref_squeeze %dma_start3A_684 : memref<1x!tpu.dma_semaphore, #tpu.memory_space<semaphore_mem>> -> memref<!tpu.dma_semaphore, #tpu.memory_space<semaphore_mem>>
        %dma_start3A_686 = arith.constant 0 : i32
        %dma_start3A_687 = tpu.memref_slice %arg6[%select_n3A_663, %dma_start3A_686] : memref<6x80xi32, #tpu.memory_space<vmem>> -> memref<1x80xi32, #tpu.memory_space<vmem>>
        %dma_start3A_688 = tpu.memref_squeeze %dma_start3A_687 : memref<1x80xi32, #tpu.memory_space<vmem>> -> memref<80xi32, #tpu.memory_space<vmem>>
        %dma_start3A_689 = tpu.memref_slice %arg3[%add3A_679] : memref<640000xi32, #tpu.memory_space<hbm>> -> memref<80xi32, #tpu.memory_space<hbm>>
        tpu.enqueue_dma source(%dma_start3A_689 : memref<80xi32, #tpu.memory_space<hbm>>) target(%dma_start3A_688 : memref<80xi32, #tpu.memory_space<vmem>>) target_semaphore(%dma_start3A_685 : memref<!tpu.dma_semaphore, #tpu.memory_space<semaphore_mem>>)
      } else {
      }
    }
    %scan3A_561 = arith.constant 125 : i32
    %barrier3A_562 = arith.constant 0 : index
    tpu.barrier barrier_id(%barrier3A_562)
    "tpu.region"() ({
      %run_scoped3A = tpu.sem_alloc : memref<!tpu.dma_semaphore, #tpu.memory_space<semaphore_mem>>
      %dma_start3A_563 = arith.constant 0 : i32
      %dma_start3A_564 = arith.constant 0 : i32
      %dma_start3A_565 = tpu.memref_slice %arg4[%arg0, %dma_start3A_563, %dma_start3A_564] : memref<2x10000x128xf32, #tpu.memory_space<hbm>> -> memref<1x10000x128xf32, #tpu.memory_space<hbm>>
      %dma_start3A_566 = tpu.memref_squeeze %dma_start3A_565 : memref<1x10000x128xf32, #tpu.memory_space<hbm>> -> memref<10000x128xf32, #tpu.memory_space<hbm>>
      %dma_start3A_567 = arith.constant 0 : i32
      %dma_start3A_568 = tpu.memref_slice %dma_start3A_566[%multiple_of3A, %dma_start3A_567] : memref<10000x128xf32, #tpu.memory_space<hbm>> -> memref<640x128xf32, #tpu.memory_space<hbm>>
      %dma_start3A_569 = arith.constant 0 : i32
      %dma_start3A_570 = tpu.memref_slice %arg8[%multiple_of3A, %dma_start3A_569] : memref<10000x128xf32, #tpu.memory_space<vmem_shared>> -> memref<640x128xf32, #tpu.memory_space<vmem_shared>>
      tpu.enqueue_dma source(%dma_start3A_570 : memref<640x128xf32, #tpu.memory_space<vmem_shared>>) target(%dma_start3A_568 : memref<640x128xf32, #tpu.memory_space<hbm>>) target_semaphore(%run_scoped3A : memref<!tpu.dma_semaphore, #tpu.memory_space<semaphore_mem>>)
      %dma_wait3A_571 = arith.constant 0 : i32
      %dma_wait3A_572 = arith.constant 0 : i32
      %dma_wait3A_573 = tpu.memref_slice %arg4[%arg0, %dma_wait3A_571, %dma_wait3A_572] : memref<2x10000x128xf32, #tpu.memory_space<hbm>> -> memref<1x10000x128xf32, #tpu.memory_space<hbm>>
      %dma_wait3A_574 = tpu.memref_squeeze %dma_wait3A_573 : memref<1x10000x128xf32, #tpu.memory_space<hbm>> -> memref<10000x128xf32, #tpu.memory_space<hbm>>
      %dma_wait3A_575 = arith.constant 0 : i32
      %dma_wait3A_576 = tpu.memref_slice %dma_wait3A_574[%multiple_of3A, %dma_wait3A_575] : memref<10000x128xf32, #tpu.memory_space<hbm>> -> memref<640x128xf32, #tpu.memory_space<hbm>>
      %dma_wait3A_577 = arith.constant 0 : i32
      %dma_wait3A_578 = tpu.memref_slice %arg8[%multiple_of3A, %dma_wait3A_577] : memref<10000x128xf32, #tpu.memory_space<vmem_shared>> -> memref<640x128xf32, #tpu.memory_space<vmem_shared>>
      tpu.wait_dma2 semaphore(%run_scoped3A : memref<!tpu.dma_semaphore, #tpu.memory_space<semaphore_mem>>) src(%dma_wait3A_578 : memref<640x128xf32, #tpu.memory_space<vmem_shared>>) dst(%dma_wait3A_576 : memref<640x128xf32, #tpu.memory_space<hbm>>)
      tpu.yield
    }) : () -> ()
    return
  }
}

module attributes {stable_mosaic.version = 14 : i64} {
  func.func @_final_body(%arg0: i32, %arg1: memref<2x5000x128xf32, #tpu.memory_space<vmem>>, %arg2: memref<128x128xf32, #tpu.memory_space<vmem>>, %arg3: memref<1x128xf32, #tpu.memory_space<vmem>>, %arg4: memref<5000x128xf32, #tpu.memory_space<vmem>>, %arg5: memref<512x128xf32, #tpu.memory_space<vmem>>, %arg6: memref<5000x128xf32, #tpu.memory_space<vmem>>) attributes {dimension_semantics = [#tpu.dimension_semantics<arbitrary>], iteration_bounds = array<i64: 2>, scalar_prefetch = 0 : i64, scratch_operands = 0 : i64, tpu.core_type = #tpu.core_type<tc>, window_params = [{transform_indices = @transform_0, window_bounds = array<i64: 2, 5000, 128>}, {pipeline_mode = #tpu.pipeline_mode<synchronous>, transform_indices = @transform_1, window_bounds = array<i64: 128, 128>}, {pipeline_mode = #tpu.pipeline_mode<synchronous>, transform_indices = @transform_2, window_bounds = array<i64: 1, 128>}, {transform_indices = @transform_3, window_bounds = array<i64: 5000, 128>}, {pipeline_mode = #tpu.pipeline_mode<synchronous>, transform_indices = @transform_4, window_bounds = array<i64: 512, 128>}, {transform_indices = @transform_5, window_bounds = array<i64: 5000, 128>}]} {
    %get3A = arith.constant 0 : index
    %get3A_0 = arith.constant 0 : index
    %get3A_1 = arith.constant 0 : index
    %get3A_2 = vector.load %arg1[%get3A, %get3A_0, %get3A_1] : memref<2x5000x128xf32, #tpu.memory_space<vmem>>, vector<1x5000x128xf32>
    %get3A_3 = vector.shape_cast %get3A_2 : vector<1x5000x128xf32> to vector<5000x128xf32>
    %get3A_4 = arith.constant 1 : index
    %get3A_5 = arith.constant 0 : index
    %get3A_6 = arith.constant 0 : index
    %get3A_7 = vector.load %arg1[%get3A_4, %get3A_5, %get3A_6] : memref<2x5000x128xf32, #tpu.memory_space<vmem>>, vector<1x5000x128xf32>
    %get3A_8 = vector.shape_cast %get3A_7 : vector<1x5000x128xf32> to vector<5000x128xf32>
    %add3A = arith.addf %get3A_3, %get3A_8 : vector<5000x128xf32>
    %get3A_9 = arith.constant 0 : index
    %get3A_10 = arith.constant 0 : index
    %get3A_11 = vector.load %arg2[%get3A_9, %get3A_10] : memref<128x128xf32, #tpu.memory_space<vmem>>, vector<128x128xf32>
    %dot_general3A = arith.constant dense<0.000000e+00> : vector<5000x128xf32>
    %dot_general3A_12 = tpu.matmul %add3A, %get3A_11, %dot_general3A {dimension_numbers = #tpu.dot_dimension_numbers<[1], [0], [0], [1], [0, 0, 1, 1], [], []>, transpose_lhs_hint = false} : vector<5000x128xf32>, vector<128x128xf32>, vector<5000x128xf32> -> vector<5000x128xf32>
    %get3A_13 = arith.constant 0 : index
    %get3A_14 = arith.constant 0 : index
    %get3A_15 = vector.load %arg3[%get3A_13, %get3A_14] : memref<1x128xf32, #tpu.memory_space<vmem>>, vector<1x128xf32>
    %add3A_16 = vector.broadcast %get3A_15 : vector<1x128xf32> to vector<5000x128xf32>
    %add3A_17 = arith.addf %dot_general3A_12, %add3A_16 : vector<5000x128xf32>
    %ge3A = arith.constant 0.000000e+00 : f32
    %ge3A_18 = vector.broadcast %ge3A : f32 to vector<5000x128xf32>
    %ge3A_19 = arith.cmpf oge, %add3A_17, %ge3A_18 : vector<5000x128xf32>
    %mul3A = arith.constant 1.000000e-01 : f32
    %mul3A_20 = vector.broadcast %mul3A : f32 to vector<5000x128xf32>
    %mul3A_21 = arith.mulf %mul3A_20, %add3A_17 : vector<5000x128xf32>
    %select_n3A = arith.select %ge3A_19, %add3A_17, %mul3A_21 : vector<5000x128xi1>, vector<5000x128xf32>
    %get3A_22 = arith.constant 0 : index
    %get3A_23 = arith.constant 0 : index
    %get3A_24 = vector.load %arg4[%get3A_22, %get3A_23] : memref<5000x128xf32, #tpu.memory_space<vmem>>, vector<5000x128xf32>
    %get3A_25 = arith.constant 384 : index
    %get3A_26 = arith.constant 0 : index
    %get3A_27 = vector.load %arg5[%get3A_25, %get3A_26] : memref<512x128xf32, #tpu.memory_space<vmem>>, vector<128x128xf32>
    %dot_general3A_28 = arith.constant dense<0.000000e+00> : vector<5000x128xf32>
    %dot_general3A_29 = tpu.matmul %select_n3A, %get3A_27, %dot_general3A_28 {dimension_numbers = #tpu.dot_dimension_numbers<[1], [0], [0], [1], [0, 0, 1, 1], [], []>, transpose_lhs_hint = false} : vector<5000x128xf32>, vector<128x128xf32>, vector<5000x128xf32> -> vector<5000x128xf32>
    %add3A_30 = arith.addf %get3A_24, %dot_general3A_29 : vector<5000x128xf32>
    %ge3A_31 = arith.constant 0.000000e+00 : f32
    %ge3A_32 = vector.broadcast %ge3A_31 : f32 to vector<5000x128xf32>
    %ge3A_33 = arith.cmpf oge, %add3A_30, %ge3A_32 : vector<5000x128xf32>
    %mul3A_34 = arith.constant 1.000000e-01 : f32
    %mul3A_35 = vector.broadcast %mul3A_34 : f32 to vector<5000x128xf32>
    %mul3A_36 = arith.mulf %mul3A_35, %add3A_30 : vector<5000x128xf32>
    %select_n3A_37 = arith.select %ge3A_33, %add3A_30, %mul3A_36 : vector<5000x128xi1>, vector<5000x128xf32>
    %swap3A = arith.constant 0 : index
    %swap3A_38 = arith.constant 0 : index
    %swap3A_39 = vector.load %arg6[%swap3A, %swap3A_38] : memref<5000x128xf32, #tpu.memory_space<vmem>>, vector<5000x128xf32>
    tpu.vector_store %arg6[%swap3A, %swap3A_38], %select_n3A_37 {strides = array<i32>} : memref<5000x128xf32, #tpu.memory_space<vmem>>, vector<5000x128xf32>,
    return
  }
  func.func @transform_0(%arg0: i32) -> (i32, i32, i32) {
    %c0_i32 = arith.constant 0 : i32
    %c0_i32_0 = arith.constant 0 : i32
    %c0_i32_1 = arith.constant 0 : i32
    return %c0_i32, %arg0, %c0_i32_0 : i32, i32, i32
  }
  func.func @transform_1(%arg0: i32) -> (i32, i32) {
    %c0_i32 = arith.constant 0 : i32
    %c0_i32_0 = arith.constant 0 : i32
    %c0_i32_1 = arith.constant 0 : i32
    return %c0_i32, %c0_i32_0 : i32, i32
  }
  func.func @transform_2(%arg0: i32) -> (i32, i32) {
    %c0_i32 = arith.constant 0 : i32
    %c0_i32_0 = arith.constant 0 : i32
    %c0_i32_1 = arith.constant 0 : i32
    return %c0_i32, %c0_i32_0 : i32, i32
  }
  func.func @transform_3(%arg0: i32) -> (i32, i32) {
    %c0_i32 = arith.constant 0 : i32
    %c0_i32_0 = arith.constant 0 : i32
    return %arg0, %c0_i32 : i32, i32
  }
  func.func @transform_4(%arg0: i32) -> (i32, i32) {
    %c0_i32 = arith.constant 0 : i32
    %c0_i32_0 = arith.constant 0 : i32
    %c0_i32_1 = arith.constant 0 : i32
    return %c0_i32, %c0_i32_0 : i32, i32
  }
  func.func @transform_5(%arg0: i32) -> (i32, i32) {
    %c0_i32 = arith.constant 0 : i32
    %c0_i32_0 = arith.constant 0 : i32
    return %arg0, %c0_i32 : i32, i32
  }
}

module attributes {stable_mosaic.version = 14 : i64} {
  func.func @_affine_lrelu_body(%arg0: i32, %arg1: memref<2x5000x128xf32, #tpu.memory_space<vmem>>, %arg2: memref<128x128xf32, #tpu.memory_space<vmem>>, %arg3: memref<1x128xf32, #tpu.memory_space<vmem>>, %arg4: memref<5000x128xf32, #tpu.memory_space<vmem>>) attributes {dimension_semantics = [#tpu.dimension_semantics<arbitrary>], iteration_bounds = array<i64: 2>, scalar_prefetch = 0 : i64, scratch_operands = 0 : i64, tpu.core_type = #tpu.core_type<tc>, window_params = [{transform_indices = @transform_0, window_bounds = array<i64: 2, 5000, 128>}, {pipeline_mode = #tpu.pipeline_mode<synchronous>, transform_indices = @transform_1, window_bounds = array<i64: 128, 128>}, {pipeline_mode = #tpu.pipeline_mode<synchronous>, transform_indices = @transform_2, window_bounds = array<i64: 1, 128>}, {transform_indices = @transform_3, window_bounds = array<i64: 5000, 128>}]} {
    %get3A = arith.constant 0 : index
    %get3A_0 = arith.constant 0 : index
    %get3A_1 = arith.constant 0 : index
    %get3A_2 = vector.load %arg1[%get3A, %get3A_0, %get3A_1] : memref<2x5000x128xf32, #tpu.memory_space<vmem>>, vector<1x5000x128xf32>
    %get3A_3 = vector.shape_cast %get3A_2 : vector<1x5000x128xf32> to vector<5000x128xf32>
    %get3A_4 = arith.constant 1 : index
    %get3A_5 = arith.constant 0 : index
    %get3A_6 = arith.constant 0 : index
    %get3A_7 = vector.load %arg1[%get3A_4, %get3A_5, %get3A_6] : memref<2x5000x128xf32, #tpu.memory_space<vmem>>, vector<1x5000x128xf32>
    %get3A_8 = vector.shape_cast %get3A_7 : vector<1x5000x128xf32> to vector<5000x128xf32>
    %add3A = arith.addf %get3A_3, %get3A_8 : vector<5000x128xf32>
    %get3A_9 = arith.constant 0 : index
    %get3A_10 = arith.constant 0 : index
    %get3A_11 = vector.load %arg2[%get3A_9, %get3A_10] : memref<128x128xf32, #tpu.memory_space<vmem>>, vector<128x128xf32>
    %dot_general3A = arith.constant dense<0.000000e+00> : vector<5000x128xf32>
    %dot_general3A_12 = tpu.matmul %add3A, %get3A_11, %dot_general3A {dimension_numbers = #tpu.dot_dimension_numbers<[1], [0], [0], [1], [0, 0, 1, 1], [], []>, transpose_lhs_hint = false} : vector<5000x128xf32>, vector<128x128xf32>, vector<5000x128xf32> -> vector<5000x128xf32>
    %get3A_13 = arith.constant 0 : index
    %get3A_14 = arith.constant 0 : index
    %get3A_15 = vector.load %arg3[%get3A_13, %get3A_14] : memref<1x128xf32, #tpu.memory_space<vmem>>, vector<1x128xf32>
    %add3A_16 = vector.broadcast %get3A_15 : vector<1x128xf32> to vector<5000x128xf32>
    %add3A_17 = arith.addf %dot_general3A_12, %add3A_16 : vector<5000x128xf32>
    %ge3A = arith.constant 0.000000e+00 : f32
    %ge3A_18 = vector.broadcast %ge3A : f32 to vector<5000x128xf32>
    %ge3A_19 = arith.cmpf oge, %add3A_17, %ge3A_18 : vector<5000x128xf32>
    %mul3A = arith.constant 1.000000e-01 : f32
    %mul3A_20 = vector.broadcast %mul3A : f32 to vector<5000x128xf32>
    %mul3A_21 = arith.mulf %mul3A_20, %add3A_17 : vector<5000x128xf32>
    %select_n3A = arith.select %ge3A_19, %add3A_17, %mul3A_21 : vector<5000x128xi1>, vector<5000x128xf32>
    %swap3A = arith.constant 0 : index
    %swap3A_22 = arith.constant 0 : index
    %swap3A_23 = vector.load %arg4[%swap3A, %swap3A_22] : memref<5000x128xf32, #tpu.memory_space<vmem>>, vector<5000x128xf32>
    tpu.vector_store %arg4[%swap3A, %swap3A_22], %select_n3A {strides = array<i32>} : memref<5000x128xf32, #tpu.memory_space<vmem>>, vector<5000x128xf32>,
    return
  }
  func.func @transform_0(%arg0: i32) -> (i32, i32, i32) {
    %c0_i32 = arith.constant 0 : i32
    %c0_i32_0 = arith.constant 0 : i32
    %c0_i32_1 = arith.constant 0 : i32
    return %c0_i32, %arg0, %c0_i32_0 : i32, i32, i32
  }
  func.func @transform_1(%arg0: i32) -> (i32, i32) {
    %c0_i32 = arith.constant 0 : i32
    %c0_i32_0 = arith.constant 0 : i32
    %c0_i32_1 = arith.constant 0 : i32
    return %c0_i32, %c0_i32_0 : i32, i32
  }
  func.func @transform_2(%arg0: i32) -> (i32, i32) {
    %c0_i32 = arith.constant 0 : i32
    %c0_i32_0 = arith.constant 0 : i32
    %c0_i32_1 = arith.constant 0 : i32
    return %c0_i32, %c0_i32_0 : i32, i32
  }
  func.func @transform_3(%arg0: i32) -> (i32, i32) {
    %c0_i32 = arith.constant 0 : i32
    %c0_i32_0 = arith.constant 0 : i32
    return %arg0, %c0_i32 : i32, i32
  }
}

module attributes {stable_mosaic.version = 14 : i64} {
  func.func @_partial_body(%arg0: i32, %arg1: memref<5000x128xf32, #tpu.memory_space<vmem>>, %arg2: memref<5000x128xf32, #tpu.memory_space<vmem>>, %arg3: memref<5000x128xf32, #tpu.memory_space<vmem>>, %arg4: memref<512x128xf32, #tpu.memory_space<vmem>>, %arg5: memref<1x128xf32, #tpu.memory_space<vmem>>, %arg6: memref<5000x128xf32, #tpu.memory_space<vmem>>) attributes {dimension_semantics = [#tpu.dimension_semantics<arbitrary>], iteration_bounds = array<i64: 2>, scalar_prefetch = 0 : i64, scratch_operands = 0 : i64, tpu.core_type = #tpu.core_type<tc>, window_params = [{transform_indices = @transform_0, window_bounds = array<i64: 5000, 128>}, {transform_indices = @transform_1, window_bounds = array<i64: 5000, 128>}, {transform_indices = @transform_2, window_bounds = array<i64: 5000, 128>}, {pipeline_mode = #tpu.pipeline_mode<synchronous>, transform_indices = @transform_3, window_bounds = array<i64: 512, 128>}, {pipeline_mode = #tpu.pipeline_mode<synchronous>, transform_indices = @transform_4, window_bounds = array<i64: 1, 128>}, {transform_indices = @transform_5, window_bounds = array<i64: 5000, 128>}]} {
    %get3A = arith.constant 0 : index
    %get3A_0 = arith.constant 0 : index
    %get3A_1 = vector.load %arg4[%get3A, %get3A_0] : memref<512x128xf32, #tpu.memory_space<vmem>>, vector<512x128xf32>
    %get3A_2 = arith.constant 0 : index
    %get3A_3 = arith.constant 0 : index
    %get3A_4 = vector.load %arg1[%get3A_2, %get3A_3] : memref<5000x128xf32, #tpu.memory_space<vmem>>, vector<5000x128xf32>
    %slice3A = vector.extract_strided_slice %get3A_1 {offsets = [0, 0], sizes = [128, 128], strides = [1, 1]} : vector<512x128xf32> to vector<128x128xf32>
    %dot_general3A = arith.constant dense<0.000000e+00> : vector<5000x128xf32>
    %dot_general3A_5 = tpu.matmul %get3A_4, %slice3A, %dot_general3A {dimension_numbers = #tpu.dot_dimension_numbers<[1], [0], [0], [1], [0, 0, 1, 1], [], []>, transpose_lhs_hint = false} : vector<5000x128xf32>, vector<128x128xf32>, vector<5000x128xf32> -> vector<5000x128xf32>
    %get3A_6 = arith.constant 0 : index
    %get3A_7 = arith.constant 0 : index
    %get3A_8 = vector.load %arg2[%get3A_6, %get3A_7] : memref<5000x128xf32, #tpu.memory_space<vmem>>, vector<5000x128xf32>
    %slice3A_9 = vector.extract_strided_slice %get3A_1 {offsets = [128, 0], sizes = [128, 128], strides = [1, 1]} : vector<512x128xf32> to vector<128x128xf32>
    %dot_general3A_10 = arith.constant dense<0.000000e+00> : vector<5000x128xf32>
    %dot_general3A_11 = tpu.matmul %get3A_8, %slice3A_9, %dot_general3A_10 {dimension_numbers = #tpu.dot_dimension_numbers<[1], [0], [0], [1], [0, 0, 1, 1], [], []>, transpose_lhs_hint = false} : vector<5000x128xf32>, vector<128x128xf32>, vector<5000x128xf32> -> vector<5000x128xf32>
    %add3A = arith.addf %dot_general3A_5, %dot_general3A_11 : vector<5000x128xf32>
    %get3A_12 = arith.constant 0 : index
    %get3A_13 = arith.constant 0 : index
    %get3A_14 = vector.load %arg3[%get3A_12, %get3A_13] : memref<5000x128xf32, #tpu.memory_space<vmem>>, vector<5000x128xf32>
    %slice3A_15 = vector.extract_strided_slice %get3A_1 {offsets = [256, 0], sizes = [128, 128], strides = [1, 1]} : vector<512x128xf32> to vector<128x128xf32>
    %dot_general3A_16 = arith.constant dense<0.000000e+00> : vector<5000x128xf32>
    %dot_general3A_17 = tpu.matmul %get3A_14, %slice3A_15, %dot_general3A_16 {dimension_numbers = #tpu.dot_dimension_numbers<[1], [0], [0], [1], [0, 0, 1, 1], [], []>, transpose_lhs_hint = false} : vector<5000x128xf32>, vector<128x128xf32>, vector<5000x128xf32> -> vector<5000x128xf32>
    %add3A_18 = arith.addf %add3A, %dot_general3A_17 : vector<5000x128xf32>
    %get3A_19 = arith.constant 0 : index
    %get3A_20 = arith.constant 0 : index
    %get3A_21 = vector.load %arg5[%get3A_19, %get3A_20] : memref<1x128xf32, #tpu.memory_space<vmem>>, vector<1x128xf32>
    %add3A_22 = vector.broadcast %get3A_21 : vector<1x128xf32> to vector<5000x128xf32>
    %add3A_23 = arith.addf %add3A_18, %add3A_22 : vector<5000x128xf32>
    %swap3A = arith.constant 0 : index
    %swap3A_24 = arith.constant 0 : index
    %swap3A_25 = vector.load %arg6[%swap3A, %swap3A_24] : memref<5000x128xf32, #tpu.memory_space<vmem>>, vector<5000x128xf32>
    tpu.vector_store %arg6[%swap3A, %swap3A_24], %add3A_23 {strides = array<i32>} : memref<5000x128xf32, #tpu.memory_space<vmem>>, vector<5000x128xf32>,
    return
  }
  func.func @transform_0(%arg0: i32) -> (i32, i32) {
    %c0_i32 = arith.constant 0 : i32
    %c0_i32_0 = arith.constant 0 : i32
    return %arg0, %c0_i32 : i32, i32
  }
  func.func @transform_1(%arg0: i32) -> (i32, i32) {
    %c0_i32 = arith.constant 0 : i32
    %c0_i32_0 = arith.constant 0 : i32
    return %arg0, %c0_i32 : i32, i32
  }
  func.func @transform_2(%arg0: i32) -> (i32, i32) {
    %c0_i32 = arith.constant 0 : i32
    %c0_i32_0 = arith.constant 0 : i32
    return %arg0, %c0_i32 : i32, i32
  }
  func.func @transform_3(%arg0: i32) -> (i32, i32) {
    %c0_i32 = arith.constant 0 : i32
    %c0_i32_0 = arith.constant 0 : i32
    %c0_i32_1 = arith.constant 0 : i32
    return %c0_i32, %c0_i32_0 : i32, i32
  }
  func.func @transform_4(%arg0: i32) -> (i32, i32) {
    %c0_i32 = arith.constant 0 : i32
    %c0_i32_0 = arith.constant 0 : i32
    %c0_i32_1 = arith.constant 0 : i32
    return %c0_i32, %c0_i32_0 : i32, i32
  }
  func.func @transform_5(%arg0: i32) -> (i32, i32) {
    %c0_i32 = arith.constant 0 : i32
    %c0_i32_0 = arith.constant 0 : i32
    return %arg0, %c0_i32 : i32, i32
  }
}

</mosaic_0001>

<sc_bundles>
// kernel: kernel.12.cloned.1.call-start
scs
__scs_entry_jumppad:
0x0: {  	(pc) =	sbr.rel $0x88, $3  }
0x1: {  	(tag) =	ssettag $0x0;
	lr =	simm.s32 $0x1  }
0x2: {  	[smem:$0x3F97] =	sst lr;
	_ =	strace $0xD0000000  }
0x3: {  	_ = 	snop  }
0x4: {  	_ = 	snop  }
0x5: {  	_ = 	snop  }
0x6: {  	_ = 	snop  }
0x7: {  	_ = 	snop  }
__scs_overlays_trampoline_lowered:
0x8: {  	[smem:$0x3FA6] =	sst s0  }
0x9: {  	[smem:$0x3FA7] =	sst s1  }
0xa: {  	[smem:$0x3FA8] =	sst s2  }
0xb: {  	[smem:$0x3FA9] =	sst s3  }
0xc: {  	[smem:$0x3FAA] =	sst s4  }
0xd: {  	[smem:$0x3FAB] =	sst s5  }
0xe: {  	[smem:$0x3FAC] =	sst s6  }
0xf: {  	[smem:$0x3FAD] =	sst s7  }
0x10: {  	[smem:$0x3FAE] =	sst s8  }
0x11: {  	[smem:$0x3FAF] =	sst s9;
	s0 =	simm.s32 @!p0 $0x0  }
0x12: {  	s1 =	sld [smem:$0x3F95];
	s0 =	simm.s32 @p0 $0x1  }
0x13: {  	[smem:$0x3FB0] =	sst s0;
	s0 =	simm.s32 @!p1 $0x0  }
0x14: {  	s2 =	sld [smem:$0x3F94];
	s0 =	simm.s32 @p1 $0x1  }
0x15: {  	[smem:$0x3FB1] =	sst s0;
	s0 =	simm.s32 @!p2 $0x0  }
0x16: {  	s3 =	sld [smem:$0x3FDB];
	s0 =	simm.s32 @p2 $0x1  }
0x17: {  	s4 =	simm.s32 $0x1BF5;
	[smem:$0x3FB3] =	sst s0  }
0x18: {  	s0 =	sld [smem:$0x3F96];
	_ =	swait.ge [sflag:s4], $0x0  }
0x19: {  	s7 =	sld [smem:$0x3F97]  }
0x1a: {  	s8 =	sadd.s32 $0xFFFFE003, lr  }
0x1b: {  	s9 =	sadd.s32 $0xFFFFFEF7, lr;
	s5 =	simm.s32 $0xFFFFFFFF;
	p2 =	slt.u32 s8, $0xFFFFF086  }
0x1c: {  	p1 =	slt.u32 s9, $0xF7A;
	s5 =	simm.s32 @!p2 $0x0  }
0x1d: {  	s5 =	simm.s32 @p1 $0x1;
	p0 =	seq.s32 s7, s2  }
0x1e: {  	s7 =	smul.u32 @!p0 $0xF7A, s2;
	p2 =	seq.s32 @!p0 s5, $0x0  }
0x1f: {  	s9 =	smul.u32 $0xF7A, s1;
	s8 =	simm.s32 @!p0 $0x1BF5;
	p2 =	por !p2, p0  }
0x20: {  	[sflag:s8] =	ssyncset.s32 @!p0 $0xFFFFF086;
	s6 =	sadd.s32 @!p0 s3, s7;
	s7 =	simm.s32 @!p0 $0x108  }
0x21: {  	s3 =	sadd.s32 s3, s9;
	s6 =	sadd.s32 @!p0 $0x88, s6;
	s7 =	simm.s32 @p2 $0x1082  }
0x22: {  	[simem:s7], [sflag:s8] =	dma.local @!p0 [hbm:s6], $0xF7A  }
0x23: {  	s9 =	sor.u32 $0xD0000000, s2;
	s6 =	simm.s32 $0x108;
	_ =	swait.ge @!p0 [sflag:s8], $0x0  }
0x24: {  	s3 =	sadd.s32 $0x88, s3;
	s6 =	simm.s32 @!p1 $0x1082;
	[sflag:s4] =	ssyncset.s32 $0xFFFFF086  }
0x25: {  	[simem:s6], [sflag:s4] =	dma.local [hbm:s3], $0xF7A  }
0x26: {  	[smem:$0x3F97] =	sst s1;
	(tag) =	ssettag s2;
	_ =	strace s9  }
0x27: {  	s1 =	sld [smem:$0x3FA7]  }
0x28: {  	s2 =	sld [smem:$0x3FA8]  }
0x29: {  	s4 =	sld [smem:$0x3FAA]  }
0x2a: {  	p0 =	seq.s32 s5, $0x0;
	s5 =	sld [smem:$0x3FAB]  }
0x2b: {  	s6 =	sld [smem:$0x3FAC]  }
0x2c: {  	s7 =	sld [smem:$0x3FAD]  }
0x2d: {  	s3 =	simm.s32 $0x108;
	s8 =	sld [smem:$0x3FAE]  }
0x2e: {  	s3 =	simm.s32 @!p0 $0x1082;
	s9 =	sld [smem:$0x3FAF]  }
0x2f: {  	lr =	sadd.s32 s0, s3;
	s0 =	sld [smem:$0x3FA6]  }
0x30: {  	s3 =	sld [smem:$0x3FA9]  }
0x31: {  	[smem:$0x3FB2] =	sst s10  }
0x32: {  	s10 =	sld [smem:$0x3FB0];
	_ =	sdelay $0x3  }
0x33: {  	p0 =	seq.s32 s10, $0x1;
	s10 =	sld [smem:$0x3FB2];
	_ =	sdelay $0x3  }
0x34: {  	[smem:$0x3FB2] =	sst s10  }
0x35: {  	s10 =	sld [smem:$0x3FB1];
	_ =	sdelay $0x3  }
0x36: {  	p1 =	seq.s32 s10, $0x1;
	s10 =	sld [smem:$0x3FB2];
	_ =	sdelay $0x3  }
0x37: {  	[smem:$0x3FB2] =	sst s10  }
0x38: {  	s10 =	sld [smem:$0x3FB3]  }
0x39: {  	_ = 	snop;
	(pc) =	sbr.ind lr, $3  }
0x3a: {  	_ = 	snop  }
0x3b: {  	_ = 	snop  }
0x3c: {  	p2 =	seq.s32 s10, $0x1;
	s10 =	sld [smem:$0x3FB2]  }
0x3d: {  	_ =	shalt  }
0x3e: {  	_ =	shalt  }
0x3f: {  	_ =	shalt  }
0x40: {  	_ =	shalt  }
0x41: {  	_ =	shalt  }
0x42: {  	_ =	shalt  }
0x43: {  	_ =	shalt  }
0x44: {  	_ =	shalt  }
0x45: {  	_ =	shalt  }
0x46: {  	_ =	shalt  }
0x47: {  	_ =	shalt  }
0x48: {  	_ =	shalt  }
0x49: {  	_ =	shalt  }
0x4a: {  	_ =	shalt  }
0x4b: {  	_ =	shalt  }
0x4c: {  	_ =	shalt  }
0x4d: {  	_ =	shalt  }
0x4e: {  	_ =	shalt  }
0x4f: {  	_ =	shalt  }
0x50: {  	_ =	shalt  }
0x51: {  	_ =	shalt  }
0x52: {  	_ =	shalt  }
0x53: {  	_ =	shalt  }
0x54: {  	_ =	shalt  }
0x55: {  	_ =	shalt  }
0x56: {  	_ =	shalt  }
0x57: {  	_ =	shalt  }
0x58: {  	_ =	shalt  }
0x59: {  	_ =	shalt  }
0x5a: {  	_ =	shalt  }
0x5b: {  	_ =	shalt  }
0x5c: {  	_ =	shalt  }
0x5d: {  	_ =	shalt  }
0x5e: {  	_ =	shalt  }
0x5f: {  	_ =	shalt  }
0x60: {  	_ =	shalt  }
0x61: {  	_ =	shalt  }
0x62: {  	_ =	shalt  }
0x63: {  	_ =	shalt  }
0x64: {  	_ =	shalt  }
0x65: {  	_ =	shalt  }
0x66: {  	_ =	shalt  }
0x67: {  	_ =	shalt  }
0x68: {  	_ =	shalt  }
0x69: {  	_ =	shalt  }
0x6a: {  	_ =	shalt  }
0x6b: {  	_ =	shalt  }
0x6c: {  	_ =	shalt  }
0x6d: {  	_ =	shalt  }
0x6e: {  	_ =	shalt  }
0x6f: {  	_ =	shalt  }
0x70: {  	_ =	shalt  }
0x71: {  	_ =	shalt  }
0x72: {  	_ =	shalt  }
0x73: {  	_ =	shalt  }
0x74: {  	_ =	shalt  }
0x75: {  	_ =	shalt  }
0x76: {  	_ =	shalt  }
0x77: {  	_ =	shalt  }
0x78: {  	_ =	shalt  }
0x79: {  	_ =	shalt  }
0x7a: {  	_ =	shalt  }
0x7b: {  	_ =	shalt  }
0x7c: {  	_ =	shalt  }
0x7d: {  	_ =	shalt  }
0x7e: {  	_ =	shalt  }
0x7f: {  	_ =	shalt  }
0x80: {  	_ =	shalt  }
0x81: {  	_ =	shalt  }
0x82: {  	_ =	shalt  }
0x83: {  	_ =	shalt  }
0x84: {  	_ =	shalt  }
0x85: {  	_ =	shalt  }
0x86: {  	_ =	shalt  }
0x87: {  	_ =	shalt  }
.Lfunc_end0:
.L_simem_size_0:
called_computation.1_lowered:
.L_overlay_start_0:
0x88: {  	s2 =	sld [smem:$0x3FD9]  }
0x89: {  	s3 =	sld [smem:$0x3FFE];
	_ =	sdelay $0x1  }
0x8a: {  	s1 =	srdreg.scid  }
0x8b: {  	s0 =	sand.u32 $0x1, s1  }
0x8c: {  	s17 =	sshll.u32 s0, $0xA;
	s2 =	sadd.s32 s3, s2  }
0x8d: {  	s2 =	sadd.s32 s2, s17  }
0x8e: {  	[smem:$0x3FBE] =	sst s2  }
0x8f: {  	_ = 	snop  }
0x90: {  	s2 =	sld [smem:$0x3FD0];
	(tm) =	ssettm $0x1  }
0x91: {  	s18 =	sld [smem:$0x3FFB];
	_ =	sdelay $0x3  }
0x92: {  	_ =	strace s18  }
0x93: {  	s3 =	sld [smem:$0x3FFC];
	_ =	sdelay $0x3  }
0x94: {  	_ =	strace s3  }
0x95: {  	s3 =	sld [smem:$0x3FFD];
	_ =	sdelay $0x3  }
0x96: {  	_ =	strace s3  }
0x97: {  	_ =	strace $0x8FFFFFFF  }
0x98: {  	s19 =	sld [smem:$0x3FDB];
	_ =	sdelay $0x1  }
0x99: {  	s4 =	simm.s32 $_scs_section_size  }
0x9a: {  	s5 =	simm.s32 $_size__tile_overlayer_lowered;
	s6 =	simm.s32 $_tile_overlayer_lowered  }
0x9b: {  	s22 =	simm.s32 $0x1BFF;
	s21 =	sshll.u32 s6, $0x1;
	s3 =	sadd.s32 s4, s19  }
0x9c: {  	s7 =	simm.s32 $0x0;
	s20 =	sshll.u32 s5, $0x1;
	s5 =	sadd.s32 s21, s3  }
0x9d: {  	[timem:s7], [sflag:s22] =	dma.local [hbm:s5], s20  }
0x9e: {  	_ =	swait.ge [sflag:s22], s20  }
0x9f: {  	s4 =	ssub.s32 $0x0, s20;
	[sflag:s22] =	ssyncset.done $0x0  }
0xa0: {  	[sflag:s22] =	ssyncadd.s32 s4;
	_ =	sdelay $0x1  }
0xa1: {  	s23 =	simm.s32 $0x1B8B  }
0xa2: {  	_ =	swait.ge [sflag:s23], $0x1  }
0xa3: {  	[sflag:s23] =	ssyncset.done $0x0  }
0xa4: {  	s25 =	simm.s32 $0x1B8E;
	s24 =	sld [smem:$0x3FFE];
	[sflag:s23] =	ssyncadd.s32 $0xFFFFFFFF  }
0xa5: {  	s26 =	simm.s32 $execute0_lowered;
	[smem:$0x3FD2] =	sst s25  }
0xa6: {  	s5 =	sshll.u32 s26, $0x1;
	_ =	strace $0x80000049;
	[dreg:$0x1] =	wrdreg $0xFFFFFFFF  }
0xa7: {  	s28 =	simm.s32 $_size_execute0_lowered;
	s3 =	sadd.s32 s3, s5;
	[dreg:$0x0] =	wrdreg $0x0  }
0xa8: {  	s5 =	sshll.u32 s28, $0x1;
	[dreg:$0x2] =	wrdreg s3  }
0xa9: {  	[dreg:$0x3] =	wrdreg s5  }
0xaa: {  	[dreg:$0x4] =	wrdreg $0xC0  }
0xab: {  	_ =	task [dreg:s7], $0x5FFFF  }
0xac: {  	[dreg:$0x1] =	wrdreg $0xFFFFFFFF  }
0xad: {  	[dreg:$0x0] =	wrdreg $0x60  }
0xae: {  	[dreg:$0x2] =	wrdreg s2  }
0xaf: {  	[dreg:$0x3] =	wrdreg s24  }
0xb0: {  	[dreg:$0x4] =	wrdreg $0xA8000  }
0xb1: {  	[dreg:$0x5] =	wrdreg $0x9  }
0xb2: {  	_ =	task.clear_ibuf [dreg:s7], $0x6FFFF;
	_ =	strace $0x90000049  }
0xb3: {  	s29 =	simm.s32 $0x9;
	_ =	strace $0x8000004B  }
0xb4: {  	_ =	swait.ge [sflag:s29], $0x1  }
0xb5: {  	[sflag:s29] =	ssyncadd.s32 $0xFFFFFFFF  }
0xb6: {  	_ =	strace $0x9000004B  }
0xb7: {  	_ =	sfence  }
0xb8: {  	s30 =	sld [smem:$0x0];
	_ =	sdelay $0x2  }
0xb9: {  	s31 =	sshll.u32 s1, $0xD;
	s1 =	sshrl.u32 s1, $0x2  }
0xba: {  	s3 =	sand.u32 $0x4000, s31;
	s1 =	sadd.s32 s1, s30  }
0xbb: {  	s0 =	sor.u32 s3, s0;
	s1 =	sshll.u32 s1, $0x11  }
0xbc: {  	s0 =	sor.u32 s1, s0  }
0xbd: {  	s0 =	sadd.s32 $0x8F2B, s0  }
0xbe: {  	[sflag:s0] =	ssyncadd.remote.s32 $0x1  }
0xbf: {  	_ =	sfence.sel $0xFFFF  }
0xc0: {  	[dreg:$0x0] =	wrdreg $0xFFFFFFFF;
	(pc) =	sbr.abs _section_cstart, $3  }
0xc1: {  	[dreg:$0x1] =	wrdreg $0xFFFFFFFF  }
0xc2: {  	_ =	task.clear_ibuf [dreg:s7], $0x2FFFF;
	_ =	strace $0x9FFFFFFF  }
0xc3: {  	(tm) =	ssettm $0x7FFFFFFF  }
tec
execute0_lowered:
.L_overlay_start_1:
0x0: {  	(tag) =	ssettag $0x1  }
0x1: {  	s1 =	rddreg [dreg:$0x0]  }
0x2: {  	s0 =	rddreg [dreg:$0x1];
	s2 =	srdreg.scid  }
0x3: {  	s10 =	stileid.u32;
	s3 =	rddreg [dreg:$0x2]  }
0x4: {  	s4 =	simm.s32 $0x0;
	s2 =	sand.u32 $0x1, s2;
	s5 =	sshll.u32 s10, $0x1  }
0x5: {  	[smem:$0x7FF] =	sst s4;
	s6 =	sadd.s32 $0x3C00, s0;
	s9 =	smul.u32 $0x280, s10  }
0x6: {  	s5 =	sor.u32 s2, s5;
	s7 =	smul.u32 $0x27100, s2;
	s8 =	ssub.s32 $0x2, s2  }
0x7: {  	_ =	strace $0x8000004A;
	s5 =	smul.u32 $0x2710, s5;
	s26 =	sshrl.u32 s8, $0x1  }
0x8: {  	s28 =	smin.u32 s9, $0x2490;
	s0 =	sadd.s32 s7, s0;
	s7 =	ssub.s32 s8, s26  }
0x9: {  	s8 =	sshll.u32 s28, $0x4;
	s5 =	sshrl.u32 s5, $0x3;
	s26 =	smax.u32 s7, $0x1  }
0xa: {  	s0 =	sadd.s32 $0x17600, s0;
	s5 =	sadd.s32 s6, s5;
	[dreg:$0x17] =	wrdreg s26  }
0xb: {  	s0 =	sadd.s32 s8, s0;
	[dreg:$0x4] =	wrdreg s5  }
0xc: {  	s29 =	sadd.s32 $0x9C40, s5;
	[dreg:$0x15] =	wrdreg s0  }
0xd: {  	s31 =	sadd.s32 $0xA, s5;
	[dreg:$0x5] =	wrdreg s29  }
0xe: {  	s11 =	sadd.s32 $0x9C4A, s5;
	[dreg:$0x6] =	wrdreg s31  }
0xf: {  	s30 =	simm.s32 $0x1;
	s12 =	sadd.s32 $0x14, s5;
	[dreg:$0x7] =	wrdreg s11  }
0x10: {  	s15 =	smul.u32 $0x4E20, s10;
	s13 =	sadd.s32 $0x9C54, s5;
	[dreg:$0x8] =	wrdreg s12  }
0x11: {  	s2 =	smul.u32 $0x2710, s2;
	s14 =	sadd.s32 $0x1E, s5;
	[dreg:$0x9] =	wrdreg s13  }
0x12: {  	s20 =	sshll.u32 s28, $0x7;
	s16 =	sadd.s32 $0x9C5E, s5;
	[dreg:$0xa] =	wrdreg s14  }
0x13: {  	s2 =	sadd.s32 s2, s15;
	s17 =	sadd.s32 $0x28, s5;
	[dreg:$0xb] =	wrdreg s16  }
0x14: {  	s9 =	sadd.s32 $0x1E0, s2;
	s18 =	sadd.s32 $0x9C68, s5;
	[dreg:$0xc] =	wrdreg s17  }
0x15: {  	s2 =	sadd.s32 $0x4E3E0, s2;
	s19 =	sadd.s32 $0x32, s5;
	[dreg:$0xd] =	wrdreg s18  }
0x16: {  	s9 =	sshrl.u32 s9, $0x3;
	s5 =	sadd.s32 $0x9C72, s5;
	[dreg:$0xe] =	wrdreg s19  }
0x17: {  	s2 =	sshrl.u32 s2, $0x3;
	s23 =	sadd.s32 s9, s6;
	[dreg:$0xf] =	wrdreg s5  }
0x18: {  	s2 =	sadd.s32 s2, s6;
	s17 =	sadd.s32 s20, s3;
	[dreg:$0x12] =	wrdreg s23  }
0x19: {  	s10 =	simm.s32 $0xC;
	[dreg:$0x13] =	wrdreg s2;
	s21 =	sadd.s32 $0x2800, s17  }
0x1a: {  	s15 =	simm.s32 $0x100;
	s22 =	sadd.s32 $0x5000, s17;
	[dreg:$0x10] =	wrdreg s21  }
0x1b: {  	s7 =	simm.s32 $0x2;
	s24 =	sadd.s32 $0x7800, s17;
	[dreg:$0x11] =	wrdreg s22  }
0x1c: {  	s8 =	simm.s32 $0x3;
	s25 =	sadd.s32 $0xA000, s17;
	[dreg:$0x14] =	wrdreg s24  }
0x1d: {  	s6 =	simm.s32 $0x50;
	s28 =	sadd.s32 $0xC800, s17;
	[dreg:$0x16] =	wrdreg s25  }
0x1e: {  	s9 =	simm.s32 $0xB;
	s29 =	sadd.s32 $0xF000, s17;
	[dreg:$0x18] =	wrdreg s28  }
0x1f: {  	s13 =	simm.s32 $0x80;
	s31 =	sadd.s32 $0x11800, s17;
	[dreg:$0x19] =	wrdreg s29  }
0x20: {  	v0 =	vimm.f32 $0.0e+00;
	s2 =	simm.s32 $0x8000;
	s11 =	simm.s32 $0x0;
	[dreg:$0x1a] =	wrdreg s31  }
.LBB2_1:
0x21: {  	s0 =	rddreg [dreg:$0x4]  }
0x22: {  	s26 =	rddreg [dreg:$0x5]  }
0x23: {  	[tilespmem:s4], [sflag:$0x1] =	stream.linear.gather [hbm4b:s0+s4], $0x50, $0x38;
	[tilespmem:$0x1E080] =	vst v63  }
0x24: {  	s5 =	simm.s32 $0x400;
	s28 =	rddreg [dreg:$0x6]  }
0x25: {  	[tilespmem:s5], [sflag:$0x1] =	stream.linear.gather [hbm4b:s26+s4], $0x50, $0x38;
	[tilespmem:$0x1E080] =	vst v63  }
0x26: {  	s29 =	rddreg [dreg:$0x7]  }
0x27: {  	[tilespmem:s13], [sflag:$0x2] =	stream.linear.gather [hbm4b:s28+s4], $0x50, $0x38;
	[tilespmem:$0x1E080] =	vst v63  }
0x28: {  	s31 =	simm.s32 $0x480;
	s12 =	rddreg [dreg:$0x8]  }
0x29: {  	[tilespmem:s31], [sflag:$0x2] =	stream.linear.gather [hbm4b:s29+s4], $0x50, $0x38;
	[tilespmem:$0x1E080] =	vst v63  }
0x2a: {  	s14 =	rddreg [dreg:$0x9]  }
0x2b: {  	[tilespmem:s15], [sflag:$0x3] =	stream.linear.gather [hbm4b:s12+s4], $0x50, $0x38;
	[tilespmem:$0x1E080] =	vst v63  }
0x2c: {  	s16 =	simm.s32 $0x500;
	s18 =	rddreg [dreg:$0xa]  }
0x2d: {  	[tilespmem:s16], [sflag:$0x3] =	stream.linear.gather [hbm4b:s14+s4], $0x50, $0x38;
	[tilespmem:$0x1E080] =	vst v63  }
0x2e: {  	s19 =	simm.s32 $0x180;
	s20 =	rddreg [dreg:$0xb]  }
0x2f: {  	[tilespmem:s19], [sflag:$0x4] =	stream.linear.gather [hbm4b:s18+s4], $0x50, $0x38;
	[tilespmem:$0x1E080] =	vst v63  }
0x30: {  	s21 =	simm.s32 $0x580;
	s22 =	rddreg [dreg:$0xc]  }
0x31: {  	[tilespmem:s21], [sflag:$0x4] =	stream.linear.gather [hbm4b:s20+s4], $0x50, $0x38;
	[tilespmem:$0x1E080] =	vst v63  }
0x32: {  	s23 =	simm.s32 $0x200;
	s24 =	rddreg [dreg:$0xd]  }
0x33: {  	[tilespmem:s23], [sflag:$0x5] =	stream.linear.gather [hbm4b:s22+s4], $0x50, $0x38;
	[tilespmem:$0x1E080] =	vst v63  }
0x34: {  	s25 =	simm.s32 $0x600;
	s26 =	rddreg [dreg:$0xe]  }
0x35: {  	[tilespmem:s25], [sflag:$0x5] =	stream.linear.gather [hbm4b:s24+s4], $0x50, $0x38;
	[tilespmem:$0x1E080] =	vst v63  }
0x36: {  	s28 =	simm.s32 $0x280;
	s29 =	rddreg [dreg:$0xf]  }
0x37: {  	[tilespmem:s28], [sflag:$0x6] =	stream.linear.gather [hbm4b:s26+s4], $0x50, $0x38;
	[tilespmem:$0x1E080] =	vst v63  }
0x38: {  	s31 =	simm.s32 $0x680;
	s12 =	simm.s32 $0x0;
	s14 =	simm.s32 $0x200  }
0x39: {  	[tilespmem:s31], [sflag:$0x6] =	stream.linear.gather [hbm4b:s29+s4], $0x50, $0x38;
	[tilespmem:$0x1E080] =	vst v63  }
.LBB2_2:
0x3a: {  	p0 =	sne.s32 s14, $0x9E00;
	[tilespmem:s12+$0x8070] =	vst v0  }
0x3b: {  	[tilespmem:s12+$0x8000] =	vst v0  }
0x3c: {  	[tilespmem:s12+$0x8010] =	vst v0  }
.Ltmp0:
0x3d: {  	[tilespmem:s12+$0x8020] =	vst v0;
	(pc) =	sbr.rel @p0 .LBB2_2-.Ltmp0, $4  }
0x3e: {  	[tilespmem:s12+$0x8030] =	vst v0  }
0x3f: {  	[tilespmem:s12+$0x8040] =	vst v0  }
0x40: {  	[tilespmem:s12+$0x8050] =	vst v0  }
0x41: {  	[tilespmem:s12+$0x8060] =	vst v0;
	s12 =	sshra.s32 s14, $0x2;
	s14 =	sadd.s32 $0x200, s14  }
0x42: {  	[tilespmem:s12+$0x8070] =	vst v0  }
0x43: {  	[tilespmem:s12+$0x8000] =	vst v0  }
0x44: {  	[tilespmem:s12+$0x8010] =	vst v0  }
0x45: {  	[tilespmem:s12+$0x8020] =	vst v0  }
0x46: {  	[tilespmem:s12+$0x8030] =	vst v0  }
0x47: {  	[tilespmem:s12+$0x8040] =	vst v0  }
0x48: {  	[tilespmem:s12+$0x8050] =	vst v0  }
0x49: {  	[tilespmem:s12+$0x8060] =	vst v0  }
0x4a: {  	[spmem:s17] =	stream.linear.scatter [tilespmem:s2], [sflag:$0xB], $0x2800, $0x38;
	[tilespmem:$0x1E080] =	vst v63  }
0x4b: {  	s0 =	rddreg [dreg:$0x10]  }
0x4c: {  	[spmem:s0] =	stream.linear.scatter [tilespmem:s2], [sflag:$0xB], $0x2800, $0x38;
	[tilespmem:$0x1E080] =	vst v63  }
0x4d: {  	s19 =	rddreg [dreg:$0x11]  }
0x4e: {  	[spmem:s19] =	stream.linear.scatter [tilespmem:s2], [sflag:$0xB], $0x2800, $0x38;
	[tilespmem:$0x1E080] =	vst v63  }
0x4f: {  	s20 =	rddreg [dreg:$0x14]  }
0x50: {  	[spmem:s20] =	stream.linear.scatter [tilespmem:s2], [sflag:$0xB], $0x2800, $0x38;
	[tilespmem:$0x1E080] =	vst v63  }
0x51: {  	s21 =	rddreg [dreg:$0x16]  }
0x52: {  	[spmem:s21] =	stream.linear.scatter [tilespmem:s2], [sflag:$0xB], $0x2800, $0x38;
	[tilespmem:$0x1E080] =	vst v63  }
0x53: {  	s22 =	rddreg [dreg:$0x18]  }
0x54: {  	[spmem:s22] =	stream.linear.scatter [tilespmem:s2], [sflag:$0xB], $0x2800, $0x38;
	[tilespmem:$0x1E080] =	vst v63  }
0x55: {  	s23 =	rddreg [dreg:$0x19]  }
0x56: {  	[spmem:s23] =	stream.linear.scatter [tilespmem:s2], [sflag:$0xB], $0x2800, $0x38;
	[tilespmem:$0x1E080] =	vst v63  }
0x57: {  	s24 =	rddreg [dreg:$0x1a]  }
0x58: {  	[spmem:s24] =	stream.linear.scatter [tilespmem:s2], [sflag:$0xB], $0x2800, $0x38;
	[tilespmem:$0x1E080] =	vst v63  }
0x59: {  	_ =	swait.ge [sflag:s30], $0x50  }
0x5a: {  	[sflag:s30] =	ssyncset.done $0x0  }
0x5b: {  	[sflag:s30] =	ssyncadd.s32 $0xFFFFFFB0  }
0x5c: {  	_ =	swait.ge [sflag:s30], $0x50  }
0x5d: {  	[sflag:s30] =	ssyncset.done $0x0  }
0x5e: {  	s14 =	simm.s32 $0x0;
	s25 =	simm.s32 $0x800;
	[sflag:s30] =	ssyncadd.s32 $0xFFFFFFB0  }
0x5f: {  	[tilespmem:s25], [sflag:$0x7] =	stream.indirect.gather [hbm4b:s1+s6], $0x80, s14, s6, $0xb8;
	[tilespmem:$0x1E080] =	vst v63  }
0x60: {  	_ =	swait.ge [sflag:s7], $0x50  }
0x61: {  	[sflag:s7] =	ssyncset.done $0x0  }
0x62: {  	[sflag:s7] =	ssyncadd.s32 $0xFFFFFFB0  }
0x63: {  	_ =	swait.ge [sflag:s7], $0x50  }
0x64: {  	[sflag:s7] =	ssyncset.done $0x0  }
0x65: {  	s26 =	simm.s32 $0x3000;
	[sflag:s7] =	ssyncadd.s32 $0xFFFFFFB0  }
0x66: {  	[tilespmem:s26], [sflag:$0x8] =	stream.indirect.gather [hbm4b:s1+s6], $0x80, s13, s6, $0xb8;
	[tilespmem:$0x1E080] =	vst v63  }
0x67: {  	_ =	swait.ge [sflag:s8], $0x50  }
0x68: {  	[sflag:s8] =	ssyncset.done $0x0  }
0x69: {  	[sflag:s8] =	ssyncadd.s32 $0xFFFFFFB0  }
0x6a: {  	_ =	swait.ge [sflag:s8], $0x50  }
0x6b: {  	[sflag:s8] =	ssyncset.done $0x0  }
0x6c: {  	s28 =	simm.s32 $0x5800;
	[sflag:s8] =	ssyncadd.s32 $0xFFFFFFB0  }
0x6d: {  	[tilespmem:s28], [sflag:$0x9] =	stream.indirect.gather [hbm4b:s1+s6], $0x80, s15, s6, $0xb8;
	[tilespmem:$0x1E080] =	vst v63  }
0x6e: {  	_ =	swait.ge [sflag:s9], $0x2800  }
0x6f: {  	[sflag:s9] =	ssyncset.done $0x0  }
0x70: {  	[sflag:s9] =	ssyncadd.s32 $0xFFFFD800  }
0x71: {  	_ =	swait.ge [sflag:s9], $0x2800  }
0x72: {  	[sflag:s9] =	ssyncset.done $0x0  }
0x73: {  	[sflag:s9] =	ssyncadd.s32 $0xFFFFD800  }
0x74: {  	_ =	swait.ge [sflag:s9], $0x2800  }
0x75: {  	[sflag:s9] =	ssyncset.done $0x0  }
0x76: {  	[sflag:s9] =	ssyncadd.s32 $0xFFFFD800  }
0x77: {  	_ =	swait.ge [sflag:s9], $0x2800  }
0x78: {  	[sflag:s9] =	ssyncset.done $0x0  }
0x79: {  	s29 =	smul.u32 $0xAB, s14;
	[sflag:s9] =	ssyncadd.s32 $0xFFFFD800  }
0x7a: {  	_ =	swait.ge [sflag:s9], $0x2800  }
0x7b: {  	s16 =	sshrl.u32 s29, $0xA;
	[sflag:s9] =	ssyncset.done $0x0  }
0x7c: {  	s16 =	sand.u32 $0x3F, s16;
	[sflag:s9] =	ssyncadd.s32 $0xFFFFD800  }
0x7d: {  	s16 =	smul.u32 $0x6, s16;
	_ =	swait.ge [sflag:s9], $0x2800  }
0x7e: {  	p0 =	por $0x0, $0x0;
	s12 =	simm.s32 $0x1;
	[sflag:s9] =	ssyncset.done $0x0  }
0x7f: {  	p1 =	por @!p0 $0x0, $0x0;
	s16 =	ssub.s32 $0x0, s16;
	[sflag:s9] =	ssyncadd.s32 $0xFFFFD800  }
0x80: {  	p1 =	por p1, p0;
	s16 =	sand.u32 $0xF7, s16;
	_ =	swait.ge [sflag:s9], $0x2800  }
0x81: {  	s21 =	simm.s32 @!p1 $0x6;
	s16 =	sshll.u32 s16, $0x7;
	[sflag:s9] =	ssyncset.done $0x0  }
0x82: {  	s21 =	smul.u32 @!p1 $0xAB, s21;
	s15 =	simm.s32 @!p0 $0x3;
	[sflag:s9] =	ssyncadd.s32 $0xFFFFD800  }
0x83: {  	s14 =	sand.u32 $0x3, s14;
	s18 =	smul.u32 @!p0 $0xAB, s15;
	_ =	swait.ge [sflag:s9], $0x2800  }
0x84: {  	s31 =	sor.u32 $0x400, s16;
	s20 =	smul.u32 $0xA000, s14;
	[sflag:s9] =	ssyncset.done $0x0  }
0x85: {  	s14 =	sadd.s32 $0x7, s14;
	s18 =	sshrl.u32 @!p0 s18, $0xA;
	[sflag:s9] =	ssyncadd.s32 $0xFFFFD800  }
0x86: {  	s20 =	sshrl.u32 s20, $0x2;
	s18 =	sand.u32 @!p0 $0x3F, s18;
	[bflag:$0x0] =	sbarrier.arrive $0xFFFF  }
0x87: {  	s20 =	sadd.s32 $0x800, s20;
	s18 =	smul.u32 @!p0 $0x6, s18;
	_ =	swait.ge [sflag:s14], $0x2800  }
0x88: {  	s22 =	sand.u32 @!p0 $0x3, s15;
	s15 =	sshrl.u32 @!p1 s21, $0xA;
	[sflag:s14] =	ssyncset.done $0x0  }
0x89: {  	s16 =	sand.u32 @!p1 $0x3F, s15;
	s18 =	ssub.s32 @!p0 $0x3, s18;
	[sflag:s14] =	ssyncadd.s32 $0xFFFFD800  }
0x8a: {  	[spmem:s3] =	stream.indirect.scatter.add.f32 [tilespmem:s20], [sflag:$0xC], $0x80, s31, s6, $0xb8;
	[tilespmem:$0x1E080] =	vst v63  }
0x8b: {  	s18 =	sand.u32 @!p0 $0xFF, s18;
	s14 =	smul.u32 @!p0 $0xA000, s22;
	_ =	swait.ge [sflag:s10], $0x2800  }
0x8c: {  	s15 =	sshll.u32 @!p0 s18, $0x7;
	s20 =	smul.u32 @!p1 $0x6, s16;
	[sflag:s10] =	ssyncset.done $0x0  }
0x8d: {  	s18 =	sadd.s32 @!p0 $0x1, s18;
	s16 =	sadd.s32 @!p0 $0x7, s22;
	[sflag:s10] =	ssyncadd.s32 $0xFFFFD800  }
0x8e: {  	s14 =	sshrl.u32 @!p0 s14, $0x2;
	s20 =	ssub.s32 @!p1 $0x6, s20;
	_ =	swait.ge @!p0 [sflag:s18], $0x50  }
0x8f: {  	s22 =	sadd.s32 @!p0 $0x800, s14;
	s23 =	sand.u32 @!p1 $0xFF, s20;
	s14 =	rddreg [dreg:$0x12]  }
0x90: {  	[sflag:s18] =	ssyncset.done @!p0 $0x0;
	s21 =	rddreg [dreg:$0x13];
	s20 =	smov.u32 s14  }
.LBB2_4:
0x91: {  	s20 =	sadd.s32 $0xA, s20  }
0x92: {  	s24 =	smov.u32 s12;
	s12 =	sadd.s32 $0x1, s12;
	s13 =	smov.u32 s21  }
0x93: {  	s21 =	sadd.s32 $0xA, s21;
	p4 =	por p0, p0;
	p3 =	por p1, p1  }
0x94: {  	s25 =	smul.u32 $0xAB, s24;
	p2 =	sne.s32 s12, $0x7D;
	_ =	sdelay $0x1  }
0x95: {  	s31 =	simm.s32 @!p4 $0x50;
	s26 =	simm.s32 @!p3 $0x0;
	s25 =	sshrl.u32 s25, $0xA  }
0x96: {  	p0 =	sgt.u32 s24, $0x79;
	s28 =	sshll.u32 @!p3 s23, $0x7;
	[sflag:s18] =	ssyncadd.s32 @!p4 $0xFFFFFFB0  }
0x97: {  	s0 =	sadd.s32 @!p0 $0x3, s24;
	p1 =	sgt.u32 @!p0 s24, $0x76;
	_ =	swait.ge @!p4 [sflag:s18], $0x50  }
0x98: {  	s29 =	sand.u32 $0x3, s24;
	s5 =	smul.u32 @!p0 $0xAB, s0;
	[sflag:s18] =	ssyncset.done @!p4 $0x0  }
0x99: {  	s19 =	smul.u32 $0xA000, s29;
	s25 =	sand.u32 $0x3F, s25;
	[sflag:s18] =	ssyncadd.s32 @!p4 $0xFFFFFFB0  }
0x9a: {  	s23 =	sadd.s32 @!p3 $0x1, s23;
	s5 =	sshrl.u32 @!p0 s5, $0xA;
	s18 =	smul.u32 $0x6, s25  }
0x9b: {  	[tilespmem:s22], [sflag:s16] =	stream.indirect.gather @!p4 [hbm4b:s1+s31], $0x80, s15, s31, $0xb8;
	[tilespmem:$0x1E080] =	vst v63  }
0x9c: {  	s5 =	sand.u32 @!p0 $0x3F, s5;
	s16 =	sshrl.u32 s19, $0x2;
	s15 =	ssub.s32 s24, s18  }
0x9d: {  	[tilespmem:s28], [sflag:s23] =	stream.linear.gather @!p3 [hbm4b:s14+s26], $0x50, $0x38;
	[tilespmem:$0x1E080] =	vst v63  }
0x9e: {  	p1 =	por p1, p0;
	s5 =	smul.u32 @!p0 $0x6, s5;
	s14 =	sand.u32 $0xF7, s15  }
0x9f: {  	s19 =	sadd.s32 @!p1 $0x6, s24;
	s15 =	sor.u32 @!p3 $0x400, s28;
	s14 =	sshll.u32 s14, $0x7  }
0xa0: {  	[tilespmem:s15], [sflag:s23] =	stream.linear.gather @!p3 [hbm4b:s13+s26], $0x50, $0x38;
	[tilespmem:$0x1E080] =	vst v63  }
0xa1: {  	s5 =	ssub.s32 @!p0 s0, s5;
	s18 =	smul.u32 @!p1 $0xAB, s19;
	s13 =	sadd.s32 $0x7, s29  }
0xa2: {  	s0 =	sand.u32 @!p0 $0x3, s0;
	s5 =	sand.u32 @!p0 $0xFF, s5;
	_ =	swait.ge [sflag:s13], $0x2800  }
0xa3: {  	s18 =	sshrl.u32 @!p1 s18, $0xA;
	s15 =	sshll.u32 @!p0 s5, $0x7;
	[sflag:s13] =	ssyncset.done $0x0  }
0xa4: {  	s16 =	sadd.s32 $0x800, s16;
	[sflag:s13] =	ssyncadd.s32 $0xFFFFD800;
	s13 =	sor.u32 $0x400, s14  }
0xa5: {  	[spmem:s3] =	stream.indirect.scatter.add.f32 [tilespmem:s16], [sflag:$0xC], $0x80, s13, s6, $0xb8;
	[tilespmem:$0x1E080] =	vst v63  }
0xa6: {  	s13 =	smul.u32 @!p0 $0xA000, s0  }
.Ltmp1:
0xa7: {  	s14 =	sand.u32 @!p1 $0x3F, s18;
	_ =	swait.ge [sflag:s10], $0x2800;
	(pc) =	sbr.rel @p2 .LBB2_4-.Ltmp1, $4  }
0xa8: {  	s16 =	sadd.s32 @!p0 $0x7, s0;
	s0 =	smul.u32 @!p1 $0x6, s14;
	[sflag:s10] =	ssyncset.done $0x0  }
0xa9: {  	s18 =	sadd.s32 @!p0 $0x1, s5;
	s5 =	sshrl.u32 @!p0 s13, $0x2;
	[sflag:s10] =	ssyncadd.s32 $0xFFFFD800  }
0xaa: {  	s0 =	ssub.s32 @!p1 s19, s0;
	s22 =	sadd.s32 @!p0 $0x800, s5;
	_ =	swait.ge @!p0 [sflag:s18], $0x50  }
0xab: {  	s14 =	smov.u32 s20;
	s23 =	sand.u32 @!p1 $0xFF, s0;
	[sflag:s18] =	ssyncset.done @!p0 $0x0  }
0xac: {  	p0 =	por p0, p0  }
0xad: {  	[sflag:s18] =	ssyncadd.s32 @!p0 $0xFFFFFFB0  }
0xae: {  	_ =	swait.ge @!p0 [sflag:s18], $0x50  }
0xaf: {  	[sflag:s18] =	ssyncset.done @!p0 $0x0  }
0xb0: {  	p1 =	por p1, p1;
	s0 =	simm.s32 @!p0 $0x50;
	[sflag:s18] =	ssyncadd.s32 @!p0 $0xFFFFFFB0  }
0xb1: {  	[tilespmem:s22], [sflag:s16] =	stream.indirect.gather @!p0 [hbm4b:s1+s0], $0x80, s15, s0, $0xb8;
	[tilespmem:$0x1E080] =	vst v63  }
0xb2: {  	s5 =	sshll.u32 @!p1 s23, $0x7;
	s12 =	sadd.s32 @!p1 $0x1, s23;
	s0 =	simm.s32 @!p1 $0x0  }
0xb3: {  	[tilespmem:s5], [sflag:s12] =	stream.linear.gather @!p1 [hbm4b:s14+s0], $0x50, $0x38;
	[tilespmem:$0x1E080] =	vst v63  }
0xb4: {  	s26 =	stileid.u32;
	s5 =	sor.u32 @!p1 $0x400, s5  }
0xb5: {  	[tilespmem:s5], [sflag:s12] =	stream.linear.gather @!p1 [hbm4b:s21+s0], $0x50, $0x38;
	[tilespmem:$0x1E080] =	vst v63  }
0xb6: {  	s0 =	sshll.u32 s26, $0x6;
	[bflag:$0x0] =	sbarrier.arrive $0xFFFF  }
0xb7: {  	s28 =	sshrl.u32 s17, $0x3;
	s0 =	sor.u32 $0x1C0C, s0;
	s29 =	rddreg [dreg:$0x15]  }
0xb8: {  	[hbm:s29], [sflag:s0] =	dma.local [spmem:s28], $0x2800  }
0xb9: {  	_ =	swait.ge [sflag:s10], $0x2800  }
0xba: {  	s11 =	sadd.s32 $0x1, s11;
	s31 =	rddreg [dreg:$0x17]  }
0xbb: {  	p0 =	sne.s32 s11, s31  }
.Ltmp2:
0xbc: {  	_ = 	snop;
	(pc) =	sbr.rel @p0 .LBB2_1-.Ltmp2, $3  }
0xbd: {  	_ =	sdelay $0x1  }
0xbe: {  	[sflag:s10] =	ssyncset.done $0x0  }
0xbf: {  	s13 =	simm.s32 $0x80;
	s15 =	simm.s32 $0x100;
	[sflag:s10] =	ssyncadd.s32 $0xFFFFD800  }
0xc0: {  	_ =	sfence.sel $0x180000  }
0xc1: {  	[bflag:$0x0] =	sbarrier.arrive $0xFFFF  }
0xc2: {  	_ =	strace $0x9000004A  }
0xc3: {  	s0 =	stileid.u32;
	[bflag:$0x2] =	sbarrier.arrive $0xFFFF  }
0xc4: {  	p0 =	sne.s32 s0, $0x0;
	s0 =	rddreg [dreg:$0x3]  }
0xc5: {  	s0 =	sadd.s32 @!p0 $0x100000, s0  }
0xc6: {  	[sflag:s0] =	ssyncadd.tile.s32 @!p0 $0x1;
	_ =	shalt  }
.Lfunc_end2:
_tile_overlayer_lowered:
.L_overlay_start_2:
0xc7: {  	(tag) =	ssettag $0x2  }
0xc8: {  	s0 =	rddreg [dreg:$0x0];
	s2 =	stileid.u32  }
0xc9: {  	s1 =	rddreg [dreg:$0x1];
	p0 =	sne.s32 s2, $0x0  }
0xca: {  	s3 =	rddreg [dreg:$0x2];
	[bflag:$0x3] =	sbarrier.arrive $0xFFFF;
	s2 =	simm.s32 @!p0 $0x1C0C  }
0xcb: {  	[timem:s3], [sflag:s2] =	dma.local @!p0 [hbm:s0], s1  }
0xcc: {  	s0 =	simm.s32 @!p0 $0xC  }
0xcd: {  	_ =	swait.ge @!p0 [sflag:s0], s1  }
0xce: {  	s1 =	ssub.s32 @!p0 $0x0, s1;
	[sflag:s0] =	ssyncset.done @!p0 $0x0  }
0xcf: {  	[sflag:s0] =	ssyncadd.s32 @!p0 s1  }
0xd0: {  	[bflag:$0x3] =	sbarrier.arrive $0xFFFF  }
0xd1: {  	_ =	shalt  }

// kernel: kernel.15.cloned.1.call-start
scs
__scs_entry_jumppad:
0x0: {  	(pc) =	sbr.rel $0x88, $3  }
0x1: {  	(tag) =	ssettag $0x0;
	lr =	simm.s32 $0x1  }
0x2: {  	[smem:$0x3F97] =	sst lr;
	_ =	strace $0xD0000000  }
0x3: {  	_ = 	snop  }
0x4: {  	_ = 	snop  }
0x5: {  	_ = 	snop  }
0x6: {  	_ = 	snop  }
0x7: {  	_ = 	snop  }
__scs_overlays_trampoline_lowered:
0x8: {  	[smem:$0x3FA6] =	sst s0  }
0x9: {  	[smem:$0x3FA7] =	sst s1  }
0xa: {  	[smem:$0x3FA8] =	sst s2  }
0xb: {  	[smem:$0x3FA9] =	sst s3  }
0xc: {  	[smem:$0x3FAA] =	sst s4  }
0xd: {  	[smem:$0x3FAB] =	sst s5  }
0xe: {  	[smem:$0x3FAC] =	sst s6  }
0xf: {  	[smem:$0x3FAD] =	sst s7  }
0x10: {  	[smem:$0x3FAE] =	sst s8  }
0x11: {  	[smem:$0x3FAF] =	sst s9;
	s0 =	simm.s32 @!p0 $0x0  }
0x12: {  	s1 =	sld [smem:$0x3F95];
	s0 =	simm.s32 @p0 $0x1  }
0x13: {  	[smem:$0x3FB0] =	sst s0;
	s0 =	simm.s32 @!p1 $0x0  }
0x14: {  	s2 =	sld [smem:$0x3F94];
	s0 =	simm.s32 @p1 $0x1  }
0x15: {  	[smem:$0x3FB1] =	sst s0;
	s0 =	simm.s32 @!p2 $0x0  }
0x16: {  	s3 =	sld [smem:$0x3FDB];
	s0 =	simm.s32 @p2 $0x1  }
0x17: {  	s4 =	simm.s32 $0x1BF5;
	[smem:$0x3FB3] =	sst s0  }
0x18: {  	s0 =	sld [smem:$0x3F96];
	_ =	swait.ge [sflag:s4], $0x0  }
0x19: {  	s7 =	sld [smem:$0x3F97]  }
0x1a: {  	s8 =	sadd.s32 $0xFFFFE003, lr  }
0x1b: {  	s9 =	sadd.s32 $0xFFFFFEF7, lr;
	s5 =	simm.s32 $0xFFFFFFFF;
	p2 =	slt.u32 s8, $0xFFFFF086  }
0x1c: {  	p1 =	slt.u32 s9, $0xF7A;
	s5 =	simm.s32 @!p2 $0x0  }
0x1d: {  	s5 =	simm.s32 @p1 $0x1;
	p0 =	seq.s32 s7, s2  }
0x1e: {  	s7 =	smul.u32 @!p0 $0xF7A, s2;
	p2 =	seq.s32 @!p0 s5, $0x0  }
0x1f: {  	s9 =	smul.u32 $0xF7A, s1;
	s8 =	simm.s32 @!p0 $0x1BF5;
	p2 =	por !p2, p0  }
0x20: {  	[sflag:s8] =	ssyncset.s32 @!p0 $0xFFFFF086;
	s6 =	sadd.s32 @!p0 s3, s7;
	s7 =	simm.s32 @!p0 $0x108  }
0x21: {  	s3 =	sadd.s32 s3, s9;
	s6 =	sadd.s32 @!p0 $0x88, s6;
	s7 =	simm.s32 @p2 $0x1082  }
0x22: {  	[simem:s7], [sflag:s8] =	dma.local @!p0 [hbm:s6], $0xF7A  }
0x23: {  	s9 =	sor.u32 $0xD0000000, s2;
	s6 =	simm.s32 $0x108;
	_ =	swait.ge @!p0 [sflag:s8], $0x0  }
0x24: {  	s3 =	sadd.s32 $0x88, s3;
	s6 =	simm.s32 @!p1 $0x1082;
	[sflag:s4] =	ssyncset.s32 $0xFFFFF086  }
0x25: {  	[simem:s6], [sflag:s4] =	dma.local [hbm:s3], $0xF7A  }
0x26: {  	[smem:$0x3F97] =	sst s1;
	(tag) =	ssettag s2;
	_ =	strace s9  }
0x27: {  	s1 =	sld [smem:$0x3FA7]  }
0x28: {  	s2 =	sld [smem:$0x3FA8]  }
0x29: {  	s4 =	sld [smem:$0x3FAA]  }
0x2a: {  	p0 =	seq.s32 s5, $0x0;
	s5 =	sld [smem:$0x3FAB]  }
0x2b: {  	s6 =	sld [smem:$0x3FAC]  }
0x2c: {  	s7 =	sld [smem:$0x3FAD]  }
0x2d: {  	s3 =	simm.s32 $0x108;
	s8 =	sld [smem:$0x3FAE]  }
0x2e: {  	s3 =	simm.s32 @!p0 $0x1082;
	s9 =	sld [smem:$0x3FAF]  }
0x2f: {  	lr =	sadd.s32 s0, s3;
	s0 =	sld [smem:$0x3FA6]  }
0x30: {  	s3 =	sld [smem:$0x3FA9]  }
0x31: {  	[smem:$0x3FB2] =	sst s10  }
0x32: {  	s10 =	sld [smem:$0x3FB0];
	_ =	sdelay $0x3  }
0x33: {  	p0 =	seq.s32 s10, $0x1;
	s10 =	sld [smem:$0x3FB2];
	_ =	sdelay $0x3  }
0x34: {  	[smem:$0x3FB2] =	sst s10  }
0x35: {  	s10 =	sld [smem:$0x3FB1];
	_ =	sdelay $0x3  }
0x36: {  	p1 =	seq.s32 s10, $0x1;
	s10 =	sld [smem:$0x3FB2];
	_ =	sdelay $0x3  }
0x37: {  	[smem:$0x3FB2] =	sst s10  }
0x38: {  	s10 =	sld [smem:$0x3FB3]  }
0x39: {  	_ = 	snop;
	(pc) =	sbr.ind lr, $3  }
0x3a: {  	_ = 	snop  }
0x3b: {  	_ = 	snop  }
0x3c: {  	p2 =	seq.s32 s10, $0x1;
	s10 =	sld [smem:$0x3FB2]  }
0x3d: {  	_ =	shalt  }
0x3e: {  	_ =	shalt  }
0x3f: {  	_ =	shalt  }
0x40: {  	_ =	shalt  }
0x41: {  	_ =	shalt  }
0x42: {  	_ =	shalt  }
0x43: {  	_ =	shalt  }
0x44: {  	_ =	shalt  }
0x45: {  	_ =	shalt  }
0x46: {  	_ =	shalt  }
0x47: {  	_ =	shalt  }
0x48: {  	_ =	shalt  }
0x49: {  	_ =	shalt  }
0x4a: {  	_ =	shalt  }
0x4b: {  	_ =	shalt  }
0x4c: {  	_ =	shalt  }
0x4d: {  	_ =	shalt  }
0x4e: {  	_ =	shalt  }
0x4f: {  	_ =	shalt  }
0x50: {  	_ =	shalt  }
0x51: {  	_ =	shalt  }
0x52: {  	_ =	shalt  }
0x53: {  	_ =	shalt  }
0x54: {  	_ =	shalt  }
0x55: {  	_ =	shalt  }
0x56: {  	_ =	shalt  }
0x57: {  	_ =	shalt  }
0x58: {  	_ =	shalt  }
0x59: {  	_ =	shalt  }
0x5a: {  	_ =	shalt  }
0x5b: {  	_ =	shalt  }
0x5c: {  	_ =	shalt  }
0x5d: {  	_ =	shalt  }
0x5e: {  	_ =	shalt  }
0x5f: {  	_ =	shalt  }
0x60: {  	_ =	shalt  }
0x61: {  	_ =	shalt  }
0x62: {  	_ =	shalt  }
0x63: {  	_ =	shalt  }
0x64: {  	_ =	shalt  }
0x65: {  	_ =	shalt  }
0x66: {  	_ =	shalt  }
0x67: {  	_ =	shalt  }
0x68: {  	_ =	shalt  }
0x69: {  	_ =	shalt  }
0x6a: {  	_ =	shalt  }
0x6b: {  	_ =	shalt  }
0x6c: {  	_ =	shalt  }
0x6d: {  	_ =	shalt  }
0x6e: {  	_ =	shalt  }
0x6f: {  	_ =	shalt  }
0x70: {  	_ =	shalt  }
0x71: {  	_ =	shalt  }
0x72: {  	_ =	shalt  }
0x73: {  	_ =	shalt  }
0x74: {  	_ =	shalt  }
0x75: {  	_ =	shalt  }
0x76: {  	_ =	shalt  }
0x77: {  	_ =	shalt  }
0x78: {  	_ =	shalt  }
0x79: {  	_ =	shalt  }
0x7a: {  	_ =	shalt  }
0x7b: {  	_ =	shalt  }
0x7c: {  	_ =	shalt  }
0x7d: {  	_ =	shalt  }
0x7e: {  	_ =	shalt  }
0x7f: {  	_ =	shalt  }
0x80: {  	_ =	shalt  }
0x81: {  	_ =	shalt  }
0x82: {  	_ =	shalt  }
0x83: {  	_ =	shalt  }
0x84: {  	_ =	shalt  }
0x85: {  	_ =	shalt  }
0x86: {  	_ =	shalt  }
0x87: {  	_ =	shalt  }
.Lfunc_end0:
.L_simem_size_0:
called_computation.2_lowered:
.L_overlay_start_0:
0x88: {  	s2 =	sld [smem:$0x3FD9]  }
0x89: {  	s3 =	sld [smem:$0x3FFE];
	_ =	sdelay $0x1  }
0x8a: {  	s1 =	srdreg.scid  }
0x8b: {  	s0 =	sand.u32 $0x1, s1  }
0x8c: {  	s16 =	sshll.u32 s0, $0xA;
	s2 =	sadd.s32 s3, s2  }
0x8d: {  	s2 =	sadd.s32 s2, s16  }
0x8e: {  	[smem:$0x3FBE] =	sst s2  }
0x8f: {  	_ = 	snop  }
0x90: {  	(tm) =	ssettm $0x1  }
0x91: {  	s17 =	sld [smem:$0x3FFB];
	_ =	sdelay $0x3  }
0x92: {  	_ =	strace s17  }
0x93: {  	s2 =	sld [smem:$0x3FFC];
	_ =	sdelay $0x3  }
0x94: {  	_ =	strace s2  }
0x95: {  	s2 =	sld [smem:$0x3FFD];
	_ =	sdelay $0x3  }
0x96: {  	_ =	strace s2  }
0x97: {  	_ =	strace $0x8FFFFFFF  }
0x98: {  	s18 =	sld [smem:$0x3FDB];
	_ =	sdelay $0x1  }
0x99: {  	s19 =	simm.s32 $_scs_section_size  }
0x9a: {  	s4 =	simm.s32 $_size__tile_overlayer_lowered;
	s5 =	simm.s32 $_tile_overlayer_lowered  }
0x9b: {  	s22 =	simm.s32 $0x1BFF;
	s21 =	sshll.u32 s5, $0x1;
	s2 =	sadd.s32 s19, s18  }
0x9c: {  	s6 =	simm.s32 $0x0;
	s20 =	sshll.u32 s4, $0x1;
	s4 =	sadd.s32 s21, s2  }
0x9d: {  	[timem:s6], [sflag:s22] =	dma.local [hbm:s4], s20  }
0x9e: {  	_ =	swait.ge [sflag:s22], s20  }
0x9f: {  	s3 =	ssub.s32 $0x0, s20;
	[sflag:s22] =	ssyncset.done $0x0  }
0xa0: {  	[sflag:s22] =	ssyncadd.s32 s3;
	_ =	sdelay $0x1  }
0xa1: {  	s23 =	simm.s32 $0x1B8B  }
0xa2: {  	_ =	swait.ge [sflag:s23], $0x1  }
0xa3: {  	[sflag:s23] =	ssyncset.done $0x0  }
0xa4: {  	s25 =	simm.s32 $0x1B8E;
	s24 =	sld [smem:$0x3FFE];
	[sflag:s23] =	ssyncadd.s32 $0xFFFFFFFF  }
0xa5: {  	s26 =	simm.s32 $execute0_lowered;
	[smem:$0x3FD2] =	sst s25  }
0xa6: {  	s4 =	sshll.u32 s26, $0x1;
	_ =	strace $0x8000004C;
	[dreg:$0x1] =	wrdreg $0xFFFFFFFF  }
0xa7: {  	s28 =	simm.s32 $_size_execute0_lowered;
	s2 =	sadd.s32 s2, s4;
	[dreg:$0x0] =	wrdreg $0x0  }
0xa8: {  	s4 =	sshll.u32 s28, $0x1;
	[dreg:$0x2] =	wrdreg s2  }
0xa9: {  	[dreg:$0x3] =	wrdreg s4  }
0xaa: {  	[dreg:$0x4] =	wrdreg $0xC0  }
0xab: {  	_ =	task [dreg:s6], $0x5FFFF  }
0xac: {  	[dreg:$0x1] =	wrdreg $0xFFFFFFFF  }
0xad: {  	[dreg:$0x0] =	wrdreg $0x60  }
0xae: {  	[dreg:$0x2] =	wrdreg s24  }
0xaf: {  	[dreg:$0x3] =	wrdreg $0xA8000  }
0xb0: {  	[dreg:$0x4] =	wrdreg $0x9  }
0xb1: {  	_ =	task.clear_ibuf [dreg:s6], $0x5FFFF;
	_ =	strace $0x9000004C  }
0xb2: {  	s29 =	simm.s32 $0x9;
	_ =	strace $0x8000004E  }
0xb3: {  	_ =	swait.ge [sflag:s29], $0x1  }
0xb4: {  	[sflag:s29] =	ssyncadd.s32 $0xFFFFFFFF  }
0xb5: {  	_ =	strace $0x9000004E  }
0xb6: {  	_ =	sfence  }
0xb7: {  	s30 =	sld [smem:$0x0];
	_ =	sdelay $0x2  }
0xb8: {  	s31 =	sshll.u32 s1, $0xD;
	s1 =	sshrl.u32 s1, $0x2  }
0xb9: {  	s3 =	sand.u32 $0x4000, s31;
	s1 =	sadd.s32 s1, s30  }
0xba: {  	s0 =	sor.u32 s3, s0;
	s1 =	sshll.u32 s1, $0x11  }
0xbb: {  	s0 =	sor.u32 s1, s0  }
0xbc: {  	s0 =	sadd.s32 $0x8F2B, s0  }
0xbd: {  	[sflag:s0] =	ssyncadd.remote.s32 $0x1  }
0xbe: {  	_ =	sfence.sel $0xFFFF  }
0xbf: {  	[dreg:$0x0] =	wrdreg $0xFFFFFFFF;
	(pc) =	sbr.abs _section_cstart, $3  }
0xc0: {  	[dreg:$0x1] =	wrdreg $0xFFFFFFFF  }
0xc1: {  	_ =	task.clear_ibuf [dreg:s6], $0x2FFFF;
	_ =	strace $0x9FFFFFFF  }
0xc2: {  	(tm) =	ssettm $0x7FFFFFFF  }
0xc3: {  	_ =	shalt  }
tec
execute0_lowered:
.L_overlay_start_1:
0x0: {  	(tag) =	ssettag $0x1  }
0x1: {  	s0 =	rddreg [dreg:$0x0]  }
0x2: {  	s2 =	rddreg [dreg:$0x1]  }
0x3: {  	s1 =	srdreg.scid;
	s10 =	stileid.u32;
	s3 =	simm.s32 $0x0  }
0x4: {  	s1 =	sand.u32 $0x1, s1;
	s4 =	sshll.u32 s10, $0x1;
	[smem:$0x7FF] =	sst s3  }
0x5: {  	s6 =	sadd.s32 $0x3C00, s0;
	s9 =	smul.u32 $0x280, s10;
	s4 =	sor.u32 s1, s4  }
0x6: {  	_ =	strace $0x8000004D;
	s7 =	smul.u32 $0x27100, s1;
	s8 =	ssub.s32 $0x2, s1  }
0x7: {  	s5 =	smul.u32 $0x2710, s4;
	s4 =	sadd.s32 $0x17600, s0;
	s26 =	sshrl.u32 s8, $0x1  }
0x8: {  	s28 =	smin.u32 s9, $0x2490;
	s0 =	sadd.s32 s7, s0;
	s7 =	ssub.s32 s8, s26  }
0x9: {  	s8 =	sshll.u32 s28, $0x4;
	s5 =	sshrl.u32 s5, $0x3;
	s26 =	smax.u32 s7, $0x1  }
0xa: {  	s0 =	sadd.s32 $0x3E800, s0;
	s5 =	sadd.s32 s6, s5;
	[dreg:$0x16] =	wrdreg s26  }
0xb: {  	s0 =	sadd.s32 s8, s0;
	[dreg:$0x3] =	wrdreg s5  }
0xc: {  	s29 =	sadd.s32 $0x9C40, s5;
	[dreg:$0x14] =	wrdreg s0  }
0xd: {  	s31 =	sadd.s32 $0xA, s5;
	[dreg:$0x4] =	wrdreg s29  }
0xe: {  	s11 =	sadd.s32 $0x9C4A, s5;
	[dreg:$0x5] =	wrdreg s31  }
0xf: {  	s30 =	simm.s32 $0x1;
	s12 =	sadd.s32 $0x14, s5;
	[dreg:$0x6] =	wrdreg s11  }
0x10: {  	s15 =	smul.u32 $0x4E20, s10;
	s13 =	sadd.s32 $0x9C54, s5;
	[dreg:$0x7] =	wrdreg s12  }
0x11: {  	s1 =	smul.u32 $0x2710, s1;
	s14 =	sadd.s32 $0x1E, s5;
	[dreg:$0x8] =	wrdreg s13  }
0x12: {  	s20 =	sshll.u32 s28, $0x7;
	s16 =	sadd.s32 $0x9C5E, s5;
	[dreg:$0x9] =	wrdreg s14  }
0x13: {  	s1 =	sadd.s32 s1, s15;
	s17 =	sadd.s32 $0x28, s5;
	[dreg:$0xa] =	wrdreg s16  }
0x14: {  	s9 =	sadd.s32 $0x1E0, s1;
	s18 =	sadd.s32 $0x9C68, s5;
	[dreg:$0xb] =	wrdreg s17  }
0x15: {  	s1 =	sadd.s32 $0x4E3E0, s1;
	s19 =	sadd.s32 $0x32, s5;
	[dreg:$0xc] =	wrdreg s18  }
0x16: {  	s9 =	sshrl.u32 s9, $0x3;
	s5 =	sadd.s32 $0x9C72, s5;
	[dreg:$0xd] =	wrdreg s19  }
0x17: {  	s1 =	sshrl.u32 s1, $0x3;
	s23 =	sadd.s32 s9, s6;
	[dreg:$0xe] =	wrdreg s5  }
0x18: {  	s1 =	sadd.s32 s1, s6;
	s17 =	sadd.s32 s20, s2;
	[dreg:$0x11] =	wrdreg s23  }
0x19: {  	s10 =	simm.s32 $0xC;
	[dreg:$0x12] =	wrdreg s1;
	s21 =	sadd.s32 $0x2800, s17  }
0x1a: {  	s15 =	simm.s32 $0x100;
	s22 =	sadd.s32 $0x5000, s17;
	[dreg:$0xf] =	wrdreg s21  }
0x1b: {  	s7 =	simm.s32 $0x2;
	s24 =	sadd.s32 $0x7800, s17;
	[dreg:$0x10] =	wrdreg s22  }
0x1c: {  	s8 =	simm.s32 $0x3;
	s25 =	sadd.s32 $0xA000, s17;
	[dreg:$0x13] =	wrdreg s24  }
0x1d: {  	s0 =	simm.s32 $0x8000;
	s28 =	sadd.s32 $0xC800, s17;
	[dreg:$0x15] =	wrdreg s25  }
0x1e: {  	s6 =	simm.s32 $0x50;
	s29 =	sadd.s32 $0xF000, s17;
	[dreg:$0x17] =	wrdreg s28  }
0x1f: {  	s9 =	simm.s32 $0xB;
	s31 =	sadd.s32 $0x11800, s17;
	[dreg:$0x18] =	wrdreg s29  }
0x20: {  	v0 =	vimm.f32 $0.0e+00;
	s13 =	simm.s32 $0x80;
	s11 =	simm.s32 $0x0;
	[dreg:$0x19] =	wrdreg s31  }
.LBB2_1:
0x21: {  	s1 =	rddreg [dreg:$0x3]  }
0x22: {  	s26 =	rddreg [dreg:$0x4]  }
0x23: {  	[tilespmem:s3], [sflag:$0x1] =	stream.linear.gather [hbm4b:s1+s3], $0x50, $0x38;
	[tilespmem:$0x1E080] =	vst v63  }
0x24: {  	s5 =	simm.s32 $0x400;
	s28 =	rddreg [dreg:$0x5]  }
0x25: {  	[tilespmem:s5], [sflag:$0x1] =	stream.linear.gather [hbm4b:s26+s3], $0x50, $0x38;
	[tilespmem:$0x1E080] =	vst v63  }
0x26: {  	s29 =	rddreg [dreg:$0x6]  }
0x27: {  	[tilespmem:s13], [sflag:$0x2] =	stream.linear.gather [hbm4b:s28+s3], $0x50, $0x38;
	[tilespmem:$0x1E080] =	vst v63  }
0x28: {  	s31 =	simm.s32 $0x480;
	s12 =	rddreg [dreg:$0x7]  }
0x29: {  	[tilespmem:s31], [sflag:$0x2] =	stream.linear.gather [hbm4b:s29+s3], $0x50, $0x38;
	[tilespmem:$0x1E080] =	vst v63  }
0x2a: {  	s14 =	rddreg [dreg:$0x8]  }
0x2b: {  	[tilespmem:s15], [sflag:$0x3] =	stream.linear.gather [hbm4b:s12+s3], $0x50, $0x38;
	[tilespmem:$0x1E080] =	vst v63  }
0x2c: {  	s16 =	simm.s32 $0x500;
	s18 =	rddreg [dreg:$0x9]  }
0x2d: {  	[tilespmem:s16], [sflag:$0x3] =	stream.linear.gather [hbm4b:s14+s3], $0x50, $0x38;
	[tilespmem:$0x1E080] =	vst v63  }
0x2e: {  	s19 =	simm.s32 $0x180;
	s20 =	rddreg [dreg:$0xa]  }
0x2f: {  	[tilespmem:s19], [sflag:$0x4] =	stream.linear.gather [hbm4b:s18+s3], $0x50, $0x38;
	[tilespmem:$0x1E080] =	vst v63  }
0x30: {  	s21 =	simm.s32 $0x580;
	s22 =	rddreg [dreg:$0xb]  }
0x31: {  	[tilespmem:s21], [sflag:$0x4] =	stream.linear.gather [hbm4b:s20+s3], $0x50, $0x38;
	[tilespmem:$0x1E080] =	vst v63  }
0x32: {  	s23 =	simm.s32 $0x200;
	s24 =	rddreg [dreg:$0xc]  }
0x33: {  	[tilespmem:s23], [sflag:$0x5] =	stream.linear.gather [hbm4b:s22+s3], $0x50, $0x38;
	[tilespmem:$0x1E080] =	vst v63  }
0x34: {  	s25 =	simm.s32 $0x600;
	s26 =	rddreg [dreg:$0xd]  }
0x35: {  	[tilespmem:s25], [sflag:$0x5] =	stream.linear.gather [hbm4b:s24+s3], $0x50, $0x38;
	[tilespmem:$0x1E080] =	vst v63  }
0x36: {  	s28 =	simm.s32 $0x280;
	s29 =	rddreg [dreg:$0xe]  }
0x37: {  	[tilespmem:s28], [sflag:$0x6] =	stream.linear.gather [hbm4b:s26+s3], $0x50, $0x38;
	[tilespmem:$0x1E080] =	vst v63  }
0x38: {  	s31 =	simm.s32 $0x680;
	s12 =	simm.s32 $0x0;
	s14 =	simm.s32 $0x200  }
0x39: {  	[tilespmem:s31], [sflag:$0x6] =	stream.linear.gather [hbm4b:s29+s3], $0x50, $0x38;
	[tilespmem:$0x1E080] =	vst v63  }
.LBB2_2:
0x3a: {  	p0 =	sne.s32 s14, $0x9E00;
	[tilespmem:s12+$0x8070] =	vst v0  }
0x3b: {  	[tilespmem:s12+$0x8000] =	vst v0  }
0x3c: {  	[tilespmem:s12+$0x8010] =	vst v0  }
.Ltmp0:
0x3d: {  	[tilespmem:s12+$0x8020] =	vst v0;
	(pc) =	sbr.rel @p0 .LBB2_2-.Ltmp0, $4  }
0x3e: {  	[tilespmem:s12+$0x8030] =	vst v0  }
0x3f: {  	[tilespmem:s12+$0x8040] =	vst v0  }
0x40: {  	[tilespmem:s12+$0x8050] =	vst v0  }
0x41: {  	[tilespmem:s12+$0x8060] =	vst v0;
	s12 =	sshra.s32 s14, $0x2;
	s14 =	sadd.s32 $0x200, s14  }
0x42: {  	[tilespmem:s12+$0x8070] =	vst v0  }
0x43: {  	[tilespmem:s12+$0x8000] =	vst v0  }
0x44: {  	[tilespmem:s12+$0x8010] =	vst v0  }
0x45: {  	[tilespmem:s12+$0x8020] =	vst v0  }
0x46: {  	[tilespmem:s12+$0x8030] =	vst v0  }
0x47: {  	[tilespmem:s12+$0x8040] =	vst v0  }
0x48: {  	[tilespmem:s12+$0x8050] =	vst v0  }
0x49: {  	[tilespmem:s12+$0x8060] =	vst v0  }
0x4a: {  	[spmem:s17] =	stream.linear.scatter [tilespmem:s0], [sflag:$0xB], $0x2800, $0x38;
	[tilespmem:$0x1E080] =	vst v63  }
0x4b: {  	s1 =	rddreg [dreg:$0xf]  }
0x4c: {  	[spmem:s1] =	stream.linear.scatter [tilespmem:s0], [sflag:$0xB], $0x2800, $0x38;
	[tilespmem:$0x1E080] =	vst v63  }
0x4d: {  	s19 =	rddreg [dreg:$0x10]  }
0x4e: {  	[spmem:s19] =	stream.linear.scatter [tilespmem:s0], [sflag:$0xB], $0x2800, $0x38;
	[tilespmem:$0x1E080] =	vst v63  }
0x4f: {  	s20 =	rddreg [dreg:$0x13]  }
0x50: {  	[spmem:s20] =	stream.linear.scatter [tilespmem:s0], [sflag:$0xB], $0x2800, $0x38;
	[tilespmem:$0x1E080] =	vst v63  }
0x51: {  	s21 =	rddreg [dreg:$0x15]  }
0x52: {  	[spmem:s21] =	stream.linear.scatter [tilespmem:s0], [sflag:$0xB], $0x2800, $0x38;
	[tilespmem:$0x1E080] =	vst v63  }
0x53: {  	s22 =	rddreg [dreg:$0x17]  }
0x54: {  	[spmem:s22] =	stream.linear.scatter [tilespmem:s0], [sflag:$0xB], $0x2800, $0x38;
	[tilespmem:$0x1E080] =	vst v63  }
0x55: {  	s23 =	rddreg [dreg:$0x18]  }
0x56: {  	[spmem:s23] =	stream.linear.scatter [tilespmem:s0], [sflag:$0xB], $0x2800, $0x38;
	[tilespmem:$0x1E080] =	vst v63  }
0x57: {  	s24 =	rddreg [dreg:$0x19]  }
0x58: {  	[spmem:s24] =	stream.linear.scatter [tilespmem:s0], [sflag:$0xB], $0x2800, $0x38;
	[tilespmem:$0x1E080] =	vst v63  }
0x59: {  	_ =	swait.ge [sflag:s30], $0x50  }
0x5a: {  	[sflag:s30] =	ssyncset.done $0x0  }
0x5b: {  	[sflag:s30] =	ssyncadd.s32 $0xFFFFFFB0  }
0x5c: {  	_ =	swait.ge [sflag:s30], $0x50  }
0x5d: {  	[sflag:s30] =	ssyncset.done $0x0  }
0x5e: {  	s14 =	simm.s32 $0x0;
	s25 =	simm.s32 $0x800;
	[sflag:s30] =	ssyncadd.s32 $0xFFFFFFB0  }
0x5f: {  	[tilespmem:s25], [sflag:$0x7] =	stream.indirect.gather [hbm4b:s4+s6], $0x80, s14, s6, $0xb8;
	[tilespmem:$0x1E080] =	vst v63  }
0x60: {  	_ =	swait.ge [sflag:s7], $0x50  }
0x61: {  	[sflag:s7] =	ssyncset.done $0x0  }
0x62: {  	[sflag:s7] =	ssyncadd.s32 $0xFFFFFFB0  }
0x63: {  	_ =	swait.ge [sflag:s7], $0x50  }
0x64: {  	[sflag:s7] =	ssyncset.done $0x0  }
0x65: {  	s26 =	simm.s32 $0x3000;
	[sflag:s7] =	ssyncadd.s32 $0xFFFFFFB0  }
0x66: {  	[tilespmem:s26], [sflag:$0x8] =	stream.indirect.gather [hbm4b:s4+s6], $0x80, s13, s6, $0xb8;
	[tilespmem:$0x1E080] =	vst v63  }
0x67: {  	_ =	swait.ge [sflag:s8], $0x50  }
0x68: {  	[sflag:s8] =	ssyncset.done $0x0  }
0x69: {  	[sflag:s8] =	ssyncadd.s32 $0xFFFFFFB0  }
0x6a: {  	_ =	swait.ge [sflag:s8], $0x50  }
0x6b: {  	[sflag:s8] =	ssyncset.done $0x0  }
0x6c: {  	s28 =	simm.s32 $0x5800;
	[sflag:s8] =	ssyncadd.s32 $0xFFFFFFB0  }
0x6d: {  	[tilespmem:s28], [sflag:$0x9] =	stream.indirect.gather [hbm4b:s4+s6], $0x80, s15, s6, $0xb8;
	[tilespmem:$0x1E080] =	vst v63  }
0x6e: {  	_ =	swait.ge [sflag:s9], $0x2800  }
0x6f: {  	[sflag:s9] =	ssyncset.done $0x0  }
0x70: {  	[sflag:s9] =	ssyncadd.s32 $0xFFFFD800  }
0x71: {  	_ =	swait.ge [sflag:s9], $0x2800  }
0x72: {  	[sflag:s9] =	ssyncset.done $0x0  }
0x73: {  	[sflag:s9] =	ssyncadd.s32 $0xFFFFD800  }
0x74: {  	_ =	swait.ge [sflag:s9], $0x2800  }
0x75: {  	[sflag:s9] =	ssyncset.done $0x0  }
0x76: {  	[sflag:s9] =	ssyncadd.s32 $0xFFFFD800  }
0x77: {  	_ =	swait.ge [sflag:s9], $0x2800  }
0x78: {  	[sflag:s9] =	ssyncset.done $0x0  }
0x79: {  	s29 =	smul.u32 $0xAB, s14;
	[sflag:s9] =	ssyncadd.s32 $0xFFFFD800  }
0x7a: {  	_ =	swait.ge [sflag:s9], $0x2800  }
0x7b: {  	s16 =	sshrl.u32 s29, $0xA;
	[sflag:s9] =	ssyncset.done $0x0  }
0x7c: {  	s16 =	sand.u32 $0x3F, s16;
	[sflag:s9] =	ssyncadd.s32 $0xFFFFD800  }
0x7d: {  	s16 =	smul.u32 $0x6, s16;
	_ =	swait.ge [sflag:s9], $0x2800  }
0x7e: {  	p0 =	por $0x0, $0x0;
	s12 =	simm.s32 $0x1;
	[sflag:s9] =	ssyncset.done $0x0  }
0x7f: {  	p1 =	por @!p0 $0x0, $0x0;
	s16 =	ssub.s32 $0x0, s16;
	[sflag:s9] =	ssyncadd.s32 $0xFFFFD800  }
0x80: {  	p1 =	por p1, p0;
	s16 =	sand.u32 $0xF7, s16;
	_ =	swait.ge [sflag:s9], $0x2800  }
0x81: {  	s21 =	simm.s32 @!p1 $0x6;
	s16 =	sshll.u32 s16, $0x7;
	[sflag:s9] =	ssyncset.done $0x0  }
0x82: {  	s21 =	smul.u32 @!p1 $0xAB, s21;
	s15 =	simm.s32 @!p0 $0x3;
	[sflag:s9] =	ssyncadd.s32 $0xFFFFD800  }
0x83: {  	s14 =	sand.u32 $0x3, s14;
	s18 =	smul.u32 @!p0 $0xAB, s15;
	_ =	swait.ge [sflag:s9], $0x2800  }
0x84: {  	s31 =	sor.u32 $0x400, s16;
	s20 =	smul.u32 $0xA000, s14;
	[sflag:s9] =	ssyncset.done $0x0  }
0x85: {  	s14 =	sadd.s32 $0x7, s14;
	s18 =	sshrl.u32 @!p0 s18, $0xA;
	[sflag:s9] =	ssyncadd.s32 $0xFFFFD800  }
0x86: {  	s20 =	sshrl.u32 s20, $0x2;
	s18 =	sand.u32 @!p0 $0x3F, s18;
	[bflag:$0x0] =	sbarrier.arrive $0xFFFF  }
0x87: {  	s20 =	sadd.s32 $0x800, s20;
	s18 =	smul.u32 @!p0 $0x6, s18;
	_ =	swait.ge [sflag:s14], $0x2800  }
0x88: {  	s22 =	sand.u32 @!p0 $0x3, s15;
	s15 =	sshrl.u32 @!p1 s21, $0xA;
	[sflag:s14] =	ssyncset.done $0x0  }
0x89: {  	s16 =	sand.u32 @!p1 $0x3F, s15;
	s18 =	ssub.s32 @!p0 $0x3, s18;
	[sflag:s14] =	ssyncadd.s32 $0xFFFFD800  }
0x8a: {  	[spmem:s2] =	stream.indirect.scatter.add.f32 [tilespmem:s20], [sflag:$0xC], $0x80, s31, s6, $0xb8;
	[tilespmem:$0x1E080] =	vst v63  }
0x8b: {  	s18 =	sand.u32 @!p0 $0xFF, s18;
	s14 =	smul.u32 @!p0 $0xA000, s22;
	_ =	swait.ge [sflag:s10], $0x2800  }
0x8c: {  	s15 =	sshll.u32 @!p0 s18, $0x7;
	s20 =	smul.u32 @!p1 $0x6, s16;
	[sflag:s10] =	ssyncset.done $0x0  }
0x8d: {  	s18 =	sadd.s32 @!p0 $0x1, s18;
	s16 =	sadd.s32 @!p0 $0x7, s22;
	[sflag:s10] =	ssyncadd.s32 $0xFFFFD800  }
0x8e: {  	s14 =	sshrl.u32 @!p0 s14, $0x2;
	s20 =	ssub.s32 @!p1 $0x6, s20;
	_ =	swait.ge @!p0 [sflag:s18], $0x50  }
0x8f: {  	s22 =	sadd.s32 @!p0 $0x800, s14;
	s23 =	sand.u32 @!p1 $0xFF, s20;
	s14 =	rddreg [dreg:$0x11]  }
0x90: {  	[sflag:s18] =	ssyncset.done @!p0 $0x0;
	s21 =	rddreg [dreg:$0x12];
	s20 =	smov.u32 s14  }
.LBB2_4:
0x91: {  	s20 =	sadd.s32 $0xA, s20  }
0x92: {  	s24 =	smov.u32 s12;
	s12 =	sadd.s32 $0x1, s12;
	s13 =	smov.u32 s21  }
0x93: {  	s21 =	sadd.s32 $0xA, s21;
	p4 =	por p0, p0;
	p3 =	por p1, p1  }
0x94: {  	s25 =	smul.u32 $0xAB, s24;
	p2 =	sne.s32 s12, $0x7D;
	_ =	sdelay $0x1  }
0x95: {  	s31 =	simm.s32 @!p4 $0x50;
	s26 =	simm.s32 @!p3 $0x0;
	s25 =	sshrl.u32 s25, $0xA  }
0x96: {  	p0 =	sgt.u32 s24, $0x79;
	s28 =	sshll.u32 @!p3 s23, $0x7;
	[sflag:s18] =	ssyncadd.s32 @!p4 $0xFFFFFFB0  }
0x97: {  	s1 =	sadd.s32 @!p0 $0x3, s24;
	p1 =	sgt.u32 @!p0 s24, $0x76;
	_ =	swait.ge @!p4 [sflag:s18], $0x50  }
0x98: {  	s29 =	sand.u32 $0x3, s24;
	s5 =	smul.u32 @!p0 $0xAB, s1;
	[sflag:s18] =	ssyncset.done @!p4 $0x0  }
0x99: {  	s19 =	smul.u32 $0xA000, s29;
	s25 =	sand.u32 $0x3F, s25;
	[sflag:s18] =	ssyncadd.s32 @!p4 $0xFFFFFFB0  }
0x9a: {  	s23 =	sadd.s32 @!p3 $0x1, s23;
	s5 =	sshrl.u32 @!p0 s5, $0xA;
	s18 =	smul.u32 $0x6, s25  }
0x9b: {  	[tilespmem:s22], [sflag:s16] =	stream.indirect.gather @!p4 [hbm4b:s4+s31], $0x80, s15, s31, $0xb8;
	[tilespmem:$0x1E080] =	vst v63  }
0x9c: {  	s5 =	sand.u32 @!p0 $0x3F, s5;
	s16 =	sshrl.u32 s19, $0x2;
	s15 =	ssub.s32 s24, s18  }
0x9d: {  	[tilespmem:s28], [sflag:s23] =	stream.linear.gather @!p3 [hbm4b:s14+s26], $0x50, $0x38;
	[tilespmem:$0x1E080] =	vst v63  }
0x9e: {  	p1 =	por p1, p0;
	s5 =	smul.u32 @!p0 $0x6, s5;
	s14 =	sand.u32 $0xF7, s15  }
0x9f: {  	s19 =	sadd.s32 @!p1 $0x6, s24;
	s15 =	sor.u32 @!p3 $0x400, s28;
	s14 =	sshll.u32 s14, $0x7  }
0xa0: {  	[tilespmem:s15], [sflag:s23] =	stream.linear.gather @!p3 [hbm4b:s13+s26], $0x50, $0x38;
	[tilespmem:$0x1E080] =	vst v63  }
0xa1: {  	s5 =	ssub.s32 @!p0 s1, s5;
	s18 =	smul.u32 @!p1 $0xAB, s19;
	s13 =	sadd.s32 $0x7, s29  }
0xa2: {  	s1 =	sand.u32 @!p0 $0x3, s1;
	s5 =	sand.u32 @!p0 $0xFF, s5;
	_ =	swait.ge [sflag:s13], $0x2800  }
0xa3: {  	s18 =	sshrl.u32 @!p1 s18, $0xA;
	s15 =	sshll.u32 @!p0 s5, $0x7;
	[sflag:s13] =	ssyncset.done $0x0  }
0xa4: {  	s16 =	sadd.s32 $0x800, s16;
	[sflag:s13] =	ssyncadd.s32 $0xFFFFD800;
	s13 =	sor.u32 $0x400, s14  }
0xa5: {  	[spmem:s2] =	stream.indirect.scatter.add.f32 [tilespmem:s16], [sflag:$0xC], $0x80, s13, s6, $0xb8;
	[tilespmem:$0x1E080] =	vst v63  }
0xa6: {  	s13 =	smul.u32 @!p0 $0xA000, s1  }
.Ltmp1:
0xa7: {  	s14 =	sand.u32 @!p1 $0x3F, s18;
	_ =	swait.ge [sflag:s10], $0x2800;
	(pc) =	sbr.rel @p2 .LBB2_4-.Ltmp1, $4  }
0xa8: {  	s16 =	sadd.s32 @!p0 $0x7, s1;
	s1 =	smul.u32 @!p1 $0x6, s14;
	[sflag:s10] =	ssyncset.done $0x0  }
0xa9: {  	s18 =	sadd.s32 @!p0 $0x1, s5;
	s5 =	sshrl.u32 @!p0 s13, $0x2;
	[sflag:s10] =	ssyncadd.s32 $0xFFFFD800  }
0xaa: {  	s1 =	ssub.s32 @!p1 s19, s1;
	s22 =	sadd.s32 @!p0 $0x800, s5;
	_ =	swait.ge @!p0 [sflag:s18], $0x50  }
0xab: {  	s14 =	smov.u32 s20;
	s23 =	sand.u32 @!p1 $0xFF, s1;
	[sflag:s18] =	ssyncset.done @!p0 $0x0  }
0xac: {  	p0 =	por p0, p0  }
0xad: {  	[sflag:s18] =	ssyncadd.s32 @!p0 $0xFFFFFFB0  }
0xae: {  	_ =	swait.ge @!p0 [sflag:s18], $0x50  }
0xaf: {  	[sflag:s18] =	ssyncset.done @!p0 $0x0  }
0xb0: {  	p1 =	por p1, p1;
	s1 =	simm.s32 @!p0 $0x50;
	[sflag:s18] =	ssyncadd.s32 @!p0 $0xFFFFFFB0  }
0xb1: {  	[tilespmem:s22], [sflag:s16] =	stream.indirect.gather @!p0 [hbm4b:s4+s1], $0x80, s15, s1, $0xb8;
	[tilespmem:$0x1E080] =	vst v63  }
0xb2: {  	s5 =	sshll.u32 @!p1 s23, $0x7;
	s12 =	sadd.s32 @!p1 $0x1, s23;
	s1 =	simm.s32 @!p1 $0x0  }
0xb3: {  	[tilespmem:s5], [sflag:s12] =	stream.linear.gather @!p1 [hbm4b:s14+s1], $0x50, $0x38;
	[tilespmem:$0x1E080] =	vst v63  }
0xb4: {  	s26 =	stileid.u32;
	s5 =	sor.u32 @!p1 $0x400, s5  }
0xb5: {  	[tilespmem:s5], [sflag:s12] =	stream.linear.gather @!p1 [hbm4b:s21+s1], $0x50, $0x38;
	[tilespmem:$0x1E080] =	vst v63  }
0xb6: {  	s1 =	sshll.u32 s26, $0x6;
	[bflag:$0x0] =	sbarrier.arrive $0xFFFF  }
0xb7: {  	s28 =	sshrl.u32 s17, $0x3;
	s1 =	sor.u32 $0x1C0C, s1;
	s29 =	rddreg [dreg:$0x14]  }
0xb8: {  	[hbm:s29], [sflag:s1] =	dma.local [spmem:s28], $0x2800  }
0xb9: {  	_ =	swait.ge [sflag:s10], $0x2800  }
0xba: {  	s11 =	sadd.s32 $0x1, s11;
	s31 =	rddreg [dreg:$0x16]  }
0xbb: {  	p0 =	sne.s32 s11, s31  }
.Ltmp2:
0xbc: {  	_ = 	snop;
	(pc) =	sbr.rel @p0 .LBB2_1-.Ltmp2, $3  }
0xbd: {  	_ =	sdelay $0x1  }
0xbe: {  	[sflag:s10] =	ssyncset.done $0x0  }
0xbf: {  	s13 =	simm.s32 $0x80;
	s15 =	simm.s32 $0x100;
	[sflag:s10] =	ssyncadd.s32 $0xFFFFD800  }
0xc0: {  	_ =	sfence.sel $0x180000  }
0xc1: {  	[bflag:$0x0] =	sbarrier.arrive $0xFFFF  }
0xc2: {  	_ =	strace $0x9000004D  }
0xc3: {  	s0 =	stileid.u32;
	[bflag:$0x2] =	sbarrier.arrive $0xFFFF  }
0xc4: {  	p0 =	sne.s32 s0, $0x0;
	s0 =	rddreg [dreg:$0x2]  }
0xc5: {  	s0 =	sadd.s32 @!p0 $0x100000, s0  }
0xc6: {  	[sflag:s0] =	ssyncadd.tile.s32 @!p0 $0x1;
	_ =	shalt  }
.Lfunc_end2:
_tile_overlayer_lowered:
.L_overlay_start_2:
0xc7: {  	(tag) =	ssettag $0x2  }
0xc8: {  	s0 =	rddreg [dreg:$0x0];
	s2 =	stileid.u32  }
0xc9: {  	s1 =	rddreg [dreg:$0x1];
	p0 =	sne.s32 s2, $0x0  }
0xca: {  	s3 =	rddreg [dreg:$0x2];
	[bflag:$0x3] =	sbarrier.arrive $0xFFFF;
	s2 =	simm.s32 @!p0 $0x1C0C  }
0xcb: {  	[timem:s3], [sflag:s2] =	dma.local @!p0 [hbm:s0], s1  }
0xcc: {  	s0 =	simm.s32 @!p0 $0xC  }
0xcd: {  	_ =	swait.ge @!p0 [sflag:s0], s1  }
0xce: {  	s1 =	ssub.s32 @!p0 $0x0, s1;
	[sflag:s0] =	ssyncset.done @!p0 $0x0  }
0xcf: {  	[sflag:s0] =	ssyncadd.s32 @!p0 s1  }
0xd0: {  	[bflag:$0x3] =	sbarrier.arrive $0xFFFF  }
0xd1: {  	_ =	shalt  }

// kernel: kernel.9.cloned.1.call-start
scs
__scs_entry_jumppad:
0x0: {  	(pc) =	sbr.rel $0x88, $3  }
0x1: {  	(tag) =	ssettag $0x0;
	lr =	simm.s32 $0x1  }
0x2: {  	[smem:$0x3F97] =	sst lr;
	_ =	strace $0xD0000000  }
0x3: {  	_ = 	snop  }
0x4: {  	_ = 	snop  }
0x5: {  	_ = 	snop  }
0x6: {  	_ = 	snop  }
0x7: {  	_ = 	snop  }
__scs_overlays_trampoline_lowered:
0x8: {  	[smem:$0x3FA6] =	sst s0  }
0x9: {  	[smem:$0x3FA7] =	sst s1  }
0xa: {  	[smem:$0x3FA8] =	sst s2  }
0xb: {  	[smem:$0x3FA9] =	sst s3  }
0xc: {  	[smem:$0x3FAA] =	sst s4  }
0xd: {  	[smem:$0x3FAB] =	sst s5  }
0xe: {  	[smem:$0x3FAC] =	sst s6  }
0xf: {  	[smem:$0x3FAD] =	sst s7  }
0x10: {  	[smem:$0x3FAE] =	sst s8  }
0x11: {  	[smem:$0x3FAF] =	sst s9;
	s0 =	simm.s32 @!p0 $0x0  }
0x12: {  	s1 =	sld [smem:$0x3F95];
	s0 =	simm.s32 @p0 $0x1  }
0x13: {  	[smem:$0x3FB0] =	sst s0;
	s0 =	simm.s32 @!p1 $0x0  }
0x14: {  	s2 =	sld [smem:$0x3F94];
	s0 =	simm.s32 @p1 $0x1  }
0x15: {  	[smem:$0x3FB1] =	sst s0;
	s0 =	simm.s32 @!p2 $0x0  }
0x16: {  	s3 =	sld [smem:$0x3FDB];
	s0 =	simm.s32 @p2 $0x1  }
0x17: {  	s4 =	simm.s32 $0x1BF5;
	[smem:$0x3FB3] =	sst s0  }
0x18: {  	s0 =	sld [smem:$0x3F96];
	_ =	swait.ge [sflag:s4], $0x0  }
0x19: {  	s7 =	sld [smem:$0x3F97]  }
0x1a: {  	s8 =	sadd.s32 $0xFFFFE003, lr  }
0x1b: {  	s9 =	sadd.s32 $0xFFFFFEF7, lr;
	s5 =	simm.s32 $0xFFFFFFFF;
	p2 =	slt.u32 s8, $0xFFFFF086  }
0x1c: {  	p1 =	slt.u32 s9, $0xF7A;
	s5 =	simm.s32 @!p2 $0x0  }
0x1d: {  	s5 =	simm.s32 @p1 $0x1;
	p0 =	seq.s32 s7, s2  }
0x1e: {  	s7 =	smul.u32 @!p0 $0xF7A, s2;
	p2 =	seq.s32 @!p0 s5, $0x0  }
0x1f: {  	s9 =	smul.u32 $0xF7A, s1;
	s8 =	simm.s32 @!p0 $0x1BF5;
	p2 =	por !p2, p0  }
0x20: {  	[sflag:s8] =	ssyncset.s32 @!p0 $0xFFFFF086;
	s6 =	sadd.s32 @!p0 s3, s7;
	s7 =	simm.s32 @!p0 $0x108  }
0x21: {  	s3 =	sadd.s32 s3, s9;
	s6 =	sadd.s32 @!p0 $0x88, s6;
	s7 =	simm.s32 @p2 $0x1082  }
0x22: {  	[simem:s7], [sflag:s8] =	dma.local @!p0 [hbm:s6], $0xF7A  }
0x23: {  	s9 =	sor.u32 $0xD0000000, s2;
	s6 =	simm.s32 $0x108;
	_ =	swait.ge @!p0 [sflag:s8], $0x0  }
0x24: {  	s3 =	sadd.s32 $0x88, s3;
	s6 =	simm.s32 @!p1 $0x1082;
	[sflag:s4] =	ssyncset.s32 $0xFFFFF086  }
0x25: {  	[simem:s6], [sflag:s4] =	dma.local [hbm:s3], $0xF7A  }
0x26: {  	[smem:$0x3F97] =	sst s1;
	(tag) =	ssettag s2;
	_ =	strace s9  }
0x27: {  	s1 =	sld [smem:$0x3FA7]  }
0x28: {  	s2 =	sld [smem:$0x3FA8]  }
0x29: {  	s4 =	sld [smem:$0x3FAA]  }
0x2a: {  	p0 =	seq.s32 s5, $0x0;
	s5 =	sld [smem:$0x3FAB]  }
0x2b: {  	s6 =	sld [smem:$0x3FAC]  }
0x2c: {  	s7 =	sld [smem:$0x3FAD]  }
0x2d: {  	s3 =	simm.s32 $0x108;
	s8 =	sld [smem:$0x3FAE]  }
0x2e: {  	s3 =	simm.s32 @!p0 $0x1082;
	s9 =	sld [smem:$0x3FAF]  }
0x2f: {  	lr =	sadd.s32 s0, s3;
	s0 =	sld [smem:$0x3FA6]  }
0x30: {  	s3 =	sld [smem:$0x3FA9]  }
0x31: {  	[smem:$0x3FB2] =	sst s10  }
0x32: {  	s10 =	sld [smem:$0x3FB0];
	_ =	sdelay $0x3  }
0x33: {  	p0 =	seq.s32 s10, $0x1;
	s10 =	sld [smem:$0x3FB2];
	_ =	sdelay $0x3  }
0x34: {  	[smem:$0x3FB2] =	sst s10  }
0x35: {  	s10 =	sld [smem:$0x3FB1];
	_ =	sdelay $0x3  }
0x36: {  	p1 =	seq.s32 s10, $0x1;
	s10 =	sld [smem:$0x3FB2];
	_ =	sdelay $0x3  }
0x37: {  	[smem:$0x3FB2] =	sst s10  }
0x38: {  	s10 =	sld [smem:$0x3FB3]  }
0x39: {  	_ = 	snop;
	(pc) =	sbr.ind lr, $3  }
0x3a: {  	_ = 	snop  }
0x3b: {  	_ = 	snop  }
0x3c: {  	p2 =	seq.s32 s10, $0x1;
	s10 =	sld [smem:$0x3FB2]  }
0x3d: {  	_ =	shalt  }
0x3e: {  	_ =	shalt  }
0x3f: {  	_ =	shalt  }
0x40: {  	_ =	shalt  }
0x41: {  	_ =	shalt  }
0x42: {  	_ =	shalt  }
0x43: {  	_ =	shalt  }
0x44: {  	_ =	shalt  }
0x45: {  	_ =	shalt  }
0x46: {  	_ =	shalt  }
0x47: {  	_ =	shalt  }
0x48: {  	_ =	shalt  }
0x49: {  	_ =	shalt  }
0x4a: {  	_ =	shalt  }
0x4b: {  	_ =	shalt  }
0x4c: {  	_ =	shalt  }
0x4d: {  	_ =	shalt  }
0x4e: {  	_ =	shalt  }
0x4f: {  	_ =	shalt  }
0x50: {  	_ =	shalt  }
0x51: {  	_ =	shalt  }
0x52: {  	_ =	shalt  }
0x53: {  	_ =	shalt  }
0x54: {  	_ =	shalt  }
0x55: {  	_ =	shalt  }
0x56: {  	_ =	shalt  }
0x57: {  	_ =	shalt  }
0x58: {  	_ =	shalt  }
0x59: {  	_ =	shalt  }
0x5a: {  	_ =	shalt  }
0x5b: {  	_ =	shalt  }
0x5c: {  	_ =	shalt  }
0x5d: {  	_ =	shalt  }
0x5e: {  	_ =	shalt  }
0x5f: {  	_ =	shalt  }
0x60: {  	_ =	shalt  }
0x61: {  	_ =	shalt  }
0x62: {  	_ =	shalt  }
0x63: {  	_ =	shalt  }
0x64: {  	_ =	shalt  }
0x65: {  	_ =	shalt  }
0x66: {  	_ =	shalt  }
0x67: {  	_ =	shalt  }
0x68: {  	_ =	shalt  }
0x69: {  	_ =	shalt  }
0x6a: {  	_ =	shalt  }
0x6b: {  	_ =	shalt  }
0x6c: {  	_ =	shalt  }
0x6d: {  	_ =	shalt  }
0x6e: {  	_ =	shalt  }
0x6f: {  	_ =	shalt  }
0x70: {  	_ =	shalt  }
0x71: {  	_ =	shalt  }
0x72: {  	_ =	shalt  }
0x73: {  	_ =	shalt  }
0x74: {  	_ =	shalt  }
0x75: {  	_ =	shalt  }
0x76: {  	_ =	shalt  }
0x77: {  	_ =	shalt  }
0x78: {  	_ =	shalt  }
0x79: {  	_ =	shalt  }
0x7a: {  	_ =	shalt  }
0x7b: {  	_ =	shalt  }
0x7c: {  	_ =	shalt  }
0x7d: {  	_ =	shalt  }
0x7e: {  	_ =	shalt  }
0x7f: {  	_ =	shalt  }
0x80: {  	_ =	shalt  }
0x81: {  	_ =	shalt  }
0x82: {  	_ =	shalt  }
0x83: {  	_ =	shalt  }
0x84: {  	_ =	shalt  }
0x85: {  	_ =	shalt  }
0x86: {  	_ =	shalt  }
0x87: {  	_ =	shalt  }
.Lfunc_end0:
.L_simem_size_0:
called_computation_lowered:
.L_overlay_start_0:
0x88: {  	s2 =	sld [smem:$0x3FD9]  }
0x89: {  	s3 =	sld [smem:$0x3FFE];
	_ =	sdelay $0x1  }
0x8a: {  	s1 =	srdreg.scid  }
0x8b: {  	s0 =	sand.u32 $0x1, s1  }
0x8c: {  	s17 =	sshll.u32 s0, $0xA;
	s2 =	sadd.s32 s3, s2  }
0x8d: {  	s2 =	sadd.s32 s2, s17  }
0x8e: {  	[smem:$0x3FBE] =	sst s2  }
0x8f: {  	_ = 	snop  }
0x90: {  	s2 =	sld [smem:$0x3FC9];
	(tm) =	ssettm $0x1  }
0x91: {  	s18 =	sld [smem:$0x3FFB];
	_ =	sdelay $0x3  }
0x92: {  	_ =	strace s18  }
0x93: {  	s3 =	sld [smem:$0x3FFC];
	_ =	sdelay $0x3  }
0x94: {  	_ =	strace s3  }
0x95: {  	s3 =	sld [smem:$0x3FFD];
	_ =	sdelay $0x3  }
0x96: {  	_ =	strace s3  }
0x97: {  	_ =	strace $0x8FFFFFFF  }
0x98: {  	s19 =	sld [smem:$0x3FDB];
	_ =	sdelay $0x1  }
0x99: {  	s4 =	simm.s32 $_scs_section_size  }
0x9a: {  	s5 =	simm.s32 $_size__tile_overlayer_lowered;
	s6 =	simm.s32 $_tile_overlayer_lowered  }
0x9b: {  	s22 =	simm.s32 $0x1BFF;
	s21 =	sshll.u32 s6, $0x1;
	s3 =	sadd.s32 s4, s19  }
0x9c: {  	s7 =	simm.s32 $0x0;
	s20 =	sshll.u32 s5, $0x1;
	s5 =	sadd.s32 s21, s3  }
0x9d: {  	[timem:s7], [sflag:s22] =	dma.local [hbm:s5], s20  }
0x9e: {  	_ =	swait.ge [sflag:s22], s20  }
0x9f: {  	s4 =	ssub.s32 $0x0, s20;
	[sflag:s22] =	ssyncset.done $0x0  }
0xa0: {  	[sflag:s22] =	ssyncadd.s32 s4;
	_ =	sdelay $0x1  }
0xa1: {  	s23 =	simm.s32 $0x1B8B  }
0xa2: {  	_ =	swait.ge [sflag:s23], $0x1  }
0xa3: {  	[sflag:s23] =	ssyncset.done $0x0  }
0xa4: {  	s25 =	simm.s32 $0x1B8E;
	s24 =	sld [smem:$0x3FFE];
	[sflag:s23] =	ssyncadd.s32 $0xFFFFFFFF  }
0xa5: {  	s26 =	simm.s32 $execute0_lowered;
	[smem:$0x3FD2] =	sst s25  }
0xa6: {  	s5 =	sshll.u32 s26, $0x1;
	_ =	strace $0x80000046;
	[dreg:$0x1] =	wrdreg $0xFFFFFFFF  }
0xa7: {  	s28 =	simm.s32 $_size_execute0_lowered;
	s3 =	sadd.s32 s3, s5;
	[dreg:$0x0] =	wrdreg $0x0  }
0xa8: {  	s5 =	sshll.u32 s28, $0x1;
	[dreg:$0x2] =	wrdreg s3  }
0xa9: {  	[dreg:$0x3] =	wrdreg s5  }
0xaa: {  	[dreg:$0x4] =	wrdreg $0xC0  }
0xab: {  	_ =	task [dreg:s7], $0x5FFFF  }
0xac: {  	[dreg:$0x1] =	wrdreg $0xFFFFFFFF  }
0xad: {  	[dreg:$0x0] =	wrdreg $0x60  }
0xae: {  	[dreg:$0x2] =	wrdreg s2  }
0xaf: {  	[dreg:$0x3] =	wrdreg s24  }
0xb0: {  	[dreg:$0x4] =	wrdreg $0xA8000  }
0xb1: {  	[dreg:$0x5] =	wrdreg $0x9  }
0xb2: {  	_ =	task.clear_ibuf [dreg:s7], $0x6FFFF;
	_ =	strace $0x90000046  }
0xb3: {  	s29 =	simm.s32 $0x9;
	_ =	strace $0x80000048  }
0xb4: {  	_ =	swait.ge [sflag:s29], $0x1  }
0xb5: {  	[sflag:s29] =	ssyncadd.s32 $0xFFFFFFFF  }
0xb6: {  	_ =	strace $0x90000048  }
0xb7: {  	_ =	sfence  }
0xb8: {  	s30 =	sld [smem:$0x0];
	_ =	sdelay $0x2  }
0xb9: {  	s31 =	sshll.u32 s1, $0xD;
	s1 =	sshrl.u32 s1, $0x2  }
0xba: {  	s3 =	sand.u32 $0x4000, s31;
	s1 =	sadd.s32 s1, s30  }
0xbb: {  	s0 =	sor.u32 s3, s0;
	s1 =	sshll.u32 s1, $0x11  }
0xbc: {  	s0 =	sor.u32 s1, s0  }
0xbd: {  	s0 =	sadd.s32 $0x8F2B, s0  }
0xbe: {  	[sflag:s0] =	ssyncadd.remote.s32 $0x1  }
0xbf: {  	_ =	sfence.sel $0xFFFF  }
0xc0: {  	[dreg:$0x0] =	wrdreg $0xFFFFFFFF;
	(pc) =	sbr.abs _section_cstart, $3  }
0xc1: {  	[dreg:$0x1] =	wrdreg $0xFFFFFFFF  }
0xc2: {  	_ =	task.clear_ibuf [dreg:s7], $0x2FFFF;
	_ =	strace $0x9FFFFFFF  }
0xc3: {  	(tm) =	ssettm $0x7FFFFFFF  }
tec
execute0_lowered:
.L_overlay_start_1:
0x0: {  	(tag) =	ssettag $0x1  }
0x1: {  	s1 =	rddreg [dreg:$0x0]  }
0x2: {  	s0 =	rddreg [dreg:$0x1];
	s2 =	srdreg.scid  }
0x3: {  	s10 =	stileid.u32;
	s3 =	rddreg [dreg:$0x2]  }
0x4: {  	s4 =	simm.s32 $0x0;
	s2 =	sand.u32 $0x1, s2;
	s5 =	sshll.u32 s10, $0x1  }
0x5: {  	[smem:$0x7FF] =	sst s4;
	s6 =	sadd.s32 $0x3C00, s0;
	s9 =	smul.u32 $0x280, s10  }
0x6: {  	s5 =	sor.u32 s2, s5;
	s7 =	smul.u32 $0x27100, s2;
	s8 =	ssub.s32 $0x2, s2  }
0x7: {  	_ =	strace $0x80000047;
	s5 =	smul.u32 $0x2710, s5;
	s26 =	sshrl.u32 s8, $0x1  }
0x8: {  	s28 =	smin.u32 s9, $0x2490;
	s0 =	sadd.s32 s7, s0;
	s7 =	ssub.s32 s8, s26  }
0x9: {  	s8 =	sshll.u32 s28, $0x4;
	s5 =	sshrl.u32 s5, $0x3;
	s26 =	smax.u32 s7, $0x1  }
0xa: {  	s0 =	sadd.s32 $0x17600, s0;
	s5 =	sadd.s32 s6, s5;
	[dreg:$0x17] =	wrdreg s26  }
0xb: {  	s0 =	sadd.s32 s8, s0;
	[dreg:$0x4] =	wrdreg s5  }
0xc: {  	s29 =	sadd.s32 $0x9C40, s5;
	[dreg:$0x15] =	wrdreg s0  }
0xd: {  	s31 =	sadd.s32 $0xA, s5;
	[dreg:$0x5] =	wrdreg s29  }
0xe: {  	s11 =	sadd.s32 $0x9C4A, s5;
	[dreg:$0x6] =	wrdreg s31  }
0xf: {  	s30 =	simm.s32 $0x1;
	s12 =	sadd.s32 $0x14, s5;
	[dreg:$0x7] =	wrdreg s11  }
0x10: {  	s15 =	smul.u32 $0x4E20, s10;
	s13 =	sadd.s32 $0x9C54, s5;
	[dreg:$0x8] =	wrdreg s12  }
0x11: {  	s2 =	smul.u32 $0x2710, s2;
	s14 =	sadd.s32 $0x1E, s5;
	[dreg:$0x9] =	wrdreg s13  }
0x12: {  	s20 =	sshll.u32 s28, $0x7;
	s16 =	sadd.s32 $0x9C5E, s5;
	[dreg:$0xa] =	wrdreg s14  }
0x13: {  	s2 =	sadd.s32 s2, s15;
	s17 =	sadd.s32 $0x28, s5;
	[dreg:$0xb] =	wrdreg s16  }
0x14: {  	s9 =	sadd.s32 $0x1E0, s2;
	s18 =	sadd.s32 $0x9C68, s5;
	[dreg:$0xc] =	wrdreg s17  }
0x15: {  	s2 =	sadd.s32 $0x4E3E0, s2;
	s19 =	sadd.s32 $0x32, s5;
	[dreg:$0xd] =	wrdreg s18  }
0x16: {  	s9 =	sshrl.u32 s9, $0x3;
	s5 =	sadd.s32 $0x9C72, s5;
	[dreg:$0xe] =	wrdreg s19  }
0x17: {  	s2 =	sshrl.u32 s2, $0x3;
	s23 =	sadd.s32 s9, s6;
	[dreg:$0xf] =	wrdreg s5  }
0x18: {  	s2 =	sadd.s32 s2, s6;
	s17 =	sadd.s32 s20, s3;
	[dreg:$0x12] =	wrdreg s23  }
0x19: {  	s10 =	simm.s32 $0xC;
	[dreg:$0x13] =	wrdreg s2;
	s21 =	sadd.s32 $0x2800, s17  }
0x1a: {  	s15 =	simm.s32 $0x100;
	s22 =	sadd.s32 $0x5000, s17;
	[dreg:$0x10] =	wrdreg s21  }
0x1b: {  	s7 =	simm.s32 $0x2;
	s24 =	sadd.s32 $0x7800, s17;
	[dreg:$0x11] =	wrdreg s22  }
0x1c: {  	s8 =	simm.s32 $0x3;
	s25 =	sadd.s32 $0xA000, s17;
	[dreg:$0x14] =	wrdreg s24  }
0x1d: {  	s6 =	simm.s32 $0x50;
	s28 =	sadd.s32 $0xC800, s17;
	[dreg:$0x16] =	wrdreg s25  }
0x1e: {  	s9 =	simm.s32 $0xB;
	s29 =	sadd.s32 $0xF000, s17;
	[dreg:$0x18] =	wrdreg s28  }
0x1f: {  	s13 =	simm.s32 $0x80;
	s31 =	sadd.s32 $0x11800, s17;
	[dreg:$0x19] =	wrdreg s29  }
0x20: {  	v0 =	vimm.f32 $0.0e+00;
	s2 =	simm.s32 $0x8000;
	s11 =	simm.s32 $0x0;
	[dreg:$0x1a] =	wrdreg s31  }
.LBB2_1:
0x21: {  	s0 =	rddreg [dreg:$0x4]  }
0x22: {  	s26 =	rddreg [dreg:$0x5]  }
0x23: {  	[tilespmem:s4], [sflag:$0x1] =	stream.linear.gather [hbm4b:s0+s4], $0x50, $0x38;
	[tilespmem:$0x1E080] =	vst v63  }
0x24: {  	s5 =	simm.s32 $0x400;
	s28 =	rddreg [dreg:$0x6]  }
0x25: {  	[tilespmem:s5], [sflag:$0x1] =	stream.linear.gather [hbm4b:s26+s4], $0x50, $0x38;
	[tilespmem:$0x1E080] =	vst v63  }
0x26: {  	s29 =	rddreg [dreg:$0x7]  }
0x27: {  	[tilespmem:s13], [sflag:$0x2] =	stream.linear.gather [hbm4b:s28+s4], $0x50, $0x38;
	[tilespmem:$0x1E080] =	vst v63  }
0x28: {  	s31 =	simm.s32 $0x480;
	s12 =	rddreg [dreg:$0x8]  }
0x29: {  	[tilespmem:s31], [sflag:$0x2] =	stream.linear.gather [hbm4b:s29+s4], $0x50, $0x38;
	[tilespmem:$0x1E080] =	vst v63  }
0x2a: {  	s14 =	rddreg [dreg:$0x9]  }
0x2b: {  	[tilespmem:s15], [sflag:$0x3] =	stream.linear.gather [hbm4b:s12+s4], $0x50, $0x38;
	[tilespmem:$0x1E080] =	vst v63  }
0x2c: {  	s16 =	simm.s32 $0x500;
	s18 =	rddreg [dreg:$0xa]  }
0x2d: {  	[tilespmem:s16], [sflag:$0x3] =	stream.linear.gather [hbm4b:s14+s4], $0x50, $0x38;
	[tilespmem:$0x1E080] =	vst v63  }
0x2e: {  	s19 =	simm.s32 $0x180;
	s20 =	rddreg [dreg:$0xb]  }
0x2f: {  	[tilespmem:s19], [sflag:$0x4] =	stream.linear.gather [hbm4b:s18+s4], $0x50, $0x38;
	[tilespmem:$0x1E080] =	vst v63  }
0x30: {  	s21 =	simm.s32 $0x580;
	s22 =	rddreg [dreg:$0xc]  }
0x31: {  	[tilespmem:s21], [sflag:$0x4] =	stream.linear.gather [hbm4b:s20+s4], $0x50, $0x38;
	[tilespmem:$0x1E080] =	vst v63  }
0x32: {  	s23 =	simm.s32 $0x200;
	s24 =	rddreg [dreg:$0xd]  }
0x33: {  	[tilespmem:s23], [sflag:$0x5] =	stream.linear.gather [hbm4b:s22+s4], $0x50, $0x38;
	[tilespmem:$0x1E080] =	vst v63  }
0x34: {  	s25 =	simm.s32 $0x600;
	s26 =	rddreg [dreg:$0xe]  }
0x35: {  	[tilespmem:s25], [sflag:$0x5] =	stream.linear.gather [hbm4b:s24+s4], $0x50, $0x38;
	[tilespmem:$0x1E080] =	vst v63  }
0x36: {  	s28 =	simm.s32 $0x280;
	s29 =	rddreg [dreg:$0xf]  }
0x37: {  	[tilespmem:s28], [sflag:$0x6] =	stream.linear.gather [hbm4b:s26+s4], $0x50, $0x38;
	[tilespmem:$0x1E080] =	vst v63  }
0x38: {  	s31 =	simm.s32 $0x680;
	s12 =	simm.s32 $0x0;
	s14 =	simm.s32 $0x200  }
0x39: {  	[tilespmem:s31], [sflag:$0x6] =	stream.linear.gather [hbm4b:s29+s4], $0x50, $0x38;
	[tilespmem:$0x1E080] =	vst v63  }
.LBB2_2:
0x3a: {  	p0 =	sne.s32 s14, $0x9E00;
	[tilespmem:s12+$0x8070] =	vst v0  }
0x3b: {  	[tilespmem:s12+$0x8000] =	vst v0  }
0x3c: {  	[tilespmem:s12+$0x8010] =	vst v0  }
.Ltmp0:
0x3d: {  	[tilespmem:s12+$0x8020] =	vst v0;
	(pc) =	sbr.rel @p0 .LBB2_2-.Ltmp0, $4  }
0x3e: {  	[tilespmem:s12+$0x8030] =	vst v0  }
0x3f: {  	[tilespmem:s12+$0x8040] =	vst v0  }
0x40: {  	[tilespmem:s12+$0x8050] =	vst v0  }
0x41: {  	[tilespmem:s12+$0x8060] =	vst v0;
	s12 =	sshra.s32 s14, $0x2;
	s14 =	sadd.s32 $0x200, s14  }
0x42: {  	[tilespmem:s12+$0x8070] =	vst v0  }
0x43: {  	[tilespmem:s12+$0x8000] =	vst v0  }
0x44: {  	[tilespmem:s12+$0x8010] =	vst v0  }
0x45: {  	[tilespmem:s12+$0x8020] =	vst v0  }
0x46: {  	[tilespmem:s12+$0x8030] =	vst v0  }
0x47: {  	[tilespmem:s12+$0x8040] =	vst v0  }
0x48: {  	[tilespmem:s12+$0x8050] =	vst v0  }
0x49: {  	[tilespmem:s12+$0x8060] =	vst v0  }
0x4a: {  	[spmem:s17] =	stream.linear.scatter [tilespmem:s2], [sflag:$0xB], $0x2800, $0x38;
	[tilespmem:$0x1E080] =	vst v63  }
0x4b: {  	s0 =	rddreg [dreg:$0x10]  }
0x4c: {  	[spmem:s0] =	stream.linear.scatter [tilespmem:s2], [sflag:$0xB], $0x2800, $0x38;
	[tilespmem:$0x1E080] =	vst v63  }
0x4d: {  	s19 =	rddreg [dreg:$0x11]  }
0x4e: {  	[spmem:s19] =	stream.linear.scatter [tilespmem:s2], [sflag:$0xB], $0x2800, $0x38;
	[tilespmem:$0x1E080] =	vst v63  }
0x4f: {  	s20 =	rddreg [dreg:$0x14]  }
0x50: {  	[spmem:s20] =	stream.linear.scatter [tilespmem:s2], [sflag:$0xB], $0x2800, $0x38;
	[tilespmem:$0x1E080] =	vst v63  }
0x51: {  	s21 =	rddreg [dreg:$0x16]  }
0x52: {  	[spmem:s21] =	stream.linear.scatter [tilespmem:s2], [sflag:$0xB], $0x2800, $0x38;
	[tilespmem:$0x1E080] =	vst v63  }
0x53: {  	s22 =	rddreg [dreg:$0x18]  }
0x54: {  	[spmem:s22] =	stream.linear.scatter [tilespmem:s2], [sflag:$0xB], $0x2800, $0x38;
	[tilespmem:$0x1E080] =	vst v63  }
0x55: {  	s23 =	rddreg [dreg:$0x19]  }
0x56: {  	[spmem:s23] =	stream.linear.scatter [tilespmem:s2], [sflag:$0xB], $0x2800, $0x38;
	[tilespmem:$0x1E080] =	vst v63  }
0x57: {  	s24 =	rddreg [dreg:$0x1a]  }
0x58: {  	[spmem:s24] =	stream.linear.scatter [tilespmem:s2], [sflag:$0xB], $0x2800, $0x38;
	[tilespmem:$0x1E080] =	vst v63  }
0x59: {  	_ =	swait.ge [sflag:s30], $0x50  }
0x5a: {  	[sflag:s30] =	ssyncset.done $0x0  }
0x5b: {  	[sflag:s30] =	ssyncadd.s32 $0xFFFFFFB0  }
0x5c: {  	_ =	swait.ge [sflag:s30], $0x50  }
0x5d: {  	[sflag:s30] =	ssyncset.done $0x0  }
0x5e: {  	s14 =	simm.s32 $0x0;
	s25 =	simm.s32 $0x800;
	[sflag:s30] =	ssyncadd.s32 $0xFFFFFFB0  }
0x5f: {  	[tilespmem:s25], [sflag:$0x7] =	stream.indirect.gather [hbm4b:s1+s6], $0x80, s14, s6, $0xb8;
	[tilespmem:$0x1E080] =	vst v63  }
0x60: {  	_ =	swait.ge [sflag:s7], $0x50  }
0x61: {  	[sflag:s7] =	ssyncset.done $0x0  }
0x62: {  	[sflag:s7] =	ssyncadd.s32 $0xFFFFFFB0  }
0x63: {  	_ =	swait.ge [sflag:s7], $0x50  }
0x64: {  	[sflag:s7] =	ssyncset.done $0x0  }
0x65: {  	s26 =	simm.s32 $0x3000;
	[sflag:s7] =	ssyncadd.s32 $0xFFFFFFB0  }
0x66: {  	[tilespmem:s26], [sflag:$0x8] =	stream.indirect.gather [hbm4b:s1+s6], $0x80, s13, s6, $0xb8;
	[tilespmem:$0x1E080] =	vst v63  }
0x67: {  	_ =	swait.ge [sflag:s8], $0x50  }
0x68: {  	[sflag:s8] =	ssyncset.done $0x0  }
0x69: {  	[sflag:s8] =	ssyncadd.s32 $0xFFFFFFB0  }
0x6a: {  	_ =	swait.ge [sflag:s8], $0x50  }
0x6b: {  	[sflag:s8] =	ssyncset.done $0x0  }
0x6c: {  	s28 =	simm.s32 $0x5800;
	[sflag:s8] =	ssyncadd.s32 $0xFFFFFFB0  }
0x6d: {  	[tilespmem:s28], [sflag:$0x9] =	stream.indirect.gather [hbm4b:s1+s6], $0x80, s15, s6, $0xb8;
	[tilespmem:$0x1E080] =	vst v63  }
0x6e: {  	_ =	swait.ge [sflag:s9], $0x2800  }
0x6f: {  	[sflag:s9] =	ssyncset.done $0x0  }
0x70: {  	[sflag:s9] =	ssyncadd.s32 $0xFFFFD800  }
0x71: {  	_ =	swait.ge [sflag:s9], $0x2800  }
0x72: {  	[sflag:s9] =	ssyncset.done $0x0  }
0x73: {  	[sflag:s9] =	ssyncadd.s32 $0xFFFFD800  }
0x74: {  	_ =	swait.ge [sflag:s9], $0x2800  }
0x75: {  	[sflag:s9] =	ssyncset.done $0x0  }
0x76: {  	[sflag:s9] =	ssyncadd.s32 $0xFFFFD800  }
0x77: {  	_ =	swait.ge [sflag:s9], $0x2800  }
0x78: {  	[sflag:s9] =	ssyncset.done $0x0  }
0x79: {  	s29 =	smul.u32 $0xAB, s14;
	[sflag:s9] =	ssyncadd.s32 $0xFFFFD800  }
0x7a: {  	_ =	swait.ge [sflag:s9], $0x2800  }
0x7b: {  	s16 =	sshrl.u32 s29, $0xA;
	[sflag:s9] =	ssyncset.done $0x0  }
0x7c: {  	s16 =	sand.u32 $0x3F, s16;
	[sflag:s9] =	ssyncadd.s32 $0xFFFFD800  }
0x7d: {  	s16 =	smul.u32 $0x6, s16;
	_ =	swait.ge [sflag:s9], $0x2800  }
0x7e: {  	p0 =	por $0x0, $0x0;
	s12 =	simm.s32 $0x1;
	[sflag:s9] =	ssyncset.done $0x0  }
0x7f: {  	p1 =	por @!p0 $0x0, $0x0;
	s16 =	ssub.s32 $0x0, s16;
	[sflag:s9] =	ssyncadd.s32 $0xFFFFD800  }
0x80: {  	p1 =	por p1, p0;
	s16 =	sand.u32 $0xF7, s16;
	_ =	swait.ge [sflag:s9], $0x2800  }
0x81: {  	s21 =	simm.s32 @!p1 $0x6;
	s16 =	sshll.u32 s16, $0x7;
	[sflag:s9] =	ssyncset.done $0x0  }
0x82: {  	s21 =	smul.u32 @!p1 $0xAB, s21;
	s15 =	simm.s32 @!p0 $0x3;
	[sflag:s9] =	ssyncadd.s32 $0xFFFFD800  }
0x83: {  	s14 =	sand.u32 $0x3, s14;
	s18 =	smul.u32 @!p0 $0xAB, s15;
	_ =	swait.ge [sflag:s9], $0x2800  }
0x84: {  	s31 =	sor.u32 $0x400, s16;
	s20 =	smul.u32 $0xA000, s14;
	[sflag:s9] =	ssyncset.done $0x0  }
0x85: {  	s14 =	sadd.s32 $0x7, s14;
	s18 =	sshrl.u32 @!p0 s18, $0xA;
	[sflag:s9] =	ssyncadd.s32 $0xFFFFD800  }
0x86: {  	s20 =	sshrl.u32 s20, $0x2;
	s18 =	sand.u32 @!p0 $0x3F, s18;
	[bflag:$0x0] =	sbarrier.arrive $0xFFFF  }
0x87: {  	s20 =	sadd.s32 $0x800, s20;
	s18 =	smul.u32 @!p0 $0x6, s18;
	_ =	swait.ge [sflag:s14], $0x2800  }
0x88: {  	s22 =	sand.u32 @!p0 $0x3, s15;
	s15 =	sshrl.u32 @!p1 s21, $0xA;
	[sflag:s14] =	ssyncset.done $0x0  }
0x89: {  	s16 =	sand.u32 @!p1 $0x3F, s15;
	s18 =	ssub.s32 @!p0 $0x3, s18;
	[sflag:s14] =	ssyncadd.s32 $0xFFFFD800  }
0x8a: {  	[spmem:s3] =	stream.indirect.scatter.add.f32 [tilespmem:s20], [sflag:$0xC], $0x80, s31, s6, $0xb8;
	[tilespmem:$0x1E080] =	vst v63  }
0x8b: {  	s18 =	sand.u32 @!p0 $0xFF, s18;
	s14 =	smul.u32 @!p0 $0xA000, s22;
	_ =	swait.ge [sflag:s10], $0x2800  }
0x8c: {  	s15 =	sshll.u32 @!p0 s18, $0x7;
	s20 =	smul.u32 @!p1 $0x6, s16;
	[sflag:s10] =	ssyncset.done $0x0  }
0x8d: {  	s18 =	sadd.s32 @!p0 $0x1, s18;
	s16 =	sadd.s32 @!p0 $0x7, s22;
	[sflag:s10] =	ssyncadd.s32 $0xFFFFD800  }
0x8e: {  	s14 =	sshrl.u32 @!p0 s14, $0x2;
	s20 =	ssub.s32 @!p1 $0x6, s20;
	_ =	swait.ge @!p0 [sflag:s18], $0x50  }
0x8f: {  	s22 =	sadd.s32 @!p0 $0x800, s14;
	s23 =	sand.u32 @!p1 $0xFF, s20;
	s14 =	rddreg [dreg:$0x12]  }
0x90: {  	[sflag:s18] =	ssyncset.done @!p0 $0x0;
	s21 =	rddreg [dreg:$0x13];
	s20 =	smov.u32 s14  }
.LBB2_4:
0x91: {  	s20 =	sadd.s32 $0xA, s20  }
0x92: {  	s24 =	smov.u32 s12;
	s12 =	sadd.s32 $0x1, s12;
	s13 =	smov.u32 s21  }
0x93: {  	s21 =	sadd.s32 $0xA, s21;
	p4 =	por p0, p0;
	p3 =	por p1, p1  }
0x94: {  	s25 =	smul.u32 $0xAB, s24;
	p2 =	sne.s32 s12, $0x7D;
	_ =	sdelay $0x1  }
0x95: {  	s31 =	simm.s32 @!p4 $0x50;
	s26 =	simm.s32 @!p3 $0x0;
	s25 =	sshrl.u32 s25, $0xA  }
0x96: {  	p0 =	sgt.u32 s24, $0x79;
	s28 =	sshll.u32 @!p3 s23, $0x7;
	[sflag:s18] =	ssyncadd.s32 @!p4 $0xFFFFFFB0  }
0x97: {  	s0 =	sadd.s32 @!p0 $0x3, s24;
	p1 =	sgt.u32 @!p0 s24, $0x76;
	_ =	swait.ge @!p4 [sflag:s18], $0x50  }
0x98: {  	s29 =	sand.u32 $0x3, s24;
	s5 =	smul.u32 @!p0 $0xAB, s0;
	[sflag:s18] =	ssyncset.done @!p4 $0x0  }
0x99: {  	s19 =	smul.u32 $0xA000, s29;
	s25 =	sand.u32 $0x3F, s25;
	[sflag:s18] =	ssyncadd.s32 @!p4 $0xFFFFFFB0  }
0x9a: {  	s23 =	sadd.s32 @!p3 $0x1, s23;
	s5 =	sshrl.u32 @!p0 s5, $0xA;
	s18 =	smul.u32 $0x6, s25  }
0x9b: {  	[tilespmem:s22], [sflag:s16] =	stream.indirect.gather @!p4 [hbm4b:s1+s31], $0x80, s15, s31, $0xb8;
	[tilespmem:$0x1E080] =	vst v63  }
0x9c: {  	s5 =	sand.u32 @!p0 $0x3F, s5;
	s16 =	sshrl.u32 s19, $0x2;
	s15 =	ssub.s32 s24, s18  }
0x9d: {  	[tilespmem:s28], [sflag:s23] =	stream.linear.gather @!p3 [hbm4b:s14+s26], $0x50, $0x38;
	[tilespmem:$0x1E080] =	vst v63  }
0x9e: {  	p1 =	por p1, p0;
	s5 =	smul.u32 @!p0 $0x6, s5;
	s14 =	sand.u32 $0xF7, s15  }
0x9f: {  	s19 =	sadd.s32 @!p1 $0x6, s24;
	s15 =	sor.u32 @!p3 $0x400, s28;
	s14 =	sshll.u32 s14, $0x7  }
0xa0: {  	[tilespmem:s15], [sflag:s23] =	stream.linear.gather @!p3 [hbm4b:s13+s26], $0x50, $0x38;
	[tilespmem:$0x1E080] =	vst v63  }
0xa1: {  	s5 =	ssub.s32 @!p0 s0, s5;
	s18 =	smul.u32 @!p1 $0xAB, s19;
	s13 =	sadd.s32 $0x7, s29  }
0xa2: {  	s0 =	sand.u32 @!p0 $0x3, s0;
	s5 =	sand.u32 @!p0 $0xFF, s5;
	_ =	swait.ge [sflag:s13], $0x2800  }
0xa3: {  	s18 =	sshrl.u32 @!p1 s18, $0xA;
	s15 =	sshll.u32 @!p0 s5, $0x7;
	[sflag:s13] =	ssyncset.done $0x0  }
0xa4: {  	s16 =	sadd.s32 $0x800, s16;
	[sflag:s13] =	ssyncadd.s32 $0xFFFFD800;
	s13 =	sor.u32 $0x400, s14  }
0xa5: {  	[spmem:s3] =	stream.indirect.scatter.add.f32 [tilespmem:s16], [sflag:$0xC], $0x80, s13, s6, $0xb8;
	[tilespmem:$0x1E080] =	vst v63  }
0xa6: {  	s13 =	smul.u32 @!p0 $0xA000, s0  }
.Ltmp1:
0xa7: {  	s14 =	sand.u32 @!p1 $0x3F, s18;
	_ =	swait.ge [sflag:s10], $0x2800;
	(pc) =	sbr.rel @p2 .LBB2_4-.Ltmp1, $4  }
0xa8: {  	s16 =	sadd.s32 @!p0 $0x7, s0;
	s0 =	smul.u32 @!p1 $0x6, s14;
	[sflag:s10] =	ssyncset.done $0x0  }
0xa9: {  	s18 =	sadd.s32 @!p0 $0x1, s5;
	s5 =	sshrl.u32 @!p0 s13, $0x2;
	[sflag:s10] =	ssyncadd.s32 $0xFFFFD800  }
0xaa: {  	s0 =	ssub.s32 @!p1 s19, s0;
	s22 =	sadd.s32 @!p0 $0x800, s5;
	_ =	swait.ge @!p0 [sflag:s18], $0x50  }
0xab: {  	s14 =	smov.u32 s20;
	s23 =	sand.u32 @!p1 $0xFF, s0;
	[sflag:s18] =	ssyncset.done @!p0 $0x0  }
0xac: {  	p0 =	por p0, p0  }
0xad: {  	[sflag:s18] =	ssyncadd.s32 @!p0 $0xFFFFFFB0  }
0xae: {  	_ =	swait.ge @!p0 [sflag:s18], $0x50  }
0xaf: {  	[sflag:s18] =	ssyncset.done @!p0 $0x0  }
0xb0: {  	p1 =	por p1, p1;
	s0 =	simm.s32 @!p0 $0x50;
	[sflag:s18] =	ssyncadd.s32 @!p0 $0xFFFFFFB0  }
0xb1: {  	[tilespmem:s22], [sflag:s16] =	stream.indirect.gather @!p0 [hbm4b:s1+s0], $0x80, s15, s0, $0xb8;
	[tilespmem:$0x1E080] =	vst v63  }
0xb2: {  	s5 =	sshll.u32 @!p1 s23, $0x7;
	s12 =	sadd.s32 @!p1 $0x1, s23;
	s0 =	simm.s32 @!p1 $0x0  }
0xb3: {  	[tilespmem:s5], [sflag:s12] =	stream.linear.gather @!p1 [hbm4b:s14+s0], $0x50, $0x38;
	[tilespmem:$0x1E080] =	vst v63  }
0xb4: {  	s26 =	stileid.u32;
	s5 =	sor.u32 @!p1 $0x400, s5  }
0xb5: {  	[tilespmem:s5], [sflag:s12] =	stream.linear.gather @!p1 [hbm4b:s21+s0], $0x50, $0x38;
	[tilespmem:$0x1E080] =	vst v63  }
0xb6: {  	s0 =	sshll.u32 s26, $0x6;
	[bflag:$0x0] =	sbarrier.arrive $0xFFFF  }
0xb7: {  	s28 =	sshrl.u32 s17, $0x3;
	s0 =	sor.u32 $0x1C0C, s0;
	s29 =	rddreg [dreg:$0x15]  }
0xb8: {  	[hbm:s29], [sflag:s0] =	dma.local [spmem:s28], $0x2800  }
0xb9: {  	_ =	swait.ge [sflag:s10], $0x2800  }
0xba: {  	s11 =	sadd.s32 $0x1, s11;
	s31 =	rddreg [dreg:$0x17]  }
0xbb: {  	p0 =	sne.s32 s11, s31  }
.Ltmp2:
0xbc: {  	_ = 	snop;
	(pc) =	sbr.rel @p0 .LBB2_1-.Ltmp2, $3  }
0xbd: {  	_ =	sdelay $0x1  }
0xbe: {  	[sflag:s10] =	ssyncset.done $0x0  }
0xbf: {  	s13 =	simm.s32 $0x80;
	s15 =	simm.s32 $0x100;
	[sflag:s10] =	ssyncadd.s32 $0xFFFFD800  }
0xc0: {  	_ =	sfence.sel $0x180000  }
0xc1: {  	[bflag:$0x0] =	sbarrier.arrive $0xFFFF  }
0xc2: {  	_ =	strace $0x90000047  }
0xc3: {  	s0 =	stileid.u32;
	[bflag:$0x2] =	sbarrier.arrive $0xFFFF  }
0xc4: {  	p0 =	sne.s32 s0, $0x0;
	s0 =	rddreg [dreg:$0x3]  }
0xc5: {  	s0 =	sadd.s32 @!p0 $0x100000, s0  }
0xc6: {  	[sflag:s0] =	ssyncadd.tile.s32 @!p0 $0x1;
	_ =	shalt  }
.Lfunc_end2:
_tile_overlayer_lowered:
.L_overlay_start_2:
0xc7: {  	(tag) =	ssettag $0x2  }
0xc8: {  	s0 =	rddreg [dreg:$0x0];
	s2 =	stileid.u32  }
0xc9: {  	s1 =	rddreg [dreg:$0x1];
	p0 =	sne.s32 s2, $0x0  }
0xca: {  	s3 =	rddreg [dreg:$0x2];
	[bflag:$0x3] =	sbarrier.arrive $0xFFFF;
	s2 =	simm.s32 @!p0 $0x1C0C  }
0xcb: {  	[timem:s3], [sflag:s2] =	dma.local @!p0 [hbm:s0], s1  }
0xcc: {  	s0 =	simm.s32 @!p0 $0xC  }
0xcd: {  	_ =	swait.ge @!p0 [sflag:s0], s1  }
0xce: {  	s1 =	ssub.s32 @!p0 $0x0, s1;
	[sflag:s0] =	ssyncset.done @!p0 $0x0  }
0xcf: {  	[sflag:s0] =	ssyncadd.s32 @!p0 s1  }
0xd0: {  	[bflag:$0x3] =	sbarrier.arrive $0xFFFF  }
0xd1: {  	_ =	shalt  }

</sc_bundles>
